<compile_context>
chip_gen: v7x
topology: tpu7x:2x2x1
jax: 0.10.2.dev20260603
libtpu: 0.0.44.dev20260713+nightly
codegen_flags: <defaults>
</compile_context>

<pallas_src>
import functools

import jax
import jax.numpy as jnp
from jax import lax
from jax.experimental import pallas as pl
from jax.experimental.pallas import tpu as pltpu
from jax.experimental.pallas import tpu_sc as plsc

N_STOCKS = 100000
N_SECTORS = 20
D_MODEL = 64
BATCH = 16384

_NC = 2
_NS = 16
_NW = _NC * _NS
_DPW = D_MODEL // _NW
_BBLK = 2048
_NBLK = BATCH // _BBLK


def _emb_body(stock_ids_hbm, sector_ids_hbm, stock_tabT_hbm, sector_tabT_hbm,
              outT_hbm, row_v, secrow_v, sidx_v, eidx_v, out_v,
              isem, isem2, rsem, osem):
    wid = lax.axis_index("s") * _NC + lax.axis_index("c")

    isems = [isem, isem2]

    def fire_ids(blk):
        pltpu.async_copy(stock_ids_hbm.at[pl.ds(blk * _BBLK, _BBLK)],
                         sidx_v.at[blk % 2], isems[blk % 2])
        pltpu.async_copy(sector_ids_hbm.at[pl.ds(blk * _BBLK, _BBLK)],
                         eidx_v.at[blk % 2], isems[blk % 2])

    def drain_ids(blk):
        pltpu.make_async_copy(stock_ids_hbm.at[pl.ds(0, _BBLK)],
                              sidx_v.at[blk % 2], isems[blk % 2]).wait()
        pltpu.make_async_copy(sector_ids_hbm.at[pl.ds(0, _BBLK)],
                              eidx_v.at[blk % 2], isems[blk % 2]).wait()

    def fire_row(d):
        return [pltpu.async_copy(stock_tabT_hbm.at[d], row_v, rsem),
                pltpu.async_copy(sector_tabT_hbm.at[d], secrow_v, rsem)]

    row_cps = fire_row(wid * _DPW)
    for t in range(_DPW):
        d = wid * _DPW + t
        fire_ids(0)
        ocps = []
        for blk in range(_NBLK):
            if blk + 1 < _NBLK:
                fire_ids(blk + 1)
            if blk == 0:
                for cp in row_cps:
                    cp.wait()
            drain_ids(blk)

            def gather32(i, carry):
                for u in range(2):
                    b0 = i * 32 + u * 16
                    ids16 = sidx_v[blk % 2, pl.ds(b0, 16)]
                    eids16 = eidx_v[blk % 2, pl.ds(b0, 16)]
                    svals = plsc.load_gather(row_v, [ids16])
                    evals = plsc.load_gather(secrow_v, [eids16])
                    out_v[blk % 2, pl.ds(b0, 16)] = svals + evals
                return carry

            lax.fori_loop(0, _BBLK // 32, gather32, 0)
            if blk >= 2:
                ocps[blk - 2].wait()
            ocps.append(pltpu.async_copy(
                out_v.at[blk % 2],
                outT_hbm.at[d, pl.ds(blk * _BBLK, _BBLK)], osem))
        if t + 1 < _DPW:
            row_cps = fire_row(d + 1)
        ocps[-2].wait()
        ocps[-1].wait()


def kernel(stock_ids, sector_ids, stock_table, sector_table):
    mesh = plsc.VectorSubcoreMesh(core_axis_name="c", subcore_axis_name="s")
    run = functools.partial(
        pl.kernel,
        mesh=mesh,
        out_type=jax.ShapeDtypeStruct((D_MODEL, BATCH), jnp.float32),
        scratch_types=[
            pltpu.VMEM((N_STOCKS,), jnp.float32),
            pltpu.VMEM((N_SECTORS,), jnp.float32),
            pltpu.VMEM((2, _BBLK), jnp.int32),
            pltpu.VMEM((2, _BBLK), jnp.int32),
            pltpu.VMEM((2, _BBLK), jnp.float32),
            pltpu.SemaphoreType.DMA,
            pltpu.SemaphoreType.DMA,
            pltpu.SemaphoreType.DMA,
            pltpu.SemaphoreType.DMA,
        ],
        compiler_params=pltpu.CompilerParams(needs_layout_passes=False),
    )(_emb_body)
    outT = run(stock_ids.astype(jnp.int32), sector_ids.astype(jnp.int32),
               stock_table.T, sector_table.T)
    return outT.T

# --- scband reference (transcript-rebuilt; emitter-appended) ---
"""Pipeline reference for scband-stock-embedding-30751965839476 (READ-ONLY COPY).

The authoritative reference and input builder live on the scoring server;
editing this copy changes nothing except your own understanding.
"""

import jax, jax.numpy as jnp
import numpy as np

N_STOCKS = 100000
N_SECTORS = 20
D_MODEL = 64
BATCH = 16384

def setup_inputs(seed: int = 0) -> dict:
    key = jax.random.key(seed)
    k1, k2, k3, k4 = jax.random.split(key, 4)
    stock_ids = jax.random.randint(k1, (BATCH,), 0, N_STOCKS, dtype=jnp.int64 if jax.config.jax_enable_x64 else jnp.int32)
    sector_ids = jax.random.randint(k2, (BATCH,), 0, N_SECTORS, dtype=jnp.int64 if jax.config.jax_enable_x64 else jnp.int32)
    stock_table = jax.random.normal(k3, (N_STOCKS, D_MODEL), dtype=jnp.float32)
    sector_table = jax.random.normal(k4, (N_SECTORS, D_MODEL), dtype=jnp.float32)
    return {"stock_ids": stock_ids, "sector_ids": sector_ids, "stock_table": stock_table, "sector_table": sector_table}

def reference(stock_ids, sector_ids, stock_table, sector_table):
    # nn.Embedding lookup -> jnp.take along axis 0
    stock_emb = jnp.take(stock_table, stock_ids, axis=0)
    sector_emb = jnp.take(sector_table, sector_ids, axis=0)
    return stock_emb + sector_emb

if __name__ == "__main__":
    import jax
    _d = setup_inputs()
    print(jax.jit(kernel)(*tuple(_d.values())))

</pallas_src>

<mosaic_0001>
#map = affine_map<(d0, d1) -> (0)>
#map1 = affine_map<(d0, d1) -> (0, 0)>
module attributes {stable_mosaic.version = 14 : i64} {
  func.func @_emb_body(%arg0: i32, %arg1: i32, %arg2: memref<16384xi32, #tpu.memory_space<hbm>>, %arg3: memref<16384xi32, #tpu.memory_space<hbm>>, %arg4: memref<64x100000xf32, #tpu.memory_space<hbm>>, %arg5: memref<64x20xf32, #tpu.memory_space<hbm>>, %arg6: memref<64x16384xf32, #tpu.memory_space<hbm>>, %arg7: memref<100000xf32, #tpu.memory_space<vmem>>, %arg8: memref<20xf32, #tpu.memory_space<vmem>>, %arg9: memref<2x2048xi32, #tpu.memory_space<vmem>>, %arg10: memref<2x2048xi32, #tpu.memory_space<vmem>>, %arg11: memref<2x2048xf32, #tpu.memory_space<vmem>>, %arg12: memref<!tpu.dma_semaphore, #tpu.memory_space<semaphore_mem>>, %arg13: memref<!tpu.dma_semaphore, #tpu.memory_space<semaphore_mem>>, %arg14: memref<!tpu.dma_semaphore, #tpu.memory_space<semaphore_mem>>, %arg15: memref<!tpu.dma_semaphore, #tpu.memory_space<semaphore_mem>>) attributes {dimension_semantics = [#tpu.dimension_semantics<core_parallel>, #tpu.dimension_semantics<subcore_parallel>], iteration_bounds = array<i64: 2, 16>, scalar_prefetch = 0 : i64, scratch_operands = 9 : i64, tpu.core_type = #tpu.core_type<sc_vector_subcore>, window_params = [{transform_indices = #map}, {transform_indices = #map}, {transform_indices = #map1}, {transform_indices = #map1}, {transform_indices = #map1}]} {
    %mul3A = arith.constant 2 : i32
    %mul3A_0 = arith.muli %arg1, %mul3A : i32
    %add3A = arith.addi %mul3A_0, %arg0 : i32
    %mul3A_1 = arith.constant 2 : i32
    %mul3A_2 = arith.muli %add3A, %mul3A_1 : i32
    %dma_start3A = arith.constant 0 : i32
    %dma_start3A_3 = tpu.memref_slice %arg4[%mul3A_2, %dma_start3A] : memref<64x100000xf32, #tpu.memory_space<hbm>> -> memref<1x100000xf32, #tpu.memory_space<hbm>>
    %dma_start3A_4 = tpu.memref_squeeze %dma_start3A_3 : memref<1x100000xf32, #tpu.memory_space<hbm>> -> memref<100000xf32, #tpu.memory_space<hbm>>
    %dma_start3A_5 = arith.constant 0 : i32
    %dma_start3A_6 = tpu.memref_slice %arg4[%mul3A_2, %dma_start3A_5] : memref<64x100000xf32, #tpu.memory_space<hbm>> -> memref<1x100000xf32, #tpu.memory_space<hbm>>
    %dma_start3A_7 = tpu.memref_squeeze %dma_start3A_6 : memref<1x100000xf32, #tpu.memory_space<hbm>> -> memref<100000xf32, #tpu.memory_space<hbm>>
    tpu.enqueue_dma source(%dma_start3A_7 : memref<100000xf32, #tpu.memory_space<hbm>>) target(%arg7 : memref<100000xf32, #tpu.memory_space<vmem>>) target_semaphore(%arg14 : memref<!tpu.dma_semaphore, #tpu.memory_space<semaphore_mem>>)
    %dma_start3A_8 = arith.constant 0 : i32
    %dma_start3A_9 = tpu.memref_slice %arg5[%mul3A_2, %dma_start3A_8] : memref<64x20xf32, #tpu.memory_space<hbm>> -> memref<1x20xf32, #tpu.memory_space<hbm>>
    %dma_start3A_10 = tpu.memref_squeeze %dma_start3A_9 : memref<1x20xf32, #tpu.memory_space<hbm>> -> memref<20xf32, #tpu.memory_space<hbm>>
    %dma_start3A_11 = arith.constant 0 : i32
    %dma_start3A_12 = tpu.memref_slice %arg5[%mul3A_2, %dma_start3A_11] : memref<64x20xf32, #tpu.memory_space<hbm>> -> memref<1x20xf32, #tpu.memory_space<hbm>>
    %dma_start3A_13 = tpu.memref_squeeze %dma_start3A_12 : memref<1x20xf32, #tpu.memory_space<hbm>> -> memref<20xf32, #tpu.memory_space<hbm>>
    tpu.enqueue_dma source(%dma_start3A_13 : memref<20xf32, #tpu.memory_space<hbm>>) target(%arg8 : memref<20xf32, #tpu.memory_space<vmem>>) target_semaphore(%arg14 : memref<!tpu.dma_semaphore, #tpu.memory_space<semaphore_mem>>)
    %mul3A_14 = arith.constant 2 : i32
    %mul3A_15 = arith.muli %add3A, %mul3A_14 : i32
    %add3A_16 = arith.constant 0 : i32
    %add3A_17 = arith.addi %mul3A_15, %add3A_16 : i32
    %dma_start3A_18 = arith.constant 0 : i32
    %dma_start3A_19 = arith.constant 0 : i32
    %dma_start3A_20 = tpu.memref_slice %arg9[%dma_start3A_18, %dma_start3A_19] : memref<2x2048xi32, #tpu.memory_space<vmem>> -> memref<1x2048xi32, #tpu.memory_space<vmem>>
    %dma_start3A_21 = tpu.memref_squeeze %dma_start3A_20 : memref<1x2048xi32, #tpu.memory_space<vmem>> -> memref<2048xi32, #tpu.memory_space<vmem>>
    %dma_start3A_22 = arith.constant 0 : i32
    %dma_start3A_23 = tpu.memref_slice %arg2[%dma_start3A_22] : memref<16384xi32, #tpu.memory_space<hbm>> -> memref<2048xi32, #tpu.memory_space<hbm>>
    %dma_start3A_24 = arith.constant 0 : i32
    %dma_start3A_25 = tpu.memref_slice %arg9[%dma_start3A_18, %dma_start3A_24] : memref<2x2048xi32, #tpu.memory_space<vmem>> -> memref<1x2048xi32, #tpu.memory_space<vmem>>
    %dma_start3A_26 = tpu.memref_squeeze %dma_start3A_25 : memref<1x2048xi32, #tpu.memory_space<vmem>> -> memref<2048xi32, #tpu.memory_space<vmem>>
    %dma_start3A_27 = arith.constant 0 : i32
    %dma_start3A_28 = tpu.memref_slice %arg2[%dma_start3A_27] : memref<16384xi32, #tpu.memory_space<hbm>> -> memref<2048xi32, #tpu.memory_space<hbm>>
    tpu.enqueue_dma source(%dma_start3A_28 : memref<2048xi32, #tpu.memory_space<hbm>>) target(%dma_start3A_26 : memref<2048xi32, #tpu.memory_space<vmem>>) target_semaphore(%arg12 : memref<!tpu.dma_semaphore, #tpu.memory_space<semaphore_mem>>)
    %dma_start3A_29 = arith.constant 0 : i32
    %dma_start3A_30 = arith.constant 0 : i32
    %dma_start3A_31 = tpu.memref_slice %arg10[%dma_start3A_29, %dma_start3A_30] : memref<2x2048xi32, #tpu.memory_space<vmem>> -> memref<1x2048xi32, #tpu.memory_space<vmem>>
    %dma_start3A_32 = tpu.memref_squeeze %dma_start3A_31 : memref<1x2048xi32, #tpu.memory_space<vmem>> -> memref<2048xi32, #tpu.memory_space<vmem>>
    %dma_start3A_33 = arith.constant 0 : i32
    %dma_start3A_34 = tpu.memref_slice %arg3[%dma_start3A_33] : memref<16384xi32, #tpu.memory_space<hbm>> -> memref<2048xi32, #tpu.memory_space<hbm>>
    %dma_start3A_35 = arith.constant 0 : i32
    %dma_start3A_36 = tpu.memref_slice %arg10[%dma_start3A_29, %dma_start3A_35] : memref<2x2048xi32, #tpu.memory_space<vmem>> -> memref<1x2048xi32, #tpu.memory_space<vmem>>
    %dma_start3A_37 = tpu.memref_squeeze %dma_start3A_36 : memref<1x2048xi32, #tpu.memory_space<vmem>> -> memref<2048xi32, #tpu.memory_space<vmem>>
    %dma_start3A_38 = arith.constant 0 : i32
    %dma_start3A_39 = tpu.memref_slice %arg3[%dma_start3A_38] : memref<16384xi32, #tpu.memory_space<hbm>> -> memref<2048xi32, #tpu.memory_space<hbm>>
    tpu.enqueue_dma source(%dma_start3A_39 : memref<2048xi32, #tpu.memory_space<hbm>>) target(%dma_start3A_37 : memref<2048xi32, #tpu.memory_space<vmem>>) target_semaphore(%arg12 : memref<!tpu.dma_semaphore, #tpu.memory_space<semaphore_mem>>)
    %dma_start3A_40 = arith.constant 1 : i32
    %dma_start3A_41 = arith.constant 0 : i32
    %dma_start3A_42 = tpu.memref_slice %arg9[%dma_start3A_40, %dma_start3A_41] : memref<2x2048xi32, #tpu.memory_space<vmem>> -> memref<1x2048xi32, #tpu.memory_space<vmem>>
    %dma_start3A_43 = tpu.memref_squeeze %dma_start3A_42 : memref<1x2048xi32, #tpu.memory_space<vmem>> -> memref<2048xi32, #tpu.memory_space<vmem>>
    %dma_start3A_44 = arith.constant 2048 : i32
    %dma_start3A_45 = tpu.memref_slice %arg2[%dma_start3A_44] : memref<16384xi32, #tpu.memory_space<hbm>> -> memref<2048xi32, #tpu.memory_space<hbm>>
    %dma_start3A_46 = arith.constant 0 : i32
    %dma_start3A_47 = tpu.memref_slice %arg9[%dma_start3A_40, %dma_start3A_46] : memref<2x2048xi32, #tpu.memory_space<vmem>> -> memref<1x2048xi32, #tpu.memory_space<vmem>>
    %dma_start3A_48 = tpu.memref_squeeze %dma_start3A_47 : memref<1x2048xi32, #tpu.memory_space<vmem>> -> memref<2048xi32, #tpu.memory_space<vmem>>
    %dma_start3A_49 = arith.constant 2048 : i32
    %dma_start3A_50 = tpu.memref_slice %arg2[%dma_start3A_49] : memref<16384xi32, #tpu.memory_space<hbm>> -> memref<2048xi32, #tpu.memory_space<hbm>>
    tpu.enqueue_dma source(%dma_start3A_50 : memref<2048xi32, #tpu.memory_space<hbm>>) target(%dma_start3A_48 : memref<2048xi32, #tpu.memory_space<vmem>>) target_semaphore(%arg13 : memref<!tpu.dma_semaphore, #tpu.memory_space<semaphore_mem>>)
    %dma_start3A_51 = arith.constant 1 : i32
    %dma_start3A_52 = arith.constant 0 : i32
    %dma_start3A_53 = tpu.memref_slice %arg10[%dma_start3A_51, %dma_start3A_52] : memref<2x2048xi32, #tpu.memory_space<vmem>> -> memref<1x2048xi32, #tpu.memory_space<vmem>>
    %dma_start3A_54 = tpu.memref_squeeze %dma_start3A_53 : memref<1x2048xi32, #tpu.memory_space<vmem>> -> memref<2048xi32, #tpu.memory_space<vmem>>
    %dma_start3A_55 = arith.constant 2048 : i32
    %dma_start3A_56 = tpu.memref_slice %arg3[%dma_start3A_55] : memref<16384xi32, #tpu.memory_space<hbm>> -> memref<2048xi32, #tpu.memory_space<hbm>>
    %dma_start3A_57 = arith.constant 0 : i32
    %dma_start3A_58 = tpu.memref_slice %arg10[%dma_start3A_51, %dma_start3A_57] : memref<2x2048xi32, #tpu.memory_space<vmem>> -> memref<1x2048xi32, #tpu.memory_space<vmem>>
    %dma_start3A_59 = tpu.memref_squeeze %dma_start3A_58 : memref<1x2048xi32, #tpu.memory_space<vmem>> -> memref<2048xi32, #tpu.memory_space<vmem>>
    %dma_start3A_60 = arith.constant 2048 : i32
    %dma_start3A_61 = tpu.memref_slice %arg3[%dma_start3A_60] : memref<16384xi32, #tpu.memory_space<hbm>> -> memref<2048xi32, #tpu.memory_space<hbm>>
    tpu.enqueue_dma source(%dma_start3A_61 : memref<2048xi32, #tpu.memory_space<hbm>>) target(%dma_start3A_59 : memref<2048xi32, #tpu.memory_space<vmem>>) target_semaphore(%arg13 : memref<!tpu.dma_semaphore, #tpu.memory_space<semaphore_mem>>)
    %dma_wait3A = arith.constant 0 : i32
    %dma_wait3A_62 = tpu.memref_slice %arg4[%mul3A_2, %dma_wait3A] : memref<64x100000xf32, #tpu.memory_space<hbm>> -> memref<1x100000xf32, #tpu.memory_space<hbm>>
    %dma_wait3A_63 = tpu.memref_squeeze %dma_wait3A_62 : memref<1x100000xf32, #tpu.memory_space<hbm>> -> memref<100000xf32, #tpu.memory_space<hbm>>
    %dma_wait3A_64 = arith.constant 0 : i32
    %dma_wait3A_65 = tpu.memref_slice %arg4[%mul3A_2, %dma_wait3A_64] : memref<64x100000xf32, #tpu.memory_space<hbm>> -> memref<1x100000xf32, #tpu.memory_space<hbm>>
    %dma_wait3A_66 = tpu.memref_squeeze %dma_wait3A_65 : memref<1x100000xf32, #tpu.memory_space<hbm>> -> memref<100000xf32, #tpu.memory_space<hbm>>
    tpu.wait_dma2 semaphore(%arg14 : memref<!tpu.dma_semaphore, #tpu.memory_space<semaphore_mem>>) src(%dma_wait3A_66 : memref<100000xf32, #tpu.memory_space<hbm>>) dst(%arg7 : memref<100000xf32, #tpu.memory_space<vmem>>)
    %dma_wait3A_67 = arith.constant 0 : i32
    %dma_wait3A_68 = tpu.memref_slice %arg5[%mul3A_2, %dma_wait3A_67] : memref<64x20xf32, #tpu.memory_space<hbm>> -> memref<1x20xf32, #tpu.memory_space<hbm>>
    %dma_wait3A_69 = tpu.memref_squeeze %dma_wait3A_68 : memref<1x20xf32, #tpu.memory_space<hbm>> -> memref<20xf32, #tpu.memory_space<hbm>>
    %dma_wait3A_70 = arith.constant 0 : i32
    %dma_wait3A_71 = tpu.memref_slice %arg5[%mul3A_2, %dma_wait3A_70] : memref<64x20xf32, #tpu.memory_space<hbm>> -> memref<1x20xf32, #tpu.memory_space<hbm>>
    %dma_wait3A_72 = tpu.memref_squeeze %dma_wait3A_71 : memref<1x20xf32, #tpu.memory_space<hbm>> -> memref<20xf32, #tpu.memory_space<hbm>>
    tpu.wait_dma2 semaphore(%arg14 : memref<!tpu.dma_semaphore, #tpu.memory_space<semaphore_mem>>) src(%dma_wait3A_72 : memref<20xf32, #tpu.memory_space<hbm>>) dst(%arg8 : memref<20xf32, #tpu.memory_space<vmem>>)
    %dma_wait3A_73 = arith.constant 0 : i32
    %dma_wait3A_74 = arith.constant 0 : i32
    %dma_wait3A_75 = tpu.memref_slice %arg9[%dma_wait3A_73, %dma_wait3A_74] : memref<2x2048xi32, #tpu.memory_space<vmem>> -> memref<1x2048xi32, #tpu.memory_space<vmem>>
    %dma_wait3A_76 = tpu.memref_squeeze %dma_wait3A_75 : memref<1x2048xi32, #tpu.memory_space<vmem>> -> memref<2048xi32, #tpu.memory_space<vmem>>
    %dma_wait3A_77 = arith.constant 0 : i32
    %dma_wait3A_78 = tpu.memref_slice %arg2[%dma_wait3A_77] : memref<16384xi32, #tpu.memory_space<hbm>> -> memref<2048xi32, #tpu.memory_space<hbm>>
    %dma_wait3A_79 = arith.constant 0 : i32
    %dma_wait3A_80 = tpu.memref_slice %arg9[%dma_wait3A_73, %dma_wait3A_79] : memref<2x2048xi32, #tpu.memory_space<vmem>> -> memref<1x2048xi32, #tpu.memory_space<vmem>>
    %dma_wait3A_81 = tpu.memref_squeeze %dma_wait3A_80 : memref<1x2048xi32, #tpu.memory_space<vmem>> -> memref<2048xi32, #tpu.memory_space<vmem>>
    %dma_wait3A_82 = arith.constant 0 : i32
    %dma_wait3A_83 = tpu.memref_slice %arg2[%dma_wait3A_82] : memref<16384xi32, #tpu.memory_space<hbm>> -> memref<2048xi32, #tpu.memory_space<hbm>>
    tpu.wait_dma2 semaphore(%arg12 : memref<!tpu.dma_semaphore, #tpu.memory_space<semaphore_mem>>) src(%dma_wait3A_83 : memref<2048xi32, #tpu.memory_space<hbm>>) dst(%dma_wait3A_81 : memref<2048xi32, #tpu.memory_space<vmem>>)
    %dma_wait3A_84 = arith.constant 0 : i32
    %dma_wait3A_85 = arith.constant 0 : i32
    %dma_wait3A_86 = tpu.memref_slice %arg10[%dma_wait3A_84, %dma_wait3A_85] : memref<2x2048xi32, #tpu.memory_space<vmem>> -> memref<1x2048xi32, #tpu.memory_space<vmem>>
    %dma_wait3A_87 = tpu.memref_squeeze %dma_wait3A_86 : memref<1x2048xi32, #tpu.memory_space<vmem>> -> memref<2048xi32, #tpu.memory_space<vmem>>
    %dma_wait3A_88 = arith.constant 0 : i32
    %dma_wait3A_89 = tpu.memref_slice %arg3[%dma_wait3A_88] : memref<16384xi32, #tpu.memory_space<hbm>> -> memref<2048xi32, #tpu.memory_space<hbm>>
    %dma_wait3A_90 = arith.constant 0 : i32
    %dma_wait3A_91 = tpu.memref_slice %arg10[%dma_wait3A_84, %dma_wait3A_90] : memref<2x2048xi32, #tpu.memory_space<vmem>> -> memref<1x2048xi32, #tpu.memory_space<vmem>>
    %dma_wait3A_92 = tpu.memref_squeeze %dma_wait3A_91 : memref<1x2048xi32, #tpu.memory_space<vmem>> -> memref<2048xi32, #tpu.memory_space<vmem>>
    %dma_wait3A_93 = arith.constant 0 : i32
    %dma_wait3A_94 = tpu.memref_slice %arg3[%dma_wait3A_93] : memref<16384xi32, #tpu.memory_space<hbm>> -> memref<2048xi32, #tpu.memory_space<hbm>>
    tpu.wait_dma2 semaphore(%arg12 : memref<!tpu.dma_semaphore, #tpu.memory_space<semaphore_mem>>) src(%dma_wait3A_94 : memref<2048xi32, #tpu.memory_space<hbm>>) dst(%dma_wait3A_92 : memref<2048xi32, #tpu.memory_space<vmem>>)
    %scan3A = arith.constant 0 : i32
    %scan3A_95 = arith.constant 0 : i32
    %scan3A_96 = arith.constant 64 : i32
    %scan3A_97 = arith.addi %scan3A_95, %scan3A_96 : i32
    %scan3A_98 = arith.constant 1 : i32
    scf.for %scan3A_1274 = %scan3A_95 to %scan3A_97 step %scan3A_98  : i32 {
      %mul3A_1275 = arith.constant 32 : i32
      %mul3A_1276 = arith.muli %scan3A_1274, %mul3A_1275 : i32
      %add3A_1277 = arith.constant 0 : i32
      %add3A_1278 = arith.addi %mul3A_1276, %add3A_1277 : i32
      %get3A = arith.constant 0 : i32
      %get3A_1279 = arith.index_cast %get3A : i32 to index
      %get3A_1280 = arith.index_cast %add3A_1278 : i32 to index
      %get3A_1281 = tpu.vector_load %arg9[%get3A_1279, %get3A_1280] {strides = array<i32>} : memref<2x2048xi32, #tpu.memory_space<vmem>>, vector<16xi32>,
      %get3A_1282 = arith.constant 0 : i32
      %get3A_1283 = arith.index_cast %get3A_1282 : i32 to index
      %get3A_1284 = arith.index_cast %add3A_1278 : i32 to index
      %get3A_1285 = tpu.vector_load %arg10[%get3A_1283, %get3A_1284] {strides = array<i32>} : memref<2x2048xi32, #tpu.memory_space<vmem>>, vector<16xi32>,
      %gather3A = tpu.vector_load_idx %arg7[%get3A_1281] : memref<100000xf32, #tpu.memory_space<vmem>>[vector<16xi32>], vector<16xf32>,
      %gather3A_1286 = tpu.vector_load_idx %arg8[%get3A_1285] : memref<20xf32, #tpu.memory_space<vmem>>[vector<16xi32>], vector<16xf32>,
      %add3A_1287 = arith.addf %gather3A, %gather3A_1286 : vector<16xf32>
      %swap3A = arith.constant 0 : i32
      %swap3A_1288 = arith.index_cast %swap3A : i32 to index
      %swap3A_1289 = arith.index_cast %add3A_1278 : i32 to index
      %swap3A_1290 = tpu.vector_load %arg11[%swap3A_1288, %swap3A_1289] {strides = array<i32>} : memref<2x2048xf32, #tpu.memory_space<vmem>>, vector<16xf32>,
      tpu.vector_store %arg11[%swap3A_1288, %swap3A_1289], %add3A_1287 {strides = array<i32>} : memref<2x2048xf32, #tpu.memory_space<vmem>>, vector<16xf32>,
      %mul3A_1291 = arith.constant 32 : i32
      %mul3A_1292 = arith.muli %scan3A_1274, %mul3A_1291 : i32
      %add3A_1293 = arith.constant 16 : i32
      %add3A_1294 = arith.addi %mul3A_1292, %add3A_1293 : i32
      %get3A_1295 = arith.constant 0 : i32
      %get3A_1296 = arith.index_cast %get3A_1295 : i32 to index
      %get3A_1297 = arith.index_cast %add3A_1294 : i32 to index
      %get3A_1298 = tpu.vector_load %arg9[%get3A_1296, %get3A_1297] {strides = array<i32>} : memref<2x2048xi32, #tpu.memory_space<vmem>>, vector<16xi32>,
      %get3A_1299 = arith.constant 0 : i32
      %get3A_1300 = arith.index_cast %get3A_1299 : i32 to index
      %get3A_1301 = arith.index_cast %add3A_1294 : i32 to index
      %get3A_1302 = tpu.vector_load %arg10[%get3A_1300, %get3A_1301] {strides = array<i32>} : memref<2x2048xi32, #tpu.memory_space<vmem>>, vector<16xi32>,
      %gather3A_1303 = tpu.vector_load_idx %arg7[%get3A_1298] : memref<100000xf32, #tpu.memory_space<vmem>>[vector<16xi32>], vector<16xf32>,
      %gather3A_1304 = tpu.vector_load_idx %arg8[%get3A_1302] : memref<20xf32, #tpu.memory_space<vmem>>[vector<16xi32>], vector<16xf32>,
      %add3A_1305 = arith.addf %gather3A_1303, %gather3A_1304 : vector<16xf32>
      %swap3A_1306 = arith.constant 0 : i32
      %swap3A_1307 = arith.index_cast %swap3A_1306 : i32 to index
      %swap3A_1308 = arith.index_cast %add3A_1294 : i32 to index
      %swap3A_1309 = tpu.vector_load %arg11[%swap3A_1307, %swap3A_1308] {strides = array<i32>} : memref<2x2048xf32, #tpu.memory_space<vmem>>, vector<16xf32>,
      tpu.vector_store %arg11[%swap3A_1307, %swap3A_1308], %add3A_1305 {strides = array<i32>} : memref<2x2048xf32, #tpu.memory_space<vmem>>, vector<16xf32>,
    }
    %scan3A_99 = arith.constant 64 : i32
    %dma_start3A_100 = arith.constant 0 : i32
    %dma_start3A_101 = arith.constant 0 : i32
    %dma_start3A_102 = tpu.memref_slice %arg11[%dma_start3A_100, %dma_start3A_101] : memref<2x2048xf32, #tpu.memory_space<vmem>> -> memref<1x2048xf32, #tpu.memory_space<vmem>>
    %dma_start3A_103 = tpu.memref_squeeze %dma_start3A_102 : memref<1x2048xf32, #tpu.memory_space<vmem>> -> memref<2048xf32, #tpu.memory_space<vmem>>
    %dma_start3A_104 = arith.constant 0 : i32
    %dma_start3A_105 = tpu.memref_slice %arg6[%add3A_17, %dma_start3A_104] : memref<64x16384xf32, #tpu.memory_space<hbm>> -> memref<1x2048xf32, #tpu.memory_space<hbm>>
    %dma_start3A_106 = tpu.memref_squeeze %dma_start3A_105 : memref<1x2048xf32, #tpu.memory_space<hbm>> -> memref<2048xf32, #tpu.memory_space<hbm>>
    %dma_start3A_107 = arith.constant 0 : i32
    %dma_start3A_108 = tpu.memref_slice %arg6[%add3A_17, %dma_start3A_107] : memref<64x16384xf32, #tpu.memory_space<hbm>> -> memref<1x2048xf32, #tpu.memory_space<hbm>>
    %dma_start3A_109 = tpu.memref_squeeze %dma_start3A_108 : memref<1x2048xf32, #tpu.memory_space<hbm>> -> memref<2048xf32, #tpu.memory_space<hbm>>
    %dma_start3A_110 = arith.constant 0 : i32
    %dma_start3A_111 = tpu.memref_slice %arg11[%dma_start3A_100, %dma_start3A_110] : memref<2x2048xf32, #tpu.memory_space<vmem>> -> memref<1x2048xf32, #tpu.memory_space<vmem>>
    %dma_start3A_112 = tpu.memref_squeeze %dma_start3A_111 : memref<1x2048xf32, #tpu.memory_space<vmem>> -> memref<2048xf32, #tpu.memory_space<vmem>>
    tpu.enqueue_dma source(%dma_start3A_112 : memref<2048xf32, #tpu.memory_space<vmem>>) target(%dma_start3A_109 : memref<2048xf32, #tpu.memory_space<hbm>>) target_semaphore(%arg15 : memref<!tpu.dma_semaphore, #tpu.memory_space<semaphore_mem>>)
    %dma_start3A_113 = arith.constant 0 : i32
    %dma_start3A_114 = arith.constant 0 : i32
    %dma_start3A_115 = tpu.memref_slice %arg9[%dma_start3A_113, %dma_start3A_114] : memref<2x2048xi32, #tpu.memory_space<vmem>> -> memref<1x2048xi32, #tpu.memory_space<vmem>>
    %dma_start3A_116 = tpu.memref_squeeze %dma_start3A_115 : memref<1x2048xi32, #tpu.memory_space<vmem>> -> memref<2048xi32, #tpu.memory_space<vmem>>
    %dma_start3A_117 = arith.constant 4096 : i32
    %dma_start3A_118 = tpu.memref_slice %arg2[%dma_start3A_117] : memref<16384xi32, #tpu.memory_space<hbm>> -> memref<2048xi32, #tpu.memory_space<hbm>>
    %dma_start3A_119 = arith.constant 0 : i32
    %dma_start3A_120 = tpu.memref_slice %arg9[%dma_start3A_113, %dma_start3A_119] : memref<2x2048xi32, #tpu.memory_space<vmem>> -> memref<1x2048xi32, #tpu.memory_space<vmem>>
    %dma_start3A_121 = tpu.memref_squeeze %dma_start3A_120 : memref<1x2048xi32, #tpu.memory_space<vmem>> -> memref<2048xi32, #tpu.memory_space<vmem>>
    %dma_start3A_122 = arith.constant 4096 : i32
    %dma_start3A_123 = tpu.memref_slice %arg2[%dma_start3A_122] : memref<16384xi32, #tpu.memory_space<hbm>> -> memref<2048xi32, #tpu.memory_space<hbm>>
    tpu.enqueue_dma source(%dma_start3A_123 : memref<2048xi32, #tpu.memory_space<hbm>>) target(%dma_start3A_121 : memref<2048xi32, #tpu.memory_space<vmem>>) target_semaphore(%arg12 : memref<!tpu.dma_semaphore, #tpu.memory_space<semaphore_mem>>)
    %dma_start3A_124 = arith.constant 0 : i32
    %dma_start3A_125 = arith.constant 0 : i32
    %dma_start3A_126 = tpu.memref_slice %arg10[%dma_start3A_124, %dma_start3A_125] : memref<2x2048xi32, #tpu.memory_space<vmem>> -> memref<1x2048xi32, #tpu.memory_space<vmem>>
    %dma_start3A_127 = tpu.memref_squeeze %dma_start3A_126 : memref<1x2048xi32, #tpu.memory_space<vmem>> -> memref<2048xi32, #tpu.memory_space<vmem>>
    %dma_start3A_128 = arith.constant 4096 : i32
    %dma_start3A_129 = tpu.memref_slice %arg3[%dma_start3A_128] : memref<16384xi32, #tpu.memory_space<hbm>> -> memref<2048xi32, #tpu.memory_space<hbm>>
    %dma_start3A_130 = arith.constant 0 : i32
    %dma_start3A_131 = tpu.memref_slice %arg10[%dma_start3A_124, %dma_start3A_130] : memref<2x2048xi32, #tpu.memory_space<vmem>> -> memref<1x2048xi32, #tpu.memory_space<vmem>>
    %dma_start3A_132 = tpu.memref_squeeze %dma_start3A_131 : memref<1x2048xi32, #tpu.memory_space<vmem>> -> memref<2048xi32, #tpu.memory_space<vmem>>
    %dma_start3A_133 = arith.constant 4096 : i32
    %dma_start3A_134 = tpu.memref_slice %arg3[%dma_start3A_133] : memref<16384xi32, #tpu.memory_space<hbm>> -> memref<2048xi32, #tpu.memory_space<hbm>>
    tpu.enqueue_dma source(%dma_start3A_134 : memref<2048xi32, #tpu.memory_space<hbm>>) target(%dma_start3A_132 : memref<2048xi32, #tpu.memory_space<vmem>>) target_semaphore(%arg12 : memref<!tpu.dma_semaphore, #tpu.memory_space<semaphore_mem>>)
    %dma_wait3A_135 = arith.constant 1 : i32
    %dma_wait3A_136 = arith.constant 0 : i32
    %dma_wait3A_137 = tpu.memref_slice %arg9[%dma_wait3A_135, %dma_wait3A_136] : memref<2x2048xi32, #tpu.memory_space<vmem>> -> memref<1x2048xi32, #tpu.memory_space<vmem>>
    %dma_wait3A_138 = tpu.memref_squeeze %dma_wait3A_137 : memref<1x2048xi32, #tpu.memory_space<vmem>> -> memref<2048xi32, #tpu.memory_space<vmem>>
    %dma_wait3A_139 = arith.constant 0 : i32
    %dma_wait3A_140 = tpu.memref_slice %arg2[%dma_wait3A_139] : memref<16384xi32, #tpu.memory_space<hbm>> -> memref<2048xi32, #tpu.memory_space<hbm>>
    %dma_wait3A_141 = arith.constant 0 : i32
    %dma_wait3A_142 = tpu.memref_slice %arg9[%dma_wait3A_135, %dma_wait3A_141] : memref<2x2048xi32, #tpu.memory_space<vmem>> -> memref<1x2048xi32, #tpu.memory_space<vmem>>
    %dma_wait3A_143 = tpu.memref_squeeze %dma_wait3A_142 : memref<1x2048xi32, #tpu.memory_space<vmem>> -> memref<2048xi32, #tpu.memory_space<vmem>>
    %dma_wait3A_144 = arith.constant 0 : i32
    %dma_wait3A_145 = tpu.memref_slice %arg2[%dma_wait3A_144] : memref<16384xi32, #tpu.memory_space<hbm>> -> memref<2048xi32, #tpu.memory_space<hbm>>
    tpu.wait_dma2 semaphore(%arg13 : memref<!tpu.dma_semaphore, #tpu.memory_space<semaphore_mem>>) src(%dma_wait3A_145 : memref<2048xi32, #tpu.memory_space<hbm>>) dst(%dma_wait3A_143 : memref<2048xi32, #tpu.memory_space<vmem>>)
    %dma_wait3A_146 = arith.constant 1 : i32
    %dma_wait3A_147 = arith.constant 0 : i32
    %dma_wait3A_148 = tpu.memref_slice %arg10[%dma_wait3A_146, %dma_wait3A_147] : memref<2x2048xi32, #tpu.memory_space<vmem>> -> memref<1x2048xi32, #tpu.memory_space<vmem>>
    %dma_wait3A_149 = tpu.memref_squeeze %dma_wait3A_148 : memref<1x2048xi32, #tpu.memory_space<vmem>> -> memref<2048xi32, #tpu.memory_space<vmem>>
    %dma_wait3A_150 = arith.constant 0 : i32
    %dma_wait3A_151 = tpu.memref_slice %arg3[%dma_wait3A_150] : memref<16384xi32, #tpu.memory_space<hbm>> -> memref<2048xi32, #tpu.memory_space<hbm>>
    %dma_wait3A_152 = arith.constant 0 : i32
    %dma_wait3A_153 = tpu.memref_slice %arg10[%dma_wait3A_146, %dma_wait3A_152] : memref<2x2048xi32, #tpu.memory_space<vmem>> -> memref<1x2048xi32, #tpu.memory_space<vmem>>
    %dma_wait3A_154 = tpu.memref_squeeze %dma_wait3A_153 : memref<1x2048xi32, #tpu.memory_space<vmem>> -> memref<2048xi32, #tpu.memory_space<vmem>>
    %dma_wait3A_155 = arith.constant 0 : i32
    %dma_wait3A_156 = tpu.memref_slice %arg3[%dma_wait3A_155] : memref<16384xi32, #tpu.memory_space<hbm>> -> memref<2048xi32, #tpu.memory_space<hbm>>
    tpu.wait_dma2 semaphore(%arg13 : memref<!tpu.dma_semaphore, #tpu.memory_space<semaphore_mem>>) src(%dma_wait3A_156 : memref<2048xi32, #tpu.memory_space<hbm>>) dst(%dma_wait3A_154 : memref<2048xi32, #tpu.memory_space<vmem>>)
    %scan3A_157 = arith.constant 0 : i32
    %scan3A_158 = arith.constant 0 : i32
    %scan3A_159 = arith.constant 64 : i32
    %scan3A_160 = arith.addi %scan3A_158, %scan3A_159 : i32
    %scan3A_161 = arith.constant 1 : i32
    scf.for %scan3A_1274 = %scan3A_158 to %scan3A_160 step %scan3A_161  : i32 {
      %mul3A_1275 = arith.constant 32 : i32
      %mul3A_1276 = arith.muli %scan3A_1274, %mul3A_1275 : i32
      %add3A_1277 = arith.constant 0 : i32
      %add3A_1278 = arith.addi %mul3A_1276, %add3A_1277 : i32
      %get3A = arith.constant 1 : i32
      %get3A_1279 = arith.index_cast %get3A : i32 to index
      %get3A_1280 = arith.index_cast %add3A_1278 : i32 to index
      %get3A_1281 = tpu.vector_load %arg9[%get3A_1279, %get3A_1280] {strides = array<i32>} : memref<2x2048xi32, #tpu.memory_space<vmem>>, vector<16xi32>,
      %get3A_1282 = arith.constant 1 : i32
      %get3A_1283 = arith.index_cast %get3A_1282 : i32 to index
      %get3A_1284 = arith.index_cast %add3A_1278 : i32 to index
      %get3A_1285 = tpu.vector_load %arg10[%get3A_1283, %get3A_1284] {strides = array<i32>} : memref<2x2048xi32, #tpu.memory_space<vmem>>, vector<16xi32>,
      %gather3A = tpu.vector_load_idx %arg7[%get3A_1281] : memref<100000xf32, #tpu.memory_space<vmem>>[vector<16xi32>], vector<16xf32>,
      %gather3A_1286 = tpu.vector_load_idx %arg8[%get3A_1285] : memref<20xf32, #tpu.memory_space<vmem>>[vector<16xi32>], vector<16xf32>,
      %add3A_1287 = arith.addf %gather3A, %gather3A_1286 : vector<16xf32>
      %swap3A = arith.constant 1 : i32
      %swap3A_1288 = arith.index_cast %swap3A : i32 to index
      %swap3A_1289 = arith.index_cast %add3A_1278 : i32 to index
      %swap3A_1290 = tpu.vector_load %arg11[%swap3A_1288, %swap3A_1289] {strides = array<i32>} : memref<2x2048xf32, #tpu.memory_space<vmem>>, vector<16xf32>,
      tpu.vector_store %arg11[%swap3A_1288, %swap3A_1289], %add3A_1287 {strides = array<i32>} : memref<2x2048xf32, #tpu.memory_space<vmem>>, vector<16xf32>,
      %mul3A_1291 = arith.constant 32 : i32
      %mul3A_1292 = arith.muli %scan3A_1274, %mul3A_1291 : i32
      %add3A_1293 = arith.constant 16 : i32
      %add3A_1294 = arith.addi %mul3A_1292, %add3A_1293 : i32
      %get3A_1295 = arith.constant 1 : i32
      %get3A_1296 = arith.index_cast %get3A_1295 : i32 to index
      %get3A_1297 = arith.index_cast %add3A_1294 : i32 to index
      %get3A_1298 = tpu.vector_load %arg9[%get3A_1296, %get3A_1297] {strides = array<i32>} : memref<2x2048xi32, #tpu.memory_space<vmem>>, vector<16xi32>,
      %get3A_1299 = arith.constant 1 : i32
      %get3A_1300 = arith.index_cast %get3A_1299 : i32 to index
      %get3A_1301 = arith.index_cast %add3A_1294 : i32 to index
      %get3A_1302 = tpu.vector_load %arg10[%get3A_1300, %get3A_1301] {strides = array<i32>} : memref<2x2048xi32, #tpu.memory_space<vmem>>, vector<16xi32>,
      %gather3A_1303 = tpu.vector_load_idx %arg7[%get3A_1298] : memref<100000xf32, #tpu.memory_space<vmem>>[vector<16xi32>], vector<16xf32>,
      %gather3A_1304 = tpu.vector_load_idx %arg8[%get3A_1302] : memref<20xf32, #tpu.memory_space<vmem>>[vector<16xi32>], vector<16xf32>,
      %add3A_1305 = arith.addf %gather3A_1303, %gather3A_1304 : vector<16xf32>
      %swap3A_1306 = arith.constant 1 : i32
      %swap3A_1307 = arith.index_cast %swap3A_1306 : i32 to index
      %swap3A_1308 = arith.index_cast %add3A_1294 : i32 to index
      %swap3A_1309 = tpu.vector_load %arg11[%swap3A_1307, %swap3A_1308] {strides = array<i32>} : memref<2x2048xf32, #tpu.memory_space<vmem>>, vector<16xf32>,
      tpu.vector_store %arg11[%swap3A_1307, %swap3A_1308], %add3A_1305 {strides = array<i32>} : memref<2x2048xf32, #tpu.memory_space<vmem>>, vector<16xf32>,
    }
    %scan3A_162 = arith.constant 64 : i32
    %dma_start3A_163 = arith.constant 1 : i32
    %dma_start3A_164 = arith.constant 0 : i32
    %dma_start3A_165 = tpu.memref_slice %arg11[%dma_start3A_163, %dma_start3A_164] : memref<2x2048xf32, #tpu.memory_space<vmem>> -> memref<1x2048xf32, #tpu.memory_space<vmem>>
    %dma_start3A_166 = tpu.memref_squeeze %dma_start3A_165 : memref<1x2048xf32, #tpu.memory_space<vmem>> -> memref<2048xf32, #tpu.memory_space<vmem>>
    %dma_start3A_167 = arith.constant 2048 : i32
    %dma_start3A_168 = tpu.memref_slice %arg6[%add3A_17, %dma_start3A_167] : memref<64x16384xf32, #tpu.memory_space<hbm>> -> memref<1x2048xf32, #tpu.memory_space<hbm>>
    %dma_start3A_169 = tpu.memref_squeeze %dma_start3A_168 : memref<1x2048xf32, #tpu.memory_space<hbm>> -> memref<2048xf32, #tpu.memory_space<hbm>>
    %dma_start3A_170 = arith.constant 2048 : i32
    %dma_start3A_171 = tpu.memref_slice %arg6[%add3A_17, %dma_start3A_170] : memref<64x16384xf32, #tpu.memory_space<hbm>> -> memref<1x2048xf32, #tpu.memory_space<hbm>>
    %dma_start3A_172 = tpu.memref_squeeze %dma_start3A_171 : memref<1x2048xf32, #tpu.memory_space<hbm>> -> memref<2048xf32, #tpu.memory_space<hbm>>
    %dma_start3A_173 = arith.constant 0 : i32
    %dma_start3A_174 = tpu.memref_slice %arg11[%dma_start3A_163, %dma_start3A_173] : memref<2x2048xf32, #tpu.memory_space<vmem>> -> memref<1x2048xf32, #tpu.memory_space<vmem>>
    %dma_start3A_175 = tpu.memref_squeeze %dma_start3A_174 : memref<1x2048xf32, #tpu.memory_space<vmem>> -> memref<2048xf32, #tpu.memory_space<vmem>>
    tpu.enqueue_dma source(%dma_start3A_175 : memref<2048xf32, #tpu.memory_space<vmem>>) target(%dma_start3A_172 : memref<2048xf32, #tpu.memory_space<hbm>>) target_semaphore(%arg15 : memref<!tpu.dma_semaphore, #tpu.memory_space<semaphore_mem>>)
    %dma_start3A_176 = arith.constant 1 : i32
    %dma_start3A_177 = arith.constant 0 : i32
    %dma_start3A_178 = tpu.memref_slice %arg9[%dma_start3A_176, %dma_start3A_177] : memref<2x2048xi32, #tpu.memory_space<vmem>> -> memref<1x2048xi32, #tpu.memory_space<vmem>>
    %dma_start3A_179 = tpu.memref_squeeze %dma_start3A_178 : memref<1x2048xi32, #tpu.memory_space<vmem>> -> memref<2048xi32, #tpu.memory_space<vmem>>
    %dma_start3A_180 = arith.constant 6144 : i32
    %dma_start3A_181 = tpu.memref_slice %arg2[%dma_start3A_180] : memref<16384xi32, #tpu.memory_space<hbm>> -> memref<2048xi32, #tpu.memory_space<hbm>>
    %dma_start3A_182 = arith.constant 0 : i32
    %dma_start3A_183 = tpu.memref_slice %arg9[%dma_start3A_176, %dma_start3A_182] : memref<2x2048xi32, #tpu.memory_space<vmem>> -> memref<1x2048xi32, #tpu.memory_space<vmem>>
    %dma_start3A_184 = tpu.memref_squeeze %dma_start3A_183 : memref<1x2048xi32, #tpu.memory_space<vmem>> -> memref<2048xi32, #tpu.memory_space<vmem>>
    %dma_start3A_185 = arith.constant 6144 : i32
    %dma_start3A_186 = tpu.memref_slice %arg2[%dma_start3A_185] : memref<16384xi32, #tpu.memory_space<hbm>> -> memref<2048xi32, #tpu.memory_space<hbm>>
    tpu.enqueue_dma source(%dma_start3A_186 : memref<2048xi32, #tpu.memory_space<hbm>>) target(%dma_start3A_184 : memref<2048xi32, #tpu.memory_space<vmem>>) target_semaphore(%arg13 : memref<!tpu.dma_semaphore, #tpu.memory_space<semaphore_mem>>)
    %dma_start3A_187 = arith.constant 1 : i32
    %dma_start3A_188 = arith.constant 0 : i32
    %dma_start3A_189 = tpu.memref_slice %arg10[%dma_start3A_187, %dma_start3A_188] : memref<2x2048xi32, #tpu.memory_space<vmem>> -> memref<1x2048xi32, #tpu.memory_space<vmem>>
    %dma_start3A_190 = tpu.memref_squeeze %dma_start3A_189 : memref<1x2048xi32, #tpu.memory_space<vmem>> -> memref<2048xi32, #tpu.memory_space<vmem>>
    %dma_start3A_191 = arith.constant 6144 : i32
    %dma_start3A_192 = tpu.memref_slice %arg3[%dma_start3A_191] : memref<16384xi32, #tpu.memory_space<hbm>> -> memref<2048xi32, #tpu.memory_space<hbm>>
    %dma_start3A_193 = arith.constant 0 : i32
    %dma_start3A_194 = tpu.memref_slice %arg10[%dma_start3A_187, %dma_start3A_193] : memref<2x2048xi32, #tpu.memory_space<vmem>> -> memref<1x2048xi32, #tpu.memory_space<vmem>>
    %dma_start3A_195 = tpu.memref_squeeze %dma_start3A_194 : memref<1x2048xi32, #tpu.memory_space<vmem>> -> memref<2048xi32, #tpu.memory_space<vmem>>
    %dma_start3A_196 = arith.constant 6144 : i32
    %dma_start3A_197 = tpu.memref_slice %arg3[%dma_start3A_196] : memref<16384xi32, #tpu.memory_space<hbm>> -> memref<2048xi32, #tpu.memory_space<hbm>>
    tpu.enqueue_dma source(%dma_start3A_197 : memref<2048xi32, #tpu.memory_space<hbm>>) target(%dma_start3A_195 : memref<2048xi32, #tpu.memory_space<vmem>>) target_semaphore(%arg13 : memref<!tpu.dma_semaphore, #tpu.memory_space<semaphore_mem>>)
    %dma_wait3A_198 = arith.constant 0 : i32
    %dma_wait3A_199 = arith.constant 0 : i32
    %dma_wait3A_200 = tpu.memref_slice %arg9[%dma_wait3A_198, %dma_wait3A_199] : memref<2x2048xi32, #tpu.memory_space<vmem>> -> memref<1x2048xi32, #tpu.memory_space<vmem>>
    %dma_wait3A_201 = tpu.memref_squeeze %dma_wait3A_200 : memref<1x2048xi32, #tpu.memory_space<vmem>> -> memref<2048xi32, #tpu.memory_space<vmem>>
    %dma_wait3A_202 = arith.constant 0 : i32
    %dma_wait3A_203 = tpu.memref_slice %arg2[%dma_wait3A_202] : memref<16384xi32, #tpu.memory_space<hbm>> -> memref<2048xi32, #tpu.memory_space<hbm>>
    %dma_wait3A_204 = arith.constant 0 : i32
    %dma_wait3A_205 = tpu.memref_slice %arg9[%dma_wait3A_198, %dma_wait3A_204] : memref<2x2048xi32, #tpu.memory_space<vmem>> -> memref<1x2048xi32, #tpu.memory_space<vmem>>
    %dma_wait3A_206 = tpu.memref_squeeze %dma_wait3A_205 : memref<1x2048xi32, #tpu.memory_space<vmem>> -> memref<2048xi32, #tpu.memory_space<vmem>>
    %dma_wait3A_207 = arith.constant 0 : i32
    %dma_wait3A_208 = tpu.memref_slice %arg2[%dma_wait3A_207] : memref<16384xi32, #tpu.memory_space<hbm>> -> memref<2048xi32, #tpu.memory_space<hbm>>
    tpu.wait_dma2 semaphore(%arg12 : memref<!tpu.dma_semaphore, #tpu.memory_space<semaphore_mem>>) src(%dma_wait3A_208 : memref<2048xi32, #tpu.memory_space<hbm>>) dst(%dma_wait3A_206 : memref<2048xi32, #tpu.memory_space<vmem>>)
    %dma_wait3A_209 = arith.constant 0 : i32
    %dma_wait3A_210 = arith.constant 0 : i32
    %dma_wait3A_211 = tpu.memref_slice %arg10[%dma_wait3A_209, %dma_wait3A_210] : memref<2x2048xi32, #tpu.memory_space<vmem>> -> memref<1x2048xi32, #tpu.memory_space<vmem>>
    %dma_wait3A_212 = tpu.memref_squeeze %dma_wait3A_211 : memref<1x2048xi32, #tpu.memory_space<vmem>> -> memref<2048xi32, #tpu.memory_space<vmem>>
    %dma_wait3A_213 = arith.constant 0 : i32
    %dma_wait3A_214 = tpu.memref_slice %arg3[%dma_wait3A_213] : memref<16384xi32, #tpu.memory_space<hbm>> -> memref<2048xi32, #tpu.memory_space<hbm>>
    %dma_wait3A_215 = arith.constant 0 : i32
    %dma_wait3A_216 = tpu.memref_slice %arg10[%dma_wait3A_209, %dma_wait3A_215] : memref<2x2048xi32, #tpu.memory_space<vmem>> -> memref<1x2048xi32, #tpu.memory_space<vmem>>
    %dma_wait3A_217 = tpu.memref_squeeze %dma_wait3A_216 : memref<1x2048xi32, #tpu.memory_space<vmem>> -> memref<2048xi32, #tpu.memory_space<vmem>>
    %dma_wait3A_218 = arith.constant 0 : i32
    %dma_wait3A_219 = tpu.memref_slice %arg3[%dma_wait3A_218] : memref<16384xi32, #tpu.memory_space<hbm>> -> memref<2048xi32, #tpu.memory_space<hbm>>
    tpu.wait_dma2 semaphore(%arg12 : memref<!tpu.dma_semaphore, #tpu.memory_space<semaphore_mem>>) src(%dma_wait3A_219 : memref<2048xi32, #tpu.memory_space<hbm>>) dst(%dma_wait3A_217 : memref<2048xi32, #tpu.memory_space<vmem>>)
    %scan3A_220 = arith.constant 0 : i32
    %scan3A_221 = arith.constant 0 : i32
    %scan3A_222 = arith.constant 64 : i32
    %scan3A_223 = arith.addi %scan3A_221, %scan3A_222 : i32
    %scan3A_224 = arith.constant 1 : i32
    scf.for %scan3A_1274 = %scan3A_221 to %scan3A_223 step %scan3A_224  : i32 {
      %mul3A_1275 = arith.constant 32 : i32
      %mul3A_1276 = arith.muli %scan3A_1274, %mul3A_1275 : i32
      %add3A_1277 = arith.constant 0 : i32
      %add3A_1278 = arith.addi %mul3A_1276, %add3A_1277 : i32
      %get3A = arith.constant 0 : i32
      %get3A_1279 = arith.index_cast %get3A : i32 to index
      %get3A_1280 = arith.index_cast %add3A_1278 : i32 to index
      %get3A_1281 = tpu.vector_load %arg9[%get3A_1279, %get3A_1280] {strides = array<i32>} : memref<2x2048xi32, #tpu.memory_space<vmem>>, vector<16xi32>,
      %get3A_1282 = arith.constant 0 : i32
      %get3A_1283 = arith.index_cast %get3A_1282 : i32 to index
      %get3A_1284 = arith.index_cast %add3A_1278 : i32 to index
      %get3A_1285 = tpu.vector_load %arg10[%get3A_1283, %get3A_1284] {strides = array<i32>} : memref<2x2048xi32, #tpu.memory_space<vmem>>, vector<16xi32>,
      %gather3A = tpu.vector_load_idx %arg7[%get3A_1281] : memref<100000xf32, #tpu.memory_space<vmem>>[vector<16xi32>], vector<16xf32>,
      %gather3A_1286 = tpu.vector_load_idx %arg8[%get3A_1285] : memref<20xf32, #tpu.memory_space<vmem>>[vector<16xi32>], vector<16xf32>,
      %add3A_1287 = arith.addf %gather3A, %gather3A_1286 : vector<16xf32>
      %swap3A = arith.constant 0 : i32
      %swap3A_1288 = arith.index_cast %swap3A : i32 to index
      %swap3A_1289 = arith.index_cast %add3A_1278 : i32 to index
      %swap3A_1290 = tpu.vector_load %arg11[%swap3A_1288, %swap3A_1289] {strides = array<i32>} : memref<2x2048xf32, #tpu.memory_space<vmem>>, vector<16xf32>,
      tpu.vector_store %arg11[%swap3A_1288, %swap3A_1289], %add3A_1287 {strides = array<i32>} : memref<2x2048xf32, #tpu.memory_space<vmem>>, vector<16xf32>,
      %mul3A_1291 = arith.constant 32 : i32
      %mul3A_1292 = arith.muli %scan3A_1274, %mul3A_1291 : i32
      %add3A_1293 = arith.constant 16 : i32
      %add3A_1294 = arith.addi %mul3A_1292, %add3A_1293 : i32
      %get3A_1295 = arith.constant 0 : i32
      %get3A_1296 = arith.index_cast %get3A_1295 : i32 to index
      %get3A_1297 = arith.index_cast %add3A_1294 : i32 to index
      %get3A_1298 = tpu.vector_load %arg9[%get3A_1296, %get3A_1297] {strides = array<i32>} : memref<2x2048xi32, #tpu.memory_space<vmem>>, vector<16xi32>,
      %get3A_1299 = arith.constant 0 : i32
      %get3A_1300 = arith.index_cast %get3A_1299 : i32 to index
      %get3A_1301 = arith.index_cast %add3A_1294 : i32 to index
      %get3A_1302 = tpu.vector_load %arg10[%get3A_1300, %get3A_1301] {strides = array<i32>} : memref<2x2048xi32, #tpu.memory_space<vmem>>, vector<16xi32>,
      %gather3A_1303 = tpu.vector_load_idx %arg7[%get3A_1298] : memref<100000xf32, #tpu.memory_space<vmem>>[vector<16xi32>], vector<16xf32>,
      %gather3A_1304 = tpu.vector_load_idx %arg8[%get3A_1302] : memref<20xf32, #tpu.memory_space<vmem>>[vector<16xi32>], vector<16xf32>,
      %add3A_1305 = arith.addf %gather3A_1303, %gather3A_1304 : vector<16xf32>
      %swap3A_1306 = arith.constant 0 : i32
      %swap3A_1307 = arith.index_cast %swap3A_1306 : i32 to index
      %swap3A_1308 = arith.index_cast %add3A_1294 : i32 to index
      %swap3A_1309 = tpu.vector_load %arg11[%swap3A_1307, %swap3A_1308] {strides = array<i32>} : memref<2x2048xf32, #tpu.memory_space<vmem>>, vector<16xf32>,
      tpu.vector_store %arg11[%swap3A_1307, %swap3A_1308], %add3A_1305 {strides = array<i32>} : memref<2x2048xf32, #tpu.memory_space<vmem>>, vector<16xf32>,
    }
    %scan3A_225 = arith.constant 64 : i32
    %dma_wait3A_226 = arith.constant 0 : i32
    %dma_wait3A_227 = arith.constant 0 : i32
    %dma_wait3A_228 = tpu.memref_slice %arg11[%dma_wait3A_226, %dma_wait3A_227] : memref<2x2048xf32, #tpu.memory_space<vmem>> -> memref<1x2048xf32, #tpu.memory_space<vmem>>
    %dma_wait3A_229 = tpu.memref_squeeze %dma_wait3A_228 : memref<1x2048xf32, #tpu.memory_space<vmem>> -> memref<2048xf32, #tpu.memory_space<vmem>>
    %dma_wait3A_230 = arith.constant 0 : i32
    %dma_wait3A_231 = tpu.memref_slice %arg6[%add3A_17, %dma_wait3A_230] : memref<64x16384xf32, #tpu.memory_space<hbm>> -> memref<1x2048xf32, #tpu.memory_space<hbm>>
    %dma_wait3A_232 = tpu.memref_squeeze %dma_wait3A_231 : memref<1x2048xf32, #tpu.memory_space<hbm>> -> memref<2048xf32, #tpu.memory_space<hbm>>
    %dma_wait3A_233 = arith.constant 0 : i32
    %dma_wait3A_234 = tpu.memref_slice %arg6[%add3A_17, %dma_wait3A_233] : memref<64x16384xf32, #tpu.memory_space<hbm>> -> memref<1x2048xf32, #tpu.memory_space<hbm>>
    %dma_wait3A_235 = tpu.memref_squeeze %dma_wait3A_234 : memref<1x2048xf32, #tpu.memory_space<hbm>> -> memref<2048xf32, #tpu.memory_space<hbm>>
    %dma_wait3A_236 = arith.constant 0 : i32
    %dma_wait3A_237 = tpu.memref_slice %arg11[%dma_wait3A_226, %dma_wait3A_236] : memref<2x2048xf32, #tpu.memory_space<vmem>> -> memref<1x2048xf32, #tpu.memory_space<vmem>>
    %dma_wait3A_238 = tpu.memref_squeeze %dma_wait3A_237 : memref<1x2048xf32, #tpu.memory_space<vmem>> -> memref<2048xf32, #tpu.memory_space<vmem>>
    tpu.wait_dma2 semaphore(%arg15 : memref<!tpu.dma_semaphore, #tpu.memory_space<semaphore_mem>>) src(%dma_wait3A_238 : memref<2048xf32, #tpu.memory_space<vmem>>) dst(%dma_wait3A_235 : memref<2048xf32, #tpu.memory_space<hbm>>)
    %dma_start3A_239 = arith.constant 0 : i32
    %dma_start3A_240 = arith.constant 0 : i32
    %dma_start3A_241 = tpu.memref_slice %arg11[%dma_start3A_239, %dma_start3A_240] : memref<2x2048xf32, #tpu.memory_space<vmem>> -> memref<1x2048xf32, #tpu.memory_space<vmem>>
    %dma_start3A_242 = tpu.memref_squeeze %dma_start3A_241 : memref<1x2048xf32, #tpu.memory_space<vmem>> -> memref<2048xf32, #tpu.memory_space<vmem>>
    %dma_start3A_243 = arith.constant 4096 : i32
    %dma_start3A_244 = tpu.memref_slice %arg6[%add3A_17, %dma_start3A_243] : memref<64x16384xf32, #tpu.memory_space<hbm>> -> memref<1x2048xf32, #tpu.memory_space<hbm>>
    %dma_start3A_245 = tpu.memref_squeeze %dma_start3A_244 : memref<1x2048xf32, #tpu.memory_space<hbm>> -> memref<2048xf32, #tpu.memory_space<hbm>>
    %dma_start3A_246 = arith.constant 4096 : i32
    %dma_start3A_247 = tpu.memref_slice %arg6[%add3A_17, %dma_start3A_246] : memref<64x16384xf32, #tpu.memory_space<hbm>> -> memref<1x2048xf32, #tpu.memory_space<hbm>>
    %dma_start3A_248 = tpu.memref_squeeze %dma_start3A_247 : memref<1x2048xf32, #tpu.memory_space<hbm>> -> memref<2048xf32, #tpu.memory_space<hbm>>
    %dma_start3A_249 = arith.constant 0 : i32
    %dma_start3A_250 = tpu.memref_slice %arg11[%dma_start3A_239, %dma_start3A_249] : memref<2x2048xf32, #tpu.memory_space<vmem>> -> memref<1x2048xf32, #tpu.memory_space<vmem>>
    %dma_start3A_251 = tpu.memref_squeeze %dma_start3A_250 : memref<1x2048xf32, #tpu.memory_space<vmem>> -> memref<2048xf32, #tpu.memory_space<vmem>>
    tpu.enqueue_dma source(%dma_start3A_251 : memref<2048xf32, #tpu.memory_space<vmem>>) target(%dma_start3A_248 : memref<2048xf32, #tpu.memory_space<hbm>>) target_semaphore(%arg15 : memref<!tpu.dma_semaphore, #tpu.memory_space<semaphore_mem>>)
    %dma_start3A_252 = arith.constant 0 : i32
    %dma_start3A_253 = arith.constant 0 : i32
    %dma_start3A_254 = tpu.memref_slice %arg9[%dma_start3A_252, %dma_start3A_253] : memref<2x2048xi32, #tpu.memory_space<vmem>> -> memref<1x2048xi32, #tpu.memory_space<vmem>>
    %dma_start3A_255 = tpu.memref_squeeze %dma_start3A_254 : memref<1x2048xi32, #tpu.memory_space<vmem>> -> memref<2048xi32, #tpu.memory_space<vmem>>
    %dma_start3A_256 = arith.constant 8192 : i32
    %dma_start3A_257 = tpu.memref_slice %arg2[%dma_start3A_256] : memref<16384xi32, #tpu.memory_space<hbm>> -> memref<2048xi32, #tpu.memory_space<hbm>>
    %dma_start3A_258 = arith.constant 0 : i32
    %dma_start3A_259 = tpu.memref_slice %arg9[%dma_start3A_252, %dma_start3A_258] : memref<2x2048xi32, #tpu.memory_space<vmem>> -> memref<1x2048xi32, #tpu.memory_space<vmem>>
    %dma_start3A_260 = tpu.memref_squeeze %dma_start3A_259 : memref<1x2048xi32, #tpu.memory_space<vmem>> -> memref<2048xi32, #tpu.memory_space<vmem>>
    %dma_start3A_261 = arith.constant 8192 : i32
    %dma_start3A_262 = tpu.memref_slice %arg2[%dma_start3A_261] : memref<16384xi32, #tpu.memory_space<hbm>> -> memref<2048xi32, #tpu.memory_space<hbm>>
    tpu.enqueue_dma source(%dma_start3A_262 : memref<2048xi32, #tpu.memory_space<hbm>>) target(%dma_start3A_260 : memref<2048xi32, #tpu.memory_space<vmem>>) target_semaphore(%arg12 : memref<!tpu.dma_semaphore, #tpu.memory_space<semaphore_mem>>)
    %dma_start3A_263 = arith.constant 0 : i32
    %dma_start3A_264 = arith.constant 0 : i32
    %dma_start3A_265 = tpu.memref_slice %arg10[%dma_start3A_263, %dma_start3A_264] : memref<2x2048xi32, #tpu.memory_space<vmem>> -> memref<1x2048xi32, #tpu.memory_space<vmem>>
    %dma_start3A_266 = tpu.memref_squeeze %dma_start3A_265 : memref<1x2048xi32, #tpu.memory_space<vmem>> -> memref<2048xi32, #tpu.memory_space<vmem>>
    %dma_start3A_267 = arith.constant 8192 : i32
    %dma_start3A_268 = tpu.memref_slice %arg3[%dma_start3A_267] : memref<16384xi32, #tpu.memory_space<hbm>> -> memref<2048xi32, #tpu.memory_space<hbm>>
    %dma_start3A_269 = arith.constant 0 : i32
    %dma_start3A_270 = tpu.memref_slice %arg10[%dma_start3A_263, %dma_start3A_269] : memref<2x2048xi32, #tpu.memory_space<vmem>> -> memref<1x2048xi32, #tpu.memory_space<vmem>>
    %dma_start3A_271 = tpu.memref_squeeze %dma_start3A_270 : memref<1x2048xi32, #tpu.memory_space<vmem>> -> memref<2048xi32, #tpu.memory_space<vmem>>
    %dma_start3A_272 = arith.constant 8192 : i32
    %dma_start3A_273 = tpu.memref_slice %arg3[%dma_start3A_272] : memref<16384xi32, #tpu.memory_space<hbm>> -> memref<2048xi32, #tpu.memory_space<hbm>>
    tpu.enqueue_dma source(%dma_start3A_273 : memref<2048xi32, #tpu.memory_space<hbm>>) target(%dma_start3A_271 : memref<2048xi32, #tpu.memory_space<vmem>>) target_semaphore(%arg12 : memref<!tpu.dma_semaphore, #tpu.memory_space<semaphore_mem>>)
    %dma_wait3A_274 = arith.constant 1 : i32
    %dma_wait3A_275 = arith.constant 0 : i32
    %dma_wait3A_276 = tpu.memref_slice %arg9[%dma_wait3A_274, %dma_wait3A_275] : memref<2x2048xi32, #tpu.memory_space<vmem>> -> memref<1x2048xi32, #tpu.memory_space<vmem>>
    %dma_wait3A_277 = tpu.memref_squeeze %dma_wait3A_276 : memref<1x2048xi32, #tpu.memory_space<vmem>> -> memref<2048xi32, #tpu.memory_space<vmem>>
    %dma_wait3A_278 = arith.constant 0 : i32
    %dma_wait3A_279 = tpu.memref_slice %arg2[%dma_wait3A_278] : memref<16384xi32, #tpu.memory_space<hbm>> -> memref<2048xi32, #tpu.memory_space<hbm>>
    %dma_wait3A_280 = arith.constant 0 : i32
    %dma_wait3A_281 = tpu.memref_slice %arg9[%dma_wait3A_274, %dma_wait3A_280] : memref<2x2048xi32, #tpu.memory_space<vmem>> -> memref<1x2048xi32, #tpu.memory_space<vmem>>
    %dma_wait3A_282 = tpu.memref_squeeze %dma_wait3A_281 : memref<1x2048xi32, #tpu.memory_space<vmem>> -> memref<2048xi32, #tpu.memory_space<vmem>>
    %dma_wait3A_283 = arith.constant 0 : i32
    %dma_wait3A_284 = tpu.memref_slice %arg2[%dma_wait3A_283] : memref<16384xi32, #tpu.memory_space<hbm>> -> memref<2048xi32, #tpu.memory_space<hbm>>
    tpu.wait_dma2 semaphore(%arg13 : memref<!tpu.dma_semaphore, #tpu.memory_space<semaphore_mem>>) src(%dma_wait3A_284 : memref<2048xi32, #tpu.memory_space<hbm>>) dst(%dma_wait3A_282 : memref<2048xi32, #tpu.memory_space<vmem>>)
    %dma_wait3A_285 = arith.constant 1 : i32
    %dma_wait3A_286 = arith.constant 0 : i32
    %dma_wait3A_287 = tpu.memref_slice %arg10[%dma_wait3A_285, %dma_wait3A_286] : memref<2x2048xi32, #tpu.memory_space<vmem>> -> memref<1x2048xi32, #tpu.memory_space<vmem>>
    %dma_wait3A_288 = tpu.memref_squeeze %dma_wait3A_287 : memref<1x2048xi32, #tpu.memory_space<vmem>> -> memref<2048xi32, #tpu.memory_space<vmem>>
    %dma_wait3A_289 = arith.constant 0 : i32
    %dma_wait3A_290 = tpu.memref_slice %arg3[%dma_wait3A_289] : memref<16384xi32, #tpu.memory_space<hbm>> -> memref<2048xi32, #tpu.memory_space<hbm>>
    %dma_wait3A_291 = arith.constant 0 : i32
    %dma_wait3A_292 = tpu.memref_slice %arg10[%dma_wait3A_285, %dma_wait3A_291] : memref<2x2048xi32, #tpu.memory_space<vmem>> -> memref<1x2048xi32, #tpu.memory_space<vmem>>
    %dma_wait3A_293 = tpu.memref_squeeze %dma_wait3A_292 : memref<1x2048xi32, #tpu.memory_space<vmem>> -> memref<2048xi32, #tpu.memory_space<vmem>>
    %dma_wait3A_294 = arith.constant 0 : i32
    %dma_wait3A_295 = tpu.memref_slice %arg3[%dma_wait3A_294] : memref<16384xi32, #tpu.memory_space<hbm>> -> memref<2048xi32, #tpu.memory_space<hbm>>
    tpu.wait_dma2 semaphore(%arg13 : memref<!tpu.dma_semaphore, #tpu.memory_space<semaphore_mem>>) src(%dma_wait3A_295 : memref<2048xi32, #tpu.memory_space<hbm>>) dst(%dma_wait3A_293 : memref<2048xi32, #tpu.memory_space<vmem>>)
    %scan3A_296 = arith.constant 0 : i32
    %scan3A_297 = arith.constant 0 : i32
    %scan3A_298 = arith.constant 64 : i32
    %scan3A_299 = arith.addi %scan3A_297, %scan3A_298 : i32
    %scan3A_300 = arith.constant 1 : i32
    scf.for %scan3A_1274 = %scan3A_297 to %scan3A_299 step %scan3A_300  : i32 {
      %mul3A_1275 = arith.constant 32 : i32
      %mul3A_1276 = arith.muli %scan3A_1274, %mul3A_1275 : i32
      %add3A_1277 = arith.constant 0 : i32
      %add3A_1278 = arith.addi %mul3A_1276, %add3A_1277 : i32
      %get3A = arith.constant 1 : i32
      %get3A_1279 = arith.index_cast %get3A : i32 to index
      %get3A_1280 = arith.index_cast %add3A_1278 : i32 to index
      %get3A_1281 = tpu.vector_load %arg9[%get3A_1279, %get3A_1280] {strides = array<i32>} : memref<2x2048xi32, #tpu.memory_space<vmem>>, vector<16xi32>,
      %get3A_1282 = arith.constant 1 : i32
      %get3A_1283 = arith.index_cast %get3A_1282 : i32 to index
      %get3A_1284 = arith.index_cast %add3A_1278 : i32 to index
      %get3A_1285 = tpu.vector_load %arg10[%get3A_1283, %get3A_1284] {strides = array<i32>} : memref<2x2048xi32, #tpu.memory_space<vmem>>, vector<16xi32>,
      %gather3A = tpu.vector_load_idx %arg7[%get3A_1281] : memref<100000xf32, #tpu.memory_space<vmem>>[vector<16xi32>], vector<16xf32>,
      %gather3A_1286 = tpu.vector_load_idx %arg8[%get3A_1285] : memref<20xf32, #tpu.memory_space<vmem>>[vector<16xi32>], vector<16xf32>,
      %add3A_1287 = arith.addf %gather3A, %gather3A_1286 : vector<16xf32>
      %swap3A = arith.constant 1 : i32
      %swap3A_1288 = arith.index_cast %swap3A : i32 to index
      %swap3A_1289 = arith.index_cast %add3A_1278 : i32 to index
      %swap3A_1290 = tpu.vector_load %arg11[%swap3A_1288, %swap3A_1289] {strides = array<i32>} : memref<2x2048xf32, #tpu.memory_space<vmem>>, vector<16xf32>,
      tpu.vector_store %arg11[%swap3A_1288, %swap3A_1289], %add3A_1287 {strides = array<i32>} : memref<2x2048xf32, #tpu.memory_space<vmem>>, vector<16xf32>,
      %mul3A_1291 = arith.constant 32 : i32
      %mul3A_1292 = arith.muli %scan3A_1274, %mul3A_1291 : i32
      %add3A_1293 = arith.constant 16 : i32
      %add3A_1294 = arith.addi %mul3A_1292, %add3A_1293 : i32
      %get3A_1295 = arith.constant 1 : i32
      %get3A_1296 = arith.index_cast %get3A_1295 : i32 to index
      %get3A_1297 = arith.index_cast %add3A_1294 : i32 to index
      %get3A_1298 = tpu.vector_load %arg9[%get3A_1296, %get3A_1297] {strides = array<i32>} : memref<2x2048xi32, #tpu.memory_space<vmem>>, vector<16xi32>,
      %get3A_1299 = arith.constant 1 : i32
      %get3A_1300 = arith.index_cast %get3A_1299 : i32 to index
      %get3A_1301 = arith.index_cast %add3A_1294 : i32 to index
      %get3A_1302 = tpu.vector_load %arg10[%get3A_1300, %get3A_1301] {strides = array<i32>} : memref<2x2048xi32, #tpu.memory_space<vmem>>, vector<16xi32>,
      %gather3A_1303 = tpu.vector_load_idx %arg7[%get3A_1298] : memref<100000xf32, #tpu.memory_space<vmem>>[vector<16xi32>], vector<16xf32>,
      %gather3A_1304 = tpu.vector_load_idx %arg8[%get3A_1302] : memref<20xf32, #tpu.memory_space<vmem>>[vector<16xi32>], vector<16xf32>,
      %add3A_1305 = arith.addf %gather3A_1303, %gather3A_1304 : vector<16xf32>
      %swap3A_1306 = arith.constant 1 : i32
      %swap3A_1307 = arith.index_cast %swap3A_1306 : i32 to index
      %swap3A_1308 = arith.index_cast %add3A_1294 : i32 to index
      %swap3A_1309 = tpu.vector_load %arg11[%swap3A_1307, %swap3A_1308] {strides = array<i32>} : memref<2x2048xf32, #tpu.memory_space<vmem>>, vector<16xf32>,
      tpu.vector_store %arg11[%swap3A_1307, %swap3A_1308], %add3A_1305 {strides = array<i32>} : memref<2x2048xf32, #tpu.memory_space<vmem>>, vector<16xf32>,
    }
    %scan3A_301 = arith.constant 64 : i32
    %dma_wait3A_302 = arith.constant 1 : i32
    %dma_wait3A_303 = arith.constant 0 : i32
    %dma_wait3A_304 = tpu.memref_slice %arg11[%dma_wait3A_302, %dma_wait3A_303] : memref<2x2048xf32, #tpu.memory_space<vmem>> -> memref<1x2048xf32, #tpu.memory_space<vmem>>
    %dma_wait3A_305 = tpu.memref_squeeze %dma_wait3A_304 : memref<1x2048xf32, #tpu.memory_space<vmem>> -> memref<2048xf32, #tpu.memory_space<vmem>>
    %dma_wait3A_306 = arith.constant 2048 : i32
    %dma_wait3A_307 = tpu.memref_slice %arg6[%add3A_17, %dma_wait3A_306] : memref<64x16384xf32, #tpu.memory_space<hbm>> -> memref<1x2048xf32, #tpu.memory_space<hbm>>
    %dma_wait3A_308 = tpu.memref_squeeze %dma_wait3A_307 : memref<1x2048xf32, #tpu.memory_space<hbm>> -> memref<2048xf32, #tpu.memory_space<hbm>>
    %dma_wait3A_309 = arith.constant 2048 : i32
    %dma_wait3A_310 = tpu.memref_slice %arg6[%add3A_17, %dma_wait3A_309] : memref<64x16384xf32, #tpu.memory_space<hbm>> -> memref<1x2048xf32, #tpu.memory_space<hbm>>
    %dma_wait3A_311 = tpu.memref_squeeze %dma_wait3A_310 : memref<1x2048xf32, #tpu.memory_space<hbm>> -> memref<2048xf32, #tpu.memory_space<hbm>>
    %dma_wait3A_312 = arith.constant 0 : i32
    %dma_wait3A_313 = tpu.memref_slice %arg11[%dma_wait3A_302, %dma_wait3A_312] : memref<2x2048xf32, #tpu.memory_space<vmem>> -> memref<1x2048xf32, #tpu.memory_space<vmem>>
    %dma_wait3A_314 = tpu.memref_squeeze %dma_wait3A_313 : memref<1x2048xf32, #tpu.memory_space<vmem>> -> memref<2048xf32, #tpu.memory_space<vmem>>
    tpu.wait_dma2 semaphore(%arg15 : memref<!tpu.dma_semaphore, #tpu.memory_space<semaphore_mem>>) src(%dma_wait3A_314 : memref<2048xf32, #tpu.memory_space<vmem>>) dst(%dma_wait3A_311 : memref<2048xf32, #tpu.memory_space<hbm>>)
    %dma_start3A_315 = arith.constant 1 : i32
    %dma_start3A_316 = arith.constant 0 : i32
    %dma_start3A_317 = tpu.memref_slice %arg11[%dma_start3A_315, %dma_start3A_316] : memref<2x2048xf32, #tpu.memory_space<vmem>> -> memref<1x2048xf32, #tpu.memory_space<vmem>>
    %dma_start3A_318 = tpu.memref_squeeze %dma_start3A_317 : memref<1x2048xf32, #tpu.memory_space<vmem>> -> memref<2048xf32, #tpu.memory_space<vmem>>
    %dma_start3A_319 = arith.constant 6144 : i32
    %dma_start3A_320 = tpu.memref_slice %arg6[%add3A_17, %dma_start3A_319] : memref<64x16384xf32, #tpu.memory_space<hbm>> -> memref<1x2048xf32, #tpu.memory_space<hbm>>
    %dma_start3A_321 = tpu.memref_squeeze %dma_start3A_320 : memref<1x2048xf32, #tpu.memory_space<hbm>> -> memref<2048xf32, #tpu.memory_space<hbm>>
    %dma_start3A_322 = arith.constant 6144 : i32
    %dma_start3A_323 = tpu.memref_slice %arg6[%add3A_17, %dma_start3A_322] : memref<64x16384xf32, #tpu.memory_space<hbm>> -> memref<1x2048xf32, #tpu.memory_space<hbm>>
    %dma_start3A_324 = tpu.memref_squeeze %dma_start3A_323 : memref<1x2048xf32, #tpu.memory_space<hbm>> -> memref<2048xf32, #tpu.memory_space<hbm>>
    %dma_start3A_325 = arith.constant 0 : i32
    %dma_start3A_326 = tpu.memref_slice %arg11[%dma_start3A_315, %dma_start3A_325] : memref<2x2048xf32, #tpu.memory_space<vmem>> -> memref<1x2048xf32, #tpu.memory_space<vmem>>
    %dma_start3A_327 = tpu.memref_squeeze %dma_start3A_326 : memref<1x2048xf32, #tpu.memory_space<vmem>> -> memref<2048xf32, #tpu.memory_space<vmem>>
    tpu.enqueue_dma source(%dma_start3A_327 : memref<2048xf32, #tpu.memory_space<vmem>>) target(%dma_start3A_324 : memref<2048xf32, #tpu.memory_space<hbm>>) target_semaphore(%arg15 : memref<!tpu.dma_semaphore, #tpu.memory_space<semaphore_mem>>)
    %dma_start3A_328 = arith.constant 1 : i32
    %dma_start3A_329 = arith.constant 0 : i32
    %dma_start3A_330 = tpu.memref_slice %arg9[%dma_start3A_328, %dma_start3A_329] : memref<2x2048xi32, #tpu.memory_space<vmem>> -> memref<1x2048xi32, #tpu.memory_space<vmem>>
    %dma_start3A_331 = tpu.memref_squeeze %dma_start3A_330 : memref<1x2048xi32, #tpu.memory_space<vmem>> -> memref<2048xi32, #tpu.memory_space<vmem>>
    %dma_start3A_332 = arith.constant 10240 : i32
    %dma_start3A_333 = tpu.memref_slice %arg2[%dma_start3A_332] : memref<16384xi32, #tpu.memory_space<hbm>> -> memref<2048xi32, #tpu.memory_space<hbm>>
    %dma_start3A_334 = arith.constant 0 : i32
    %dma_start3A_335 = tpu.memref_slice %arg9[%dma_start3A_328, %dma_start3A_334] : memref<2x2048xi32, #tpu.memory_space<vmem>> -> memref<1x2048xi32, #tpu.memory_space<vmem>>
    %dma_start3A_336 = tpu.memref_squeeze %dma_start3A_335 : memref<1x2048xi32, #tpu.memory_space<vmem>> -> memref<2048xi32, #tpu.memory_space<vmem>>
    %dma_start3A_337 = arith.constant 10240 : i32
    %dma_start3A_338 = tpu.memref_slice %arg2[%dma_start3A_337] : memref<16384xi32, #tpu.memory_space<hbm>> -> memref<2048xi32, #tpu.memory_space<hbm>>
    tpu.enqueue_dma source(%dma_start3A_338 : memref<2048xi32, #tpu.memory_space<hbm>>) target(%dma_start3A_336 : memref<2048xi32, #tpu.memory_space<vmem>>) target_semaphore(%arg13 : memref<!tpu.dma_semaphore, #tpu.memory_space<semaphore_mem>>)
    %dma_start3A_339 = arith.constant 1 : i32
    %dma_start3A_340 = arith.constant 0 : i32
    %dma_start3A_341 = tpu.memref_slice %arg10[%dma_start3A_339, %dma_start3A_340] : memref<2x2048xi32, #tpu.memory_space<vmem>> -> memref<1x2048xi32, #tpu.memory_space<vmem>>
    %dma_start3A_342 = tpu.memref_squeeze %dma_start3A_341 : memref<1x2048xi32, #tpu.memory_space<vmem>> -> memref<2048xi32, #tpu.memory_space<vmem>>
    %dma_start3A_343 = arith.constant 10240 : i32
    %dma_start3A_344 = tpu.memref_slice %arg3[%dma_start3A_343] : memref<16384xi32, #tpu.memory_space<hbm>> -> memref<2048xi32, #tpu.memory_space<hbm>>
    %dma_start3A_345 = arith.constant 0 : i32
    %dma_start3A_346 = tpu.memref_slice %arg10[%dma_start3A_339, %dma_start3A_345] : memref<2x2048xi32, #tpu.memory_space<vmem>> -> memref<1x2048xi32, #tpu.memory_space<vmem>>
    %dma_start3A_347 = tpu.memref_squeeze %dma_start3A_346 : memref<1x2048xi32, #tpu.memory_space<vmem>> -> memref<2048xi32, #tpu.memory_space<vmem>>
    %dma_start3A_348 = arith.constant 10240 : i32
    %dma_start3A_349 = tpu.memref_slice %arg3[%dma_start3A_348] : memref<16384xi32, #tpu.memory_space<hbm>> -> memref<2048xi32, #tpu.memory_space<hbm>>
    tpu.enqueue_dma source(%dma_start3A_349 : memref<2048xi32, #tpu.memory_space<hbm>>) target(%dma_start3A_347 : memref<2048xi32, #tpu.memory_space<vmem>>) target_semaphore(%arg13 : memref<!tpu.dma_semaphore, #tpu.memory_space<semaphore_mem>>)
    %dma_wait3A_350 = arith.constant 0 : i32
    %dma_wait3A_351 = arith.constant 0 : i32
    %dma_wait3A_352 = tpu.memref_slice %arg9[%dma_wait3A_350, %dma_wait3A_351] : memref<2x2048xi32, #tpu.memory_space<vmem>> -> memref<1x2048xi32, #tpu.memory_space<vmem>>
    %dma_wait3A_353 = tpu.memref_squeeze %dma_wait3A_352 : memref<1x2048xi32, #tpu.memory_space<vmem>> -> memref<2048xi32, #tpu.memory_space<vmem>>
    %dma_wait3A_354 = arith.constant 0 : i32
    %dma_wait3A_355 = tpu.memref_slice %arg2[%dma_wait3A_354] : memref<16384xi32, #tpu.memory_space<hbm>> -> memref<2048xi32, #tpu.memory_space<hbm>>
    %dma_wait3A_356 = arith.constant 0 : i32
    %dma_wait3A_357 = tpu.memref_slice %arg9[%dma_wait3A_350, %dma_wait3A_356] : memref<2x2048xi32, #tpu.memory_space<vmem>> -> memref<1x2048xi32, #tpu.memory_space<vmem>>
    %dma_wait3A_358 = tpu.memref_squeeze %dma_wait3A_357 : memref<1x2048xi32, #tpu.memory_space<vmem>> -> memref<2048xi32, #tpu.memory_space<vmem>>
    %dma_wait3A_359 = arith.constant 0 : i32
    %dma_wait3A_360 = tpu.memref_slice %arg2[%dma_wait3A_359] : memref<16384xi32, #tpu.memory_space<hbm>> -> memref<2048xi32, #tpu.memory_space<hbm>>
    tpu.wait_dma2 semaphore(%arg12 : memref<!tpu.dma_semaphore, #tpu.memory_space<semaphore_mem>>) src(%dma_wait3A_360 : memref<2048xi32, #tpu.memory_space<hbm>>) dst(%dma_wait3A_358 : memref<2048xi32, #tpu.memory_space<vmem>>)
    %dma_wait3A_361 = arith.constant 0 : i32
    %dma_wait3A_362 = arith.constant 0 : i32
    %dma_wait3A_363 = tpu.memref_slice %arg10[%dma_wait3A_361, %dma_wait3A_362] : memref<2x2048xi32, #tpu.memory_space<vmem>> -> memref<1x2048xi32, #tpu.memory_space<vmem>>
    %dma_wait3A_364 = tpu.memref_squeeze %dma_wait3A_363 : memref<1x2048xi32, #tpu.memory_space<vmem>> -> memref<2048xi32, #tpu.memory_space<vmem>>
    %dma_wait3A_365 = arith.constant 0 : i32
    %dma_wait3A_366 = tpu.memref_slice %arg3[%dma_wait3A_365] : memref<16384xi32, #tpu.memory_space<hbm>> -> memref<2048xi32, #tpu.memory_space<hbm>>
    %dma_wait3A_367 = arith.constant 0 : i32
    %dma_wait3A_368 = tpu.memref_slice %arg10[%dma_wait3A_361, %dma_wait3A_367] : memref<2x2048xi32, #tpu.memory_space<vmem>> -> memref<1x2048xi32, #tpu.memory_space<vmem>>
    %dma_wait3A_369 = tpu.memref_squeeze %dma_wait3A_368 : memref<1x2048xi32, #tpu.memory_space<vmem>> -> memref<2048xi32, #tpu.memory_space<vmem>>
    %dma_wait3A_370 = arith.constant 0 : i32
    %dma_wait3A_371 = tpu.memref_slice %arg3[%dma_wait3A_370] : memref<16384xi32, #tpu.memory_space<hbm>> -> memref<2048xi32, #tpu.memory_space<hbm>>
    tpu.wait_dma2 semaphore(%arg12 : memref<!tpu.dma_semaphore, #tpu.memory_space<semaphore_mem>>) src(%dma_wait3A_371 : memref<2048xi32, #tpu.memory_space<hbm>>) dst(%dma_wait3A_369 : memref<2048xi32, #tpu.memory_space<vmem>>)
    %scan3A_372 = arith.constant 0 : i32
    %scan3A_373 = arith.constant 0 : i32
    %scan3A_374 = arith.constant 64 : i32
    %scan3A_375 = arith.addi %scan3A_373, %scan3A_374 : i32
    %scan3A_376 = arith.constant 1 : i32
    scf.for %scan3A_1274 = %scan3A_373 to %scan3A_375 step %scan3A_376  : i32 {
      %mul3A_1275 = arith.constant 32 : i32
      %mul3A_1276 = arith.muli %scan3A_1274, %mul3A_1275 : i32
      %add3A_1277 = arith.constant 0 : i32
      %add3A_1278 = arith.addi %mul3A_1276, %add3A_1277 : i32
      %get3A = arith.constant 0 : i32
      %get3A_1279 = arith.index_cast %get3A : i32 to index
      %get3A_1280 = arith.index_cast %add3A_1278 : i32 to index
      %get3A_1281 = tpu.vector_load %arg9[%get3A_1279, %get3A_1280] {strides = array<i32>} : memref<2x2048xi32, #tpu.memory_space<vmem>>, vector<16xi32>,
      %get3A_1282 = arith.constant 0 : i32
      %get3A_1283 = arith.index_cast %get3A_1282 : i32 to index
      %get3A_1284 = arith.index_cast %add3A_1278 : i32 to index
      %get3A_1285 = tpu.vector_load %arg10[%get3A_1283, %get3A_1284] {strides = array<i32>} : memref<2x2048xi32, #tpu.memory_space<vmem>>, vector<16xi32>,
      %gather3A = tpu.vector_load_idx %arg7[%get3A_1281] : memref<100000xf32, #tpu.memory_space<vmem>>[vector<16xi32>], vector<16xf32>,
      %gather3A_1286 = tpu.vector_load_idx %arg8[%get3A_1285] : memref<20xf32, #tpu.memory_space<vmem>>[vector<16xi32>], vector<16xf32>,
      %add3A_1287 = arith.addf %gather3A, %gather3A_1286 : vector<16xf32>
      %swap3A = arith.constant 0 : i32
      %swap3A_1288 = arith.index_cast %swap3A : i32 to index
      %swap3A_1289 = arith.index_cast %add3A_1278 : i32 to index
      %swap3A_1290 = tpu.vector_load %arg11[%swap3A_1288, %swap3A_1289] {strides = array<i32>} : memref<2x2048xf32, #tpu.memory_space<vmem>>, vector<16xf32>,
      tpu.vector_store %arg11[%swap3A_1288, %swap3A_1289], %add3A_1287 {strides = array<i32>} : memref<2x2048xf32, #tpu.memory_space<vmem>>, vector<16xf32>,
      %mul3A_1291 = arith.constant 32 : i32
      %mul3A_1292 = arith.muli %scan3A_1274, %mul3A_1291 : i32
      %add3A_1293 = arith.constant 16 : i32
      %add3A_1294 = arith.addi %mul3A_1292, %add3A_1293 : i32
      %get3A_1295 = arith.constant 0 : i32
      %get3A_1296 = arith.index_cast %get3A_1295 : i32 to index
      %get3A_1297 = arith.index_cast %add3A_1294 : i32 to index
      %get3A_1298 = tpu.vector_load %arg9[%get3A_1296, %get3A_1297] {strides = array<i32>} : memref<2x2048xi32, #tpu.memory_space<vmem>>, vector<16xi32>,
      %get3A_1299 = arith.constant 0 : i32
      %get3A_1300 = arith.index_cast %get3A_1299 : i32 to index
      %get3A_1301 = arith.index_cast %add3A_1294 : i32 to index
      %get3A_1302 = tpu.vector_load %arg10[%get3A_1300, %get3A_1301] {strides = array<i32>} : memref<2x2048xi32, #tpu.memory_space<vmem>>, vector<16xi32>,
      %gather3A_1303 = tpu.vector_load_idx %arg7[%get3A_1298] : memref<100000xf32, #tpu.memory_space<vmem>>[vector<16xi32>], vector<16xf32>,
      %gather3A_1304 = tpu.vector_load_idx %arg8[%get3A_1302] : memref<20xf32, #tpu.memory_space<vmem>>[vector<16xi32>], vector<16xf32>,
      %add3A_1305 = arith.addf %gather3A_1303, %gather3A_1304 : vector<16xf32>
      %swap3A_1306 = arith.constant 0 : i32
      %swap3A_1307 = arith.index_cast %swap3A_1306 : i32 to index
      %swap3A_1308 = arith.index_cast %add3A_1294 : i32 to index
      %swap3A_1309 = tpu.vector_load %arg11[%swap3A_1307, %swap3A_1308] {strides = array<i32>} : memref<2x2048xf32, #tpu.memory_space<vmem>>, vector<16xf32>,
      tpu.vector_store %arg11[%swap3A_1307, %swap3A_1308], %add3A_1305 {strides = array<i32>} : memref<2x2048xf32, #tpu.memory_space<vmem>>, vector<16xf32>,
    }
    %scan3A_377 = arith.constant 64 : i32
    %dma_wait3A_378 = arith.constant 0 : i32
    %dma_wait3A_379 = arith.constant 0 : i32
    %dma_wait3A_380 = tpu.memref_slice %arg11[%dma_wait3A_378, %dma_wait3A_379] : memref<2x2048xf32, #tpu.memory_space<vmem>> -> memref<1x2048xf32, #tpu.memory_space<vmem>>
    %dma_wait3A_381 = tpu.memref_squeeze %dma_wait3A_380 : memref<1x2048xf32, #tpu.memory_space<vmem>> -> memref<2048xf32, #tpu.memory_space<vmem>>
    %dma_wait3A_382 = arith.constant 4096 : i32
    %dma_wait3A_383 = tpu.memref_slice %arg6[%add3A_17, %dma_wait3A_382] : memref<64x16384xf32, #tpu.memory_space<hbm>> -> memref<1x2048xf32, #tpu.memory_space<hbm>>
    %dma_wait3A_384 = tpu.memref_squeeze %dma_wait3A_383 : memref<1x2048xf32, #tpu.memory_space<hbm>> -> memref<2048xf32, #tpu.memory_space<hbm>>
    %dma_wait3A_385 = arith.constant 4096 : i32
    %dma_wait3A_386 = tpu.memref_slice %arg6[%add3A_17, %dma_wait3A_385] : memref<64x16384xf32, #tpu.memory_space<hbm>> -> memref<1x2048xf32, #tpu.memory_space<hbm>>
    %dma_wait3A_387 = tpu.memref_squeeze %dma_wait3A_386 : memref<1x2048xf32, #tpu.memory_space<hbm>> -> memref<2048xf32, #tpu.memory_space<hbm>>
    %dma_wait3A_388 = arith.constant 0 : i32
    %dma_wait3A_389 = tpu.memref_slice %arg11[%dma_wait3A_378, %dma_wait3A_388] : memref<2x2048xf32, #tpu.memory_space<vmem>> -> memref<1x2048xf32, #tpu.memory_space<vmem>>
    %dma_wait3A_390 = tpu.memref_squeeze %dma_wait3A_389 : memref<1x2048xf32, #tpu.memory_space<vmem>> -> memref<2048xf32, #tpu.memory_space<vmem>>
    tpu.wait_dma2 semaphore(%arg15 : memref<!tpu.dma_semaphore, #tpu.memory_space<semaphore_mem>>) src(%dma_wait3A_390 : memref<2048xf32, #tpu.memory_space<vmem>>) dst(%dma_wait3A_387 : memref<2048xf32, #tpu.memory_space<hbm>>)
    %dma_start3A_391 = arith.constant 0 : i32
    %dma_start3A_392 = arith.constant 0 : i32
    %dma_start3A_393 = tpu.memref_slice %arg11[%dma_start3A_391, %dma_start3A_392] : memref<2x2048xf32, #tpu.memory_space<vmem>> -> memref<1x2048xf32, #tpu.memory_space<vmem>>
    %dma_start3A_394 = tpu.memref_squeeze %dma_start3A_393 : memref<1x2048xf32, #tpu.memory_space<vmem>> -> memref<2048xf32, #tpu.memory_space<vmem>>
    %dma_start3A_395 = arith.constant 8192 : i32
    %dma_start3A_396 = tpu.memref_slice %arg6[%add3A_17, %dma_start3A_395] : memref<64x16384xf32, #tpu.memory_space<hbm>> -> memref<1x2048xf32, #tpu.memory_space<hbm>>
    %dma_start3A_397 = tpu.memref_squeeze %dma_start3A_396 : memref<1x2048xf32, #tpu.memory_space<hbm>> -> memref<2048xf32, #tpu.memory_space<hbm>>
    %dma_start3A_398 = arith.constant 8192 : i32
    %dma_start3A_399 = tpu.memref_slice %arg6[%add3A_17, %dma_start3A_398] : memref<64x16384xf32, #tpu.memory_space<hbm>> -> memref<1x2048xf32, #tpu.memory_space<hbm>>
    %dma_start3A_400 = tpu.memref_squeeze %dma_start3A_399 : memref<1x2048xf32, #tpu.memory_space<hbm>> -> memref<2048xf32, #tpu.memory_space<hbm>>
    %dma_start3A_401 = arith.constant 0 : i32
    %dma_start3A_402 = tpu.memref_slice %arg11[%dma_start3A_391, %dma_start3A_401] : memref<2x2048xf32, #tpu.memory_space<vmem>> -> memref<1x2048xf32, #tpu.memory_space<vmem>>
    %dma_start3A_403 = tpu.memref_squeeze %dma_start3A_402 : memref<1x2048xf32, #tpu.memory_space<vmem>> -> memref<2048xf32, #tpu.memory_space<vmem>>
    tpu.enqueue_dma source(%dma_start3A_403 : memref<2048xf32, #tpu.memory_space<vmem>>) target(%dma_start3A_400 : memref<2048xf32, #tpu.memory_space<hbm>>) target_semaphore(%arg15 : memref<!tpu.dma_semaphore, #tpu.memory_space<semaphore_mem>>)
    %dma_start3A_404 = arith.constant 0 : i32
    %dma_start3A_405 = arith.constant 0 : i32
    %dma_start3A_406 = tpu.memref_slice %arg9[%dma_start3A_404, %dma_start3A_405] : memref<2x2048xi32, #tpu.memory_space<vmem>> -> memref<1x2048xi32, #tpu.memory_space<vmem>>
    %dma_start3A_407 = tpu.memref_squeeze %dma_start3A_406 : memref<1x2048xi32, #tpu.memory_space<vmem>> -> memref<2048xi32, #tpu.memory_space<vmem>>
    %dma_start3A_408 = arith.constant 12288 : i32
    %dma_start3A_409 = tpu.memref_slice %arg2[%dma_start3A_408] : memref<16384xi32, #tpu.memory_space<hbm>> -> memref<2048xi32, #tpu.memory_space<hbm>>
    %dma_start3A_410 = arith.constant 0 : i32
    %dma_start3A_411 = tpu.memref_slice %arg9[%dma_start3A_404, %dma_start3A_410] : memref<2x2048xi32, #tpu.memory_space<vmem>> -> memref<1x2048xi32, #tpu.memory_space<vmem>>
    %dma_start3A_412 = tpu.memref_squeeze %dma_start3A_411 : memref<1x2048xi32, #tpu.memory_space<vmem>> -> memref<2048xi32, #tpu.memory_space<vmem>>
    %dma_start3A_413 = arith.constant 12288 : i32
    %dma_start3A_414 = tpu.memref_slice %arg2[%dma_start3A_413] : memref<16384xi32, #tpu.memory_space<hbm>> -> memref<2048xi32, #tpu.memory_space<hbm>>
    tpu.enqueue_dma source(%dma_start3A_414 : memref<2048xi32, #tpu.memory_space<hbm>>) target(%dma_start3A_412 : memref<2048xi32, #tpu.memory_space<vmem>>) target_semaphore(%arg12 : memref<!tpu.dma_semaphore, #tpu.memory_space<semaphore_mem>>)
    %dma_start3A_415 = arith.constant 0 : i32
    %dma_start3A_416 = arith.constant 0 : i32
    %dma_start3A_417 = tpu.memref_slice %arg10[%dma_start3A_415, %dma_start3A_416] : memref<2x2048xi32, #tpu.memory_space<vmem>> -> memref<1x2048xi32, #tpu.memory_space<vmem>>
    %dma_start3A_418 = tpu.memref_squeeze %dma_start3A_417 : memref<1x2048xi32, #tpu.memory_space<vmem>> -> memref<2048xi32, #tpu.memory_space<vmem>>
    %dma_start3A_419 = arith.constant 12288 : i32
    %dma_start3A_420 = tpu.memref_slice %arg3[%dma_start3A_419] : memref<16384xi32, #tpu.memory_space<hbm>> -> memref<2048xi32, #tpu.memory_space<hbm>>
    %dma_start3A_421 = arith.constant 0 : i32
    %dma_start3A_422 = tpu.memref_slice %arg10[%dma_start3A_415, %dma_start3A_421] : memref<2x2048xi32, #tpu.memory_space<vmem>> -> memref<1x2048xi32, #tpu.memory_space<vmem>>
    %dma_start3A_423 = tpu.memref_squeeze %dma_start3A_422 : memref<1x2048xi32, #tpu.memory_space<vmem>> -> memref<2048xi32, #tpu.memory_space<vmem>>
    %dma_start3A_424 = arith.constant 12288 : i32
    %dma_start3A_425 = tpu.memref_slice %arg3[%dma_start3A_424] : memref<16384xi32, #tpu.memory_space<hbm>> -> memref<2048xi32, #tpu.memory_space<hbm>>
    tpu.enqueue_dma source(%dma_start3A_425 : memref<2048xi32, #tpu.memory_space<hbm>>) target(%dma_start3A_423 : memref<2048xi32, #tpu.memory_space<vmem>>) target_semaphore(%arg12 : memref<!tpu.dma_semaphore, #tpu.memory_space<semaphore_mem>>)
    %dma_wait3A_426 = arith.constant 1 : i32
    %dma_wait3A_427 = arith.constant 0 : i32
    %dma_wait3A_428 = tpu.memref_slice %arg9[%dma_wait3A_426, %dma_wait3A_427] : memref<2x2048xi32, #tpu.memory_space<vmem>> -> memref<1x2048xi32, #tpu.memory_space<vmem>>
    %dma_wait3A_429 = tpu.memref_squeeze %dma_wait3A_428 : memref<1x2048xi32, #tpu.memory_space<vmem>> -> memref<2048xi32, #tpu.memory_space<vmem>>
    %dma_wait3A_430 = arith.constant 0 : i32
    %dma_wait3A_431 = tpu.memref_slice %arg2[%dma_wait3A_430] : memref<16384xi32, #tpu.memory_space<hbm>> -> memref<2048xi32, #tpu.memory_space<hbm>>
    %dma_wait3A_432 = arith.constant 0 : i32
    %dma_wait3A_433 = tpu.memref_slice %arg9[%dma_wait3A_426, %dma_wait3A_432] : memref<2x2048xi32, #tpu.memory_space<vmem>> -> memref<1x2048xi32, #tpu.memory_space<vmem>>
    %dma_wait3A_434 = tpu.memref_squeeze %dma_wait3A_433 : memref<1x2048xi32, #tpu.memory_space<vmem>> -> memref<2048xi32, #tpu.memory_space<vmem>>
    %dma_wait3A_435 = arith.constant 0 : i32
    %dma_wait3A_436 = tpu.memref_slice %arg2[%dma_wait3A_435] : memref<16384xi32, #tpu.memory_space<hbm>> -> memref<2048xi32, #tpu.memory_space<hbm>>
    tpu.wait_dma2 semaphore(%arg13 : memref<!tpu.dma_semaphore, #tpu.memory_space<semaphore_mem>>) src(%dma_wait3A_436 : memref<2048xi32, #tpu.memory_space<hbm>>) dst(%dma_wait3A_434 : memref<2048xi32, #tpu.memory_space<vmem>>)
    %dma_wait3A_437 = arith.constant 1 : i32
    %dma_wait3A_438 = arith.constant 0 : i32
    %dma_wait3A_439 = tpu.memref_slice %arg10[%dma_wait3A_437, %dma_wait3A_438] : memref<2x2048xi32, #tpu.memory_space<vmem>> -> memref<1x2048xi32, #tpu.memory_space<vmem>>
    %dma_wait3A_440 = tpu.memref_squeeze %dma_wait3A_439 : memref<1x2048xi32, #tpu.memory_space<vmem>> -> memref<2048xi32, #tpu.memory_space<vmem>>
    %dma_wait3A_441 = arith.constant 0 : i32
    %dma_wait3A_442 = tpu.memref_slice %arg3[%dma_wait3A_441] : memref<16384xi32, #tpu.memory_space<hbm>> -> memref<2048xi32, #tpu.memory_space<hbm>>
    %dma_wait3A_443 = arith.constant 0 : i32
    %dma_wait3A_444 = tpu.memref_slice %arg10[%dma_wait3A_437, %dma_wait3A_443] : memref<2x2048xi32, #tpu.memory_space<vmem>> -> memref<1x2048xi32, #tpu.memory_space<vmem>>
    %dma_wait3A_445 = tpu.memref_squeeze %dma_wait3A_444 : memref<1x2048xi32, #tpu.memory_space<vmem>> -> memref<2048xi32, #tpu.memory_space<vmem>>
    %dma_wait3A_446 = arith.constant 0 : i32
    %dma_wait3A_447 = tpu.memref_slice %arg3[%dma_wait3A_446] : memref<16384xi32, #tpu.memory_space<hbm>> -> memref<2048xi32, #tpu.memory_space<hbm>>
    tpu.wait_dma2 semaphore(%arg13 : memref<!tpu.dma_semaphore, #tpu.memory_space<semaphore_mem>>) src(%dma_wait3A_447 : memref<2048xi32, #tpu.memory_space<hbm>>) dst(%dma_wait3A_445 : memref<2048xi32, #tpu.memory_space<vmem>>)
    %scan3A_448 = arith.constant 0 : i32
    %scan3A_449 = arith.constant 0 : i32
    %scan3A_450 = arith.constant 64 : i32
    %scan3A_451 = arith.addi %scan3A_449, %scan3A_450 : i32
    %scan3A_452 = arith.constant 1 : i32
    scf.for %scan3A_1274 = %scan3A_449 to %scan3A_451 step %scan3A_452  : i32 {
      %mul3A_1275 = arith.constant 32 : i32
      %mul3A_1276 = arith.muli %scan3A_1274, %mul3A_1275 : i32
      %add3A_1277 = arith.constant 0 : i32
      %add3A_1278 = arith.addi %mul3A_1276, %add3A_1277 : i32
      %get3A = arith.constant 1 : i32
      %get3A_1279 = arith.index_cast %get3A : i32 to index
      %get3A_1280 = arith.index_cast %add3A_1278 : i32 to index
      %get3A_1281 = tpu.vector_load %arg9[%get3A_1279, %get3A_1280] {strides = array<i32>} : memref<2x2048xi32, #tpu.memory_space<vmem>>, vector<16xi32>,
      %get3A_1282 = arith.constant 1 : i32
      %get3A_1283 = arith.index_cast %get3A_1282 : i32 to index
      %get3A_1284 = arith.index_cast %add3A_1278 : i32 to index
      %get3A_1285 = tpu.vector_load %arg10[%get3A_1283, %get3A_1284] {strides = array<i32>} : memref<2x2048xi32, #tpu.memory_space<vmem>>, vector<16xi32>,
      %gather3A = tpu.vector_load_idx %arg7[%get3A_1281] : memref<100000xf32, #tpu.memory_space<vmem>>[vector<16xi32>], vector<16xf32>,
      %gather3A_1286 = tpu.vector_load_idx %arg8[%get3A_1285] : memref<20xf32, #tpu.memory_space<vmem>>[vector<16xi32>], vector<16xf32>,
      %add3A_1287 = arith.addf %gather3A, %gather3A_1286 : vector<16xf32>
      %swap3A = arith.constant 1 : i32
      %swap3A_1288 = arith.index_cast %swap3A : i32 to index
      %swap3A_1289 = arith.index_cast %add3A_1278 : i32 to index
      %swap3A_1290 = tpu.vector_load %arg11[%swap3A_1288, %swap3A_1289] {strides = array<i32>} : memref<2x2048xf32, #tpu.memory_space<vmem>>, vector<16xf32>,
      tpu.vector_store %arg11[%swap3A_1288, %swap3A_1289], %add3A_1287 {strides = array<i32>} : memref<2x2048xf32, #tpu.memory_space<vmem>>, vector<16xf32>,
      %mul3A_1291 = arith.constant 32 : i32
      %mul3A_1292 = arith.muli %scan3A_1274, %mul3A_1291 : i32
      %add3A_1293 = arith.constant 16 : i32
      %add3A_1294 = arith.addi %mul3A_1292, %add3A_1293 : i32
      %get3A_1295 = arith.constant 1 : i32
      %get3A_1296 = arith.index_cast %get3A_1295 : i32 to index
      %get3A_1297 = arith.index_cast %add3A_1294 : i32 to index
      %get3A_1298 = tpu.vector_load %arg9[%get3A_1296, %get3A_1297] {strides = array<i32>} : memref<2x2048xi32, #tpu.memory_space<vmem>>, vector<16xi32>,
      %get3A_1299 = arith.constant 1 : i32
      %get3A_1300 = arith.index_cast %get3A_1299 : i32 to index
      %get3A_1301 = arith.index_cast %add3A_1294 : i32 to index
      %get3A_1302 = tpu.vector_load %arg10[%get3A_1300, %get3A_1301] {strides = array<i32>} : memref<2x2048xi32, #tpu.memory_space<vmem>>, vector<16xi32>,
      %gather3A_1303 = tpu.vector_load_idx %arg7[%get3A_1298] : memref<100000xf32, #tpu.memory_space<vmem>>[vector<16xi32>], vector<16xf32>,
      %gather3A_1304 = tpu.vector_load_idx %arg8[%get3A_1302] : memref<20xf32, #tpu.memory_space<vmem>>[vector<16xi32>], vector<16xf32>,
      %add3A_1305 = arith.addf %gather3A_1303, %gather3A_1304 : vector<16xf32>
      %swap3A_1306 = arith.constant 1 : i32
      %swap3A_1307 = arith.index_cast %swap3A_1306 : i32 to index
      %swap3A_1308 = arith.index_cast %add3A_1294 : i32 to index
      %swap3A_1309 = tpu.vector_load %arg11[%swap3A_1307, %swap3A_1308] {strides = array<i32>} : memref<2x2048xf32, #tpu.memory_space<vmem>>, vector<16xf32>,
      tpu.vector_store %arg11[%swap3A_1307, %swap3A_1308], %add3A_1305 {strides = array<i32>} : memref<2x2048xf32, #tpu.memory_space<vmem>>, vector<16xf32>,
    }
    %scan3A_453 = arith.constant 64 : i32
    %dma_wait3A_454 = arith.constant 1 : i32
    %dma_wait3A_455 = arith.constant 0 : i32
    %dma_wait3A_456 = tpu.memref_slice %arg11[%dma_wait3A_454, %dma_wait3A_455] : memref<2x2048xf32, #tpu.memory_space<vmem>> -> memref<1x2048xf32, #tpu.memory_space<vmem>>
    %dma_wait3A_457 = tpu.memref_squeeze %dma_wait3A_456 : memref<1x2048xf32, #tpu.memory_space<vmem>> -> memref<2048xf32, #tpu.memory_space<vmem>>
    %dma_wait3A_458 = arith.constant 6144 : i32
    %dma_wait3A_459 = tpu.memref_slice %arg6[%add3A_17, %dma_wait3A_458] : memref<64x16384xf32, #tpu.memory_space<hbm>> -> memref<1x2048xf32, #tpu.memory_space<hbm>>
    %dma_wait3A_460 = tpu.memref_squeeze %dma_wait3A_459 : memref<1x2048xf32, #tpu.memory_space<hbm>> -> memref<2048xf32, #tpu.memory_space<hbm>>
    %dma_wait3A_461 = arith.constant 6144 : i32
    %dma_wait3A_462 = tpu.memref_slice %arg6[%add3A_17, %dma_wait3A_461] : memref<64x16384xf32, #tpu.memory_space<hbm>> -> memref<1x2048xf32, #tpu.memory_space<hbm>>
    %dma_wait3A_463 = tpu.memref_squeeze %dma_wait3A_462 : memref<1x2048xf32, #tpu.memory_space<hbm>> -> memref<2048xf32, #tpu.memory_space<hbm>>
    %dma_wait3A_464 = arith.constant 0 : i32
    %dma_wait3A_465 = tpu.memref_slice %arg11[%dma_wait3A_454, %dma_wait3A_464] : memref<2x2048xf32, #tpu.memory_space<vmem>> -> memref<1x2048xf32, #tpu.memory_space<vmem>>
    %dma_wait3A_466 = tpu.memref_squeeze %dma_wait3A_465 : memref<1x2048xf32, #tpu.memory_space<vmem>> -> memref<2048xf32, #tpu.memory_space<vmem>>
    tpu.wait_dma2 semaphore(%arg15 : memref<!tpu.dma_semaphore, #tpu.memory_space<semaphore_mem>>) src(%dma_wait3A_466 : memref<2048xf32, #tpu.memory_space<vmem>>) dst(%dma_wait3A_463 : memref<2048xf32, #tpu.memory_space<hbm>>)
    %dma_start3A_467 = arith.constant 1 : i32
    %dma_start3A_468 = arith.constant 0 : i32
    %dma_start3A_469 = tpu.memref_slice %arg11[%dma_start3A_467, %dma_start3A_468] : memref<2x2048xf32, #tpu.memory_space<vmem>> -> memref<1x2048xf32, #tpu.memory_space<vmem>>
    %dma_start3A_470 = tpu.memref_squeeze %dma_start3A_469 : memref<1x2048xf32, #tpu.memory_space<vmem>> -> memref<2048xf32, #tpu.memory_space<vmem>>
    %dma_start3A_471 = arith.constant 10240 : i32
    %dma_start3A_472 = tpu.memref_slice %arg6[%add3A_17, %dma_start3A_471] : memref<64x16384xf32, #tpu.memory_space<hbm>> -> memref<1x2048xf32, #tpu.memory_space<hbm>>
    %dma_start3A_473 = tpu.memref_squeeze %dma_start3A_472 : memref<1x2048xf32, #tpu.memory_space<hbm>> -> memref<2048xf32, #tpu.memory_space<hbm>>
    %dma_start3A_474 = arith.constant 10240 : i32
    %dma_start3A_475 = tpu.memref_slice %arg6[%add3A_17, %dma_start3A_474] : memref<64x16384xf32, #tpu.memory_space<hbm>> -> memref<1x2048xf32, #tpu.memory_space<hbm>>
    %dma_start3A_476 = tpu.memref_squeeze %dma_start3A_475 : memref<1x2048xf32, #tpu.memory_space<hbm>> -> memref<2048xf32, #tpu.memory_space<hbm>>
    %dma_start3A_477 = arith.constant 0 : i32
    %dma_start3A_478 = tpu.memref_slice %arg11[%dma_start3A_467, %dma_start3A_477] : memref<2x2048xf32, #tpu.memory_space<vmem>> -> memref<1x2048xf32, #tpu.memory_space<vmem>>
    %dma_start3A_479 = tpu.memref_squeeze %dma_start3A_478 : memref<1x2048xf32, #tpu.memory_space<vmem>> -> memref<2048xf32, #tpu.memory_space<vmem>>
    tpu.enqueue_dma source(%dma_start3A_479 : memref<2048xf32, #tpu.memory_space<vmem>>) target(%dma_start3A_476 : memref<2048xf32, #tpu.memory_space<hbm>>) target_semaphore(%arg15 : memref<!tpu.dma_semaphore, #tpu.memory_space<semaphore_mem>>)
    %dma_start3A_480 = arith.constant 1 : i32
    %dma_start3A_481 = arith.constant 0 : i32
    %dma_start3A_482 = tpu.memref_slice %arg9[%dma_start3A_480, %dma_start3A_481] : memref<2x2048xi32, #tpu.memory_space<vmem>> -> memref<1x2048xi32, #tpu.memory_space<vmem>>
    %dma_start3A_483 = tpu.memref_squeeze %dma_start3A_482 : memref<1x2048xi32, #tpu.memory_space<vmem>> -> memref<2048xi32, #tpu.memory_space<vmem>>
    %dma_start3A_484 = arith.constant 14336 : i32
    %dma_start3A_485 = tpu.memref_slice %arg2[%dma_start3A_484] : memref<16384xi32, #tpu.memory_space<hbm>> -> memref<2048xi32, #tpu.memory_space<hbm>>
    %dma_start3A_486 = arith.constant 0 : i32
    %dma_start3A_487 = tpu.memref_slice %arg9[%dma_start3A_480, %dma_start3A_486] : memref<2x2048xi32, #tpu.memory_space<vmem>> -> memref<1x2048xi32, #tpu.memory_space<vmem>>
    %dma_start3A_488 = tpu.memref_squeeze %dma_start3A_487 : memref<1x2048xi32, #tpu.memory_space<vmem>> -> memref<2048xi32, #tpu.memory_space<vmem>>
    %dma_start3A_489 = arith.constant 14336 : i32
    %dma_start3A_490 = tpu.memref_slice %arg2[%dma_start3A_489] : memref<16384xi32, #tpu.memory_space<hbm>> -> memref<2048xi32, #tpu.memory_space<hbm>>
    tpu.enqueue_dma source(%dma_start3A_490 : memref<2048xi32, #tpu.memory_space<hbm>>) target(%dma_start3A_488 : memref<2048xi32, #tpu.memory_space<vmem>>) target_semaphore(%arg13 : memref<!tpu.dma_semaphore, #tpu.memory_space<semaphore_mem>>)
    %dma_start3A_491 = arith.constant 1 : i32
    %dma_start3A_492 = arith.constant 0 : i32
    %dma_start3A_493 = tpu.memref_slice %arg10[%dma_start3A_491, %dma_start3A_492] : memref<2x2048xi32, #tpu.memory_space<vmem>> -> memref<1x2048xi32, #tpu.memory_space<vmem>>
    %dma_start3A_494 = tpu.memref_squeeze %dma_start3A_493 : memref<1x2048xi32, #tpu.memory_space<vmem>> -> memref<2048xi32, #tpu.memory_space<vmem>>
    %dma_start3A_495 = arith.constant 14336 : i32
    %dma_start3A_496 = tpu.memref_slice %arg3[%dma_start3A_495] : memref<16384xi32, #tpu.memory_space<hbm>> -> memref<2048xi32, #tpu.memory_space<hbm>>
    %dma_start3A_497 = arith.constant 0 : i32
    %dma_start3A_498 = tpu.memref_slice %arg10[%dma_start3A_491, %dma_start3A_497] : memref<2x2048xi32, #tpu.memory_space<vmem>> -> memref<1x2048xi32, #tpu.memory_space<vmem>>
    %dma_start3A_499 = tpu.memref_squeeze %dma_start3A_498 : memref<1x2048xi32, #tpu.memory_space<vmem>> -> memref<2048xi32, #tpu.memory_space<vmem>>
    %dma_start3A_500 = arith.constant 14336 : i32
    %dma_start3A_501 = tpu.memref_slice %arg3[%dma_start3A_500] : memref<16384xi32, #tpu.memory_space<hbm>> -> memref<2048xi32, #tpu.memory_space<hbm>>
    tpu.enqueue_dma source(%dma_start3A_501 : memref<2048xi32, #tpu.memory_space<hbm>>) target(%dma_start3A_499 : memref<2048xi32, #tpu.memory_space<vmem>>) target_semaphore(%arg13 : memref<!tpu.dma_semaphore, #tpu.memory_space<semaphore_mem>>)
    %dma_wait3A_502 = arith.constant 0 : i32
    %dma_wait3A_503 = arith.constant 0 : i32
    %dma_wait3A_504 = tpu.memref_slice %arg9[%dma_wait3A_502, %dma_wait3A_503] : memref<2x2048xi32, #tpu.memory_space<vmem>> -> memref<1x2048xi32, #tpu.memory_space<vmem>>
    %dma_wait3A_505 = tpu.memref_squeeze %dma_wait3A_504 : memref<1x2048xi32, #tpu.memory_space<vmem>> -> memref<2048xi32, #tpu.memory_space<vmem>>
    %dma_wait3A_506 = arith.constant 0 : i32
    %dma_wait3A_507 = tpu.memref_slice %arg2[%dma_wait3A_506] : memref<16384xi32, #tpu.memory_space<hbm>> -> memref<2048xi32, #tpu.memory_space<hbm>>
    %dma_wait3A_508 = arith.constant 0 : i32
    %dma_wait3A_509 = tpu.memref_slice %arg9[%dma_wait3A_502, %dma_wait3A_508] : memref<2x2048xi32, #tpu.memory_space<vmem>> -> memref<1x2048xi32, #tpu.memory_space<vmem>>
    %dma_wait3A_510 = tpu.memref_squeeze %dma_wait3A_509 : memref<1x2048xi32, #tpu.memory_space<vmem>> -> memref<2048xi32, #tpu.memory_space<vmem>>
    %dma_wait3A_511 = arith.constant 0 : i32
    %dma_wait3A_512 = tpu.memref_slice %arg2[%dma_wait3A_511] : memref<16384xi32, #tpu.memory_space<hbm>> -> memref<2048xi32, #tpu.memory_space<hbm>>
    tpu.wait_dma2 semaphore(%arg12 : memref<!tpu.dma_semaphore, #tpu.memory_space<semaphore_mem>>) src(%dma_wait3A_512 : memref<2048xi32, #tpu.memory_space<hbm>>) dst(%dma_wait3A_510 : memref<2048xi32, #tpu.memory_space<vmem>>)
    %dma_wait3A_513 = arith.constant 0 : i32
    %dma_wait3A_514 = arith.constant 0 : i32
    %dma_wait3A_515 = tpu.memref_slice %arg10[%dma_wait3A_513, %dma_wait3A_514] : memref<2x2048xi32, #tpu.memory_space<vmem>> -> memref<1x2048xi32, #tpu.memory_space<vmem>>
    %dma_wait3A_516 = tpu.memref_squeeze %dma_wait3A_515 : memref<1x2048xi32, #tpu.memory_space<vmem>> -> memref<2048xi32, #tpu.memory_space<vmem>>
    %dma_wait3A_517 = arith.constant 0 : i32
    %dma_wait3A_518 = tpu.memref_slice %arg3[%dma_wait3A_517] : memref<16384xi32, #tpu.memory_space<hbm>> -> memref<2048xi32, #tpu.memory_space<hbm>>
    %dma_wait3A_519 = arith.constant 0 : i32
    %dma_wait3A_520 = tpu.memref_slice %arg10[%dma_wait3A_513, %dma_wait3A_519] : memref<2x2048xi32, #tpu.memory_space<vmem>> -> memref<1x2048xi32, #tpu.memory_space<vmem>>
    %dma_wait3A_521 = tpu.memref_squeeze %dma_wait3A_520 : memref<1x2048xi32, #tpu.memory_space<vmem>> -> memref<2048xi32, #tpu.memory_space<vmem>>
    %dma_wait3A_522 = arith.constant 0 : i32
    %dma_wait3A_523 = tpu.memref_slice %arg3[%dma_wait3A_522] : memref<16384xi32, #tpu.memory_space<hbm>> -> memref<2048xi32, #tpu.memory_space<hbm>>
    tpu.wait_dma2 semaphore(%arg12 : memref<!tpu.dma_semaphore, #tpu.memory_space<semaphore_mem>>) src(%dma_wait3A_523 : memref<2048xi32, #tpu.memory_space<hbm>>) dst(%dma_wait3A_521 : memref<2048xi32, #tpu.memory_space<vmem>>)
    %scan3A_524 = arith.constant 0 : i32
    %scan3A_525 = arith.constant 0 : i32
    %scan3A_526 = arith.constant 64 : i32
    %scan3A_527 = arith.addi %scan3A_525, %scan3A_526 : i32
    %scan3A_528 = arith.constant 1 : i32
    scf.for %scan3A_1274 = %scan3A_525 to %scan3A_527 step %scan3A_528  : i32 {
      %mul3A_1275 = arith.constant 32 : i32
      %mul3A_1276 = arith.muli %scan3A_1274, %mul3A_1275 : i32
      %add3A_1277 = arith.constant 0 : i32
      %add3A_1278 = arith.addi %mul3A_1276, %add3A_1277 : i32
      %get3A = arith.constant 0 : i32
      %get3A_1279 = arith.index_cast %get3A : i32 to index
      %get3A_1280 = arith.index_cast %add3A_1278 : i32 to index
      %get3A_1281 = tpu.vector_load %arg9[%get3A_1279, %get3A_1280] {strides = array<i32>} : memref<2x2048xi32, #tpu.memory_space<vmem>>, vector<16xi32>,
      %get3A_1282 = arith.constant 0 : i32
      %get3A_1283 = arith.index_cast %get3A_1282 : i32 to index
      %get3A_1284 = arith.index_cast %add3A_1278 : i32 to index
      %get3A_1285 = tpu.vector_load %arg10[%get3A_1283, %get3A_1284] {strides = array<i32>} : memref<2x2048xi32, #tpu.memory_space<vmem>>, vector<16xi32>,
      %gather3A = tpu.vector_load_idx %arg7[%get3A_1281] : memref<100000xf32, #tpu.memory_space<vmem>>[vector<16xi32>], vector<16xf32>,
      %gather3A_1286 = tpu.vector_load_idx %arg8[%get3A_1285] : memref<20xf32, #tpu.memory_space<vmem>>[vector<16xi32>], vector<16xf32>,
      %add3A_1287 = arith.addf %gather3A, %gather3A_1286 : vector<16xf32>
      %swap3A = arith.constant 0 : i32
      %swap3A_1288 = arith.index_cast %swap3A : i32 to index
      %swap3A_1289 = arith.index_cast %add3A_1278 : i32 to index
      %swap3A_1290 = tpu.vector_load %arg11[%swap3A_1288, %swap3A_1289] {strides = array<i32>} : memref<2x2048xf32, #tpu.memory_space<vmem>>, vector<16xf32>,
      tpu.vector_store %arg11[%swap3A_1288, %swap3A_1289], %add3A_1287 {strides = array<i32>} : memref<2x2048xf32, #tpu.memory_space<vmem>>, vector<16xf32>,
      %mul3A_1291 = arith.constant 32 : i32
      %mul3A_1292 = arith.muli %scan3A_1274, %mul3A_1291 : i32
      %add3A_1293 = arith.constant 16 : i32
      %add3A_1294 = arith.addi %mul3A_1292, %add3A_1293 : i32
      %get3A_1295 = arith.constant 0 : i32
      %get3A_1296 = arith.index_cast %get3A_1295 : i32 to index
      %get3A_1297 = arith.index_cast %add3A_1294 : i32 to index
      %get3A_1298 = tpu.vector_load %arg9[%get3A_1296, %get3A_1297] {strides = array<i32>} : memref<2x2048xi32, #tpu.memory_space<vmem>>, vector<16xi32>,
      %get3A_1299 = arith.constant 0 : i32
      %get3A_1300 = arith.index_cast %get3A_1299 : i32 to index
      %get3A_1301 = arith.index_cast %add3A_1294 : i32 to index
      %get3A_1302 = tpu.vector_load %arg10[%get3A_1300, %get3A_1301] {strides = array<i32>} : memref<2x2048xi32, #tpu.memory_space<vmem>>, vector<16xi32>,
      %gather3A_1303 = tpu.vector_load_idx %arg7[%get3A_1298] : memref<100000xf32, #tpu.memory_space<vmem>>[vector<16xi32>], vector<16xf32>,
      %gather3A_1304 = tpu.vector_load_idx %arg8[%get3A_1302] : memref<20xf32, #tpu.memory_space<vmem>>[vector<16xi32>], vector<16xf32>,
      %add3A_1305 = arith.addf %gather3A_1303, %gather3A_1304 : vector<16xf32>
      %swap3A_1306 = arith.constant 0 : i32
      %swap3A_1307 = arith.index_cast %swap3A_1306 : i32 to index
      %swap3A_1308 = arith.index_cast %add3A_1294 : i32 to index
      %swap3A_1309 = tpu.vector_load %arg11[%swap3A_1307, %swap3A_1308] {strides = array<i32>} : memref<2x2048xf32, #tpu.memory_space<vmem>>, vector<16xf32>,
      tpu.vector_store %arg11[%swap3A_1307, %swap3A_1308], %add3A_1305 {strides = array<i32>} : memref<2x2048xf32, #tpu.memory_space<vmem>>, vector<16xf32>,
    }
    %scan3A_529 = arith.constant 64 : i32
    %dma_wait3A_530 = arith.constant 0 : i32
    %dma_wait3A_531 = arith.constant 0 : i32
    %dma_wait3A_532 = tpu.memref_slice %arg11[%dma_wait3A_530, %dma_wait3A_531] : memref<2x2048xf32, #tpu.memory_space<vmem>> -> memref<1x2048xf32, #tpu.memory_space<vmem>>
    %dma_wait3A_533 = tpu.memref_squeeze %dma_wait3A_532 : memref<1x2048xf32, #tpu.memory_space<vmem>> -> memref<2048xf32, #tpu.memory_space<vmem>>
    %dma_wait3A_534 = arith.constant 8192 : i32
    %dma_wait3A_535 = tpu.memref_slice %arg6[%add3A_17, %dma_wait3A_534] : memref<64x16384xf32, #tpu.memory_space<hbm>> -> memref<1x2048xf32, #tpu.memory_space<hbm>>
    %dma_wait3A_536 = tpu.memref_squeeze %dma_wait3A_535 : memref<1x2048xf32, #tpu.memory_space<hbm>> -> memref<2048xf32, #tpu.memory_space<hbm>>
    %dma_wait3A_537 = arith.constant 8192 : i32
    %dma_wait3A_538 = tpu.memref_slice %arg6[%add3A_17, %dma_wait3A_537] : memref<64x16384xf32, #tpu.memory_space<hbm>> -> memref<1x2048xf32, #tpu.memory_space<hbm>>
    %dma_wait3A_539 = tpu.memref_squeeze %dma_wait3A_538 : memref<1x2048xf32, #tpu.memory_space<hbm>> -> memref<2048xf32, #tpu.memory_space<hbm>>
    %dma_wait3A_540 = arith.constant 0 : i32
    %dma_wait3A_541 = tpu.memref_slice %arg11[%dma_wait3A_530, %dma_wait3A_540] : memref<2x2048xf32, #tpu.memory_space<vmem>> -> memref<1x2048xf32, #tpu.memory_space<vmem>>
    %dma_wait3A_542 = tpu.memref_squeeze %dma_wait3A_541 : memref<1x2048xf32, #tpu.memory_space<vmem>> -> memref<2048xf32, #tpu.memory_space<vmem>>
    tpu.wait_dma2 semaphore(%arg15 : memref<!tpu.dma_semaphore, #tpu.memory_space<semaphore_mem>>) src(%dma_wait3A_542 : memref<2048xf32, #tpu.memory_space<vmem>>) dst(%dma_wait3A_539 : memref<2048xf32, #tpu.memory_space<hbm>>)
    %dma_start3A_543 = arith.constant 0 : i32
    %dma_start3A_544 = arith.constant 0 : i32
    %dma_start3A_545 = tpu.memref_slice %arg11[%dma_start3A_543, %dma_start3A_544] : memref<2x2048xf32, #tpu.memory_space<vmem>> -> memref<1x2048xf32, #tpu.memory_space<vmem>>
    %dma_start3A_546 = tpu.memref_squeeze %dma_start3A_545 : memref<1x2048xf32, #tpu.memory_space<vmem>> -> memref<2048xf32, #tpu.memory_space<vmem>>
    %dma_start3A_547 = arith.constant 12288 : i32
    %dma_start3A_548 = tpu.memref_slice %arg6[%add3A_17, %dma_start3A_547] : memref<64x16384xf32, #tpu.memory_space<hbm>> -> memref<1x2048xf32, #tpu.memory_space<hbm>>
    %dma_start3A_549 = tpu.memref_squeeze %dma_start3A_548 : memref<1x2048xf32, #tpu.memory_space<hbm>> -> memref<2048xf32, #tpu.memory_space<hbm>>
    %dma_start3A_550 = arith.constant 12288 : i32
    %dma_start3A_551 = tpu.memref_slice %arg6[%add3A_17, %dma_start3A_550] : memref<64x16384xf32, #tpu.memory_space<hbm>> -> memref<1x2048xf32, #tpu.memory_space<hbm>>
    %dma_start3A_552 = tpu.memref_squeeze %dma_start3A_551 : memref<1x2048xf32, #tpu.memory_space<hbm>> -> memref<2048xf32, #tpu.memory_space<hbm>>
    %dma_start3A_553 = arith.constant 0 : i32
    %dma_start3A_554 = tpu.memref_slice %arg11[%dma_start3A_543, %dma_start3A_553] : memref<2x2048xf32, #tpu.memory_space<vmem>> -> memref<1x2048xf32, #tpu.memory_space<vmem>>
    %dma_start3A_555 = tpu.memref_squeeze %dma_start3A_554 : memref<1x2048xf32, #tpu.memory_space<vmem>> -> memref<2048xf32, #tpu.memory_space<vmem>>
    tpu.enqueue_dma source(%dma_start3A_555 : memref<2048xf32, #tpu.memory_space<vmem>>) target(%dma_start3A_552 : memref<2048xf32, #tpu.memory_space<hbm>>) target_semaphore(%arg15 : memref<!tpu.dma_semaphore, #tpu.memory_space<semaphore_mem>>)
    %dma_wait3A_556 = arith.constant 1 : i32
    %dma_wait3A_557 = arith.constant 0 : i32
    %dma_wait3A_558 = tpu.memref_slice %arg9[%dma_wait3A_556, %dma_wait3A_557] : memref<2x2048xi32, #tpu.memory_space<vmem>> -> memref<1x2048xi32, #tpu.memory_space<vmem>>
    %dma_wait3A_559 = tpu.memref_squeeze %dma_wait3A_558 : memref<1x2048xi32, #tpu.memory_space<vmem>> -> memref<2048xi32, #tpu.memory_space<vmem>>
    %dma_wait3A_560 = arith.constant 0 : i32
    %dma_wait3A_561 = tpu.memref_slice %arg2[%dma_wait3A_560] : memref<16384xi32, #tpu.memory_space<hbm>> -> memref<2048xi32, #tpu.memory_space<hbm>>
    %dma_wait3A_562 = arith.constant 0 : i32
    %dma_wait3A_563 = tpu.memref_slice %arg9[%dma_wait3A_556, %dma_wait3A_562] : memref<2x2048xi32, #tpu.memory_space<vmem>> -> memref<1x2048xi32, #tpu.memory_space<vmem>>
    %dma_wait3A_564 = tpu.memref_squeeze %dma_wait3A_563 : memref<1x2048xi32, #tpu.memory_space<vmem>> -> memref<2048xi32, #tpu.memory_space<vmem>>
    %dma_wait3A_565 = arith.constant 0 : i32
    %dma_wait3A_566 = tpu.memref_slice %arg2[%dma_wait3A_565] : memref<16384xi32, #tpu.memory_space<hbm>> -> memref<2048xi32, #tpu.memory_space<hbm>>
    tpu.wait_dma2 semaphore(%arg13 : memref<!tpu.dma_semaphore, #tpu.memory_space<semaphore_mem>>) src(%dma_wait3A_566 : memref<2048xi32, #tpu.memory_space<hbm>>) dst(%dma_wait3A_564 : memref<2048xi32, #tpu.memory_space<vmem>>)
    %dma_wait3A_567 = arith.constant 1 : i32
    %dma_wait3A_568 = arith.constant 0 : i32
    %dma_wait3A_569 = tpu.memref_slice %arg10[%dma_wait3A_567, %dma_wait3A_568] : memref<2x2048xi32, #tpu.memory_space<vmem>> -> memref<1x2048xi32, #tpu.memory_space<vmem>>
    %dma_wait3A_570 = tpu.memref_squeeze %dma_wait3A_569 : memref<1x2048xi32, #tpu.memory_space<vmem>> -> memref<2048xi32, #tpu.memory_space<vmem>>
    %dma_wait3A_571 = arith.constant 0 : i32
    %dma_wait3A_572 = tpu.memref_slice %arg3[%dma_wait3A_571] : memref<16384xi32, #tpu.memory_space<hbm>> -> memref<2048xi32, #tpu.memory_space<hbm>>
    %dma_wait3A_573 = arith.constant 0 : i32
    %dma_wait3A_574 = tpu.memref_slice %arg10[%dma_wait3A_567, %dma_wait3A_573] : memref<2x2048xi32, #tpu.memory_space<vmem>> -> memref<1x2048xi32, #tpu.memory_space<vmem>>
    %dma_wait3A_575 = tpu.memref_squeeze %dma_wait3A_574 : memref<1x2048xi32, #tpu.memory_space<vmem>> -> memref<2048xi32, #tpu.memory_space<vmem>>
    %dma_wait3A_576 = arith.constant 0 : i32
    %dma_wait3A_577 = tpu.memref_slice %arg3[%dma_wait3A_576] : memref<16384xi32, #tpu.memory_space<hbm>> -> memref<2048xi32, #tpu.memory_space<hbm>>
    tpu.wait_dma2 semaphore(%arg13 : memref<!tpu.dma_semaphore, #tpu.memory_space<semaphore_mem>>) src(%dma_wait3A_577 : memref<2048xi32, #tpu.memory_space<hbm>>) dst(%dma_wait3A_575 : memref<2048xi32, #tpu.memory_space<vmem>>)
    %scan3A_578 = arith.constant 0 : i32
    %scan3A_579 = arith.constant 0 : i32
    %scan3A_580 = arith.constant 64 : i32
    %scan3A_581 = arith.addi %scan3A_579, %scan3A_580 : i32
    %scan3A_582 = arith.constant 1 : i32
    scf.for %scan3A_1274 = %scan3A_579 to %scan3A_581 step %scan3A_582  : i32 {
      %mul3A_1275 = arith.constant 32 : i32
      %mul3A_1276 = arith.muli %scan3A_1274, %mul3A_1275 : i32
      %add3A_1277 = arith.constant 0 : i32
      %add3A_1278 = arith.addi %mul3A_1276, %add3A_1277 : i32
      %get3A = arith.constant 1 : i32
      %get3A_1279 = arith.index_cast %get3A : i32 to index
      %get3A_1280 = arith.index_cast %add3A_1278 : i32 to index
      %get3A_1281 = tpu.vector_load %arg9[%get3A_1279, %get3A_1280] {strides = array<i32>} : memref<2x2048xi32, #tpu.memory_space<vmem>>, vector<16xi32>,
      %get3A_1282 = arith.constant 1 : i32
      %get3A_1283 = arith.index_cast %get3A_1282 : i32 to index
      %get3A_1284 = arith.index_cast %add3A_1278 : i32 to index
      %get3A_1285 = tpu.vector_load %arg10[%get3A_1283, %get3A_1284] {strides = array<i32>} : memref<2x2048xi32, #tpu.memory_space<vmem>>, vector<16xi32>,
      %gather3A = tpu.vector_load_idx %arg7[%get3A_1281] : memref<100000xf32, #tpu.memory_space<vmem>>[vector<16xi32>], vector<16xf32>,
      %gather3A_1286 = tpu.vector_load_idx %arg8[%get3A_1285] : memref<20xf32, #tpu.memory_space<vmem>>[vector<16xi32>], vector<16xf32>,
      %add3A_1287 = arith.addf %gather3A, %gather3A_1286 : vector<16xf32>
      %swap3A = arith.constant 1 : i32
      %swap3A_1288 = arith.index_cast %swap3A : i32 to index
      %swap3A_1289 = arith.index_cast %add3A_1278 : i32 to index
      %swap3A_1290 = tpu.vector_load %arg11[%swap3A_1288, %swap3A_1289] {strides = array<i32>} : memref<2x2048xf32, #tpu.memory_space<vmem>>, vector<16xf32>,
      tpu.vector_store %arg11[%swap3A_1288, %swap3A_1289], %add3A_1287 {strides = array<i32>} : memref<2x2048xf32, #tpu.memory_space<vmem>>, vector<16xf32>,
      %mul3A_1291 = arith.constant 32 : i32
      %mul3A_1292 = arith.muli %scan3A_1274, %mul3A_1291 : i32
      %add3A_1293 = arith.constant 16 : i32
      %add3A_1294 = arith.addi %mul3A_1292, %add3A_1293 : i32
      %get3A_1295 = arith.constant 1 : i32
      %get3A_1296 = arith.index_cast %get3A_1295 : i32 to index
      %get3A_1297 = arith.index_cast %add3A_1294 : i32 to index
      %get3A_1298 = tpu.vector_load %arg9[%get3A_1296, %get3A_1297] {strides = array<i32>} : memref<2x2048xi32, #tpu.memory_space<vmem>>, vector<16xi32>,
      %get3A_1299 = arith.constant 1 : i32
      %get3A_1300 = arith.index_cast %get3A_1299 : i32 to index
      %get3A_1301 = arith.index_cast %add3A_1294 : i32 to index
      %get3A_1302 = tpu.vector_load %arg10[%get3A_1300, %get3A_1301] {strides = array<i32>} : memref<2x2048xi32, #tpu.memory_space<vmem>>, vector<16xi32>,
      %gather3A_1303 = tpu.vector_load_idx %arg7[%get3A_1298] : memref<100000xf32, #tpu.memory_space<vmem>>[vector<16xi32>], vector<16xf32>,
      %gather3A_1304 = tpu.vector_load_idx %arg8[%get3A_1302] : memref<20xf32, #tpu.memory_space<vmem>>[vector<16xi32>], vector<16xf32>,
      %add3A_1305 = arith.addf %gather3A_1303, %gather3A_1304 : vector<16xf32>
      %swap3A_1306 = arith.constant 1 : i32
      %swap3A_1307 = arith.index_cast %swap3A_1306 : i32 to index
      %swap3A_1308 = arith.index_cast %add3A_1294 : i32 to index
      %swap3A_1309 = tpu.vector_load %arg11[%swap3A_1307, %swap3A_1308] {strides = array<i32>} : memref<2x2048xf32, #tpu.memory_space<vmem>>, vector<16xf32>,
      tpu.vector_store %arg11[%swap3A_1307, %swap3A_1308], %add3A_1305 {strides = array<i32>} : memref<2x2048xf32, #tpu.memory_space<vmem>>, vector<16xf32>,
    }
    %scan3A_583 = arith.constant 64 : i32
    %dma_wait3A_584 = arith.constant 1 : i32
    %dma_wait3A_585 = arith.constant 0 : i32
    %dma_wait3A_586 = tpu.memref_slice %arg11[%dma_wait3A_584, %dma_wait3A_585] : memref<2x2048xf32, #tpu.memory_space<vmem>> -> memref<1x2048xf32, #tpu.memory_space<vmem>>
    %dma_wait3A_587 = tpu.memref_squeeze %dma_wait3A_586 : memref<1x2048xf32, #tpu.memory_space<vmem>> -> memref<2048xf32, #tpu.memory_space<vmem>>
    %dma_wait3A_588 = arith.constant 10240 : i32
    %dma_wait3A_589 = tpu.memref_slice %arg6[%add3A_17, %dma_wait3A_588] : memref<64x16384xf32, #tpu.memory_space<hbm>> -> memref<1x2048xf32, #tpu.memory_space<hbm>>
    %dma_wait3A_590 = tpu.memref_squeeze %dma_wait3A_589 : memref<1x2048xf32, #tpu.memory_space<hbm>> -> memref<2048xf32, #tpu.memory_space<hbm>>
    %dma_wait3A_591 = arith.constant 10240 : i32
    %dma_wait3A_592 = tpu.memref_slice %arg6[%add3A_17, %dma_wait3A_591] : memref<64x16384xf32, #tpu.memory_space<hbm>> -> memref<1x2048xf32, #tpu.memory_space<hbm>>
    %dma_wait3A_593 = tpu.memref_squeeze %dma_wait3A_592 : memref<1x2048xf32, #tpu.memory_space<hbm>> -> memref<2048xf32, #tpu.memory_space<hbm>>
    %dma_wait3A_594 = arith.constant 0 : i32
    %dma_wait3A_595 = tpu.memref_slice %arg11[%dma_wait3A_584, %dma_wait3A_594] : memref<2x2048xf32, #tpu.memory_space<vmem>> -> memref<1x2048xf32, #tpu.memory_space<vmem>>
    %dma_wait3A_596 = tpu.memref_squeeze %dma_wait3A_595 : memref<1x2048xf32, #tpu.memory_space<vmem>> -> memref<2048xf32, #tpu.memory_space<vmem>>
    tpu.wait_dma2 semaphore(%arg15 : memref<!tpu.dma_semaphore, #tpu.memory_space<semaphore_mem>>) src(%dma_wait3A_596 : memref<2048xf32, #tpu.memory_space<vmem>>) dst(%dma_wait3A_593 : memref<2048xf32, #tpu.memory_space<hbm>>)
    %dma_start3A_597 = arith.constant 1 : i32
    %dma_start3A_598 = arith.constant 0 : i32
    %dma_start3A_599 = tpu.memref_slice %arg11[%dma_start3A_597, %dma_start3A_598] : memref<2x2048xf32, #tpu.memory_space<vmem>> -> memref<1x2048xf32, #tpu.memory_space<vmem>>
    %dma_start3A_600 = tpu.memref_squeeze %dma_start3A_599 : memref<1x2048xf32, #tpu.memory_space<vmem>> -> memref<2048xf32, #tpu.memory_space<vmem>>
    %dma_start3A_601 = arith.constant 14336 : i32
    %dma_start3A_602 = tpu.memref_slice %arg6[%add3A_17, %dma_start3A_601] : memref<64x16384xf32, #tpu.memory_space<hbm>> -> memref<1x2048xf32, #tpu.memory_space<hbm>>
    %dma_start3A_603 = tpu.memref_squeeze %dma_start3A_602 : memref<1x2048xf32, #tpu.memory_space<hbm>> -> memref<2048xf32, #tpu.memory_space<hbm>>
    %dma_start3A_604 = arith.constant 14336 : i32
    %dma_start3A_605 = tpu.memref_slice %arg6[%add3A_17, %dma_start3A_604] : memref<64x16384xf32, #tpu.memory_space<hbm>> -> memref<1x2048xf32, #tpu.memory_space<hbm>>
    %dma_start3A_606 = tpu.memref_squeeze %dma_start3A_605 : memref<1x2048xf32, #tpu.memory_space<hbm>> -> memref<2048xf32, #tpu.memory_space<hbm>>
    %dma_start3A_607 = arith.constant 0 : i32
    %dma_start3A_608 = tpu.memref_slice %arg11[%dma_start3A_597, %dma_start3A_607] : memref<2x2048xf32, #tpu.memory_space<vmem>> -> memref<1x2048xf32, #tpu.memory_space<vmem>>
    %dma_start3A_609 = tpu.memref_squeeze %dma_start3A_608 : memref<1x2048xf32, #tpu.memory_space<vmem>> -> memref<2048xf32, #tpu.memory_space<vmem>>
    tpu.enqueue_dma source(%dma_start3A_609 : memref<2048xf32, #tpu.memory_space<vmem>>) target(%dma_start3A_606 : memref<2048xf32, #tpu.memory_space<hbm>>) target_semaphore(%arg15 : memref<!tpu.dma_semaphore, #tpu.memory_space<semaphore_mem>>)
    %add3A_610 = arith.constant 1 : i32
    %add3A_611 = arith.addi %add3A_17, %add3A_610 : i32
    %dma_start3A_612 = arith.constant 0 : i32
    %dma_start3A_613 = tpu.memref_slice %arg4[%add3A_611, %dma_start3A_612] : memref<64x100000xf32, #tpu.memory_space<hbm>> -> memref<1x100000xf32, #tpu.memory_space<hbm>>
    %dma_start3A_614 = tpu.memref_squeeze %dma_start3A_613 : memref<1x100000xf32, #tpu.memory_space<hbm>> -> memref<100000xf32, #tpu.memory_space<hbm>>
    %dma_start3A_615 = arith.constant 0 : i32
    %dma_start3A_616 = tpu.memref_slice %arg4[%add3A_611, %dma_start3A_615] : memref<64x100000xf32, #tpu.memory_space<hbm>> -> memref<1x100000xf32, #tpu.memory_space<hbm>>
    %dma_start3A_617 = tpu.memref_squeeze %dma_start3A_616 : memref<1x100000xf32, #tpu.memory_space<hbm>> -> memref<100000xf32, #tpu.memory_space<hbm>>
    tpu.enqueue_dma source(%dma_start3A_617 : memref<100000xf32, #tpu.memory_space<hbm>>) target(%arg7 : memref<100000xf32, #tpu.memory_space<vmem>>) target_semaphore(%arg14 : memref<!tpu.dma_semaphore, #tpu.memory_space<semaphore_mem>>)
    %dma_start3A_618 = arith.constant 0 : i32
    %dma_start3A_619 = tpu.memref_slice %arg5[%add3A_611, %dma_start3A_618] : memref<64x20xf32, #tpu.memory_space<hbm>> -> memref<1x20xf32, #tpu.memory_space<hbm>>
    %dma_start3A_620 = tpu.memref_squeeze %dma_start3A_619 : memref<1x20xf32, #tpu.memory_space<hbm>> -> memref<20xf32, #tpu.memory_space<hbm>>
    %dma_start3A_621 = arith.constant 0 : i32
    %dma_start3A_622 = tpu.memref_slice %arg5[%add3A_611, %dma_start3A_621] : memref<64x20xf32, #tpu.memory_space<hbm>> -> memref<1x20xf32, #tpu.memory_space<hbm>>
    %dma_start3A_623 = tpu.memref_squeeze %dma_start3A_622 : memref<1x20xf32, #tpu.memory_space<hbm>> -> memref<20xf32, #tpu.memory_space<hbm>>
    tpu.enqueue_dma source(%dma_start3A_623 : memref<20xf32, #tpu.memory_space<hbm>>) target(%arg8 : memref<20xf32, #tpu.memory_space<vmem>>) target_semaphore(%arg14 : memref<!tpu.dma_semaphore, #tpu.memory_space<semaphore_mem>>)
    %dma_wait3A_624 = arith.constant 0 : i32
    %dma_wait3A_625 = arith.constant 0 : i32
    %dma_wait3A_626 = tpu.memref_slice %arg11[%dma_wait3A_624, %dma_wait3A_625] : memref<2x2048xf32, #tpu.memory_space<vmem>> -> memref<1x2048xf32, #tpu.memory_space<vmem>>
    %dma_wait3A_627 = tpu.memref_squeeze %dma_wait3A_626 : memref<1x2048xf32, #tpu.memory_space<vmem>> -> memref<2048xf32, #tpu.memory_space<vmem>>
    %dma_wait3A_628 = arith.constant 12288 : i32
    %dma_wait3A_629 = tpu.memref_slice %arg6[%add3A_17, %dma_wait3A_628] : memref<64x16384xf32, #tpu.memory_space<hbm>> -> memref<1x2048xf32, #tpu.memory_space<hbm>>
    %dma_wait3A_630 = tpu.memref_squeeze %dma_wait3A_629 : memref<1x2048xf32, #tpu.memory_space<hbm>> -> memref<2048xf32, #tpu.memory_space<hbm>>
    %dma_wait3A_631 = arith.constant 12288 : i32
    %dma_wait3A_632 = tpu.memref_slice %arg6[%add3A_17, %dma_wait3A_631] : memref<64x16384xf32, #tpu.memory_space<hbm>> -> memref<1x2048xf32, #tpu.memory_space<hbm>>
    %dma_wait3A_633 = tpu.memref_squeeze %dma_wait3A_632 : memref<1x2048xf32, #tpu.memory_space<hbm>> -> memref<2048xf32, #tpu.memory_space<hbm>>
    %dma_wait3A_634 = arith.constant 0 : i32
    %dma_wait3A_635 = tpu.memref_slice %arg11[%dma_wait3A_624, %dma_wait3A_634] : memref<2x2048xf32, #tpu.memory_space<vmem>> -> memref<1x2048xf32, #tpu.memory_space<vmem>>
    %dma_wait3A_636 = tpu.memref_squeeze %dma_wait3A_635 : memref<1x2048xf32, #tpu.memory_space<vmem>> -> memref<2048xf32, #tpu.memory_space<vmem>>
    tpu.wait_dma2 semaphore(%arg15 : memref<!tpu.dma_semaphore, #tpu.memory_space<semaphore_mem>>) src(%dma_wait3A_636 : memref<2048xf32, #tpu.memory_space<vmem>>) dst(%dma_wait3A_633 : memref<2048xf32, #tpu.memory_space<hbm>>)
    %dma_wait3A_637 = arith.constant 1 : i32
    %dma_wait3A_638 = arith.constant 0 : i32
    %dma_wait3A_639 = tpu.memref_slice %arg11[%dma_wait3A_637, %dma_wait3A_638] : memref<2x2048xf32, #tpu.memory_space<vmem>> -> memref<1x2048xf32, #tpu.memory_space<vmem>>
    %dma_wait3A_640 = tpu.memref_squeeze %dma_wait3A_639 : memref<1x2048xf32, #tpu.memory_space<vmem>> -> memref<2048xf32, #tpu.memory_space<vmem>>
    %dma_wait3A_641 = arith.constant 14336 : i32
    %dma_wait3A_642 = tpu.memref_slice %arg6[%add3A_17, %dma_wait3A_641] : memref<64x16384xf32, #tpu.memory_space<hbm>> -> memref<1x2048xf32, #tpu.memory_space<hbm>>
    %dma_wait3A_643 = tpu.memref_squeeze %dma_wait3A_642 : memref<1x2048xf32, #tpu.memory_space<hbm>> -> memref<2048xf32, #tpu.memory_space<hbm>>
    %dma_wait3A_644 = arith.constant 14336 : i32
    %dma_wait3A_645 = tpu.memref_slice %arg6[%add3A_17, %dma_wait3A_644] : memref<64x16384xf32, #tpu.memory_space<hbm>> -> memref<1x2048xf32, #tpu.memory_space<hbm>>
    %dma_wait3A_646 = tpu.memref_squeeze %dma_wait3A_645 : memref<1x2048xf32, #tpu.memory_space<hbm>> -> memref<2048xf32, #tpu.memory_space<hbm>>
    %dma_wait3A_647 = arith.constant 0 : i32
    %dma_wait3A_648 = tpu.memref_slice %arg11[%dma_wait3A_637, %dma_wait3A_647] : memref<2x2048xf32, #tpu.memory_space<vmem>> -> memref<1x2048xf32, #tpu.memory_space<vmem>>
    %dma_wait3A_649 = tpu.memref_squeeze %dma_wait3A_648 : memref<1x2048xf32, #tpu.memory_space<vmem>> -> memref<2048xf32, #tpu.memory_space<vmem>>
    tpu.wait_dma2 semaphore(%arg15 : memref<!tpu.dma_semaphore, #tpu.memory_space<semaphore_mem>>) src(%dma_wait3A_649 : memref<2048xf32, #tpu.memory_space<vmem>>) dst(%dma_wait3A_646 : memref<2048xf32, #tpu.memory_space<hbm>>)
    %mul3A_650 = arith.constant 2 : i32
    %mul3A_651 = arith.muli %add3A, %mul3A_650 : i32
    %add3A_652 = arith.constant 1 : i32
    %add3A_653 = arith.addi %mul3A_651, %add3A_652 : i32
    %dma_start3A_654 = arith.constant 0 : i32
    %dma_start3A_655 = arith.constant 0 : i32
    %dma_start3A_656 = tpu.memref_slice %arg9[%dma_start3A_654, %dma_start3A_655] : memref<2x2048xi32, #tpu.memory_space<vmem>> -> memref<1x2048xi32, #tpu.memory_space<vmem>>
    %dma_start3A_657 = tpu.memref_squeeze %dma_start3A_656 : memref<1x2048xi32, #tpu.memory_space<vmem>> -> memref<2048xi32, #tpu.memory_space<vmem>>
    %dma_start3A_658 = arith.constant 0 : i32
    %dma_start3A_659 = tpu.memref_slice %arg2[%dma_start3A_658] : memref<16384xi32, #tpu.memory_space<hbm>> -> memref<2048xi32, #tpu.memory_space<hbm>>
    %dma_start3A_660 = arith.constant 0 : i32
    %dma_start3A_661 = tpu.memref_slice %arg9[%dma_start3A_654, %dma_start3A_660] : memref<2x2048xi32, #tpu.memory_space<vmem>> -> memref<1x2048xi32, #tpu.memory_space<vmem>>
    %dma_start3A_662 = tpu.memref_squeeze %dma_start3A_661 : memref<1x2048xi32, #tpu.memory_space<vmem>> -> memref<2048xi32, #tpu.memory_space<vmem>>
    %dma_start3A_663 = arith.constant 0 : i32
    %dma_start3A_664 = tpu.memref_slice %arg2[%dma_start3A_663] : memref<16384xi32, #tpu.memory_space<hbm>> -> memref<2048xi32, #tpu.memory_space<hbm>>
    tpu.enqueue_dma source(%dma_start3A_664 : memref<2048xi32, #tpu.memory_space<hbm>>) target(%dma_start3A_662 : memref<2048xi32, #tpu.memory_space<vmem>>) target_semaphore(%arg12 : memref<!tpu.dma_semaphore, #tpu.memory_space<semaphore_mem>>)
    %dma_start3A_665 = arith.constant 0 : i32
    %dma_start3A_666 = arith.constant 0 : i32
    %dma_start3A_667 = tpu.memref_slice %arg10[%dma_start3A_665, %dma_start3A_666] : memref<2x2048xi32, #tpu.memory_space<vmem>> -> memref<1x2048xi32, #tpu.memory_space<vmem>>
    %dma_start3A_668 = tpu.memref_squeeze %dma_start3A_667 : memref<1x2048xi32, #tpu.memory_space<vmem>> -> memref<2048xi32, #tpu.memory_space<vmem>>
    %dma_start3A_669 = arith.constant 0 : i32
    %dma_start3A_670 = tpu.memref_slice %arg3[%dma_start3A_669] : memref<16384xi32, #tpu.memory_space<hbm>> -> memref<2048xi32, #tpu.memory_space<hbm>>
    %dma_start3A_671 = arith.constant 0 : i32
    %dma_start3A_672 = tpu.memref_slice %arg10[%dma_start3A_665, %dma_start3A_671] : memref<2x2048xi32, #tpu.memory_space<vmem>> -> memref<1x2048xi32, #tpu.memory_space<vmem>>
    %dma_start3A_673 = tpu.memref_squeeze %dma_start3A_672 : memref<1x2048xi32, #tpu.memory_space<vmem>> -> memref<2048xi32, #tpu.memory_space<vmem>>
    %dma_start3A_674 = arith.constant 0 : i32
    %dma_start3A_675 = tpu.memref_slice %arg3[%dma_start3A_674] : memref<16384xi32, #tpu.memory_space<hbm>> -> memref<2048xi32, #tpu.memory_space<hbm>>
    tpu.enqueue_dma source(%dma_start3A_675 : memref<2048xi32, #tpu.memory_space<hbm>>) target(%dma_start3A_673 : memref<2048xi32, #tpu.memory_space<vmem>>) target_semaphore(%arg12 : memref<!tpu.dma_semaphore, #tpu.memory_space<semaphore_mem>>)
    %dma_start3A_676 = arith.constant 1 : i32
    %dma_start3A_677 = arith.constant 0 : i32
    %dma_start3A_678 = tpu.memref_slice %arg9[%dma_start3A_676, %dma_start3A_677] : memref<2x2048xi32, #tpu.memory_space<vmem>> -> memref<1x2048xi32, #tpu.memory_space<vmem>>
    %dma_start3A_679 = tpu.memref_squeeze %dma_start3A_678 : memref<1x2048xi32, #tpu.memory_space<vmem>> -> memref<2048xi32, #tpu.memory_space<vmem>>
    %dma_start3A_680 = arith.constant 2048 : i32
    %dma_start3A_681 = tpu.memref_slice %arg2[%dma_start3A_680] : memref<16384xi32, #tpu.memory_space<hbm>> -> memref<2048xi32, #tpu.memory_space<hbm>>
    %dma_start3A_682 = arith.constant 0 : i32
    %dma_start3A_683 = tpu.memref_slice %arg9[%dma_start3A_676, %dma_start3A_682] : memref<2x2048xi32, #tpu.memory_space<vmem>> -> memref<1x2048xi32, #tpu.memory_space<vmem>>
    %dma_start3A_684 = tpu.memref_squeeze %dma_start3A_683 : memref<1x2048xi32, #tpu.memory_space<vmem>> -> memref<2048xi32, #tpu.memory_space<vmem>>
    %dma_start3A_685 = arith.constant 2048 : i32
    %dma_start3A_686 = tpu.memref_slice %arg2[%dma_start3A_685] : memref<16384xi32, #tpu.memory_space<hbm>> -> memref<2048xi32, #tpu.memory_space<hbm>>
    tpu.enqueue_dma source(%dma_start3A_686 : memref<2048xi32, #tpu.memory_space<hbm>>) target(%dma_start3A_684 : memref<2048xi32, #tpu.memory_space<vmem>>) target_semaphore(%arg13 : memref<!tpu.dma_semaphore, #tpu.memory_space<semaphore_mem>>)
    %dma_start3A_687 = arith.constant 1 : i32
    %dma_start3A_688 = arith.constant 0 : i32
    %dma_start3A_689 = tpu.memref_slice %arg10[%dma_start3A_687, %dma_start3A_688] : memref<2x2048xi32, #tpu.memory_space<vmem>> -> memref<1x2048xi32, #tpu.memory_space<vmem>>
    %dma_start3A_690 = tpu.memref_squeeze %dma_start3A_689 : memref<1x2048xi32, #tpu.memory_space<vmem>> -> memref<2048xi32, #tpu.memory_space<vmem>>
    %dma_start3A_691 = arith.constant 2048 : i32
    %dma_start3A_692 = tpu.memref_slice %arg3[%dma_start3A_691] : memref<16384xi32, #tpu.memory_space<hbm>> -> memref<2048xi32, #tpu.memory_space<hbm>>
    %dma_start3A_693 = arith.constant 0 : i32
    %dma_start3A_694 = tpu.memref_slice %arg10[%dma_start3A_687, %dma_start3A_693] : memref<2x2048xi32, #tpu.memory_space<vmem>> -> memref<1x2048xi32, #tpu.memory_space<vmem>>
    %dma_start3A_695 = tpu.memref_squeeze %dma_start3A_694 : memref<1x2048xi32, #tpu.memory_space<vmem>> -> memref<2048xi32, #tpu.memory_space<vmem>>
    %dma_start3A_696 = arith.constant 2048 : i32
    %dma_start3A_697 = tpu.memref_slice %arg3[%dma_start3A_696] : memref<16384xi32, #tpu.memory_space<hbm>> -> memref<2048xi32, #tpu.memory_space<hbm>>
    tpu.enqueue_dma source(%dma_start3A_697 : memref<2048xi32, #tpu.memory_space<hbm>>) target(%dma_start3A_695 : memref<2048xi32, #tpu.memory_space<vmem>>) target_semaphore(%arg13 : memref<!tpu.dma_semaphore, #tpu.memory_space<semaphore_mem>>)
    %dma_wait3A_698 = arith.constant 0 : i32
    %dma_wait3A_699 = tpu.memref_slice %arg4[%add3A_611, %dma_wait3A_698] : memref<64x100000xf32, #tpu.memory_space<hbm>> -> memref<1x100000xf32, #tpu.memory_space<hbm>>
    %dma_wait3A_700 = tpu.memref_squeeze %dma_wait3A_699 : memref<1x100000xf32, #tpu.memory_space<hbm>> -> memref<100000xf32, #tpu.memory_space<hbm>>
    %dma_wait3A_701 = arith.constant 0 : i32
    %dma_wait3A_702 = tpu.memref_slice %arg4[%add3A_611, %dma_wait3A_701] : memref<64x100000xf32, #tpu.memory_space<hbm>> -> memref<1x100000xf32, #tpu.memory_space<hbm>>
    %dma_wait3A_703 = tpu.memref_squeeze %dma_wait3A_702 : memref<1x100000xf32, #tpu.memory_space<hbm>> -> memref<100000xf32, #tpu.memory_space<hbm>>
    tpu.wait_dma2 semaphore(%arg14 : memref<!tpu.dma_semaphore, #tpu.memory_space<semaphore_mem>>) src(%dma_wait3A_703 : memref<100000xf32, #tpu.memory_space<hbm>>) dst(%arg7 : memref<100000xf32, #tpu.memory_space<vmem>>)
    %dma_wait3A_704 = arith.constant 0 : i32
    %dma_wait3A_705 = tpu.memref_slice %arg5[%add3A_611, %dma_wait3A_704] : memref<64x20xf32, #tpu.memory_space<hbm>> -> memref<1x20xf32, #tpu.memory_space<hbm>>
    %dma_wait3A_706 = tpu.memref_squeeze %dma_wait3A_705 : memref<1x20xf32, #tpu.memory_space<hbm>> -> memref<20xf32, #tpu.memory_space<hbm>>
    %dma_wait3A_707 = arith.constant 0 : i32
    %dma_wait3A_708 = tpu.memref_slice %arg5[%add3A_611, %dma_wait3A_707] : memref<64x20xf32, #tpu.memory_space<hbm>> -> memref<1x20xf32, #tpu.memory_space<hbm>>
    %dma_wait3A_709 = tpu.memref_squeeze %dma_wait3A_708 : memref<1x20xf32, #tpu.memory_space<hbm>> -> memref<20xf32, #tpu.memory_space<hbm>>
    tpu.wait_dma2 semaphore(%arg14 : memref<!tpu.dma_semaphore, #tpu.memory_space<semaphore_mem>>) src(%dma_wait3A_709 : memref<20xf32, #tpu.memory_space<hbm>>) dst(%arg8 : memref<20xf32, #tpu.memory_space<vmem>>)
    %dma_wait3A_710 = arith.constant 0 : i32
    %dma_wait3A_711 = arith.constant 0 : i32
    %dma_wait3A_712 = tpu.memref_slice %arg9[%dma_wait3A_710, %dma_wait3A_711] : memref<2x2048xi32, #tpu.memory_space<vmem>> -> memref<1x2048xi32, #tpu.memory_space<vmem>>
    %dma_wait3A_713 = tpu.memref_squeeze %dma_wait3A_712 : memref<1x2048xi32, #tpu.memory_space<vmem>> -> memref<2048xi32, #tpu.memory_space<vmem>>
    %dma_wait3A_714 = arith.constant 0 : i32
    %dma_wait3A_715 = tpu.memref_slice %arg2[%dma_wait3A_714] : memref<16384xi32, #tpu.memory_space<hbm>> -> memref<2048xi32, #tpu.memory_space<hbm>>
    %dma_wait3A_716 = arith.constant 0 : i32
    %dma_wait3A_717 = tpu.memref_slice %arg9[%dma_wait3A_710, %dma_wait3A_716] : memref<2x2048xi32, #tpu.memory_space<vmem>> -> memref<1x2048xi32, #tpu.memory_space<vmem>>
    %dma_wait3A_718 = tpu.memref_squeeze %dma_wait3A_717 : memref<1x2048xi32, #tpu.memory_space<vmem>> -> memref<2048xi32, #tpu.memory_space<vmem>>
    %dma_wait3A_719 = arith.constant 0 : i32
    %dma_wait3A_720 = tpu.memref_slice %arg2[%dma_wait3A_719] : memref<16384xi32, #tpu.memory_space<hbm>> -> memref<2048xi32, #tpu.memory_space<hbm>>
    tpu.wait_dma2 semaphore(%arg12 : memref<!tpu.dma_semaphore, #tpu.memory_space<semaphore_mem>>) src(%dma_wait3A_720 : memref<2048xi32, #tpu.memory_space<hbm>>) dst(%dma_wait3A_718 : memref<2048xi32, #tpu.memory_space<vmem>>)
    %dma_wait3A_721 = arith.constant 0 : i32
    %dma_wait3A_722 = arith.constant 0 : i32
    %dma_wait3A_723 = tpu.memref_slice %arg10[%dma_wait3A_721, %dma_wait3A_722] : memref<2x2048xi32, #tpu.memory_space<vmem>> -> memref<1x2048xi32, #tpu.memory_space<vmem>>
    %dma_wait3A_724 = tpu.memref_squeeze %dma_wait3A_723 : memref<1x2048xi32, #tpu.memory_space<vmem>> -> memref<2048xi32, #tpu.memory_space<vmem>>
    %dma_wait3A_725 = arith.constant 0 : i32
    %dma_wait3A_726 = tpu.memref_slice %arg3[%dma_wait3A_725] : memref<16384xi32, #tpu.memory_space<hbm>> -> memref<2048xi32, #tpu.memory_space<hbm>>
    %dma_wait3A_727 = arith.constant 0 : i32
    %dma_wait3A_728 = tpu.memref_slice %arg10[%dma_wait3A_721, %dma_wait3A_727] : memref<2x2048xi32, #tpu.memory_space<vmem>> -> memref<1x2048xi32, #tpu.memory_space<vmem>>
    %dma_wait3A_729 = tpu.memref_squeeze %dma_wait3A_728 : memref<1x2048xi32, #tpu.memory_space<vmem>> -> memref<2048xi32, #tpu.memory_space<vmem>>
    %dma_wait3A_730 = arith.constant 0 : i32
    %dma_wait3A_731 = tpu.memref_slice %arg3[%dma_wait3A_730] : memref<16384xi32, #tpu.memory_space<hbm>> -> memref<2048xi32, #tpu.memory_space<hbm>>
    tpu.wait_dma2 semaphore(%arg12 : memref<!tpu.dma_semaphore, #tpu.memory_space<semaphore_mem>>) src(%dma_wait3A_731 : memref<2048xi32, #tpu.memory_space<hbm>>) dst(%dma_wait3A_729 : memref<2048xi32, #tpu.memory_space<vmem>>)
    %scan3A_732 = arith.constant 0 : i32
    %scan3A_733 = arith.constant 0 : i32
    %scan3A_734 = arith.constant 64 : i32
    %scan3A_735 = arith.addi %scan3A_733, %scan3A_734 : i32
    %scan3A_736 = arith.constant 1 : i32
    scf.for %scan3A_1274 = %scan3A_733 to %scan3A_735 step %scan3A_736  : i32 {
      %mul3A_1275 = arith.constant 32 : i32
      %mul3A_1276 = arith.muli %scan3A_1274, %mul3A_1275 : i32
      %add3A_1277 = arith.constant 0 : i32
      %add3A_1278 = arith.addi %mul3A_1276, %add3A_1277 : i32
      %get3A = arith.constant 0 : i32
      %get3A_1279 = arith.index_cast %get3A : i32 to index
      %get3A_1280 = arith.index_cast %add3A_1278 : i32 to index
      %get3A_1281 = tpu.vector_load %arg9[%get3A_1279, %get3A_1280] {strides = array<i32>} : memref<2x2048xi32, #tpu.memory_space<vmem>>, vector<16xi32>,
      %get3A_1282 = arith.constant 0 : i32
      %get3A_1283 = arith.index_cast %get3A_1282 : i32 to index
      %get3A_1284 = arith.index_cast %add3A_1278 : i32 to index
      %get3A_1285 = tpu.vector_load %arg10[%get3A_1283, %get3A_1284] {strides = array<i32>} : memref<2x2048xi32, #tpu.memory_space<vmem>>, vector<16xi32>,
      %gather3A = tpu.vector_load_idx %arg7[%get3A_1281] : memref<100000xf32, #tpu.memory_space<vmem>>[vector<16xi32>], vector<16xf32>,
      %gather3A_1286 = tpu.vector_load_idx %arg8[%get3A_1285] : memref<20xf32, #tpu.memory_space<vmem>>[vector<16xi32>], vector<16xf32>,
      %add3A_1287 = arith.addf %gather3A, %gather3A_1286 : vector<16xf32>
      %swap3A = arith.constant 0 : i32
      %swap3A_1288 = arith.index_cast %swap3A : i32 to index
      %swap3A_1289 = arith.index_cast %add3A_1278 : i32 to index
      %swap3A_1290 = tpu.vector_load %arg11[%swap3A_1288, %swap3A_1289] {strides = array<i32>} : memref<2x2048xf32, #tpu.memory_space<vmem>>, vector<16xf32>,
      tpu.vector_store %arg11[%swap3A_1288, %swap3A_1289], %add3A_1287 {strides = array<i32>} : memref<2x2048xf32, #tpu.memory_space<vmem>>, vector<16xf32>,
      %mul3A_1291 = arith.constant 32 : i32
      %mul3A_1292 = arith.muli %scan3A_1274, %mul3A_1291 : i32
      %add3A_1293 = arith.constant 16 : i32
      %add3A_1294 = arith.addi %mul3A_1292, %add3A_1293 : i32
      %get3A_1295 = arith.constant 0 : i32
      %get3A_1296 = arith.index_cast %get3A_1295 : i32 to index
      %get3A_1297 = arith.index_cast %add3A_1294 : i32 to index
      %get3A_1298 = tpu.vector_load %arg9[%get3A_1296, %get3A_1297] {strides = array<i32>} : memref<2x2048xi32, #tpu.memory_space<vmem>>, vector<16xi32>,
      %get3A_1299 = arith.constant 0 : i32
      %get3A_1300 = arith.index_cast %get3A_1299 : i32 to index
      %get3A_1301 = arith.index_cast %add3A_1294 : i32 to index
      %get3A_1302 = tpu.vector_load %arg10[%get3A_1300, %get3A_1301] {strides = array<i32>} : memref<2x2048xi32, #tpu.memory_space<vmem>>, vector<16xi32>,
      %gather3A_1303 = tpu.vector_load_idx %arg7[%get3A_1298] : memref<100000xf32, #tpu.memory_space<vmem>>[vector<16xi32>], vector<16xf32>,
      %gather3A_1304 = tpu.vector_load_idx %arg8[%get3A_1302] : memref<20xf32, #tpu.memory_space<vmem>>[vector<16xi32>], vector<16xf32>,
      %add3A_1305 = arith.addf %gather3A_1303, %gather3A_1304 : vector<16xf32>
      %swap3A_1306 = arith.constant 0 : i32
      %swap3A_1307 = arith.index_cast %swap3A_1306 : i32 to index
      %swap3A_1308 = arith.index_cast %add3A_1294 : i32 to index
      %swap3A_1309 = tpu.vector_load %arg11[%swap3A_1307, %swap3A_1308] {strides = array<i32>} : memref<2x2048xf32, #tpu.memory_space<vmem>>, vector<16xf32>,
      tpu.vector_store %arg11[%swap3A_1307, %swap3A_1308], %add3A_1305 {strides = array<i32>} : memref<2x2048xf32, #tpu.memory_space<vmem>>, vector<16xf32>,
    }
    %scan3A_737 = arith.constant 64 : i32
    %dma_start3A_738 = arith.constant 0 : i32
    %dma_start3A_739 = arith.constant 0 : i32
    %dma_start3A_740 = tpu.memref_slice %arg11[%dma_start3A_738, %dma_start3A_739] : memref<2x2048xf32, #tpu.memory_space<vmem>> -> memref<1x2048xf32, #tpu.memory_space<vmem>>
    %dma_start3A_741 = tpu.memref_squeeze %dma_start3A_740 : memref<1x2048xf32, #tpu.memory_space<vmem>> -> memref<2048xf32, #tpu.memory_space<vmem>>
    %dma_start3A_742 = arith.constant 0 : i32
    %dma_start3A_743 = tpu.memref_slice %arg6[%add3A_653, %dma_start3A_742] : memref<64x16384xf32, #tpu.memory_space<hbm>> -> memref<1x2048xf32, #tpu.memory_space<hbm>>
    %dma_start3A_744 = tpu.memref_squeeze %dma_start3A_743 : memref<1x2048xf32, #tpu.memory_space<hbm>> -> memref<2048xf32, #tpu.memory_space<hbm>>
    %dma_start3A_745 = arith.constant 0 : i32
    %dma_start3A_746 = tpu.memref_slice %arg6[%add3A_653, %dma_start3A_745] : memref<64x16384xf32, #tpu.memory_space<hbm>> -> memref<1x2048xf32, #tpu.memory_space<hbm>>
    %dma_start3A_747 = tpu.memref_squeeze %dma_start3A_746 : memref<1x2048xf32, #tpu.memory_space<hbm>> -> memref<2048xf32, #tpu.memory_space<hbm>>
    %dma_start3A_748 = arith.constant 0 : i32
    %dma_start3A_749 = tpu.memref_slice %arg11[%dma_start3A_738, %dma_start3A_748] : memref<2x2048xf32, #tpu.memory_space<vmem>> -> memref<1x2048xf32, #tpu.memory_space<vmem>>
    %dma_start3A_750 = tpu.memref_squeeze %dma_start3A_749 : memref<1x2048xf32, #tpu.memory_space<vmem>> -> memref<2048xf32, #tpu.memory_space<vmem>>
    tpu.enqueue_dma source(%dma_start3A_750 : memref<2048xf32, #tpu.memory_space<vmem>>) target(%dma_start3A_747 : memref<2048xf32, #tpu.memory_space<hbm>>) target_semaphore(%arg15 : memref<!tpu.dma_semaphore, #tpu.memory_space<semaphore_mem>>)
    %dma_start3A_751 = arith.constant 0 : i32
    %dma_start3A_752 = arith.constant 0 : i32
    %dma_start3A_753 = tpu.memref_slice %arg9[%dma_start3A_751, %dma_start3A_752] : memref<2x2048xi32, #tpu.memory_space<vmem>> -> memref<1x2048xi32, #tpu.memory_space<vmem>>
    %dma_start3A_754 = tpu.memref_squeeze %dma_start3A_753 : memref<1x2048xi32, #tpu.memory_space<vmem>> -> memref<2048xi32, #tpu.memory_space<vmem>>
    %dma_start3A_755 = arith.constant 4096 : i32
    %dma_start3A_756 = tpu.memref_slice %arg2[%dma_start3A_755] : memref<16384xi32, #tpu.memory_space<hbm>> -> memref<2048xi32, #tpu.memory_space<hbm>>
    %dma_start3A_757 = arith.constant 0 : i32
    %dma_start3A_758 = tpu.memref_slice %arg9[%dma_start3A_751, %dma_start3A_757] : memref<2x2048xi32, #tpu.memory_space<vmem>> -> memref<1x2048xi32, #tpu.memory_space<vmem>>
    %dma_start3A_759 = tpu.memref_squeeze %dma_start3A_758 : memref<1x2048xi32, #tpu.memory_space<vmem>> -> memref<2048xi32, #tpu.memory_space<vmem>>
    %dma_start3A_760 = arith.constant 4096 : i32
    %dma_start3A_761 = tpu.memref_slice %arg2[%dma_start3A_760] : memref<16384xi32, #tpu.memory_space<hbm>> -> memref<2048xi32, #tpu.memory_space<hbm>>
    tpu.enqueue_dma source(%dma_start3A_761 : memref<2048xi32, #tpu.memory_space<hbm>>) target(%dma_start3A_759 : memref<2048xi32, #tpu.memory_space<vmem>>) target_semaphore(%arg12 : memref<!tpu.dma_semaphore, #tpu.memory_space<semaphore_mem>>)
    %dma_start3A_762 = arith.constant 0 : i32
    %dma_start3A_763 = arith.constant 0 : i32
    %dma_start3A_764 = tpu.memref_slice %arg10[%dma_start3A_762, %dma_start3A_763] : memref<2x2048xi32, #tpu.memory_space<vmem>> -> memref<1x2048xi32, #tpu.memory_space<vmem>>
    %dma_start3A_765 = tpu.memref_squeeze %dma_start3A_764 : memref<1x2048xi32, #tpu.memory_space<vmem>> -> memref<2048xi32, #tpu.memory_space<vmem>>
    %dma_start3A_766 = arith.constant 4096 : i32
    %dma_start3A_767 = tpu.memref_slice %arg3[%dma_start3A_766] : memref<16384xi32, #tpu.memory_space<hbm>> -> memref<2048xi32, #tpu.memory_space<hbm>>
    %dma_start3A_768 = arith.constant 0 : i32
    %dma_start3A_769 = tpu.memref_slice %arg10[%dma_start3A_762, %dma_start3A_768] : memref<2x2048xi32, #tpu.memory_space<vmem>> -> memref<1x2048xi32, #tpu.memory_space<vmem>>
    %dma_start3A_770 = tpu.memref_squeeze %dma_start3A_769 : memref<1x2048xi32, #tpu.memory_space<vmem>> -> memref<2048xi32, #tpu.memory_space<vmem>>
    %dma_start3A_771 = arith.constant 4096 : i32
    %dma_start3A_772 = tpu.memref_slice %arg3[%dma_start3A_771] : memref<16384xi32, #tpu.memory_space<hbm>> -> memref<2048xi32, #tpu.memory_space<hbm>>
    tpu.enqueue_dma source(%dma_start3A_772 : memref<2048xi32, #tpu.memory_space<hbm>>) target(%dma_start3A_770 : memref<2048xi32, #tpu.memory_space<vmem>>) target_semaphore(%arg12 : memref<!tpu.dma_semaphore, #tpu.memory_space<semaphore_mem>>)
    %dma_wait3A_773 = arith.constant 1 : i32
    %dma_wait3A_774 = arith.constant 0 : i32
    %dma_wait3A_775 = tpu.memref_slice %arg9[%dma_wait3A_773, %dma_wait3A_774] : memref<2x2048xi32, #tpu.memory_space<vmem>> -> memref<1x2048xi32, #tpu.memory_space<vmem>>
    %dma_wait3A_776 = tpu.memref_squeeze %dma_wait3A_775 : memref<1x2048xi32, #tpu.memory_space<vmem>> -> memref<2048xi32, #tpu.memory_space<vmem>>
    %dma_wait3A_777 = arith.constant 0 : i32
    %dma_wait3A_778 = tpu.memref_slice %arg2[%dma_wait3A_777] : memref<16384xi32, #tpu.memory_space<hbm>> -> memref<2048xi32, #tpu.memory_space<hbm>>
    %dma_wait3A_779 = arith.constant 0 : i32
    %dma_wait3A_780 = tpu.memref_slice %arg9[%dma_wait3A_773, %dma_wait3A_779] : memref<2x2048xi32, #tpu.memory_space<vmem>> -> memref<1x2048xi32, #tpu.memory_space<vmem>>
    %dma_wait3A_781 = tpu.memref_squeeze %dma_wait3A_780 : memref<1x2048xi32, #tpu.memory_space<vmem>> -> memref<2048xi32, #tpu.memory_space<vmem>>
    %dma_wait3A_782 = arith.constant 0 : i32
    %dma_wait3A_783 = tpu.memref_slice %arg2[%dma_wait3A_782] : memref<16384xi32, #tpu.memory_space<hbm>> -> memref<2048xi32, #tpu.memory_space<hbm>>
    tpu.wait_dma2 semaphore(%arg13 : memref<!tpu.dma_semaphore, #tpu.memory_space<semaphore_mem>>) src(%dma_wait3A_783 : memref<2048xi32, #tpu.memory_space<hbm>>) dst(%dma_wait3A_781 : memref<2048xi32, #tpu.memory_space<vmem>>)
    %dma_wait3A_784 = arith.constant 1 : i32
    %dma_wait3A_785 = arith.constant 0 : i32
    %dma_wait3A_786 = tpu.memref_slice %arg10[%dma_wait3A_784, %dma_wait3A_785] : memref<2x2048xi32, #tpu.memory_space<vmem>> -> memref<1x2048xi32, #tpu.memory_space<vmem>>
    %dma_wait3A_787 = tpu.memref_squeeze %dma_wait3A_786 : memref<1x2048xi32, #tpu.memory_space<vmem>> -> memref<2048xi32, #tpu.memory_space<vmem>>
    %dma_wait3A_788 = arith.constant 0 : i32
    %dma_wait3A_789 = tpu.memref_slice %arg3[%dma_wait3A_788] : memref<16384xi32, #tpu.memory_space<hbm>> -> memref<2048xi32, #tpu.memory_space<hbm>>
    %dma_wait3A_790 = arith.constant 0 : i32
    %dma_wait3A_791 = tpu.memref_slice %arg10[%dma_wait3A_784, %dma_wait3A_790] : memref<2x2048xi32, #tpu.memory_space<vmem>> -> memref<1x2048xi32, #tpu.memory_space<vmem>>
    %dma_wait3A_792 = tpu.memref_squeeze %dma_wait3A_791 : memref<1x2048xi32, #tpu.memory_space<vmem>> -> memref<2048xi32, #tpu.memory_space<vmem>>
    %dma_wait3A_793 = arith.constant 0 : i32
    %dma_wait3A_794 = tpu.memref_slice %arg3[%dma_wait3A_793] : memref<16384xi32, #tpu.memory_space<hbm>> -> memref<2048xi32, #tpu.memory_space<hbm>>
    tpu.wait_dma2 semaphore(%arg13 : memref<!tpu.dma_semaphore, #tpu.memory_space<semaphore_mem>>) src(%dma_wait3A_794 : memref<2048xi32, #tpu.memory_space<hbm>>) dst(%dma_wait3A_792 : memref<2048xi32, #tpu.memory_space<vmem>>)
    %scan3A_795 = arith.constant 0 : i32
    %scan3A_796 = arith.constant 0 : i32
    %scan3A_797 = arith.constant 64 : i32
    %scan3A_798 = arith.addi %scan3A_796, %scan3A_797 : i32
    %scan3A_799 = arith.constant 1 : i32
    scf.for %scan3A_1274 = %scan3A_796 to %scan3A_798 step %scan3A_799  : i32 {
      %mul3A_1275 = arith.constant 32 : i32
      %mul3A_1276 = arith.muli %scan3A_1274, %mul3A_1275 : i32
      %add3A_1277 = arith.constant 0 : i32
      %add3A_1278 = arith.addi %mul3A_1276, %add3A_1277 : i32
      %get3A = arith.constant 1 : i32
      %get3A_1279 = arith.index_cast %get3A : i32 to index
      %get3A_1280 = arith.index_cast %add3A_1278 : i32 to index
      %get3A_1281 = tpu.vector_load %arg9[%get3A_1279, %get3A_1280] {strides = array<i32>} : memref<2x2048xi32, #tpu.memory_space<vmem>>, vector<16xi32>,
      %get3A_1282 = arith.constant 1 : i32
      %get3A_1283 = arith.index_cast %get3A_1282 : i32 to index
      %get3A_1284 = arith.index_cast %add3A_1278 : i32 to index
      %get3A_1285 = tpu.vector_load %arg10[%get3A_1283, %get3A_1284] {strides = array<i32>} : memref<2x2048xi32, #tpu.memory_space<vmem>>, vector<16xi32>,
      %gather3A = tpu.vector_load_idx %arg7[%get3A_1281] : memref<100000xf32, #tpu.memory_space<vmem>>[vector<16xi32>], vector<16xf32>,
      %gather3A_1286 = tpu.vector_load_idx %arg8[%get3A_1285] : memref<20xf32, #tpu.memory_space<vmem>>[vector<16xi32>], vector<16xf32>,
      %add3A_1287 = arith.addf %gather3A, %gather3A_1286 : vector<16xf32>
      %swap3A = arith.constant 1 : i32
      %swap3A_1288 = arith.index_cast %swap3A : i32 to index
      %swap3A_1289 = arith.index_cast %add3A_1278 : i32 to index
      %swap3A_1290 = tpu.vector_load %arg11[%swap3A_1288, %swap3A_1289] {strides = array<i32>} : memref<2x2048xf32, #tpu.memory_space<vmem>>, vector<16xf32>,
      tpu.vector_store %arg11[%swap3A_1288, %swap3A_1289], %add3A_1287 {strides = array<i32>} : memref<2x2048xf32, #tpu.memory_space<vmem>>, vector<16xf32>,
      %mul3A_1291 = arith.constant 32 : i32
      %mul3A_1292 = arith.muli %scan3A_1274, %mul3A_1291 : i32
      %add3A_1293 = arith.constant 16 : i32
      %add3A_1294 = arith.addi %mul3A_1292, %add3A_1293 : i32
      %get3A_1295 = arith.constant 1 : i32
      %get3A_1296 = arith.index_cast %get3A_1295 : i32 to index
      %get3A_1297 = arith.index_cast %add3A_1294 : i32 to index
      %get3A_1298 = tpu.vector_load %arg9[%get3A_1296, %get3A_1297] {strides = array<i32>} : memref<2x2048xi32, #tpu.memory_space<vmem>>, vector<16xi32>,
      %get3A_1299 = arith.constant 1 : i32
      %get3A_1300 = arith.index_cast %get3A_1299 : i32 to index
      %get3A_1301 = arith.index_cast %add3A_1294 : i32 to index
      %get3A_1302 = tpu.vector_load %arg10[%get3A_1300, %get3A_1301] {strides = array<i32>} : memref<2x2048xi32, #tpu.memory_space<vmem>>, vector<16xi32>,
      %gather3A_1303 = tpu.vector_load_idx %arg7[%get3A_1298] : memref<100000xf32, #tpu.memory_space<vmem>>[vector<16xi32>], vector<16xf32>,
      %gather3A_1304 = tpu.vector_load_idx %arg8[%get3A_1302] : memref<20xf32, #tpu.memory_space<vmem>>[vector<16xi32>], vector<16xf32>,
      %add3A_1305 = arith.addf %gather3A_1303, %gather3A_1304 : vector<16xf32>
      %swap3A_1306 = arith.constant 1 : i32
      %swap3A_1307 = arith.index_cast %swap3A_1306 : i32 to index
      %swap3A_1308 = arith.index_cast %add3A_1294 : i32 to index
      %swap3A_1309 = tpu.vector_load %arg11[%swap3A_1307, %swap3A_1308] {strides = array<i32>} : memref<2x2048xf32, #tpu.memory_space<vmem>>, vector<16xf32>,
      tpu.vector_store %arg11[%swap3A_1307, %swap3A_1308], %add3A_1305 {strides = array<i32>} : memref<2x2048xf32, #tpu.memory_space<vmem>>, vector<16xf32>,
    }
    %scan3A_800 = arith.constant 64 : i32
    %dma_start3A_801 = arith.constant 1 : i32
    %dma_start3A_802 = arith.constant 0 : i32
    %dma_start3A_803 = tpu.memref_slice %arg11[%dma_start3A_801, %dma_start3A_802] : memref<2x2048xf32, #tpu.memory_space<vmem>> -> memref<1x2048xf32, #tpu.memory_space<vmem>>
    %dma_start3A_804 = tpu.memref_squeeze %dma_start3A_803 : memref<1x2048xf32, #tpu.memory_space<vmem>> -> memref<2048xf32, #tpu.memory_space<vmem>>
    %dma_start3A_805 = arith.constant 2048 : i32
    %dma_start3A_806 = tpu.memref_slice %arg6[%add3A_653, %dma_start3A_805] : memref<64x16384xf32, #tpu.memory_space<hbm>> -> memref<1x2048xf32, #tpu.memory_space<hbm>>
    %dma_start3A_807 = tpu.memref_squeeze %dma_start3A_806 : memref<1x2048xf32, #tpu.memory_space<hbm>> -> memref<2048xf32, #tpu.memory_space<hbm>>
    %dma_start3A_808 = arith.constant 2048 : i32
    %dma_start3A_809 = tpu.memref_slice %arg6[%add3A_653, %dma_start3A_808] : memref<64x16384xf32, #tpu.memory_space<hbm>> -> memref<1x2048xf32, #tpu.memory_space<hbm>>
    %dma_start3A_810 = tpu.memref_squeeze %dma_start3A_809 : memref<1x2048xf32, #tpu.memory_space<hbm>> -> memref<2048xf32, #tpu.memory_space<hbm>>
    %dma_start3A_811 = arith.constant 0 : i32
    %dma_start3A_812 = tpu.memref_slice %arg11[%dma_start3A_801, %dma_start3A_811] : memref<2x2048xf32, #tpu.memory_space<vmem>> -> memref<1x2048xf32, #tpu.memory_space<vmem>>
    %dma_start3A_813 = tpu.memref_squeeze %dma_start3A_812 : memref<1x2048xf32, #tpu.memory_space<vmem>> -> memref<2048xf32, #tpu.memory_space<vmem>>
    tpu.enqueue_dma source(%dma_start3A_813 : memref<2048xf32, #tpu.memory_space<vmem>>) target(%dma_start3A_810 : memref<2048xf32, #tpu.memory_space<hbm>>) target_semaphore(%arg15 : memref<!tpu.dma_semaphore, #tpu.memory_space<semaphore_mem>>)
    %dma_start3A_814 = arith.constant 1 : i32
    %dma_start3A_815 = arith.constant 0 : i32
    %dma_start3A_816 = tpu.memref_slice %arg9[%dma_start3A_814, %dma_start3A_815] : memref<2x2048xi32, #tpu.memory_space<vmem>> -> memref<1x2048xi32, #tpu.memory_space<vmem>>
    %dma_start3A_817 = tpu.memref_squeeze %dma_start3A_816 : memref<1x2048xi32, #tpu.memory_space<vmem>> -> memref<2048xi32, #tpu.memory_space<vmem>>
    %dma_start3A_818 = arith.constant 6144 : i32
    %dma_start3A_819 = tpu.memref_slice %arg2[%dma_start3A_818] : memref<16384xi32, #tpu.memory_space<hbm>> -> memref<2048xi32, #tpu.memory_space<hbm>>
    %dma_start3A_820 = arith.constant 0 : i32
    %dma_start3A_821 = tpu.memref_slice %arg9[%dma_start3A_814, %dma_start3A_820] : memref<2x2048xi32, #tpu.memory_space<vmem>> -> memref<1x2048xi32, #tpu.memory_space<vmem>>
    %dma_start3A_822 = tpu.memref_squeeze %dma_start3A_821 : memref<1x2048xi32, #tpu.memory_space<vmem>> -> memref<2048xi32, #tpu.memory_space<vmem>>
    %dma_start3A_823 = arith.constant 6144 : i32
    %dma_start3A_824 = tpu.memref_slice %arg2[%dma_start3A_823] : memref<16384xi32, #tpu.memory_space<hbm>> -> memref<2048xi32, #tpu.memory_space<hbm>>
    tpu.enqueue_dma source(%dma_start3A_824 : memref<2048xi32, #tpu.memory_space<hbm>>) target(%dma_start3A_822 : memref<2048xi32, #tpu.memory_space<vmem>>) target_semaphore(%arg13 : memref<!tpu.dma_semaphore, #tpu.memory_space<semaphore_mem>>)
    %dma_start3A_825 = arith.constant 1 : i32
    %dma_start3A_826 = arith.constant 0 : i32
    %dma_start3A_827 = tpu.memref_slice %arg10[%dma_start3A_825, %dma_start3A_826] : memref<2x2048xi32, #tpu.memory_space<vmem>> -> memref<1x2048xi32, #tpu.memory_space<vmem>>
    %dma_start3A_828 = tpu.memref_squeeze %dma_start3A_827 : memref<1x2048xi32, #tpu.memory_space<vmem>> -> memref<2048xi32, #tpu.memory_space<vmem>>
    %dma_start3A_829 = arith.constant 6144 : i32
    %dma_start3A_830 = tpu.memref_slice %arg3[%dma_start3A_829] : memref<16384xi32, #tpu.memory_space<hbm>> -> memref<2048xi32, #tpu.memory_space<hbm>>
    %dma_start3A_831 = arith.constant 0 : i32
    %dma_start3A_832 = tpu.memref_slice %arg10[%dma_start3A_825, %dma_start3A_831] : memref<2x2048xi32, #tpu.memory_space<vmem>> -> memref<1x2048xi32, #tpu.memory_space<vmem>>
    %dma_start3A_833 = tpu.memref_squeeze %dma_start3A_832 : memref<1x2048xi32, #tpu.memory_space<vmem>> -> memref<2048xi32, #tpu.memory_space<vmem>>
    %dma_start3A_834 = arith.constant 6144 : i32
    %dma_start3A_835 = tpu.memref_slice %arg3[%dma_start3A_834] : memref<16384xi32, #tpu.memory_space<hbm>> -> memref<2048xi32, #tpu.memory_space<hbm>>
    tpu.enqueue_dma source(%dma_start3A_835 : memref<2048xi32, #tpu.memory_space<hbm>>) target(%dma_start3A_833 : memref<2048xi32, #tpu.memory_space<vmem>>) target_semaphore(%arg13 : memref<!tpu.dma_semaphore, #tpu.memory_space<semaphore_mem>>)
    %dma_wait3A_836 = arith.constant 0 : i32
    %dma_wait3A_837 = arith.constant 0 : i32
    %dma_wait3A_838 = tpu.memref_slice %arg9[%dma_wait3A_836, %dma_wait3A_837] : memref<2x2048xi32, #tpu.memory_space<vmem>> -> memref<1x2048xi32, #tpu.memory_space<vmem>>
    %dma_wait3A_839 = tpu.memref_squeeze %dma_wait3A_838 : memref<1x2048xi32, #tpu.memory_space<vmem>> -> memref<2048xi32, #tpu.memory_space<vmem>>
    %dma_wait3A_840 = arith.constant 0 : i32
    %dma_wait3A_841 = tpu.memref_slice %arg2[%dma_wait3A_840] : memref<16384xi32, #tpu.memory_space<hbm>> -> memref<2048xi32, #tpu.memory_space<hbm>>
    %dma_wait3A_842 = arith.constant 0 : i32
    %dma_wait3A_843 = tpu.memref_slice %arg9[%dma_wait3A_836, %dma_wait3A_842] : memref<2x2048xi32, #tpu.memory_space<vmem>> -> memref<1x2048xi32, #tpu.memory_space<vmem>>
    %dma_wait3A_844 = tpu.memref_squeeze %dma_wait3A_843 : memref<1x2048xi32, #tpu.memory_space<vmem>> -> memref<2048xi32, #tpu.memory_space<vmem>>
    %dma_wait3A_845 = arith.constant 0 : i32
    %dma_wait3A_846 = tpu.memref_slice %arg2[%dma_wait3A_845] : memref<16384xi32, #tpu.memory_space<hbm>> -> memref<2048xi32, #tpu.memory_space<hbm>>
    tpu.wait_dma2 semaphore(%arg12 : memref<!tpu.dma_semaphore, #tpu.memory_space<semaphore_mem>>) src(%dma_wait3A_846 : memref<2048xi32, #tpu.memory_space<hbm>>) dst(%dma_wait3A_844 : memref<2048xi32, #tpu.memory_space<vmem>>)
    %dma_wait3A_847 = arith.constant 0 : i32
    %dma_wait3A_848 = arith.constant 0 : i32
    %dma_wait3A_849 = tpu.memref_slice %arg10[%dma_wait3A_847, %dma_wait3A_848] : memref<2x2048xi32, #tpu.memory_space<vmem>> -> memref<1x2048xi32, #tpu.memory_space<vmem>>
    %dma_wait3A_850 = tpu.memref_squeeze %dma_wait3A_849 : memref<1x2048xi32, #tpu.memory_space<vmem>> -> memref<2048xi32, #tpu.memory_space<vmem>>
    %dma_wait3A_851 = arith.constant 0 : i32
    %dma_wait3A_852 = tpu.memref_slice %arg3[%dma_wait3A_851] : memref<16384xi32, #tpu.memory_space<hbm>> -> memref<2048xi32, #tpu.memory_space<hbm>>
    %dma_wait3A_853 = arith.constant 0 : i32
    %dma_wait3A_854 = tpu.memref_slice %arg10[%dma_wait3A_847, %dma_wait3A_853] : memref<2x2048xi32, #tpu.memory_space<vmem>> -> memref<1x2048xi32, #tpu.memory_space<vmem>>
    %dma_wait3A_855 = tpu.memref_squeeze %dma_wait3A_854 : memref<1x2048xi32, #tpu.memory_space<vmem>> -> memref<2048xi32, #tpu.memory_space<vmem>>
    %dma_wait3A_856 = arith.constant 0 : i32
    %dma_wait3A_857 = tpu.memref_slice %arg3[%dma_wait3A_856] : memref<16384xi32, #tpu.memory_space<hbm>> -> memref<2048xi32, #tpu.memory_space<hbm>>
    tpu.wait_dma2 semaphore(%arg12 : memref<!tpu.dma_semaphore, #tpu.memory_space<semaphore_mem>>) src(%dma_wait3A_857 : memref<2048xi32, #tpu.memory_space<hbm>>) dst(%dma_wait3A_855 : memref<2048xi32, #tpu.memory_space<vmem>>)
    %scan3A_858 = arith.constant 0 : i32
    %scan3A_859 = arith.constant 0 : i32
    %scan3A_860 = arith.constant 64 : i32
    %scan3A_861 = arith.addi %scan3A_859, %scan3A_860 : i32
    %scan3A_862 = arith.constant 1 : i32
    scf.for %scan3A_1274 = %scan3A_859 to %scan3A_861 step %scan3A_862  : i32 {
      %mul3A_1275 = arith.constant 32 : i32
      %mul3A_1276 = arith.muli %scan3A_1274, %mul3A_1275 : i32
      %add3A_1277 = arith.constant 0 : i32
      %add3A_1278 = arith.addi %mul3A_1276, %add3A_1277 : i32
      %get3A = arith.constant 0 : i32
      %get3A_1279 = arith.index_cast %get3A : i32 to index
      %get3A_1280 = arith.index_cast %add3A_1278 : i32 to index
      %get3A_1281 = tpu.vector_load %arg9[%get3A_1279, %get3A_1280] {strides = array<i32>} : memref<2x2048xi32, #tpu.memory_space<vmem>>, vector<16xi32>,
      %get3A_1282 = arith.constant 0 : i32
      %get3A_1283 = arith.index_cast %get3A_1282 : i32 to index
      %get3A_1284 = arith.index_cast %add3A_1278 : i32 to index
      %get3A_1285 = tpu.vector_load %arg10[%get3A_1283, %get3A_1284] {strides = array<i32>} : memref<2x2048xi32, #tpu.memory_space<vmem>>, vector<16xi32>,
      %gather3A = tpu.vector_load_idx %arg7[%get3A_1281] : memref<100000xf32, #tpu.memory_space<vmem>>[vector<16xi32>], vector<16xf32>,
      %gather3A_1286 = tpu.vector_load_idx %arg8[%get3A_1285] : memref<20xf32, #tpu.memory_space<vmem>>[vector<16xi32>], vector<16xf32>,
      %add3A_1287 = arith.addf %gather3A, %gather3A_1286 : vector<16xf32>
      %swap3A = arith.constant 0 : i32
      %swap3A_1288 = arith.index_cast %swap3A : i32 to index
      %swap3A_1289 = arith.index_cast %add3A_1278 : i32 to index
      %swap3A_1290 = tpu.vector_load %arg11[%swap3A_1288, %swap3A_1289] {strides = array<i32>} : memref<2x2048xf32, #tpu.memory_space<vmem>>, vector<16xf32>,
      tpu.vector_store %arg11[%swap3A_1288, %swap3A_1289], %add3A_1287 {strides = array<i32>} : memref<2x2048xf32, #tpu.memory_space<vmem>>, vector<16xf32>,
      %mul3A_1291 = arith.constant 32 : i32
      %mul3A_1292 = arith.muli %scan3A_1274, %mul3A_1291 : i32
      %add3A_1293 = arith.constant 16 : i32
      %add3A_1294 = arith.addi %mul3A_1292, %add3A_1293 : i32
      %get3A_1295 = arith.constant 0 : i32
      %get3A_1296 = arith.index_cast %get3A_1295 : i32 to index
      %get3A_1297 = arith.index_cast %add3A_1294 : i32 to index
      %get3A_1298 = tpu.vector_load %arg9[%get3A_1296, %get3A_1297] {strides = array<i32>} : memref<2x2048xi32, #tpu.memory_space<vmem>>, vector<16xi32>,
      %get3A_1299 = arith.constant 0 : i32
      %get3A_1300 = arith.index_cast %get3A_1299 : i32 to index
      %get3A_1301 = arith.index_cast %add3A_1294 : i32 to index
      %get3A_1302 = tpu.vector_load %arg10[%get3A_1300, %get3A_1301] {strides = array<i32>} : memref<2x2048xi32, #tpu.memory_space<vmem>>, vector<16xi32>,
      %gather3A_1303 = tpu.vector_load_idx %arg7[%get3A_1298] : memref<100000xf32, #tpu.memory_space<vmem>>[vector<16xi32>], vector<16xf32>,
      %gather3A_1304 = tpu.vector_load_idx %arg8[%get3A_1302] : memref<20xf32, #tpu.memory_space<vmem>>[vector<16xi32>], vector<16xf32>,
      %add3A_1305 = arith.addf %gather3A_1303, %gather3A_1304 : vector<16xf32>
      %swap3A_1306 = arith.constant 0 : i32
      %swap3A_1307 = arith.index_cast %swap3A_1306 : i32 to index
      %swap3A_1308 = arith.index_cast %add3A_1294 : i32 to index
      %swap3A_1309 = tpu.vector_load %arg11[%swap3A_1307, %swap3A_1308] {strides = array<i32>} : memref<2x2048xf32, #tpu.memory_space<vmem>>, vector<16xf32>,
      tpu.vector_store %arg11[%swap3A_1307, %swap3A_1308], %add3A_1305 {strides = array<i32>} : memref<2x2048xf32, #tpu.memory_space<vmem>>, vector<16xf32>,
    }
    %scan3A_863 = arith.constant 64 : i32
    %dma_wait3A_864 = arith.constant 0 : i32
    %dma_wait3A_865 = arith.constant 0 : i32
    %dma_wait3A_866 = tpu.memref_slice %arg11[%dma_wait3A_864, %dma_wait3A_865] : memref<2x2048xf32, #tpu.memory_space<vmem>> -> memref<1x2048xf32, #tpu.memory_space<vmem>>
    %dma_wait3A_867 = tpu.memref_squeeze %dma_wait3A_866 : memref<1x2048xf32, #tpu.memory_space<vmem>> -> memref<2048xf32, #tpu.memory_space<vmem>>
    %dma_wait3A_868 = arith.constant 0 : i32
    %dma_wait3A_869 = tpu.memref_slice %arg6[%add3A_653, %dma_wait3A_868] : memref<64x16384xf32, #tpu.memory_space<hbm>> -> memref<1x2048xf32, #tpu.memory_space<hbm>>
    %dma_wait3A_870 = tpu.memref_squeeze %dma_wait3A_869 : memref<1x2048xf32, #tpu.memory_space<hbm>> -> memref<2048xf32, #tpu.memory_space<hbm>>
    %dma_wait3A_871 = arith.constant 0 : i32
    %dma_wait3A_872 = tpu.memref_slice %arg6[%add3A_653, %dma_wait3A_871] : memref<64x16384xf32, #tpu.memory_space<hbm>> -> memref<1x2048xf32, #tpu.memory_space<hbm>>
    %dma_wait3A_873 = tpu.memref_squeeze %dma_wait3A_872 : memref<1x2048xf32, #tpu.memory_space<hbm>> -> memref<2048xf32, #tpu.memory_space<hbm>>
    %dma_wait3A_874 = arith.constant 0 : i32
    %dma_wait3A_875 = tpu.memref_slice %arg11[%dma_wait3A_864, %dma_wait3A_874] : memref<2x2048xf32, #tpu.memory_space<vmem>> -> memref<1x2048xf32, #tpu.memory_space<vmem>>
    %dma_wait3A_876 = tpu.memref_squeeze %dma_wait3A_875 : memref<1x2048xf32, #tpu.memory_space<vmem>> -> memref<2048xf32, #tpu.memory_space<vmem>>
    tpu.wait_dma2 semaphore(%arg15 : memref<!tpu.dma_semaphore, #tpu.memory_space<semaphore_mem>>) src(%dma_wait3A_876 : memref<2048xf32, #tpu.memory_space<vmem>>) dst(%dma_wait3A_873 : memref<2048xf32, #tpu.memory_space<hbm>>)
    %dma_start3A_877 = arith.constant 0 : i32
    %dma_start3A_878 = arith.constant 0 : i32
    %dma_start3A_879 = tpu.memref_slice %arg11[%dma_start3A_877, %dma_start3A_878] : memref<2x2048xf32, #tpu.memory_space<vmem>> -> memref<1x2048xf32, #tpu.memory_space<vmem>>
    %dma_start3A_880 = tpu.memref_squeeze %dma_start3A_879 : memref<1x2048xf32, #tpu.memory_space<vmem>> -> memref<2048xf32, #tpu.memory_space<vmem>>
    %dma_start3A_881 = arith.constant 4096 : i32
    %dma_start3A_882 = tpu.memref_slice %arg6[%add3A_653, %dma_start3A_881] : memref<64x16384xf32, #tpu.memory_space<hbm>> -> memref<1x2048xf32, #tpu.memory_space<hbm>>
    %dma_start3A_883 = tpu.memref_squeeze %dma_start3A_882 : memref<1x2048xf32, #tpu.memory_space<hbm>> -> memref<2048xf32, #tpu.memory_space<hbm>>
    %dma_start3A_884 = arith.constant 4096 : i32
    %dma_start3A_885 = tpu.memref_slice %arg6[%add3A_653, %dma_start3A_884] : memref<64x16384xf32, #tpu.memory_space<hbm>> -> memref<1x2048xf32, #tpu.memory_space<hbm>>
    %dma_start3A_886 = tpu.memref_squeeze %dma_start3A_885 : memref<1x2048xf32, #tpu.memory_space<hbm>> -> memref<2048xf32, #tpu.memory_space<hbm>>
    %dma_start3A_887 = arith.constant 0 : i32
    %dma_start3A_888 = tpu.memref_slice %arg11[%dma_start3A_877, %dma_start3A_887] : memref<2x2048xf32, #tpu.memory_space<vmem>> -> memref<1x2048xf32, #tpu.memory_space<vmem>>
    %dma_start3A_889 = tpu.memref_squeeze %dma_start3A_888 : memref<1x2048xf32, #tpu.memory_space<vmem>> -> memref<2048xf32, #tpu.memory_space<vmem>>
    tpu.enqueue_dma source(%dma_start3A_889 : memref<2048xf32, #tpu.memory_space<vmem>>) target(%dma_start3A_886 : memref<2048xf32, #tpu.memory_space<hbm>>) target_semaphore(%arg15 : memref<!tpu.dma_semaphore, #tpu.memory_space<semaphore_mem>>)
    %dma_start3A_890 = arith.constant 0 : i32
    %dma_start3A_891 = arith.constant 0 : i32
    %dma_start3A_892 = tpu.memref_slice %arg9[%dma_start3A_890, %dma_start3A_891] : memref<2x2048xi32, #tpu.memory_space<vmem>> -> memref<1x2048xi32, #tpu.memory_space<vmem>>
    %dma_start3A_893 = tpu.memref_squeeze %dma_start3A_892 : memref<1x2048xi32, #tpu.memory_space<vmem>> -> memref<2048xi32, #tpu.memory_space<vmem>>
    %dma_start3A_894 = arith.constant 8192 : i32
    %dma_start3A_895 = tpu.memref_slice %arg2[%dma_start3A_894] : memref<16384xi32, #tpu.memory_space<hbm>> -> memref<2048xi32, #tpu.memory_space<hbm>>
    %dma_start3A_896 = arith.constant 0 : i32
    %dma_start3A_897 = tpu.memref_slice %arg9[%dma_start3A_890, %dma_start3A_896] : memref<2x2048xi32, #tpu.memory_space<vmem>> -> memref<1x2048xi32, #tpu.memory_space<vmem>>
    %dma_start3A_898 = tpu.memref_squeeze %dma_start3A_897 : memref<1x2048xi32, #tpu.memory_space<vmem>> -> memref<2048xi32, #tpu.memory_space<vmem>>
    %dma_start3A_899 = arith.constant 8192 : i32
    %dma_start3A_900 = tpu.memref_slice %arg2[%dma_start3A_899] : memref<16384xi32, #tpu.memory_space<hbm>> -> memref<2048xi32, #tpu.memory_space<hbm>>
    tpu.enqueue_dma source(%dma_start3A_900 : memref<2048xi32, #tpu.memory_space<hbm>>) target(%dma_start3A_898 : memref<2048xi32, #tpu.memory_space<vmem>>) target_semaphore(%arg12 : memref<!tpu.dma_semaphore, #tpu.memory_space<semaphore_mem>>)
    %dma_start3A_901 = arith.constant 0 : i32
    %dma_start3A_902 = arith.constant 0 : i32
    %dma_start3A_903 = tpu.memref_slice %arg10[%dma_start3A_901, %dma_start3A_902] : memref<2x2048xi32, #tpu.memory_space<vmem>> -> memref<1x2048xi32, #tpu.memory_space<vmem>>
    %dma_start3A_904 = tpu.memref_squeeze %dma_start3A_903 : memref<1x2048xi32, #tpu.memory_space<vmem>> -> memref<2048xi32, #tpu.memory_space<vmem>>
    %dma_start3A_905 = arith.constant 8192 : i32
    %dma_start3A_906 = tpu.memref_slice %arg3[%dma_start3A_905] : memref<16384xi32, #tpu.memory_space<hbm>> -> memref<2048xi32, #tpu.memory_space<hbm>>
    %dma_start3A_907 = arith.constant 0 : i32
    %dma_start3A_908 = tpu.memref_slice %arg10[%dma_start3A_901, %dma_start3A_907] : memref<2x2048xi32, #tpu.memory_space<vmem>> -> memref<1x2048xi32, #tpu.memory_space<vmem>>
    %dma_start3A_909 = tpu.memref_squeeze %dma_start3A_908 : memref<1x2048xi32, #tpu.memory_space<vmem>> -> memref<2048xi32, #tpu.memory_space<vmem>>
    %dma_start3A_910 = arith.constant 8192 : i32
    %dma_start3A_911 = tpu.memref_slice %arg3[%dma_start3A_910] : memref<16384xi32, #tpu.memory_space<hbm>> -> memref<2048xi32, #tpu.memory_space<hbm>>
    tpu.enqueue_dma source(%dma_start3A_911 : memref<2048xi32, #tpu.memory_space<hbm>>) target(%dma_start3A_909 : memref<2048xi32, #tpu.memory_space<vmem>>) target_semaphore(%arg12 : memref<!tpu.dma_semaphore, #tpu.memory_space<semaphore_mem>>)
    %dma_wait3A_912 = arith.constant 1 : i32
    %dma_wait3A_913 = arith.constant 0 : i32
    %dma_wait3A_914 = tpu.memref_slice %arg9[%dma_wait3A_912, %dma_wait3A_913] : memref<2x2048xi32, #tpu.memory_space<vmem>> -> memref<1x2048xi32, #tpu.memory_space<vmem>>
    %dma_wait3A_915 = tpu.memref_squeeze %dma_wait3A_914 : memref<1x2048xi32, #tpu.memory_space<vmem>> -> memref<2048xi32, #tpu.memory_space<vmem>>
    %dma_wait3A_916 = arith.constant 0 : i32
    %dma_wait3A_917 = tpu.memref_slice %arg2[%dma_wait3A_916] : memref<16384xi32, #tpu.memory_space<hbm>> -> memref<2048xi32, #tpu.memory_space<hbm>>
    %dma_wait3A_918 = arith.constant 0 : i32
    %dma_wait3A_919 = tpu.memref_slice %arg9[%dma_wait3A_912, %dma_wait3A_918] : memref<2x2048xi32, #tpu.memory_space<vmem>> -> memref<1x2048xi32, #tpu.memory_space<vmem>>
    %dma_wait3A_920 = tpu.memref_squeeze %dma_wait3A_919 : memref<1x2048xi32, #tpu.memory_space<vmem>> -> memref<2048xi32, #tpu.memory_space<vmem>>
    %dma_wait3A_921 = arith.constant 0 : i32
    %dma_wait3A_922 = tpu.memref_slice %arg2[%dma_wait3A_921] : memref<16384xi32, #tpu.memory_space<hbm>> -> memref<2048xi32, #tpu.memory_space<hbm>>
    tpu.wait_dma2 semaphore(%arg13 : memref<!tpu.dma_semaphore, #tpu.memory_space<semaphore_mem>>) src(%dma_wait3A_922 : memref<2048xi32, #tpu.memory_space<hbm>>) dst(%dma_wait3A_920 : memref<2048xi32, #tpu.memory_space<vmem>>)
    %dma_wait3A_923 = arith.constant 1 : i32
    %dma_wait3A_924 = arith.constant 0 : i32
    %dma_wait3A_925 = tpu.memref_slice %arg10[%dma_wait3A_923, %dma_wait3A_924] : memref<2x2048xi32, #tpu.memory_space<vmem>> -> memref<1x2048xi32, #tpu.memory_space<vmem>>
    %dma_wait3A_926 = tpu.memref_squeeze %dma_wait3A_925 : memref<1x2048xi32, #tpu.memory_space<vmem>> -> memref<2048xi32, #tpu.memory_space<vmem>>
    %dma_wait3A_927 = arith.constant 0 : i32
    %dma_wait3A_928 = tpu.memref_slice %arg3[%dma_wait3A_927] : memref<16384xi32, #tpu.memory_space<hbm>> -> memref<2048xi32, #tpu.memory_space<hbm>>
    %dma_wait3A_929 = arith.constant 0 : i32
    %dma_wait3A_930 = tpu.memref_slice %arg10[%dma_wait3A_923, %dma_wait3A_929] : memref<2x2048xi32, #tpu.memory_space<vmem>> -> memref<1x2048xi32, #tpu.memory_space<vmem>>
    %dma_wait3A_931 = tpu.memref_squeeze %dma_wait3A_930 : memref<1x2048xi32, #tpu.memory_space<vmem>> -> memref<2048xi32, #tpu.memory_space<vmem>>
    %dma_wait3A_932 = arith.constant 0 : i32
    %dma_wait3A_933 = tpu.memref_slice %arg3[%dma_wait3A_932] : memref<16384xi32, #tpu.memory_space<hbm>> -> memref<2048xi32, #tpu.memory_space<hbm>>
    tpu.wait_dma2 semaphore(%arg13 : memref<!tpu.dma_semaphore, #tpu.memory_space<semaphore_mem>>) src(%dma_wait3A_933 : memref<2048xi32, #tpu.memory_space<hbm>>) dst(%dma_wait3A_931 : memref<2048xi32, #tpu.memory_space<vmem>>)
    %scan3A_934 = arith.constant 0 : i32
    %scan3A_935 = arith.constant 0 : i32
    %scan3A_936 = arith.constant 64 : i32
    %scan3A_937 = arith.addi %scan3A_935, %scan3A_936 : i32
    %scan3A_938 = arith.constant 1 : i32
    scf.for %scan3A_1274 = %scan3A_935 to %scan3A_937 step %scan3A_938  : i32 {
      %mul3A_1275 = arith.constant 32 : i32
      %mul3A_1276 = arith.muli %scan3A_1274, %mul3A_1275 : i32
      %add3A_1277 = arith.constant 0 : i32
      %add3A_1278 = arith.addi %mul3A_1276, %add3A_1277 : i32
      %get3A = arith.constant 1 : i32
      %get3A_1279 = arith.index_cast %get3A : i32 to index
      %get3A_1280 = arith.index_cast %add3A_1278 : i32 to index
      %get3A_1281 = tpu.vector_load %arg9[%get3A_1279, %get3A_1280] {strides = array<i32>} : memref<2x2048xi32, #tpu.memory_space<vmem>>, vector<16xi32>,
      %get3A_1282 = arith.constant 1 : i32
      %get3A_1283 = arith.index_cast %get3A_1282 : i32 to index
      %get3A_1284 = arith.index_cast %add3A_1278 : i32 to index
      %get3A_1285 = tpu.vector_load %arg10[%get3A_1283, %get3A_1284] {strides = array<i32>} : memref<2x2048xi32, #tpu.memory_space<vmem>>, vector<16xi32>,
      %gather3A = tpu.vector_load_idx %arg7[%get3A_1281] : memref<100000xf32, #tpu.memory_space<vmem>>[vector<16xi32>], vector<16xf32>,
      %gather3A_1286 = tpu.vector_load_idx %arg8[%get3A_1285] : memref<20xf32, #tpu.memory_space<vmem>>[vector<16xi32>], vector<16xf32>,
      %add3A_1287 = arith.addf %gather3A, %gather3A_1286 : vector<16xf32>
      %swap3A = arith.constant 1 : i32
      %swap3A_1288 = arith.index_cast %swap3A : i32 to index
      %swap3A_1289 = arith.index_cast %add3A_1278 : i32 to index
      %swap3A_1290 = tpu.vector_load %arg11[%swap3A_1288, %swap3A_1289] {strides = array<i32>} : memref<2x2048xf32, #tpu.memory_space<vmem>>, vector<16xf32>,
      tpu.vector_store %arg11[%swap3A_1288, %swap3A_1289], %add3A_1287 {strides = array<i32>} : memref<2x2048xf32, #tpu.memory_space<vmem>>, vector<16xf32>,
      %mul3A_1291 = arith.constant 32 : i32
      %mul3A_1292 = arith.muli %scan3A_1274, %mul3A_1291 : i32
      %add3A_1293 = arith.constant 16 : i32
      %add3A_1294 = arith.addi %mul3A_1292, %add3A_1293 : i32
      %get3A_1295 = arith.constant 1 : i32
      %get3A_1296 = arith.index_cast %get3A_1295 : i32 to index
      %get3A_1297 = arith.index_cast %add3A_1294 : i32 to index
      %get3A_1298 = tpu.vector_load %arg9[%get3A_1296, %get3A_1297] {strides = array<i32>} : memref<2x2048xi32, #tpu.memory_space<vmem>>, vector<16xi32>,
      %get3A_1299 = arith.constant 1 : i32
      %get3A_1300 = arith.index_cast %get3A_1299 : i32 to index
      %get3A_1301 = arith.index_cast %add3A_1294 : i32 to index
      %get3A_1302 = tpu.vector_load %arg10[%get3A_1300, %get3A_1301] {strides = array<i32>} : memref<2x2048xi32, #tpu.memory_space<vmem>>, vector<16xi32>,
      %gather3A_1303 = tpu.vector_load_idx %arg7[%get3A_1298] : memref<100000xf32, #tpu.memory_space<vmem>>[vector<16xi32>], vector<16xf32>,
      %gather3A_1304 = tpu.vector_load_idx %arg8[%get3A_1302] : memref<20xf32, #tpu.memory_space<vmem>>[vector<16xi32>], vector<16xf32>,
      %add3A_1305 = arith.addf %gather3A_1303, %gather3A_1304 : vector<16xf32>
      %swap3A_1306 = arith.constant 1 : i32
      %swap3A_1307 = arith.index_cast %swap3A_1306 : i32 to index
      %swap3A_1308 = arith.index_cast %add3A_1294 : i32 to index
      %swap3A_1309 = tpu.vector_load %arg11[%swap3A_1307, %swap3A_1308] {strides = array<i32>} : memref<2x2048xf32, #tpu.memory_space<vmem>>, vector<16xf32>,
      tpu.vector_store %arg11[%swap3A_1307, %swap3A_1308], %add3A_1305 {strides = array<i32>} : memref<2x2048xf32, #tpu.memory_space<vmem>>, vector<16xf32>,
    }
    %scan3A_939 = arith.constant 64 : i32
    %dma_wait3A_940 = arith.constant 1 : i32
    %dma_wait3A_941 = arith.constant 0 : i32
    %dma_wait3A_942 = tpu.memref_slice %arg11[%dma_wait3A_940, %dma_wait3A_941] : memref<2x2048xf32, #tpu.memory_space<vmem>> -> memref<1x2048xf32, #tpu.memory_space<vmem>>
    %dma_wait3A_943 = tpu.memref_squeeze %dma_wait3A_942 : memref<1x2048xf32, #tpu.memory_space<vmem>> -> memref<2048xf32, #tpu.memory_space<vmem>>
    %dma_wait3A_944 = arith.constant 2048 : i32
    %dma_wait3A_945 = tpu.memref_slice %arg6[%add3A_653, %dma_wait3A_944] : memref<64x16384xf32, #tpu.memory_space<hbm>> -> memref<1x2048xf32, #tpu.memory_space<hbm>>
    %dma_wait3A_946 = tpu.memref_squeeze %dma_wait3A_945 : memref<1x2048xf32, #tpu.memory_space<hbm>> -> memref<2048xf32, #tpu.memory_space<hbm>>
    %dma_wait3A_947 = arith.constant 2048 : i32
    %dma_wait3A_948 = tpu.memref_slice %arg6[%add3A_653, %dma_wait3A_947] : memref<64x16384xf32, #tpu.memory_space<hbm>> -> memref<1x2048xf32, #tpu.memory_space<hbm>>
    %dma_wait3A_949 = tpu.memref_squeeze %dma_wait3A_948 : memref<1x2048xf32, #tpu.memory_space<hbm>> -> memref<2048xf32, #tpu.memory_space<hbm>>
    %dma_wait3A_950 = arith.constant 0 : i32
    %dma_wait3A_951 = tpu.memref_slice %arg11[%dma_wait3A_940, %dma_wait3A_950] : memref<2x2048xf32, #tpu.memory_space<vmem>> -> memref<1x2048xf32, #tpu.memory_space<vmem>>
    %dma_wait3A_952 = tpu.memref_squeeze %dma_wait3A_951 : memref<1x2048xf32, #tpu.memory_space<vmem>> -> memref<2048xf32, #tpu.memory_space<vmem>>
    tpu.wait_dma2 semaphore(%arg15 : memref<!tpu.dma_semaphore, #tpu.memory_space<semaphore_mem>>) src(%dma_wait3A_952 : memref<2048xf32, #tpu.memory_space<vmem>>) dst(%dma_wait3A_949 : memref<2048xf32, #tpu.memory_space<hbm>>)
    %dma_start3A_953 = arith.constant 1 : i32
    %dma_start3A_954 = arith.constant 0 : i32
    %dma_start3A_955 = tpu.memref_slice %arg11[%dma_start3A_953, %dma_start3A_954] : memref<2x2048xf32, #tpu.memory_space<vmem>> -> memref<1x2048xf32, #tpu.memory_space<vmem>>
    %dma_start3A_956 = tpu.memref_squeeze %dma_start3A_955 : memref<1x2048xf32, #tpu.memory_space<vmem>> -> memref<2048xf32, #tpu.memory_space<vmem>>
    %dma_start3A_957 = arith.constant 6144 : i32
    %dma_start3A_958 = tpu.memref_slice %arg6[%add3A_653, %dma_start3A_957] : memref<64x16384xf32, #tpu.memory_space<hbm>> -> memref<1x2048xf32, #tpu.memory_space<hbm>>
    %dma_start3A_959 = tpu.memref_squeeze %dma_start3A_958 : memref<1x2048xf32, #tpu.memory_space<hbm>> -> memref<2048xf32, #tpu.memory_space<hbm>>
    %dma_start3A_960 = arith.constant 6144 : i32
    %dma_start3A_961 = tpu.memref_slice %arg6[%add3A_653, %dma_start3A_960] : memref<64x16384xf32, #tpu.memory_space<hbm>> -> memref<1x2048xf32, #tpu.memory_space<hbm>>
    %dma_start3A_962 = tpu.memref_squeeze %dma_start3A_961 : memref<1x2048xf32, #tpu.memory_space<hbm>> -> memref<2048xf32, #tpu.memory_space<hbm>>
    %dma_start3A_963 = arith.constant 0 : i32
    %dma_start3A_964 = tpu.memref_slice %arg11[%dma_start3A_953, %dma_start3A_963] : memref<2x2048xf32, #tpu.memory_space<vmem>> -> memref<1x2048xf32, #tpu.memory_space<vmem>>
    %dma_start3A_965 = tpu.memref_squeeze %dma_start3A_964 : memref<1x2048xf32, #tpu.memory_space<vmem>> -> memref<2048xf32, #tpu.memory_space<vmem>>
    tpu.enqueue_dma source(%dma_start3A_965 : memref<2048xf32, #tpu.memory_space<vmem>>) target(%dma_start3A_962 : memref<2048xf32, #tpu.memory_space<hbm>>) target_semaphore(%arg15 : memref<!tpu.dma_semaphore, #tpu.memory_space<semaphore_mem>>)
    %dma_start3A_966 = arith.constant 1 : i32
    %dma_start3A_967 = arith.constant 0 : i32
    %dma_start3A_968 = tpu.memref_slice %arg9[%dma_start3A_966, %dma_start3A_967] : memref<2x2048xi32, #tpu.memory_space<vmem>> -> memref<1x2048xi32, #tpu.memory_space<vmem>>
    %dma_start3A_969 = tpu.memref_squeeze %dma_start3A_968 : memref<1x2048xi32, #tpu.memory_space<vmem>> -> memref<2048xi32, #tpu.memory_space<vmem>>
    %dma_start3A_970 = arith.constant 10240 : i32
    %dma_start3A_971 = tpu.memref_slice %arg2[%dma_start3A_970] : memref<16384xi32, #tpu.memory_space<hbm>> -> memref<2048xi32, #tpu.memory_space<hbm>>
    %dma_start3A_972 = arith.constant 0 : i32
    %dma_start3A_973 = tpu.memref_slice %arg9[%dma_start3A_966, %dma_start3A_972] : memref<2x2048xi32, #tpu.memory_space<vmem>> -> memref<1x2048xi32, #tpu.memory_space<vmem>>
    %dma_start3A_974 = tpu.memref_squeeze %dma_start3A_973 : memref<1x2048xi32, #tpu.memory_space<vmem>> -> memref<2048xi32, #tpu.memory_space<vmem>>
    %dma_start3A_975 = arith.constant 10240 : i32
    %dma_start3A_976 = tpu.memref_slice %arg2[%dma_start3A_975] : memref<16384xi32, #tpu.memory_space<hbm>> -> memref<2048xi32, #tpu.memory_space<hbm>>
    tpu.enqueue_dma source(%dma_start3A_976 : memref<2048xi32, #tpu.memory_space<hbm>>) target(%dma_start3A_974 : memref<2048xi32, #tpu.memory_space<vmem>>) target_semaphore(%arg13 : memref<!tpu.dma_semaphore, #tpu.memory_space<semaphore_mem>>)
    %dma_start3A_977 = arith.constant 1 : i32
    %dma_start3A_978 = arith.constant 0 : i32
    %dma_start3A_979 = tpu.memref_slice %arg10[%dma_start3A_977, %dma_start3A_978] : memref<2x2048xi32, #tpu.memory_space<vmem>> -> memref<1x2048xi32, #tpu.memory_space<vmem>>
    %dma_start3A_980 = tpu.memref_squeeze %dma_start3A_979 : memref<1x2048xi32, #tpu.memory_space<vmem>> -> memref<2048xi32, #tpu.memory_space<vmem>>
    %dma_start3A_981 = arith.constant 10240 : i32
    %dma_start3A_982 = tpu.memref_slice %arg3[%dma_start3A_981] : memref<16384xi32, #tpu.memory_space<hbm>> -> memref<2048xi32, #tpu.memory_space<hbm>>
    %dma_start3A_983 = arith.constant 0 : i32
    %dma_start3A_984 = tpu.memref_slice %arg10[%dma_start3A_977, %dma_start3A_983] : memref<2x2048xi32, #tpu.memory_space<vmem>> -> memref<1x2048xi32, #tpu.memory_space<vmem>>
    %dma_start3A_985 = tpu.memref_squeeze %dma_start3A_984 : memref<1x2048xi32, #tpu.memory_space<vmem>> -> memref<2048xi32, #tpu.memory_space<vmem>>
    %dma_start3A_986 = arith.constant 10240 : i32
    %dma_start3A_987 = tpu.memref_slice %arg3[%dma_start3A_986] : memref<16384xi32, #tpu.memory_space<hbm>> -> memref<2048xi32, #tpu.memory_space<hbm>>
    tpu.enqueue_dma source(%dma_start3A_987 : memref<2048xi32, #tpu.memory_space<hbm>>) target(%dma_start3A_985 : memref<2048xi32, #tpu.memory_space<vmem>>) target_semaphore(%arg13 : memref<!tpu.dma_semaphore, #tpu.memory_space<semaphore_mem>>)
    %dma_wait3A_988 = arith.constant 0 : i32
    %dma_wait3A_989 = arith.constant 0 : i32
    %dma_wait3A_990 = tpu.memref_slice %arg9[%dma_wait3A_988, %dma_wait3A_989] : memref<2x2048xi32, #tpu.memory_space<vmem>> -> memref<1x2048xi32, #tpu.memory_space<vmem>>
    %dma_wait3A_991 = tpu.memref_squeeze %dma_wait3A_990 : memref<1x2048xi32, #tpu.memory_space<vmem>> -> memref<2048xi32, #tpu.memory_space<vmem>>
    %dma_wait3A_992 = arith.constant 0 : i32
    %dma_wait3A_993 = tpu.memref_slice %arg2[%dma_wait3A_992] : memref<16384xi32, #tpu.memory_space<hbm>> -> memref<2048xi32, #tpu.memory_space<hbm>>
    %dma_wait3A_994 = arith.constant 0 : i32
    %dma_wait3A_995 = tpu.memref_slice %arg9[%dma_wait3A_988, %dma_wait3A_994] : memref<2x2048xi32, #tpu.memory_space<vmem>> -> memref<1x2048xi32, #tpu.memory_space<vmem>>
    %dma_wait3A_996 = tpu.memref_squeeze %dma_wait3A_995 : memref<1x2048xi32, #tpu.memory_space<vmem>> -> memref<2048xi32, #tpu.memory_space<vmem>>
    %dma_wait3A_997 = arith.constant 0 : i32
    %dma_wait3A_998 = tpu.memref_slice %arg2[%dma_wait3A_997] : memref<16384xi32, #tpu.memory_space<hbm>> -> memref<2048xi32, #tpu.memory_space<hbm>>
    tpu.wait_dma2 semaphore(%arg12 : memref<!tpu.dma_semaphore, #tpu.memory_space<semaphore_mem>>) src(%dma_wait3A_998 : memref<2048xi32, #tpu.memory_space<hbm>>) dst(%dma_wait3A_996 : memref<2048xi32, #tpu.memory_space<vmem>>)
    %dma_wait3A_999 = arith.constant 0 : i32
    %dma_wait3A_1000 = arith.constant 0 : i32
    %dma_wait3A_1001 = tpu.memref_slice %arg10[%dma_wait3A_999, %dma_wait3A_1000] : memref<2x2048xi32, #tpu.memory_space<vmem>> -> memref<1x2048xi32, #tpu.memory_space<vmem>>
    %dma_wait3A_1002 = tpu.memref_squeeze %dma_wait3A_1001 : memref<1x2048xi32, #tpu.memory_space<vmem>> -> memref<2048xi32, #tpu.memory_space<vmem>>
    %dma_wait3A_1003 = arith.constant 0 : i32
    %dma_wait3A_1004 = tpu.memref_slice %arg3[%dma_wait3A_1003] : memref<16384xi32, #tpu.memory_space<hbm>> -> memref<2048xi32, #tpu.memory_space<hbm>>
    %dma_wait3A_1005 = arith.constant 0 : i32
    %dma_wait3A_1006 = tpu.memref_slice %arg10[%dma_wait3A_999, %dma_wait3A_1005] : memref<2x2048xi32, #tpu.memory_space<vmem>> -> memref<1x2048xi32, #tpu.memory_space<vmem>>
    %dma_wait3A_1007 = tpu.memref_squeeze %dma_wait3A_1006 : memref<1x2048xi32, #tpu.memory_space<vmem>> -> memref<2048xi32, #tpu.memory_space<vmem>>
    %dma_wait3A_1008 = arith.constant 0 : i32
    %dma_wait3A_1009 = tpu.memref_slice %arg3[%dma_wait3A_1008] : memref<16384xi32, #tpu.memory_space<hbm>> -> memref<2048xi32, #tpu.memory_space<hbm>>
    tpu.wait_dma2 semaphore(%arg12 : memref<!tpu.dma_semaphore, #tpu.memory_space<semaphore_mem>>) src(%dma_wait3A_1009 : memref<2048xi32, #tpu.memory_space<hbm>>) dst(%dma_wait3A_1007 : memref<2048xi32, #tpu.memory_space<vmem>>)
    %scan3A_1010 = arith.constant 0 : i32
    %scan3A_1011 = arith.constant 0 : i32
    %scan3A_1012 = arith.constant 64 : i32
    %scan3A_1013 = arith.addi %scan3A_1011, %scan3A_1012 : i32
    %scan3A_1014 = arith.constant 1 : i32
    scf.for %scan3A_1274 = %scan3A_1011 to %scan3A_1013 step %scan3A_1014  : i32 {
      %mul3A_1275 = arith.constant 32 : i32
      %mul3A_1276 = arith.muli %scan3A_1274, %mul3A_1275 : i32
      %add3A_1277 = arith.constant 0 : i32
      %add3A_1278 = arith.addi %mul3A_1276, %add3A_1277 : i32
      %get3A = arith.constant 0 : i32
      %get3A_1279 = arith.index_cast %get3A : i32 to index
      %get3A_1280 = arith.index_cast %add3A_1278 : i32 to index
      %get3A_1281 = tpu.vector_load %arg9[%get3A_1279, %get3A_1280] {strides = array<i32>} : memref<2x2048xi32, #tpu.memory_space<vmem>>, vector<16xi32>,
      %get3A_1282 = arith.constant 0 : i32
      %get3A_1283 = arith.index_cast %get3A_1282 : i32 to index
      %get3A_1284 = arith.index_cast %add3A_1278 : i32 to index
      %get3A_1285 = tpu.vector_load %arg10[%get3A_1283, %get3A_1284] {strides = array<i32>} : memref<2x2048xi32, #tpu.memory_space<vmem>>, vector<16xi32>,
      %gather3A = tpu.vector_load_idx %arg7[%get3A_1281] : memref<100000xf32, #tpu.memory_space<vmem>>[vector<16xi32>], vector<16xf32>,
      %gather3A_1286 = tpu.vector_load_idx %arg8[%get3A_1285] : memref<20xf32, #tpu.memory_space<vmem>>[vector<16xi32>], vector<16xf32>,
      %add3A_1287 = arith.addf %gather3A, %gather3A_1286 : vector<16xf32>
      %swap3A = arith.constant 0 : i32
      %swap3A_1288 = arith.index_cast %swap3A : i32 to index
      %swap3A_1289 = arith.index_cast %add3A_1278 : i32 to index
      %swap3A_1290 = tpu.vector_load %arg11[%swap3A_1288, %swap3A_1289] {strides = array<i32>} : memref<2x2048xf32, #tpu.memory_space<vmem>>, vector<16xf32>,
      tpu.vector_store %arg11[%swap3A_1288, %swap3A_1289], %add3A_1287 {strides = array<i32>} : memref<2x2048xf32, #tpu.memory_space<vmem>>, vector<16xf32>,
      %mul3A_1291 = arith.constant 32 : i32
      %mul3A_1292 = arith.muli %scan3A_1274, %mul3A_1291 : i32
      %add3A_1293 = arith.constant 16 : i32
      %add3A_1294 = arith.addi %mul3A_1292, %add3A_1293 : i32
      %get3A_1295 = arith.constant 0 : i32
      %get3A_1296 = arith.index_cast %get3A_1295 : i32 to index
      %get3A_1297 = arith.index_cast %add3A_1294 : i32 to index
      %get3A_1298 = tpu.vector_load %arg9[%get3A_1296, %get3A_1297] {strides = array<i32>} : memref<2x2048xi32, #tpu.memory_space<vmem>>, vector<16xi32>,
      %get3A_1299 = arith.constant 0 : i32
      %get3A_1300 = arith.index_cast %get3A_1299 : i32 to index
      %get3A_1301 = arith.index_cast %add3A_1294 : i32 to index
      %get3A_1302 = tpu.vector_load %arg10[%get3A_1300, %get3A_1301] {strides = array<i32>} : memref<2x2048xi32, #tpu.memory_space<vmem>>, vector<16xi32>,
      %gather3A_1303 = tpu.vector_load_idx %arg7[%get3A_1298] : memref<100000xf32, #tpu.memory_space<vmem>>[vector<16xi32>], vector<16xf32>,
      %gather3A_1304 = tpu.vector_load_idx %arg8[%get3A_1302] : memref<20xf32, #tpu.memory_space<vmem>>[vector<16xi32>], vector<16xf32>,
      %add3A_1305 = arith.addf %gather3A_1303, %gather3A_1304 : vector<16xf32>
      %swap3A_1306 = arith.constant 0 : i32
      %swap3A_1307 = arith.index_cast %swap3A_1306 : i32 to index
      %swap3A_1308 = arith.index_cast %add3A_1294 : i32 to index
      %swap3A_1309 = tpu.vector_load %arg11[%swap3A_1307, %swap3A_1308] {strides = array<i32>} : memref<2x2048xf32, #tpu.memory_space<vmem>>, vector<16xf32>,
      tpu.vector_store %arg11[%swap3A_1307, %swap3A_1308], %add3A_1305 {strides = array<i32>} : memref<2x2048xf32, #tpu.memory_space<vmem>>, vector<16xf32>,
    }
    %scan3A_1015 = arith.constant 64 : i32
    %dma_wait3A_1016 = arith.constant 0 : i32
    %dma_wait3A_1017 = arith.constant 0 : i32
    %dma_wait3A_1018 = tpu.memref_slice %arg11[%dma_wait3A_1016, %dma_wait3A_1017] : memref<2x2048xf32, #tpu.memory_space<vmem>> -> memref<1x2048xf32, #tpu.memory_space<vmem>>
    %dma_wait3A_1019 = tpu.memref_squeeze %dma_wait3A_1018 : memref<1x2048xf32, #tpu.memory_space<vmem>> -> memref<2048xf32, #tpu.memory_space<vmem>>
    %dma_wait3A_1020 = arith.constant 4096 : i32
    %dma_wait3A_1021 = tpu.memref_slice %arg6[%add3A_653, %dma_wait3A_1020] : memref<64x16384xf32, #tpu.memory_space<hbm>> -> memref<1x2048xf32, #tpu.memory_space<hbm>>
    %dma_wait3A_1022 = tpu.memref_squeeze %dma_wait3A_1021 : memref<1x2048xf32, #tpu.memory_space<hbm>> -> memref<2048xf32, #tpu.memory_space<hbm>>
    %dma_wait3A_1023 = arith.constant 4096 : i32
    %dma_wait3A_1024 = tpu.memref_slice %arg6[%add3A_653, %dma_wait3A_1023] : memref<64x16384xf32, #tpu.memory_space<hbm>> -> memref<1x2048xf32, #tpu.memory_space<hbm>>
    %dma_wait3A_1025 = tpu.memref_squeeze %dma_wait3A_1024 : memref<1x2048xf32, #tpu.memory_space<hbm>> -> memref<2048xf32, #tpu.memory_space<hbm>>
    %dma_wait3A_1026 = arith.constant 0 : i32
    %dma_wait3A_1027 = tpu.memref_slice %arg11[%dma_wait3A_1016, %dma_wait3A_1026] : memref<2x2048xf32, #tpu.memory_space<vmem>> -> memref<1x2048xf32, #tpu.memory_space<vmem>>
    %dma_wait3A_1028 = tpu.memref_squeeze %dma_wait3A_1027 : memref<1x2048xf32, #tpu.memory_space<vmem>> -> memref<2048xf32, #tpu.memory_space<vmem>>
    tpu.wait_dma2 semaphore(%arg15 : memref<!tpu.dma_semaphore, #tpu.memory_space<semaphore_mem>>) src(%dma_wait3A_1028 : memref<2048xf32, #tpu.memory_space<vmem>>) dst(%dma_wait3A_1025 : memref<2048xf32, #tpu.memory_space<hbm>>)
    %dma_start3A_1029 = arith.constant 0 : i32
    %dma_start3A_1030 = arith.constant 0 : i32
    %dma_start3A_1031 = tpu.memref_slice %arg11[%dma_start3A_1029, %dma_start3A_1030] : memref<2x2048xf32, #tpu.memory_space<vmem>> -> memref<1x2048xf32, #tpu.memory_space<vmem>>
    %dma_start3A_1032 = tpu.memref_squeeze %dma_start3A_1031 : memref<1x2048xf32, #tpu.memory_space<vmem>> -> memref<2048xf32, #tpu.memory_space<vmem>>
    %dma_start3A_1033 = arith.constant 8192 : i32
    %dma_start3A_1034 = tpu.memref_slice %arg6[%add3A_653, %dma_start3A_1033] : memref<64x16384xf32, #tpu.memory_space<hbm>> -> memref<1x2048xf32, #tpu.memory_space<hbm>>
    %dma_start3A_1035 = tpu.memref_squeeze %dma_start3A_1034 : memref<1x2048xf32, #tpu.memory_space<hbm>> -> memref<2048xf32, #tpu.memory_space<hbm>>
    %dma_start3A_1036 = arith.constant 8192 : i32
    %dma_start3A_1037 = tpu.memref_slice %arg6[%add3A_653, %dma_start3A_1036] : memref<64x16384xf32, #tpu.memory_space<hbm>> -> memref<1x2048xf32, #tpu.memory_space<hbm>>
    %dma_start3A_1038 = tpu.memref_squeeze %dma_start3A_1037 : memref<1x2048xf32, #tpu.memory_space<hbm>> -> memref<2048xf32, #tpu.memory_space<hbm>>
    %dma_start3A_1039 = arith.constant 0 : i32
    %dma_start3A_1040 = tpu.memref_slice %arg11[%dma_start3A_1029, %dma_start3A_1039] : memref<2x2048xf32, #tpu.memory_space<vmem>> -> memref<1x2048xf32, #tpu.memory_space<vmem>>
    %dma_start3A_1041 = tpu.memref_squeeze %dma_start3A_1040 : memref<1x2048xf32, #tpu.memory_space<vmem>> -> memref<2048xf32, #tpu.memory_space<vmem>>
    tpu.enqueue_dma source(%dma_start3A_1041 : memref<2048xf32, #tpu.memory_space<vmem>>) target(%dma_start3A_1038 : memref<2048xf32, #tpu.memory_space<hbm>>) target_semaphore(%arg15 : memref<!tpu.dma_semaphore, #tpu.memory_space<semaphore_mem>>)
    %dma_start3A_1042 = arith.constant 0 : i32
    %dma_start3A_1043 = arith.constant 0 : i32
    %dma_start3A_1044 = tpu.memref_slice %arg9[%dma_start3A_1042, %dma_start3A_1043] : memref<2x2048xi32, #tpu.memory_space<vmem>> -> memref<1x2048xi32, #tpu.memory_space<vmem>>
    %dma_start3A_1045 = tpu.memref_squeeze %dma_start3A_1044 : memref<1x2048xi32, #tpu.memory_space<vmem>> -> memref<2048xi32, #tpu.memory_space<vmem>>
    %dma_start3A_1046 = arith.constant 12288 : i32
    %dma_start3A_1047 = tpu.memref_slice %arg2[%dma_start3A_1046] : memref<16384xi32, #tpu.memory_space<hbm>> -> memref<2048xi32, #tpu.memory_space<hbm>>
    %dma_start3A_1048 = arith.constant 0 : i32
    %dma_start3A_1049 = tpu.memref_slice %arg9[%dma_start3A_1042, %dma_start3A_1048] : memref<2x2048xi32, #tpu.memory_space<vmem>> -> memref<1x2048xi32, #tpu.memory_space<vmem>>
    %dma_start3A_1050 = tpu.memref_squeeze %dma_start3A_1049 : memref<1x2048xi32, #tpu.memory_space<vmem>> -> memref<2048xi32, #tpu.memory_space<vmem>>
    %dma_start3A_1051 = arith.constant 12288 : i32
    %dma_start3A_1052 = tpu.memref_slice %arg2[%dma_start3A_1051] : memref<16384xi32, #tpu.memory_space<hbm>> -> memref<2048xi32, #tpu.memory_space<hbm>>
    tpu.enqueue_dma source(%dma_start3A_1052 : memref<2048xi32, #tpu.memory_space<hbm>>) target(%dma_start3A_1050 : memref<2048xi32, #tpu.memory_space<vmem>>) target_semaphore(%arg12 : memref<!tpu.dma_semaphore, #tpu.memory_space<semaphore_mem>>)
    %dma_start3A_1053 = arith.constant 0 : i32
    %dma_start3A_1054 = arith.constant 0 : i32
    %dma_start3A_1055 = tpu.memref_slice %arg10[%dma_start3A_1053, %dma_start3A_1054] : memref<2x2048xi32, #tpu.memory_space<vmem>> -> memref<1x2048xi32, #tpu.memory_space<vmem>>
    %dma_start3A_1056 = tpu.memref_squeeze %dma_start3A_1055 : memref<1x2048xi32, #tpu.memory_space<vmem>> -> memref<2048xi32, #tpu.memory_space<vmem>>
    %dma_start3A_1057 = arith.constant 12288 : i32
    %dma_start3A_1058 = tpu.memref_slice %arg3[%dma_start3A_1057] : memref<16384xi32, #tpu.memory_space<hbm>> -> memref<2048xi32, #tpu.memory_space<hbm>>
    %dma_start3A_1059 = arith.constant 0 : i32
    %dma_start3A_1060 = tpu.memref_slice %arg10[%dma_start3A_1053, %dma_start3A_1059] : memref<2x2048xi32, #tpu.memory_space<vmem>> -> memref<1x2048xi32, #tpu.memory_space<vmem>>
    %dma_start3A_1061 = tpu.memref_squeeze %dma_start3A_1060 : memref<1x2048xi32, #tpu.memory_space<vmem>> -> memref<2048xi32, #tpu.memory_space<vmem>>
    %dma_start3A_1062 = arith.constant 12288 : i32
    %dma_start3A_1063 = tpu.memref_slice %arg3[%dma_start3A_1062] : memref<16384xi32, #tpu.memory_space<hbm>> -> memref<2048xi32, #tpu.memory_space<hbm>>
    tpu.enqueue_dma source(%dma_start3A_1063 : memref<2048xi32, #tpu.memory_space<hbm>>) target(%dma_start3A_1061 : memref<2048xi32, #tpu.memory_space<vmem>>) target_semaphore(%arg12 : memref<!tpu.dma_semaphore, #tpu.memory_space<semaphore_mem>>)
    %dma_wait3A_1064 = arith.constant 1 : i32
    %dma_wait3A_1065 = arith.constant 0 : i32
    %dma_wait3A_1066 = tpu.memref_slice %arg9[%dma_wait3A_1064, %dma_wait3A_1065] : memref<2x2048xi32, #tpu.memory_space<vmem>> -> memref<1x2048xi32, #tpu.memory_space<vmem>>
    %dma_wait3A_1067 = tpu.memref_squeeze %dma_wait3A_1066 : memref<1x2048xi32, #tpu.memory_space<vmem>> -> memref<2048xi32, #tpu.memory_space<vmem>>
    %dma_wait3A_1068 = arith.constant 0 : i32
    %dma_wait3A_1069 = tpu.memref_slice %arg2[%dma_wait3A_1068] : memref<16384xi32, #tpu.memory_space<hbm>> -> memref<2048xi32, #tpu.memory_space<hbm>>
    %dma_wait3A_1070 = arith.constant 0 : i32
    %dma_wait3A_1071 = tpu.memref_slice %arg9[%dma_wait3A_1064, %dma_wait3A_1070] : memref<2x2048xi32, #tpu.memory_space<vmem>> -> memref<1x2048xi32, #tpu.memory_space<vmem>>
    %dma_wait3A_1072 = tpu.memref_squeeze %dma_wait3A_1071 : memref<1x2048xi32, #tpu.memory_space<vmem>> -> memref<2048xi32, #tpu.memory_space<vmem>>
    %dma_wait3A_1073 = arith.constant 0 : i32
    %dma_wait3A_1074 = tpu.memref_slice %arg2[%dma_wait3A_1073] : memref<16384xi32, #tpu.memory_space<hbm>> -> memref<2048xi32, #tpu.memory_space<hbm>>
    tpu.wait_dma2 semaphore(%arg13 : memref<!tpu.dma_semaphore, #tpu.memory_space<semaphore_mem>>) src(%dma_wait3A_1074 : memref<2048xi32, #tpu.memory_space<hbm>>) dst(%dma_wait3A_1072 : memref<2048xi32, #tpu.memory_space<vmem>>)
    %dma_wait3A_1075 = arith.constant 1 : i32
    %dma_wait3A_1076 = arith.constant 0 : i32
    %dma_wait3A_1077 = tpu.memref_slice %arg10[%dma_wait3A_1075, %dma_wait3A_1076] : memref<2x2048xi32, #tpu.memory_space<vmem>> -> memref<1x2048xi32, #tpu.memory_space<vmem>>
    %dma_wait3A_1078 = tpu.memref_squeeze %dma_wait3A_1077 : memref<1x2048xi32, #tpu.memory_space<vmem>> -> memref<2048xi32, #tpu.memory_space<vmem>>
    %dma_wait3A_1079 = arith.constant 0 : i32
    %dma_wait3A_1080 = tpu.memref_slice %arg3[%dma_wait3A_1079] : memref<16384xi32, #tpu.memory_space<hbm>> -> memref<2048xi32, #tpu.memory_space<hbm>>
    %dma_wait3A_1081 = arith.constant 0 : i32
    %dma_wait3A_1082 = tpu.memref_slice %arg10[%dma_wait3A_1075, %dma_wait3A_1081] : memref<2x2048xi32, #tpu.memory_space<vmem>> -> memref<1x2048xi32, #tpu.memory_space<vmem>>
    %dma_wait3A_1083 = tpu.memref_squeeze %dma_wait3A_1082 : memref<1x2048xi32, #tpu.memory_space<vmem>> -> memref<2048xi32, #tpu.memory_space<vmem>>
    %dma_wait3A_1084 = arith.constant 0 : i32
    %dma_wait3A_1085 = tpu.memref_slice %arg3[%dma_wait3A_1084] : memref<16384xi32, #tpu.memory_space<hbm>> -> memref<2048xi32, #tpu.memory_space<hbm>>
    tpu.wait_dma2 semaphore(%arg13 : memref<!tpu.dma_semaphore, #tpu.memory_space<semaphore_mem>>) src(%dma_wait3A_1085 : memref<2048xi32, #tpu.memory_space<hbm>>) dst(%dma_wait3A_1083 : memref<2048xi32, #tpu.memory_space<vmem>>)
    %scan3A_1086 = arith.constant 0 : i32
    %scan3A_1087 = arith.constant 0 : i32
    %scan3A_1088 = arith.constant 64 : i32
    %scan3A_1089 = arith.addi %scan3A_1087, %scan3A_1088 : i32
    %scan3A_1090 = arith.constant 1 : i32
    scf.for %scan3A_1274 = %scan3A_1087 to %scan3A_1089 step %scan3A_1090  : i32 {
      %mul3A_1275 = arith.constant 32 : i32
      %mul3A_1276 = arith.muli %scan3A_1274, %mul3A_1275 : i32
      %add3A_1277 = arith.constant 0 : i32
      %add3A_1278 = arith.addi %mul3A_1276, %add3A_1277 : i32
      %get3A = arith.constant 1 : i32
      %get3A_1279 = arith.index_cast %get3A : i32 to index
      %get3A_1280 = arith.index_cast %add3A_1278 : i32 to index
      %get3A_1281 = tpu.vector_load %arg9[%get3A_1279, %get3A_1280] {strides = array<i32>} : memref<2x2048xi32, #tpu.memory_space<vmem>>, vector<16xi32>,
      %get3A_1282 = arith.constant 1 : i32
      %get3A_1283 = arith.index_cast %get3A_1282 : i32 to index
      %get3A_1284 = arith.index_cast %add3A_1278 : i32 to index
      %get3A_1285 = tpu.vector_load %arg10[%get3A_1283, %get3A_1284] {strides = array<i32>} : memref<2x2048xi32, #tpu.memory_space<vmem>>, vector<16xi32>,
      %gather3A = tpu.vector_load_idx %arg7[%get3A_1281] : memref<100000xf32, #tpu.memory_space<vmem>>[vector<16xi32>], vector<16xf32>,
      %gather3A_1286 = tpu.vector_load_idx %arg8[%get3A_1285] : memref<20xf32, #tpu.memory_space<vmem>>[vector<16xi32>], vector<16xf32>,
      %add3A_1287 = arith.addf %gather3A, %gather3A_1286 : vector<16xf32>
      %swap3A = arith.constant 1 : i32
      %swap3A_1288 = arith.index_cast %swap3A : i32 to index
      %swap3A_1289 = arith.index_cast %add3A_1278 : i32 to index
      %swap3A_1290 = tpu.vector_load %arg11[%swap3A_1288, %swap3A_1289] {strides = array<i32>} : memref<2x2048xf32, #tpu.memory_space<vmem>>, vector<16xf32>,
      tpu.vector_store %arg11[%swap3A_1288, %swap3A_1289], %add3A_1287 {strides = array<i32>} : memref<2x2048xf32, #tpu.memory_space<vmem>>, vector<16xf32>,
      %mul3A_1291 = arith.constant 32 : i32
      %mul3A_1292 = arith.muli %scan3A_1274, %mul3A_1291 : i32
      %add3A_1293 = arith.constant 16 : i32
      %add3A_1294 = arith.addi %mul3A_1292, %add3A_1293 : i32
      %get3A_1295 = arith.constant 1 : i32
      %get3A_1296 = arith.index_cast %get3A_1295 : i32 to index
      %get3A_1297 = arith.index_cast %add3A_1294 : i32 to index
      %get3A_1298 = tpu.vector_load %arg9[%get3A_1296, %get3A_1297] {strides = array<i32>} : memref<2x2048xi32, #tpu.memory_space<vmem>>, vector<16xi32>,
      %get3A_1299 = arith.constant 1 : i32
      %get3A_1300 = arith.index_cast %get3A_1299 : i32 to index
      %get3A_1301 = arith.index_cast %add3A_1294 : i32 to index
      %get3A_1302 = tpu.vector_load %arg10[%get3A_1300, %get3A_1301] {strides = array<i32>} : memref<2x2048xi32, #tpu.memory_space<vmem>>, vector<16xi32>,
      %gather3A_1303 = tpu.vector_load_idx %arg7[%get3A_1298] : memref<100000xf32, #tpu.memory_space<vmem>>[vector<16xi32>], vector<16xf32>,
      %gather3A_1304 = tpu.vector_load_idx %arg8[%get3A_1302] : memref<20xf32, #tpu.memory_space<vmem>>[vector<16xi32>], vector<16xf32>,
      %add3A_1305 = arith.addf %gather3A_1303, %gather3A_1304 : vector<16xf32>
      %swap3A_1306 = arith.constant 1 : i32
      %swap3A_1307 = arith.index_cast %swap3A_1306 : i32 to index
      %swap3A_1308 = arith.index_cast %add3A_1294 : i32 to index
      %swap3A_1309 = tpu.vector_load %arg11[%swap3A_1307, %swap3A_1308] {strides = array<i32>} : memref<2x2048xf32, #tpu.memory_space<vmem>>, vector<16xf32>,
      tpu.vector_store %arg11[%swap3A_1307, %swap3A_1308], %add3A_1305 {strides = array<i32>} : memref<2x2048xf32, #tpu.memory_space<vmem>>, vector<16xf32>,
    }
    %scan3A_1091 = arith.constant 64 : i32
    %dma_wait3A_1092 = arith.constant 1 : i32
    %dma_wait3A_1093 = arith.constant 0 : i32
    %dma_wait3A_1094 = tpu.memref_slice %arg11[%dma_wait3A_1092, %dma_wait3A_1093] : memref<2x2048xf32, #tpu.memory_space<vmem>> -> memref<1x2048xf32, #tpu.memory_space<vmem>>
    %dma_wait3A_1095 = tpu.memref_squeeze %dma_wait3A_1094 : memref<1x2048xf32, #tpu.memory_space<vmem>> -> memref<2048xf32, #tpu.memory_space<vmem>>
    %dma_wait3A_1096 = arith.constant 6144 : i32
    %dma_wait3A_1097 = tpu.memref_slice %arg6[%add3A_653, %dma_wait3A_1096] : memref<64x16384xf32, #tpu.memory_space<hbm>> -> memref<1x2048xf32, #tpu.memory_space<hbm>>
    %dma_wait3A_1098 = tpu.memref_squeeze %dma_wait3A_1097 : memref<1x2048xf32, #tpu.memory_space<hbm>> -> memref<2048xf32, #tpu.memory_space<hbm>>
    %dma_wait3A_1099 = arith.constant 6144 : i32
    %dma_wait3A_1100 = tpu.memref_slice %arg6[%add3A_653, %dma_wait3A_1099] : memref<64x16384xf32, #tpu.memory_space<hbm>> -> memref<1x2048xf32, #tpu.memory_space<hbm>>
    %dma_wait3A_1101 = tpu.memref_squeeze %dma_wait3A_1100 : memref<1x2048xf32, #tpu.memory_space<hbm>> -> memref<2048xf32, #tpu.memory_space<hbm>>
    %dma_wait3A_1102 = arith.constant 0 : i32
    %dma_wait3A_1103 = tpu.memref_slice %arg11[%dma_wait3A_1092, %dma_wait3A_1102] : memref<2x2048xf32, #tpu.memory_space<vmem>> -> memref<1x2048xf32, #tpu.memory_space<vmem>>
    %dma_wait3A_1104 = tpu.memref_squeeze %dma_wait3A_1103 : memref<1x2048xf32, #tpu.memory_space<vmem>> -> memref<2048xf32, #tpu.memory_space<vmem>>
    tpu.wait_dma2 semaphore(%arg15 : memref<!tpu.dma_semaphore, #tpu.memory_space<semaphore_mem>>) src(%dma_wait3A_1104 : memref<2048xf32, #tpu.memory_space<vmem>>) dst(%dma_wait3A_1101 : memref<2048xf32, #tpu.memory_space<hbm>>)
    %dma_start3A_1105 = arith.constant 1 : i32
    %dma_start3A_1106 = arith.constant 0 : i32
    %dma_start3A_1107 = tpu.memref_slice %arg11[%dma_start3A_1105, %dma_start3A_1106] : memref<2x2048xf32, #tpu.memory_space<vmem>> -> memref<1x2048xf32, #tpu.memory_space<vmem>>
    %dma_start3A_1108 = tpu.memref_squeeze %dma_start3A_1107 : memref<1x2048xf32, #tpu.memory_space<vmem>> -> memref<2048xf32, #tpu.memory_space<vmem>>
    %dma_start3A_1109 = arith.constant 10240 : i32
    %dma_start3A_1110 = tpu.memref_slice %arg6[%add3A_653, %dma_start3A_1109] : memref<64x16384xf32, #tpu.memory_space<hbm>> -> memref<1x2048xf32, #tpu.memory_space<hbm>>
    %dma_start3A_1111 = tpu.memref_squeeze %dma_start3A_1110 : memref<1x2048xf32, #tpu.memory_space<hbm>> -> memref<2048xf32, #tpu.memory_space<hbm>>
    %dma_start3A_1112 = arith.constant 10240 : i32
    %dma_start3A_1113 = tpu.memref_slice %arg6[%add3A_653, %dma_start3A_1112] : memref<64x16384xf32, #tpu.memory_space<hbm>> -> memref<1x2048xf32, #tpu.memory_space<hbm>>
    %dma_start3A_1114 = tpu.memref_squeeze %dma_start3A_1113 : memref<1x2048xf32, #tpu.memory_space<hbm>> -> memref<2048xf32, #tpu.memory_space<hbm>>
    %dma_start3A_1115 = arith.constant 0 : i32
    %dma_start3A_1116 = tpu.memref_slice %arg11[%dma_start3A_1105, %dma_start3A_1115] : memref<2x2048xf32, #tpu.memory_space<vmem>> -> memref<1x2048xf32, #tpu.memory_space<vmem>>
    %dma_start3A_1117 = tpu.memref_squeeze %dma_start3A_1116 : memref<1x2048xf32, #tpu.memory_space<vmem>> -> memref<2048xf32, #tpu.memory_space<vmem>>
    tpu.enqueue_dma source(%dma_start3A_1117 : memref<2048xf32, #tpu.memory_space<vmem>>) target(%dma_start3A_1114 : memref<2048xf32, #tpu.memory_space<hbm>>) target_semaphore(%arg15 : memref<!tpu.dma_semaphore, #tpu.memory_space<semaphore_mem>>)
    %dma_start3A_1118 = arith.constant 1 : i32
    %dma_start3A_1119 = arith.constant 0 : i32
    %dma_start3A_1120 = tpu.memref_slice %arg9[%dma_start3A_1118, %dma_start3A_1119] : memref<2x2048xi32, #tpu.memory_space<vmem>> -> memref<1x2048xi32, #tpu.memory_space<vmem>>
    %dma_start3A_1121 = tpu.memref_squeeze %dma_start3A_1120 : memref<1x2048xi32, #tpu.memory_space<vmem>> -> memref<2048xi32, #tpu.memory_space<vmem>>
    %dma_start3A_1122 = arith.constant 14336 : i32
    %dma_start3A_1123 = tpu.memref_slice %arg2[%dma_start3A_1122] : memref<16384xi32, #tpu.memory_space<hbm>> -> memref<2048xi32, #tpu.memory_space<hbm>>
    %dma_start3A_1124 = arith.constant 0 : i32
    %dma_start3A_1125 = tpu.memref_slice %arg9[%dma_start3A_1118, %dma_start3A_1124] : memref<2x2048xi32, #tpu.memory_space<vmem>> -> memref<1x2048xi32, #tpu.memory_space<vmem>>
    %dma_start3A_1126 = tpu.memref_squeeze %dma_start3A_1125 : memref<1x2048xi32, #tpu.memory_space<vmem>> -> memref<2048xi32, #tpu.memory_space<vmem>>
    %dma_start3A_1127 = arith.constant 14336 : i32
    %dma_start3A_1128 = tpu.memref_slice %arg2[%dma_start3A_1127] : memref<16384xi32, #tpu.memory_space<hbm>> -> memref<2048xi32, #tpu.memory_space<hbm>>
    tpu.enqueue_dma source(%dma_start3A_1128 : memref<2048xi32, #tpu.memory_space<hbm>>) target(%dma_start3A_1126 : memref<2048xi32, #tpu.memory_space<vmem>>) target_semaphore(%arg13 : memref<!tpu.dma_semaphore, #tpu.memory_space<semaphore_mem>>)
    %dma_start3A_1129 = arith.constant 1 : i32
    %dma_start3A_1130 = arith.constant 0 : i32
    %dma_start3A_1131 = tpu.memref_slice %arg10[%dma_start3A_1129, %dma_start3A_1130] : memref<2x2048xi32, #tpu.memory_space<vmem>> -> memref<1x2048xi32, #tpu.memory_space<vmem>>
    %dma_start3A_1132 = tpu.memref_squeeze %dma_start3A_1131 : memref<1x2048xi32, #tpu.memory_space<vmem>> -> memref<2048xi32, #tpu.memory_space<vmem>>
    %dma_start3A_1133 = arith.constant 14336 : i32
    %dma_start3A_1134 = tpu.memref_slice %arg3[%dma_start3A_1133] : memref<16384xi32, #tpu.memory_space<hbm>> -> memref<2048xi32, #tpu.memory_space<hbm>>
    %dma_start3A_1135 = arith.constant 0 : i32
    %dma_start3A_1136 = tpu.memref_slice %arg10[%dma_start3A_1129, %dma_start3A_1135] : memref<2x2048xi32, #tpu.memory_space<vmem>> -> memref<1x2048xi32, #tpu.memory_space<vmem>>
    %dma_start3A_1137 = tpu.memref_squeeze %dma_start3A_1136 : memref<1x2048xi32, #tpu.memory_space<vmem>> -> memref<2048xi32, #tpu.memory_space<vmem>>
    %dma_start3A_1138 = arith.constant 14336 : i32
    %dma_start3A_1139 = tpu.memref_slice %arg3[%dma_start3A_1138] : memref<16384xi32, #tpu.memory_space<hbm>> -> memref<2048xi32, #tpu.memory_space<hbm>>
    tpu.enqueue_dma source(%dma_start3A_1139 : memref<2048xi32, #tpu.memory_space<hbm>>) target(%dma_start3A_1137 : memref<2048xi32, #tpu.memory_space<vmem>>) target_semaphore(%arg13 : memref<!tpu.dma_semaphore, #tpu.memory_space<semaphore_mem>>)
    %dma_wait3A_1140 = arith.constant 0 : i32
    %dma_wait3A_1141 = arith.constant 0 : i32
    %dma_wait3A_1142 = tpu.memref_slice %arg9[%dma_wait3A_1140, %dma_wait3A_1141] : memref<2x2048xi32, #tpu.memory_space<vmem>> -> memref<1x2048xi32, #tpu.memory_space<vmem>>
    %dma_wait3A_1143 = tpu.memref_squeeze %dma_wait3A_1142 : memref<1x2048xi32, #tpu.memory_space<vmem>> -> memref<2048xi32, #tpu.memory_space<vmem>>
    %dma_wait3A_1144 = arith.constant 0 : i32
    %dma_wait3A_1145 = tpu.memref_slice %arg2[%dma_wait3A_1144] : memref<16384xi32, #tpu.memory_space<hbm>> -> memref<2048xi32, #tpu.memory_space<hbm>>
    %dma_wait3A_1146 = arith.constant 0 : i32
    %dma_wait3A_1147 = tpu.memref_slice %arg9[%dma_wait3A_1140, %dma_wait3A_1146] : memref<2x2048xi32, #tpu.memory_space<vmem>> -> memref<1x2048xi32, #tpu.memory_space<vmem>>
    %dma_wait3A_1148 = tpu.memref_squeeze %dma_wait3A_1147 : memref<1x2048xi32, #tpu.memory_space<vmem>> -> memref<2048xi32, #tpu.memory_space<vmem>>
    %dma_wait3A_1149 = arith.constant 0 : i32
    %dma_wait3A_1150 = tpu.memref_slice %arg2[%dma_wait3A_1149] : memref<16384xi32, #tpu.memory_space<hbm>> -> memref<2048xi32, #tpu.memory_space<hbm>>
    tpu.wait_dma2 semaphore(%arg12 : memref<!tpu.dma_semaphore, #tpu.memory_space<semaphore_mem>>) src(%dma_wait3A_1150 : memref<2048xi32, #tpu.memory_space<hbm>>) dst(%dma_wait3A_1148 : memref<2048xi32, #tpu.memory_space<vmem>>)
    %dma_wait3A_1151 = arith.constant 0 : i32
    %dma_wait3A_1152 = arith.constant 0 : i32
    %dma_wait3A_1153 = tpu.memref_slice %arg10[%dma_wait3A_1151, %dma_wait3A_1152] : memref<2x2048xi32, #tpu.memory_space<vmem>> -> memref<1x2048xi32, #tpu.memory_space<vmem>>
    %dma_wait3A_1154 = tpu.memref_squeeze %dma_wait3A_1153 : memref<1x2048xi32, #tpu.memory_space<vmem>> -> memref<2048xi32, #tpu.memory_space<vmem>>
    %dma_wait3A_1155 = arith.constant 0 : i32
    %dma_wait3A_1156 = tpu.memref_slice %arg3[%dma_wait3A_1155] : memref<16384xi32, #tpu.memory_space<hbm>> -> memref<2048xi32, #tpu.memory_space<hbm>>
    %dma_wait3A_1157 = arith.constant 0 : i32
    %dma_wait3A_1158 = tpu.memref_slice %arg10[%dma_wait3A_1151, %dma_wait3A_1157] : memref<2x2048xi32, #tpu.memory_space<vmem>> -> memref<1x2048xi32, #tpu.memory_space<vmem>>
    %dma_wait3A_1159 = tpu.memref_squeeze %dma_wait3A_1158 : memref<1x2048xi32, #tpu.memory_space<vmem>> -> memref<2048xi32, #tpu.memory_space<vmem>>
    %dma_wait3A_1160 = arith.constant 0 : i32
    %dma_wait3A_1161 = tpu.memref_slice %arg3[%dma_wait3A_1160] : memref<16384xi32, #tpu.memory_space<hbm>> -> memref<2048xi32, #tpu.memory_space<hbm>>
    tpu.wait_dma2 semaphore(%arg12 : memref<!tpu.dma_semaphore, #tpu.memory_space<semaphore_mem>>) src(%dma_wait3A_1161 : memref<2048xi32, #tpu.memory_space<hbm>>) dst(%dma_wait3A_1159 : memref<2048xi32, #tpu.memory_space<vmem>>)
    %scan3A_1162 = arith.constant 0 : i32
    %scan3A_1163 = arith.constant 0 : i32
    %scan3A_1164 = arith.constant 64 : i32
    %scan3A_1165 = arith.addi %scan3A_1163, %scan3A_1164 : i32
    %scan3A_1166 = arith.constant 1 : i32
    scf.for %scan3A_1274 = %scan3A_1163 to %scan3A_1165 step %scan3A_1166  : i32 {
      %mul3A_1275 = arith.constant 32 : i32
      %mul3A_1276 = arith.muli %scan3A_1274, %mul3A_1275 : i32
      %add3A_1277 = arith.constant 0 : i32
      %add3A_1278 = arith.addi %mul3A_1276, %add3A_1277 : i32
      %get3A = arith.constant 0 : i32
      %get3A_1279 = arith.index_cast %get3A : i32 to index
      %get3A_1280 = arith.index_cast %add3A_1278 : i32 to index
      %get3A_1281 = tpu.vector_load %arg9[%get3A_1279, %get3A_1280] {strides = array<i32>} : memref<2x2048xi32, #tpu.memory_space<vmem>>, vector<16xi32>,
      %get3A_1282 = arith.constant 0 : i32
      %get3A_1283 = arith.index_cast %get3A_1282 : i32 to index
      %get3A_1284 = arith.index_cast %add3A_1278 : i32 to index
      %get3A_1285 = tpu.vector_load %arg10[%get3A_1283, %get3A_1284] {strides = array<i32>} : memref<2x2048xi32, #tpu.memory_space<vmem>>, vector<16xi32>,
      %gather3A = tpu.vector_load_idx %arg7[%get3A_1281] : memref<100000xf32, #tpu.memory_space<vmem>>[vector<16xi32>], vector<16xf32>,
      %gather3A_1286 = tpu.vector_load_idx %arg8[%get3A_1285] : memref<20xf32, #tpu.memory_space<vmem>>[vector<16xi32>], vector<16xf32>,
      %add3A_1287 = arith.addf %gather3A, %gather3A_1286 : vector<16xf32>
      %swap3A = arith.constant 0 : i32
      %swap3A_1288 = arith.index_cast %swap3A : i32 to index
      %swap3A_1289 = arith.index_cast %add3A_1278 : i32 to index
      %swap3A_1290 = tpu.vector_load %arg11[%swap3A_1288, %swap3A_1289] {strides = array<i32>} : memref<2x2048xf32, #tpu.memory_space<vmem>>, vector<16xf32>,
      tpu.vector_store %arg11[%swap3A_1288, %swap3A_1289], %add3A_1287 {strides = array<i32>} : memref<2x2048xf32, #tpu.memory_space<vmem>>, vector<16xf32>,
      %mul3A_1291 = arith.constant 32 : i32
      %mul3A_1292 = arith.muli %scan3A_1274, %mul3A_1291 : i32
      %add3A_1293 = arith.constant 16 : i32
      %add3A_1294 = arith.addi %mul3A_1292, %add3A_1293 : i32
      %get3A_1295 = arith.constant 0 : i32
      %get3A_1296 = arith.index_cast %get3A_1295 : i32 to index
      %get3A_1297 = arith.index_cast %add3A_1294 : i32 to index
      %get3A_1298 = tpu.vector_load %arg9[%get3A_1296, %get3A_1297] {strides = array<i32>} : memref<2x2048xi32, #tpu.memory_space<vmem>>, vector<16xi32>,
      %get3A_1299 = arith.constant 0 : i32
      %get3A_1300 = arith.index_cast %get3A_1299 : i32 to index
      %get3A_1301 = arith.index_cast %add3A_1294 : i32 to index
      %get3A_1302 = tpu.vector_load %arg10[%get3A_1300, %get3A_1301] {strides = array<i32>} : memref<2x2048xi32, #tpu.memory_space<vmem>>, vector<16xi32>,
      %gather3A_1303 = tpu.vector_load_idx %arg7[%get3A_1298] : memref<100000xf32, #tpu.memory_space<vmem>>[vector<16xi32>], vector<16xf32>,
      %gather3A_1304 = tpu.vector_load_idx %arg8[%get3A_1302] : memref<20xf32, #tpu.memory_space<vmem>>[vector<16xi32>], vector<16xf32>,
      %add3A_1305 = arith.addf %gather3A_1303, %gather3A_1304 : vector<16xf32>
      %swap3A_1306 = arith.constant 0 : i32
      %swap3A_1307 = arith.index_cast %swap3A_1306 : i32 to index
      %swap3A_1308 = arith.index_cast %add3A_1294 : i32 to index
      %swap3A_1309 = tpu.vector_load %arg11[%swap3A_1307, %swap3A_1308] {strides = array<i32>} : memref<2x2048xf32, #tpu.memory_space<vmem>>, vector<16xf32>,
      tpu.vector_store %arg11[%swap3A_1307, %swap3A_1308], %add3A_1305 {strides = array<i32>} : memref<2x2048xf32, #tpu.memory_space<vmem>>, vector<16xf32>,
    }
    %scan3A_1167 = arith.constant 64 : i32
    %dma_wait3A_1168 = arith.constant 0 : i32
    %dma_wait3A_1169 = arith.constant 0 : i32
    %dma_wait3A_1170 = tpu.memref_slice %arg11[%dma_wait3A_1168, %dma_wait3A_1169] : memref<2x2048xf32, #tpu.memory_space<vmem>> -> memref<1x2048xf32, #tpu.memory_space<vmem>>
    %dma_wait3A_1171 = tpu.memref_squeeze %dma_wait3A_1170 : memref<1x2048xf32, #tpu.memory_space<vmem>> -> memref<2048xf32, #tpu.memory_space<vmem>>
    %dma_wait3A_1172 = arith.constant 8192 : i32
    %dma_wait3A_1173 = tpu.memref_slice %arg6[%add3A_653, %dma_wait3A_1172] : memref<64x16384xf32, #tpu.memory_space<hbm>> -> memref<1x2048xf32, #tpu.memory_space<hbm>>
    %dma_wait3A_1174 = tpu.memref_squeeze %dma_wait3A_1173 : memref<1x2048xf32, #tpu.memory_space<hbm>> -> memref<2048xf32, #tpu.memory_space<hbm>>
    %dma_wait3A_1175 = arith.constant 8192 : i32
    %dma_wait3A_1176 = tpu.memref_slice %arg6[%add3A_653, %dma_wait3A_1175] : memref<64x16384xf32, #tpu.memory_space<hbm>> -> memref<1x2048xf32, #tpu.memory_space<hbm>>
    %dma_wait3A_1177 = tpu.memref_squeeze %dma_wait3A_1176 : memref<1x2048xf32, #tpu.memory_space<hbm>> -> memref<2048xf32, #tpu.memory_space<hbm>>
    %dma_wait3A_1178 = arith.constant 0 : i32
    %dma_wait3A_1179 = tpu.memref_slice %arg11[%dma_wait3A_1168, %dma_wait3A_1178] : memref<2x2048xf32, #tpu.memory_space<vmem>> -> memref<1x2048xf32, #tpu.memory_space<vmem>>
    %dma_wait3A_1180 = tpu.memref_squeeze %dma_wait3A_1179 : memref<1x2048xf32, #tpu.memory_space<vmem>> -> memref<2048xf32, #tpu.memory_space<vmem>>
    tpu.wait_dma2 semaphore(%arg15 : memref<!tpu.dma_semaphore, #tpu.memory_space<semaphore_mem>>) src(%dma_wait3A_1180 : memref<2048xf32, #tpu.memory_space<vmem>>) dst(%dma_wait3A_1177 : memref<2048xf32, #tpu.memory_space<hbm>>)
    %dma_start3A_1181 = arith.constant 0 : i32
    %dma_start3A_1182 = arith.constant 0 : i32
    %dma_start3A_1183 = tpu.memref_slice %arg11[%dma_start3A_1181, %dma_start3A_1182] : memref<2x2048xf32, #tpu.memory_space<vmem>> -> memref<1x2048xf32, #tpu.memory_space<vmem>>
    %dma_start3A_1184 = tpu.memref_squeeze %dma_start3A_1183 : memref<1x2048xf32, #tpu.memory_space<vmem>> -> memref<2048xf32, #tpu.memory_space<vmem>>
    %dma_start3A_1185 = arith.constant 12288 : i32
    %dma_start3A_1186 = tpu.memref_slice %arg6[%add3A_653, %dma_start3A_1185] : memref<64x16384xf32, #tpu.memory_space<hbm>> -> memref<1x2048xf32, #tpu.memory_space<hbm>>
    %dma_start3A_1187 = tpu.memref_squeeze %dma_start3A_1186 : memref<1x2048xf32, #tpu.memory_space<hbm>> -> memref<2048xf32, #tpu.memory_space<hbm>>
    %dma_start3A_1188 = arith.constant 12288 : i32
    %dma_start3A_1189 = tpu.memref_slice %arg6[%add3A_653, %dma_start3A_1188] : memref<64x16384xf32, #tpu.memory_space<hbm>> -> memref<1x2048xf32, #tpu.memory_space<hbm>>
    %dma_start3A_1190 = tpu.memref_squeeze %dma_start3A_1189 : memref<1x2048xf32, #tpu.memory_space<hbm>> -> memref<2048xf32, #tpu.memory_space<hbm>>
    %dma_start3A_1191 = arith.constant 0 : i32
    %dma_start3A_1192 = tpu.memref_slice %arg11[%dma_start3A_1181, %dma_start3A_1191] : memref<2x2048xf32, #tpu.memory_space<vmem>> -> memref<1x2048xf32, #tpu.memory_space<vmem>>
    %dma_start3A_1193 = tpu.memref_squeeze %dma_start3A_1192 : memref<1x2048xf32, #tpu.memory_space<vmem>> -> memref<2048xf32, #tpu.memory_space<vmem>>
    tpu.enqueue_dma source(%dma_start3A_1193 : memref<2048xf32, #tpu.memory_space<vmem>>) target(%dma_start3A_1190 : memref<2048xf32, #tpu.memory_space<hbm>>) target_semaphore(%arg15 : memref<!tpu.dma_semaphore, #tpu.memory_space<semaphore_mem>>)
    %dma_wait3A_1194 = arith.constant 1 : i32
    %dma_wait3A_1195 = arith.constant 0 : i32
    %dma_wait3A_1196 = tpu.memref_slice %arg9[%dma_wait3A_1194, %dma_wait3A_1195] : memref<2x2048xi32, #tpu.memory_space<vmem>> -> memref<1x2048xi32, #tpu.memory_space<vmem>>
    %dma_wait3A_1197 = tpu.memref_squeeze %dma_wait3A_1196 : memref<1x2048xi32, #tpu.memory_space<vmem>> -> memref<2048xi32, #tpu.memory_space<vmem>>
    %dma_wait3A_1198 = arith.constant 0 : i32
    %dma_wait3A_1199 = tpu.memref_slice %arg2[%dma_wait3A_1198] : memref<16384xi32, #tpu.memory_space<hbm>> -> memref<2048xi32, #tpu.memory_space<hbm>>
    %dma_wait3A_1200 = arith.constant 0 : i32
    %dma_wait3A_1201 = tpu.memref_slice %arg9[%dma_wait3A_1194, %dma_wait3A_1200] : memref<2x2048xi32, #tpu.memory_space<vmem>> -> memref<1x2048xi32, #tpu.memory_space<vmem>>
    %dma_wait3A_1202 = tpu.memref_squeeze %dma_wait3A_1201 : memref<1x2048xi32, #tpu.memory_space<vmem>> -> memref<2048xi32, #tpu.memory_space<vmem>>
    %dma_wait3A_1203 = arith.constant 0 : i32
    %dma_wait3A_1204 = tpu.memref_slice %arg2[%dma_wait3A_1203] : memref<16384xi32, #tpu.memory_space<hbm>> -> memref<2048xi32, #tpu.memory_space<hbm>>
    tpu.wait_dma2 semaphore(%arg13 : memref<!tpu.dma_semaphore, #tpu.memory_space<semaphore_mem>>) src(%dma_wait3A_1204 : memref<2048xi32, #tpu.memory_space<hbm>>) dst(%dma_wait3A_1202 : memref<2048xi32, #tpu.memory_space<vmem>>)
    %dma_wait3A_1205 = arith.constant 1 : i32
    %dma_wait3A_1206 = arith.constant 0 : i32
    %dma_wait3A_1207 = tpu.memref_slice %arg10[%dma_wait3A_1205, %dma_wait3A_1206] : memref<2x2048xi32, #tpu.memory_space<vmem>> -> memref<1x2048xi32, #tpu.memory_space<vmem>>
    %dma_wait3A_1208 = tpu.memref_squeeze %dma_wait3A_1207 : memref<1x2048xi32, #tpu.memory_space<vmem>> -> memref<2048xi32, #tpu.memory_space<vmem>>
    %dma_wait3A_1209 = arith.constant 0 : i32
    %dma_wait3A_1210 = tpu.memref_slice %arg3[%dma_wait3A_1209] : memref<16384xi32, #tpu.memory_space<hbm>> -> memref<2048xi32, #tpu.memory_space<hbm>>
    %dma_wait3A_1211 = arith.constant 0 : i32
    %dma_wait3A_1212 = tpu.memref_slice %arg10[%dma_wait3A_1205, %dma_wait3A_1211] : memref<2x2048xi32, #tpu.memory_space<vmem>> -> memref<1x2048xi32, #tpu.memory_space<vmem>>
    %dma_wait3A_1213 = tpu.memref_squeeze %dma_wait3A_1212 : memref<1x2048xi32, #tpu.memory_space<vmem>> -> memref<2048xi32, #tpu.memory_space<vmem>>
    %dma_wait3A_1214 = arith.constant 0 : i32
    %dma_wait3A_1215 = tpu.memref_slice %arg3[%dma_wait3A_1214] : memref<16384xi32, #tpu.memory_space<hbm>> -> memref<2048xi32, #tpu.memory_space<hbm>>
    tpu.wait_dma2 semaphore(%arg13 : memref<!tpu.dma_semaphore, #tpu.memory_space<semaphore_mem>>) src(%dma_wait3A_1215 : memref<2048xi32, #tpu.memory_space<hbm>>) dst(%dma_wait3A_1213 : memref<2048xi32, #tpu.memory_space<vmem>>)
    %scan3A_1216 = arith.constant 0 : i32
    %scan3A_1217 = arith.constant 0 : i32
    %scan3A_1218 = arith.constant 64 : i32
    %scan3A_1219 = arith.addi %scan3A_1217, %scan3A_1218 : i32
    %scan3A_1220 = arith.constant 1 : i32
    scf.for %scan3A_1274 = %scan3A_1217 to %scan3A_1219 step %scan3A_1220  : i32 {
      %mul3A_1275 = arith.constant 32 : i32
      %mul3A_1276 = arith.muli %scan3A_1274, %mul3A_1275 : i32
      %add3A_1277 = arith.constant 0 : i32
      %add3A_1278 = arith.addi %mul3A_1276, %add3A_1277 : i32
      %get3A = arith.constant 1 : i32
      %get3A_1279 = arith.index_cast %get3A : i32 to index
      %get3A_1280 = arith.index_cast %add3A_1278 : i32 to index
      %get3A_1281 = tpu.vector_load %arg9[%get3A_1279, %get3A_1280] {strides = array<i32>} : memref<2x2048xi32, #tpu.memory_space<vmem>>, vector<16xi32>,
      %get3A_1282 = arith.constant 1 : i32
      %get3A_1283 = arith.index_cast %get3A_1282 : i32 to index
      %get3A_1284 = arith.index_cast %add3A_1278 : i32 to index
      %get3A_1285 = tpu.vector_load %arg10[%get3A_1283, %get3A_1284] {strides = array<i32>} : memref<2x2048xi32, #tpu.memory_space<vmem>>, vector<16xi32>,
      %gather3A = tpu.vector_load_idx %arg7[%get3A_1281] : memref<100000xf32, #tpu.memory_space<vmem>>[vector<16xi32>], vector<16xf32>,
      %gather3A_1286 = tpu.vector_load_idx %arg8[%get3A_1285] : memref<20xf32, #tpu.memory_space<vmem>>[vector<16xi32>], vector<16xf32>,
      %add3A_1287 = arith.addf %gather3A, %gather3A_1286 : vector<16xf32>
      %swap3A = arith.constant 1 : i32
      %swap3A_1288 = arith.index_cast %swap3A : i32 to index
      %swap3A_1289 = arith.index_cast %add3A_1278 : i32 to index
      %swap3A_1290 = tpu.vector_load %arg11[%swap3A_1288, %swap3A_1289] {strides = array<i32>} : memref<2x2048xf32, #tpu.memory_space<vmem>>, vector<16xf32>,
      tpu.vector_store %arg11[%swap3A_1288, %swap3A_1289], %add3A_1287 {strides = array<i32>} : memref<2x2048xf32, #tpu.memory_space<vmem>>, vector<16xf32>,
      %mul3A_1291 = arith.constant 32 : i32
      %mul3A_1292 = arith.muli %scan3A_1274, %mul3A_1291 : i32
      %add3A_1293 = arith.constant 16 : i32
      %add3A_1294 = arith.addi %mul3A_1292, %add3A_1293 : i32
      %get3A_1295 = arith.constant 1 : i32
      %get3A_1296 = arith.index_cast %get3A_1295 : i32 to index
      %get3A_1297 = arith.index_cast %add3A_1294 : i32 to index
      %get3A_1298 = tpu.vector_load %arg9[%get3A_1296, %get3A_1297] {strides = array<i32>} : memref<2x2048xi32, #tpu.memory_space<vmem>>, vector<16xi32>,
      %get3A_1299 = arith.constant 1 : i32
      %get3A_1300 = arith.index_cast %get3A_1299 : i32 to index
      %get3A_1301 = arith.index_cast %add3A_1294 : i32 to index
      %get3A_1302 = tpu.vector_load %arg10[%get3A_1300, %get3A_1301] {strides = array<i32>} : memref<2x2048xi32, #tpu.memory_space<vmem>>, vector<16xi32>,
      %gather3A_1303 = tpu.vector_load_idx %arg7[%get3A_1298] : memref<100000xf32, #tpu.memory_space<vmem>>[vector<16xi32>], vector<16xf32>,
      %gather3A_1304 = tpu.vector_load_idx %arg8[%get3A_1302] : memref<20xf32, #tpu.memory_space<vmem>>[vector<16xi32>], vector<16xf32>,
      %add3A_1305 = arith.addf %gather3A_1303, %gather3A_1304 : vector<16xf32>
      %swap3A_1306 = arith.constant 1 : i32
      %swap3A_1307 = arith.index_cast %swap3A_1306 : i32 to index
      %swap3A_1308 = arith.index_cast %add3A_1294 : i32 to index
      %swap3A_1309 = tpu.vector_load %arg11[%swap3A_1307, %swap3A_1308] {strides = array<i32>} : memref<2x2048xf32, #tpu.memory_space<vmem>>, vector<16xf32>,
      tpu.vector_store %arg11[%swap3A_1307, %swap3A_1308], %add3A_1305 {strides = array<i32>} : memref<2x2048xf32, #tpu.memory_space<vmem>>, vector<16xf32>,
    }
    %scan3A_1221 = arith.constant 64 : i32
    %dma_wait3A_1222 = arith.constant 1 : i32
    %dma_wait3A_1223 = arith.constant 0 : i32
    %dma_wait3A_1224 = tpu.memref_slice %arg11[%dma_wait3A_1222, %dma_wait3A_1223] : memref<2x2048xf32, #tpu.memory_space<vmem>> -> memref<1x2048xf32, #tpu.memory_space<vmem>>
    %dma_wait3A_1225 = tpu.memref_squeeze %dma_wait3A_1224 : memref<1x2048xf32, #tpu.memory_space<vmem>> -> memref<2048xf32, #tpu.memory_space<vmem>>
    %dma_wait3A_1226 = arith.constant 10240 : i32
    %dma_wait3A_1227 = tpu.memref_slice %arg6[%add3A_653, %dma_wait3A_1226] : memref<64x16384xf32, #tpu.memory_space<hbm>> -> memref<1x2048xf32, #tpu.memory_space<hbm>>
    %dma_wait3A_1228 = tpu.memref_squeeze %dma_wait3A_1227 : memref<1x2048xf32, #tpu.memory_space<hbm>> -> memref<2048xf32, #tpu.memory_space<hbm>>
    %dma_wait3A_1229 = arith.constant 10240 : i32
    %dma_wait3A_1230 = tpu.memref_slice %arg6[%add3A_653, %dma_wait3A_1229] : memref<64x16384xf32, #tpu.memory_space<hbm>> -> memref<1x2048xf32, #tpu.memory_space<hbm>>
    %dma_wait3A_1231 = tpu.memref_squeeze %dma_wait3A_1230 : memref<1x2048xf32, #tpu.memory_space<hbm>> -> memref<2048xf32, #tpu.memory_space<hbm>>
    %dma_wait3A_1232 = arith.constant 0 : i32
    %dma_wait3A_1233 = tpu.memref_slice %arg11[%dma_wait3A_1222, %dma_wait3A_1232] : memref<2x2048xf32, #tpu.memory_space<vmem>> -> memref<1x2048xf32, #tpu.memory_space<vmem>>
    %dma_wait3A_1234 = tpu.memref_squeeze %dma_wait3A_1233 : memref<1x2048xf32, #tpu.memory_space<vmem>> -> memref<2048xf32, #tpu.memory_space<vmem>>
    tpu.wait_dma2 semaphore(%arg15 : memref<!tpu.dma_semaphore, #tpu.memory_space<semaphore_mem>>) src(%dma_wait3A_1234 : memref<2048xf32, #tpu.memory_space<vmem>>) dst(%dma_wait3A_1231 : memref<2048xf32, #tpu.memory_space<hbm>>)
    %dma_start3A_1235 = arith.constant 1 : i32
    %dma_start3A_1236 = arith.constant 0 : i32
    %dma_start3A_1237 = tpu.memref_slice %arg11[%dma_start3A_1235, %dma_start3A_1236] : memref<2x2048xf32, #tpu.memory_space<vmem>> -> memref<1x2048xf32, #tpu.memory_space<vmem>>
    %dma_start3A_1238 = tpu.memref_squeeze %dma_start3A_1237 : memref<1x2048xf32, #tpu.memory_space<vmem>> -> memref<2048xf32, #tpu.memory_space<vmem>>
    %dma_start3A_1239 = arith.constant 14336 : i32
    %dma_start3A_1240 = tpu.memref_slice %arg6[%add3A_653, %dma_start3A_1239] : memref<64x16384xf32, #tpu.memory_space<hbm>> -> memref<1x2048xf32, #tpu.memory_space<hbm>>
    %dma_start3A_1241 = tpu.memref_squeeze %dma_start3A_1240 : memref<1x2048xf32, #tpu.memory_space<hbm>> -> memref<2048xf32, #tpu.memory_space<hbm>>
    %dma_start3A_1242 = arith.constant 14336 : i32
    %dma_start3A_1243 = tpu.memref_slice %arg6[%add3A_653, %dma_start3A_1242] : memref<64x16384xf32, #tpu.memory_space<hbm>> -> memref<1x2048xf32, #tpu.memory_space<hbm>>
    %dma_start3A_1244 = tpu.memref_squeeze %dma_start3A_1243 : memref<1x2048xf32, #tpu.memory_space<hbm>> -> memref<2048xf32, #tpu.memory_space<hbm>>
    %dma_start3A_1245 = arith.constant 0 : i32
    %dma_start3A_1246 = tpu.memref_slice %arg11[%dma_start3A_1235, %dma_start3A_1245] : memref<2x2048xf32, #tpu.memory_space<vmem>> -> memref<1x2048xf32, #tpu.memory_space<vmem>>
    %dma_start3A_1247 = tpu.memref_squeeze %dma_start3A_1246 : memref<1x2048xf32, #tpu.memory_space<vmem>> -> memref<2048xf32, #tpu.memory_space<vmem>>
    tpu.enqueue_dma source(%dma_start3A_1247 : memref<2048xf32, #tpu.memory_space<vmem>>) target(%dma_start3A_1244 : memref<2048xf32, #tpu.memory_space<hbm>>) target_semaphore(%arg15 : memref<!tpu.dma_semaphore, #tpu.memory_space<semaphore_mem>>)
    %dma_wait3A_1248 = arith.constant 0 : i32
    %dma_wait3A_1249 = arith.constant 0 : i32
    %dma_wait3A_1250 = tpu.memref_slice %arg11[%dma_wait3A_1248, %dma_wait3A_1249] : memref<2x2048xf32, #tpu.memory_space<vmem>> -> memref<1x2048xf32, #tpu.memory_space<vmem>>
    %dma_wait3A_1251 = tpu.memref_squeeze %dma_wait3A_1250 : memref<1x2048xf32, #tpu.memory_space<vmem>> -> memref<2048xf32, #tpu.memory_space<vmem>>
    %dma_wait3A_1252 = arith.constant 12288 : i32
    %dma_wait3A_1253 = tpu.memref_slice %arg6[%add3A_653, %dma_wait3A_1252] : memref<64x16384xf32, #tpu.memory_space<hbm>> -> memref<1x2048xf32, #tpu.memory_space<hbm>>
    %dma_wait3A_1254 = tpu.memref_squeeze %dma_wait3A_1253 : memref<1x2048xf32, #tpu.memory_space<hbm>> -> memref<2048xf32, #tpu.memory_space<hbm>>
    %dma_wait3A_1255 = arith.constant 12288 : i32
    %dma_wait3A_1256 = tpu.memref_slice %arg6[%add3A_653, %dma_wait3A_1255] : memref<64x16384xf32, #tpu.memory_space<hbm>> -> memref<1x2048xf32, #tpu.memory_space<hbm>>
    %dma_wait3A_1257 = tpu.memref_squeeze %dma_wait3A_1256 : memref<1x2048xf32, #tpu.memory_space<hbm>> -> memref<2048xf32, #tpu.memory_space<hbm>>
    %dma_wait3A_1258 = arith.constant 0 : i32
    %dma_wait3A_1259 = tpu.memref_slice %arg11[%dma_wait3A_1248, %dma_wait3A_1258] : memref<2x2048xf32, #tpu.memory_space<vmem>> -> memref<1x2048xf32, #tpu.memory_space<vmem>>
    %dma_wait3A_1260 = tpu.memref_squeeze %dma_wait3A_1259 : memref<1x2048xf32, #tpu.memory_space<vmem>> -> memref<2048xf32, #tpu.memory_space<vmem>>
    tpu.wait_dma2 semaphore(%arg15 : memref<!tpu.dma_semaphore, #tpu.memory_space<semaphore_mem>>) src(%dma_wait3A_1260 : memref<2048xf32, #tpu.memory_space<vmem>>) dst(%dma_wait3A_1257 : memref<2048xf32, #tpu.memory_space<hbm>>)
    %dma_wait3A_1261 = arith.constant 1 : i32
    %dma_wait3A_1262 = arith.constant 0 : i32
    %dma_wait3A_1263 = tpu.memref_slice %arg11[%dma_wait3A_1261, %dma_wait3A_1262] : memref<2x2048xf32, #tpu.memory_space<vmem>> -> memref<1x2048xf32, #tpu.memory_space<vmem>>
    %dma_wait3A_1264 = tpu.memref_squeeze %dma_wait3A_1263 : memref<1x2048xf32, #tpu.memory_space<vmem>> -> memref<2048xf32, #tpu.memory_space<vmem>>
    %dma_wait3A_1265 = arith.constant 14336 : i32
    %dma_wait3A_1266 = tpu.memref_slice %arg6[%add3A_653, %dma_wait3A_1265] : memref<64x16384xf32, #tpu.memory_space<hbm>> -> memref<1x2048xf32, #tpu.memory_space<hbm>>
    %dma_wait3A_1267 = tpu.memref_squeeze %dma_wait3A_1266 : memref<1x2048xf32, #tpu.memory_space<hbm>> -> memref<2048xf32, #tpu.memory_space<hbm>>
    %dma_wait3A_1268 = arith.constant 14336 : i32
    %dma_wait3A_1269 = tpu.memref_slice %arg6[%add3A_653, %dma_wait3A_1268] : memref<64x16384xf32, #tpu.memory_space<hbm>> -> memref<1x2048xf32, #tpu.memory_space<hbm>>
    %dma_wait3A_1270 = tpu.memref_squeeze %dma_wait3A_1269 : memref<1x2048xf32, #tpu.memory_space<hbm>> -> memref<2048xf32, #tpu.memory_space<hbm>>
    %dma_wait3A_1271 = arith.constant 0 : i32
    %dma_wait3A_1272 = tpu.memref_slice %arg11[%dma_wait3A_1261, %dma_wait3A_1271] : memref<2x2048xf32, #tpu.memory_space<vmem>> -> memref<1x2048xf32, #tpu.memory_space<vmem>>
    %dma_wait3A_1273 = tpu.memref_squeeze %dma_wait3A_1272 : memref<1x2048xf32, #tpu.memory_space<vmem>> -> memref<2048xf32, #tpu.memory_space<vmem>>
    tpu.wait_dma2 semaphore(%arg15 : memref<!tpu.dma_semaphore, #tpu.memory_space<semaphore_mem>>) src(%dma_wait3A_1273 : memref<2048xf32, #tpu.memory_space<vmem>>) dst(%dma_wait3A_1270 : memref<2048xf32, #tpu.memory_space<hbm>>)
    return
  }
}

</mosaic_0001>

<sc_bundles>
// kernel: kernel.3.cloned.1.call-start
scs
__scs_entry_jumppad:
0x0: {  	(pc) =	sbr.rel $0x88, $3  }
0x1: {  	(tag) =	ssettag $0x0;
	lr =	simm.s32 $0x1  }
0x2: {  	[smem:$0x3F9D] =	sst lr;
	_ =	strace $0xD0000000  }
0x3: {  	_ = 	snop  }
0x4: {  	_ = 	snop  }
0x5: {  	_ = 	snop  }
0x6: {  	_ = 	snop  }
0x7: {  	_ = 	snop  }
__scs_overlays_trampoline_lowered:
0x8: {  	[smem:$0x3FAC] =	sst s0  }
0x9: {  	[smem:$0x3FAD] =	sst s1  }
0xa: {  	[smem:$0x3FAE] =	sst s2  }
0xb: {  	[smem:$0x3FAF] =	sst s3  }
0xc: {  	[smem:$0x3FB0] =	sst s4  }
0xd: {  	[smem:$0x3FB1] =	sst s5  }
0xe: {  	[smem:$0x3FB2] =	sst s6  }
0xf: {  	[smem:$0x3FB3] =	sst s7  }
0x10: {  	[smem:$0x3FB4] =	sst s8  }
0x11: {  	[smem:$0x3FB5] =	sst s9;
	s0 =	simm.s32 @!p0 $0x0  }
0x12: {  	s1 =	sld [smem:$0x3F9B];
	s0 =	simm.s32 @p0 $0x1  }
0x13: {  	[smem:$0x3FB6] =	sst s0;
	s0 =	simm.s32 @!p1 $0x0  }
0x14: {  	s2 =	sld [smem:$0x3F9A];
	s0 =	simm.s32 @p1 $0x1  }
0x15: {  	[smem:$0x3FB7] =	sst s0;
	s0 =	simm.s32 @!p2 $0x0  }
0x16: {  	s3 =	sld [smem:$0x3FDB];
	s0 =	simm.s32 @p2 $0x1  }
0x17: {  	s4 =	simm.s32 $0x1BF5;
	[smem:$0x3FB9] =	sst s0  }
0x18: {  	s0 =	sld [smem:$0x3F9C];
	_ =	swait.ge [sflag:s4], $0x0  }
0x19: {  	s7 =	sld [smem:$0x3F9D]  }
0x1a: {  	s8 =	sadd.s32 $0xFFFFE003, lr  }
0x1b: {  	s9 =	sadd.s32 $0xFFFFFEF7, lr;
	s5 =	simm.s32 $0xFFFFFFFF;
	p2 =	slt.u32 s8, $0xFFFFF086  }
0x1c: {  	p1 =	slt.u32 s9, $0xF7A;
	s5 =	simm.s32 @!p2 $0x0  }
0x1d: {  	s5 =	simm.s32 @p1 $0x1;
	p0 =	seq.s32 s7, s2  }
0x1e: {  	s7 =	smul.u32 @!p0 $0xF7A, s2;
	p2 =	seq.s32 @!p0 s5, $0x0  }
0x1f: {  	s9 =	smul.u32 $0xF7A, s1;
	s8 =	simm.s32 @!p0 $0x1BF5;
	p2 =	por !p2, p0  }
0x20: {  	[sflag:s8] =	ssyncset.s32 @!p0 $0xFFFFF086;
	s6 =	sadd.s32 @!p0 s3, s7;
	s7 =	simm.s32 @!p0 $0x108  }
0x21: {  	s3 =	sadd.s32 s3, s9;
	s6 =	sadd.s32 @!p0 $0x88, s6;
	s7 =	simm.s32 @p2 $0x1082  }
0x22: {  	[simem:s7], [sflag:s8] =	dma.local @!p0 [hbm:s6], $0xF7A  }
0x23: {  	s9 =	sor.u32 $0xD0000000, s2;
	s6 =	simm.s32 $0x108;
	_ =	swait.ge @!p0 [sflag:s8], $0x0  }
0x24: {  	s3 =	sadd.s32 $0x88, s3;
	s6 =	simm.s32 @!p1 $0x1082;
	[sflag:s4] =	ssyncset.s32 $0xFFFFF086  }
0x25: {  	[simem:s6], [sflag:s4] =	dma.local [hbm:s3], $0xF7A  }
0x26: {  	[smem:$0x3F9D] =	sst s1;
	(tag) =	ssettag s2;
	_ =	strace s9  }
0x27: {  	s1 =	sld [smem:$0x3FAD]  }
0x28: {  	s2 =	sld [smem:$0x3FAE]  }
0x29: {  	s4 =	sld [smem:$0x3FB0]  }
0x2a: {  	p0 =	seq.s32 s5, $0x0;
	s5 =	sld [smem:$0x3FB1]  }
0x2b: {  	s6 =	sld [smem:$0x3FB2]  }
0x2c: {  	s7 =	sld [smem:$0x3FB3]  }
0x2d: {  	s3 =	simm.s32 $0x108;
	s8 =	sld [smem:$0x3FB4]  }
0x2e: {  	s3 =	simm.s32 @!p0 $0x1082;
	s9 =	sld [smem:$0x3FB5]  }
0x2f: {  	lr =	sadd.s32 s0, s3;
	s0 =	sld [smem:$0x3FAC]  }
0x30: {  	s3 =	sld [smem:$0x3FAF]  }
0x31: {  	[smem:$0x3FB8] =	sst s10  }
0x32: {  	s10 =	sld [smem:$0x3FB6];
	_ =	sdelay $0x3  }
0x33: {  	p0 =	seq.s32 s10, $0x1;
	s10 =	sld [smem:$0x3FB8];
	_ =	sdelay $0x3  }
0x34: {  	[smem:$0x3FB8] =	sst s10  }
0x35: {  	s10 =	sld [smem:$0x3FB7];
	_ =	sdelay $0x3  }
0x36: {  	p1 =	seq.s32 s10, $0x1;
	s10 =	sld [smem:$0x3FB8];
	_ =	sdelay $0x3  }
0x37: {  	[smem:$0x3FB8] =	sst s10  }
0x38: {  	s10 =	sld [smem:$0x3FB9]  }
0x39: {  	_ = 	snop;
	(pc) =	sbr.ind lr, $3  }
0x3a: {  	_ = 	snop  }
0x3b: {  	_ = 	snop  }
0x3c: {  	p2 =	seq.s32 s10, $0x1;
	s10 =	sld [smem:$0x3FB8]  }
0x3d: {  	_ =	shalt  }
0x3e: {  	_ =	shalt  }
0x3f: {  	_ =	shalt  }
0x40: {  	_ =	shalt  }
0x41: {  	_ =	shalt  }
0x42: {  	_ =	shalt  }
0x43: {  	_ =	shalt  }
0x44: {  	_ =	shalt  }
0x45: {  	_ =	shalt  }
0x46: {  	_ =	shalt  }
0x47: {  	_ =	shalt  }
0x48: {  	_ =	shalt  }
0x49: {  	_ =	shalt  }
0x4a: {  	_ =	shalt  }
0x4b: {  	_ =	shalt  }
0x4c: {  	_ =	shalt  }
0x4d: {  	_ =	shalt  }
0x4e: {  	_ =	shalt  }
0x4f: {  	_ =	shalt  }
0x50: {  	_ =	shalt  }
0x51: {  	_ =	shalt  }
0x52: {  	_ =	shalt  }
0x53: {  	_ =	shalt  }
0x54: {  	_ =	shalt  }
0x55: {  	_ =	shalt  }
0x56: {  	_ =	shalt  }
0x57: {  	_ =	shalt  }
0x58: {  	_ =	shalt  }
0x59: {  	_ =	shalt  }
0x5a: {  	_ =	shalt  }
0x5b: {  	_ =	shalt  }
0x5c: {  	_ =	shalt  }
0x5d: {  	_ =	shalt  }
0x5e: {  	_ =	shalt  }
0x5f: {  	_ =	shalt  }
0x60: {  	_ =	shalt  }
0x61: {  	_ =	shalt  }
0x62: {  	_ =	shalt  }
0x63: {  	_ =	shalt  }
0x64: {  	_ =	shalt  }
0x65: {  	_ =	shalt  }
0x66: {  	_ =	shalt  }
0x67: {  	_ =	shalt  }
0x68: {  	_ =	shalt  }
0x69: {  	_ =	shalt  }
0x6a: {  	_ =	shalt  }
0x6b: {  	_ =	shalt  }
0x6c: {  	_ =	shalt  }
0x6d: {  	_ =	shalt  }
0x6e: {  	_ =	shalt  }
0x6f: {  	_ =	shalt  }
0x70: {  	_ =	shalt  }
0x71: {  	_ =	shalt  }
0x72: {  	_ =	shalt  }
0x73: {  	_ =	shalt  }
0x74: {  	_ =	shalt  }
0x75: {  	_ =	shalt  }
0x76: {  	_ =	shalt  }
0x77: {  	_ =	shalt  }
0x78: {  	_ =	shalt  }
0x79: {  	_ =	shalt  }
0x7a: {  	_ =	shalt  }
0x7b: {  	_ =	shalt  }
0x7c: {  	_ =	shalt  }
0x7d: {  	_ =	shalt  }
0x7e: {  	_ =	shalt  }
0x7f: {  	_ =	shalt  }
0x80: {  	_ =	shalt  }
0x81: {  	_ =	shalt  }
0x82: {  	_ =	shalt  }
0x83: {  	_ =	shalt  }
0x84: {  	_ =	shalt  }
0x85: {  	_ =	shalt  }
0x86: {  	_ =	shalt  }
0x87: {  	_ =	shalt  }
.Lfunc_end0:
.L_simem_size_0:
called_computation_lowered:
.L_overlay_start_0:
0x88: {  	s2 =	sld [smem:$0x3FD9]  }
0x89: {  	s3 =	sld [smem:$0x3FFE];
	_ =	sdelay $0x1  }
0x8a: {  	s1 =	srdreg.scid  }
0x8b: {  	s0 =	sand.u32 $0x1, s1  }
0x8c: {  	s17 =	sshll.u32 s0, $0xA;
	s2 =	sadd.s32 s3, s2  }
0x8d: {  	s2 =	sadd.s32 s2, s17  }
0x8e: {  	[smem:$0x3FC4] =	sst s2  }
0x8f: {  	_ = 	snop  }
0x90: {  	s2 =	sld [smem:$0x3FC9]  }
0x91: {  	s18 =	sld [smem:$0x3FC8]  }
0x92: {  	s4 =	sld [smem:$0x3FC7]  }
0x93: {  	s5 =	sld [smem:$0x3FD0];
	(tm) =	ssettm $0x1  }
0x94: {  	s6 =	sld [smem:$0x3FFB];
	_ =	sdelay $0x3  }
0x95: {  	_ =	strace s6  }
0x96: {  	s6 =	sld [smem:$0x3FFC];
	_ =	sdelay $0x3  }
0x97: {  	_ =	strace s6  }
0x98: {  	s6 =	sld [smem:$0x3FFD];
	_ =	sdelay $0x3  }
0x99: {  	_ =	strace s6  }
0x9a: {  	_ =	strace $0x8FFFFFFF  }
0x9b: {  	s19 =	sld [smem:$0x3FDB];
	_ =	sdelay $0x1  }
0x9c: {  	s7 =	simm.s32 $_scs_section_size  }
0x9d: {  	s8 =	simm.s32 $_size__tile_overlayer_lowered;
	s9 =	simm.s32 $_tile_overlayer_lowered  }
0x9e: {  	s22 =	simm.s32 $0x1BFF;
	s21 =	sshll.u32 s9, $0x1;
	s6 =	sadd.s32 s7, s19  }
0x9f: {  	s10 =	simm.s32 $0x0;
	s20 =	sshll.u32 s8, $0x1;
	s8 =	sadd.s32 s21, s6  }
0xa0: {  	[timem:s10], [sflag:s22] =	dma.local [hbm:s8], s20  }
0xa1: {  	_ =	swait.ge [sflag:s22], s20  }
0xa2: {  	s7 =	ssub.s32 $0x0, s20;
	[sflag:s22] =	ssyncset.done $0x0  }
0xa3: {  	[sflag:s22] =	ssyncadd.s32 s7;
	_ =	sdelay $0x1  }
0xa4: {  	s23 =	simm.s32 $0x1B8B  }
0xa5: {  	_ =	swait.ge [sflag:s23], $0x1  }
0xa6: {  	[sflag:s23] =	ssyncset.done $0x0  }
0xa7: {  	s25 =	simm.s32 $0x1B8E;
	s24 =	sld [smem:$0x3FFE];
	[sflag:s23] =	ssyncadd.s32 $0xFFFFFFFF  }
0xa8: {  	s26 =	simm.s32 $execute0_lowered;
	[smem:$0x3FD2] =	sst s25  }
0xa9: {  	s8 =	sshll.u32 s26, $0x1;
	_ =	strace $0x80000046;
	[dreg:$0x1] =	wrdreg $0xFFFFFFFF  }
0xaa: {  	s28 =	simm.s32 $_size_execute0_lowered;
	s6 =	sadd.s32 s6, s8;
	[dreg:$0x0] =	wrdreg $0x0  }
0xab: {  	s8 =	sshll.u32 s28, $0x1;
	[dreg:$0x2] =	wrdreg s6  }
0xac: {  	[dreg:$0x3] =	wrdreg s8  }
0xad: {  	[dreg:$0x4] =	wrdreg $0xC0  }
0xae: {  	_ =	task [dreg:s10], $0x5FFFF  }
0xaf: {  	[dreg:$0x1] =	wrdreg $0xFFFFFFFF  }
0xb0: {  	[dreg:$0x0] =	wrdreg $0x60  }
0xb1: {  	[dreg:$0x2] =	wrdreg s2  }
0xb2: {  	[dreg:$0x3] =	wrdreg s18  }
0xb3: {  	[dreg:$0x4] =	wrdreg s4  }
0xb4: {  	[dreg:$0x5] =	wrdreg s24  }
0xb5: {  	[dreg:$0x6] =	wrdreg s5  }
0xb6: {  	[dreg:$0x7] =	wrdreg $0x9  }
0xb7: {  	_ =	task.clear_ibuf [dreg:s10], $0x8FFFF;
	_ =	strace $0x90000046  }
0xb8: {  	s29 =	simm.s32 $0x9;
	_ =	strace $0x80000048  }
0xb9: {  	_ =	swait.ge [sflag:s29], $0x1  }
0xba: {  	[sflag:s29] =	ssyncadd.s32 $0xFFFFFFFF  }
0xbb: {  	_ =	strace $0x90000048  }
0xbc: {  	_ =	sfence  }
0xbd: {  	s30 =	sld [smem:$0x0];
	_ =	sdelay $0x2  }
0xbe: {  	s31 =	sshll.u32 s1, $0xD;
	s1 =	sshrl.u32 s1, $0x2  }
0xbf: {  	s3 =	sand.u32 $0x4000, s31;
	s1 =	sadd.s32 s1, s30  }
0xc0: {  	s0 =	sor.u32 s3, s0;
	s1 =	sshll.u32 s1, $0x11  }
0xc1: {  	s0 =	sor.u32 s1, s0  }
0xc2: {  	s0 =	sadd.s32 $0x8F2B, s0  }
0xc3: {  	[sflag:s0] =	ssyncadd.remote.s32 $0x1  }
0xc4: {  	_ =	sfence.sel $0xFFFF  }
0xc5: {  	[dreg:$0x0] =	wrdreg $0xFFFFFFFF;
	(pc) =	sbr.abs _section_cstart, $3  }
0xc6: {  	[dreg:$0x1] =	wrdreg $0xFFFFFFFF  }
0xc7: {  	_ =	task.clear_ibuf [dreg:s10], $0x2FFFF;
	_ =	strace $0x9FFFFFFF  }
0xc8: {  	(tm) =	ssettm $0x7FFFFFFF  }
0xc9: {  	_ =	shalt  }
tec
execute0_lowered:
.L_overlay_start_1:
0x0: {  	(tag) =	ssettag $0x1  }
0x1: {  	s14 =	rddreg [dreg:$0x0]  }
0x2: {  	s26 =	rddreg [dreg:$0x1]  }
0x3: {  	s0 =	rddreg [dreg:$0x2]  }
0x4: {  	s1 =	rddreg [dreg:$0x3];
	s3 =	srdreg.scid  }
0x5: {  	s2 =	rddreg [dreg:$0x4];
	s6 =	stileid.u32;
	s3 =	sand.u32 $0x1, s3  }
0x6: {  	s5 =	sshll.u32 s6, $0x9;
	s6 =	sshrl.u32 s6, $0x1;
	s1 =	sadd.s32 $0x400, s1  }
0x7: {  	s18 =	sadd.s32 $0x1000, s2;
	s19 =	sadd.s32 $0x1800, s2;
	s4 =	ssub.s32 $0x2, s3  }
0x8: {  	s3 =	sshll.u32 s3, $0x8;
	s5 =	sand.u32 $0x200, s5;
	s7 =	smul.u32 $0xC3800, s6  }
0x9: {  	s21 =	sadd.s32 $0x2800, s2;
	s23 =	sadd.s32 $0x3000, s2;
	s3 =	sor.u32 s3, s5  }
0xa: {  	s25 =	sshll.u32 s6, $0xA;
	s6 =	sshll.u32 s6, $0x11;
	s5 =	sor.u32 s7, s3  }
0xb: {  	s9 =	sor.u32 s25, s3;
	s15 =	sor.u32 s6, s3;
	s5 =	sshrl.u32 s5, $0x3  }
0xc: {  	s13 =	sshrl.u32 s9, $0x3;
	s16 =	sshrl.u32 s15, $0x3;
	s5 =	sadd.s32 s0, s5  }
0xd: {  	s9 =	sadd.s32 $0x800, s2;
	s10 =	sadd.s32 s2, s16;
	[dreg:$0x6] =	wrdreg s5  }
0xe: {  	s3 =	sor.u32 $0x80, s3;
	s17 =	sadd.s32 s16, s9;
	[dreg:$0x8] =	wrdreg s10  }
0xf: {  	s7 =	sor.u32 s7, s3;
	s11 =	sadd.s32 s16, s18;
	[dreg:$0x9] =	wrdreg s17  }
0x10: {  	s22 =	sor.u32 s25, s3;
	s12 =	sadd.s32 s16, s19;
	[dreg:$0xa] =	wrdreg s11  }
0x11: {  	s3 =	sor.u32 s6, s3;
	s15 =	sadd.s32 s16, s21;
	[dreg:$0xb] =	wrdreg s12  }
0x12: {  	s25 =	sshrl.u32 s3, $0x3;
	s3 =	sadd.s32 s16, s23;
	[dreg:$0xd] =	wrdreg s15  }
0x13: {  	s20 =	sadd.s32 $0x2000, s2;
	s5 =	sadd.s32 s1, s13;
	[dreg:$0x10] =	wrdreg s3  }
0x14: {  	s7 =	sshrl.u32 s7, $0x3;
	s13 =	sadd.s32 s16, s20;
	[dreg:$0x7] =	wrdreg s5  }
0x15: {  	s8 =	sshrl.u32 s4, $0x1;
	s0 =	sadd.s32 s0, s7;
	[dreg:$0xc] =	wrdreg s13  }
0x16: {  	[dreg:$0xe] =	wrdreg s0;
	s0 =	sshrl.u32 s22, $0x3;
	s22 =	simm.s32 $0x0  }
0x17: {  	s4 =	ssub.s32 s4, s8;
	s0 =	sadd.s32 s1, s0;
	[smem:$0x7FF] =	sst s22  }
0x18: {  	s8 =	smax.u32 s4, $0x1;
	s17 =	sadd.s32 s25, s9;
	[dreg:$0xf] =	wrdreg s0  }
0x19: {  	s9 =	sadd.s32 $0x100, s14;
	_ =	strace $0x80000047;
	[dreg:$0x11] =	wrdreg s8  }
0x1a: {  	s10 =	sadd.s32 $0x100, s26;
	[dreg:$0x12] =	wrdreg s9  }
0x1b: {  	s11 =	sadd.s32 $0x10, s14;
	[dreg:$0x13] =	wrdreg s10  }
0x1c: {  	s7 =	sadd.s32 $0x20, s14;
	[dreg:$0x14] =	wrdreg s11  }
0x1d: {  	[dreg:$0x15] =	wrdreg s7;
	s8 =	sadd.s32 $0x30, s14  }
0x1e: {  	s9 =	sadd.s32 $0x40, s14;
	[dreg:$0x16] =	wrdreg s8  }
0x1f: {  	s10 =	sadd.s32 $0x50, s14;
	[dreg:$0x17] =	wrdreg s9  }
0x20: {  	s11 =	sadd.s32 $0x60, s14;
	[dreg:$0x18] =	wrdreg s10  }
0x21: {  	s7 =	sadd.s32 $0x70, s14;
	[dreg:$0x19] =	wrdreg s11  }
0x22: {  	[dreg:$0x1a] =	wrdreg s7;
	s8 =	sadd.s32 $0x80, s14  }
0x23: {  	s9 =	sadd.s32 $0x90, s14;
	[dreg:$0x1b] =	wrdreg s8  }
0x24: {  	s10 =	sadd.s32 $0xA0, s14;
	[dreg:$0x1c] =	wrdreg s9  }
0x25: {  	s11 =	sadd.s32 $0xB0, s14;
	[dreg:$0x1d] =	wrdreg s10  }
0x26: {  	s7 =	sadd.s32 $0xC0, s14;
	[dreg:$0x1e] =	wrdreg s11  }
0x27: {  	[dreg:$0x1f] =	wrdreg s7;
	s8 =	sadd.s32 $0xD0, s14  }
0x28: {  	s9 =	sadd.s32 $0xE0, s14;
	[smem:$0x7CE] =	sst s8  }
0x29: {  	s10 =	sadd.s32 $0xF0, s14;
	[smem:$0x7CF] =	sst s9  }
0x2a: {  	s11 =	sadd.s32 $0x10, s26;
	[smem:$0x7D0] =	sst s10  }
0x2b: {  	s7 =	sadd.s32 $0x20, s26;
	[smem:$0x7D1] =	sst s11  }
0x2c: {  	[smem:$0x7D2] =	sst s7;
	s8 =	sadd.s32 $0x30, s26  }
0x2d: {  	s9 =	sadd.s32 $0x40, s26;
	[smem:$0x7D3] =	sst s8  }
0x2e: {  	s10 =	sadd.s32 $0x50, s26;
	[smem:$0x7D4] =	sst s9  }
0x2f: {  	s11 =	sadd.s32 $0x60, s26;
	[smem:$0x7D5] =	sst s10  }
0x30: {  	s7 =	sadd.s32 $0x70, s26;
	[smem:$0x7D6] =	sst s11  }
0x31: {  	[smem:$0x7D7] =	sst s7;
	s8 =	sadd.s32 $0x80, s26  }
0x32: {  	s9 =	sadd.s32 $0x90, s26;
	[smem:$0x7D8] =	sst s8  }
0x33: {  	s10 =	sadd.s32 $0xA0, s26;
	[smem:$0x7D9] =	sst s9  }
0x34: {  	s11 =	sadd.s32 $0xB0, s26;
	[smem:$0x7DA] =	sst s10  }
0x35: {  	s7 =	sadd.s32 $0xC0, s26;
	[smem:$0x7DB] =	sst s11  }
0x36: {  	[smem:$0x7DC] =	sst s7;
	s8 =	sadd.s32 $0xD0, s26  }
0x37: {  	s9 =	sadd.s32 $0xE0, s26;
	[smem:$0x7DD] =	sst s8  }
0x38: {  	s10 =	sadd.s32 $0xF0, s26;
	[smem:$0x7DE] =	sst s9  }
0x39: {  	s11 =	sadd.s32 $0x110, s14;
	[smem:$0x7DF] =	sst s10  }
0x3a: {  	s7 =	sadd.s32 $0x120, s14;
	[smem:$0x7E0] =	sst s11  }
0x3b: {  	[smem:$0x7E1] =	sst s7;
	s8 =	sadd.s32 $0x130, s14  }
0x3c: {  	s9 =	sadd.s32 $0x140, s14;
	[smem:$0x7E2] =	sst s8  }
0x3d: {  	s10 =	sadd.s32 $0x150, s14;
	[smem:$0x7E3] =	sst s9  }
0x3e: {  	s11 =	sadd.s32 $0x160, s14;
	[smem:$0x7E4] =	sst s10  }
0x3f: {  	s28 =	simm.s32 $0x1;
	s7 =	sadd.s32 $0x170, s14;
	[smem:$0x7E5] =	sst s11  }
0x40: {  	s24 =	sadd.s32 $0x3800, s2;
	[smem:$0x7E6] =	sst s7;
	s8 =	sadd.s32 $0x180, s14  }
0x41: {  	s29 =	sadd.s32 $0x200, s14;
	s9 =	sadd.s32 $0x190, s14;
	[smem:$0x7E7] =	sst s8  }
0x42: {  	s30 =	sadd.s32 $0x200, s26;
	s10 =	sadd.s32 $0x1A0, s14;
	[smem:$0x7E8] =	sst s9  }
0x43: {  	s31 =	sadd.s32 $0x300, s14;
	s11 =	sadd.s32 $0x1B0, s14;
	[smem:$0x7E9] =	sst s10  }
0x44: {  	s4 =	sadd.s32 $0x400, s26;
	s7 =	sadd.s32 $0x1C0, s14;
	[smem:$0x7EA] =	sst s11  }
0x45: {  	s6 =	simm.s32 $0x2;
	[smem:$0x7EB] =	sst s7;
	s8 =	sadd.s32 $0x1D0, s14  }
0x46: {  	s3 =	sadd.s32 $0x400, s14;
	s9 =	sadd.s32 $0x1E0, s14;
	[smem:$0x7EC] =	sst s8  }
0x47: {  	s5 =	sadd.s32 $0x500, s14;
	s10 =	sadd.s32 $0x1F0, s14;
	[smem:$0x7ED] =	sst s9  }
0x48: {  	s13 =	sadd.s32 $0x600, s14;
	s11 =	sadd.s32 $0x110, s26;
	[smem:$0x7EE] =	sst s10  }
0x49: {  	s1 =	sadd.s32 $0x700, s14;
	s14 =	sadd.s32 $0x120, s26;
	[smem:$0x7EF] =	sst s11  }
0x4a: {  	s15 =	sadd.s32 s16, s24;
	s7 =	sadd.s32 $0x130, s26;
	[smem:$0x7F0] =	sst s14  }
0x4b: {  	s16 =	sadd.s32 s2, s25;
	[smem:$0x7F1] =	sst s7;
	s8 =	sadd.s32 $0x140, s26  }
0x4c: {  	s18 =	sadd.s32 s25, s18;
	s9 =	sadd.s32 $0x150, s26;
	[smem:$0x7F2] =	sst s8  }
0x4d: {  	s19 =	sadd.s32 s25, s19;
	s10 =	sadd.s32 $0x160, s26;
	[smem:$0x7F3] =	sst s9  }
0x4e: {  	s20 =	sadd.s32 s25, s20;
	s11 =	sadd.s32 $0x170, s26;
	[smem:$0x7F4] =	sst s10  }
0x4f: {  	s21 =	sadd.s32 s25, s21;
	s14 =	sadd.s32 $0x180, s26;
	[smem:$0x7F5] =	sst s11  }
0x50: {  	s23 =	sadd.s32 s25, s23;
	s7 =	sadd.s32 $0x190, s26;
	[smem:$0x7F6] =	sst s14  }
0x51: {  	s24 =	sadd.s32 s25, s24;
	[smem:$0x7F7] =	sst s7;
	s8 =	sadd.s32 $0x1A0, s26  }
0x52: {  	s12 =	sadd.s32 $0x500, s26;
	s9 =	sadd.s32 $0x1B0, s26;
	[smem:$0x7F8] =	sst s8  }
0x53: {  	s25 =	sadd.s32 $0x600, s26;
	s10 =	sadd.s32 $0x1C0, s26;
	[smem:$0x7F9] =	sst s9  }
0x54: {  	s2 =	sadd.s32 $0x700, s26;
	s11 =	sadd.s32 $0x1D0, s26;
	[smem:$0x7FA] =	sst s10  }
0x55: {  	s0 =	sadd.s32 $0x300, s26;
	s14 =	sadd.s32 $0x1E0, s26;
	[smem:$0x7FB] =	sst s11  }
0x56: {  	s26 =	sadd.s32 $0x1F0, s26;
	s7 =	simm.s32 $0x4;
	[smem:$0x7FC] =	sst s14  }
0x57: {  	[smem:$0x7FD] =	sst s26;
	s26 =	simm.s32 $0x18700;
	s9 =	simm.s32 $0x0  }
.LBB2_1:
0x58: {  	[smem:$0x7CD] =	sst s9  }
0x59: {  	s8 =	rddreg [dreg:$0x6]  }
0x5a: {  	s11 =	simm.s32 $0x80;
	s10 =	simm.s32 $0x400;
	s14 =	rddreg [dreg:$0x7]  }
0x5b: {  	[tilespmem:s22], [sflag:$0x3] =	stream.strided.gather [hbm4b:s8+s11], $0x18700, s10, s11, $0x38;
	[tilespmem:$0x1B780] =	vst v63  }
0x5c: {  	s9 =	rddreg [dreg:$0x0]  }
0x5d: {  	[tilespmem:s26], [sflag:$0x3] =	stream.linear.gather [hbm4b:s14+s22], $0x80, $0x38;
	[tilespmem:$0x1B780] =	vst v63  }
0x5e: {  	s10 =	simm.s32 $0x18780;
	s11 =	rddreg [dreg:$0x14]  }
0x5f: {  	[tilespmem:s10], [sflag:$0x1] =	stream.linear.gather [hbm4b:s9+s22], $0x80, $0x38;
	[tilespmem:$0x1B780] =	vst v63  }
0x60: {  	s14 =	simm.s32 $0x18880;
	s9 =	rddreg [dreg:$0x15]  }
0x61: {  	[tilespmem:s14], [sflag:$0x1] =	stream.linear.gather [hbm4b:s11+s22], $0x80, $0x38;
	[tilespmem:$0x1B780] =	vst v63  }
0x62: {  	s10 =	simm.s32 $0x18980;
	s11 =	rddreg [dreg:$0x16]  }
0x63: {  	[tilespmem:s10], [sflag:$0x1] =	stream.linear.gather [hbm4b:s9+s22], $0x80, $0x38;
	[tilespmem:$0x1B780] =	vst v63  }
0x64: {  	s14 =	simm.s32 $0x18A80;
	s9 =	rddreg [dreg:$0x17]  }
0x65: {  	[tilespmem:s14], [sflag:$0x1] =	stream.linear.gather [hbm4b:s11+s22], $0x80, $0x38;
	[tilespmem:$0x1B780] =	vst v63  }
0x66: {  	s10 =	simm.s32 $0x18B80;
	s11 =	rddreg [dreg:$0x18]  }
0x67: {  	[tilespmem:s10], [sflag:$0x1] =	stream.linear.gather [hbm4b:s9+s22], $0x80, $0x38;
	[tilespmem:$0x1B780] =	vst v63  }
0x68: {  	s14 =	simm.s32 $0x18C80;
	s9 =	rddreg [dreg:$0x19]  }
0x69: {  	[tilespmem:s14], [sflag:$0x1] =	stream.linear.gather [hbm4b:s11+s22], $0x80, $0x38;
	[tilespmem:$0x1B780] =	vst v63  }
0x6a: {  	s10 =	simm.s32 $0x18D80;
	s11 =	rddreg [dreg:$0x1a]  }
0x6b: {  	[tilespmem:s10], [sflag:$0x1] =	stream.linear.gather [hbm4b:s9+s22], $0x80, $0x38;
	[tilespmem:$0x1B780] =	vst v63  }
0x6c: {  	s14 =	simm.s32 $0x18E80;
	s9 =	rddreg [dreg:$0x1b]  }
0x6d: {  	[tilespmem:s14], [sflag:$0x1] =	stream.linear.gather [hbm4b:s11+s22], $0x80, $0x38;
	[tilespmem:$0x1B780] =	vst v63  }
0x6e: {  	s10 =	simm.s32 $0x18F80;
	s11 =	rddreg [dreg:$0x1c]  }
0x6f: {  	[tilespmem:s10], [sflag:$0x1] =	stream.linear.gather [hbm4b:s9+s22], $0x80, $0x38;
	[tilespmem:$0x1B780] =	vst v63  }
0x70: {  	s14 =	simm.s32 $0x19080;
	s9 =	rddreg [dreg:$0x1d]  }
0x71: {  	[tilespmem:s14], [sflag:$0x1] =	stream.linear.gather [hbm4b:s11+s22], $0x80, $0x38;
	[tilespmem:$0x1B780] =	vst v63  }
0x72: {  	s10 =	simm.s32 $0x19180;
	s11 =	rddreg [dreg:$0x1e]  }
0x73: {  	[tilespmem:s10], [sflag:$0x1] =	stream.linear.gather [hbm4b:s9+s22], $0x80, $0x38;
	[tilespmem:$0x1B780] =	vst v63  }
0x74: {  	s14 =	simm.s32 $0x19280;
	s9 =	rddreg [dreg:$0x1f]  }
0x75: {  	[tilespmem:s14], [sflag:$0x1] =	stream.linear.gather [hbm4b:s11+s22], $0x80, $0x38;
	[tilespmem:$0x1B780] =	vst v63  }
0x76: {  	s10 =	simm.s32 $0x19380;
	s11 =	sld [smem:$0x7CE]  }
0x77: {  	[tilespmem:s10], [sflag:$0x1] =	stream.linear.gather [hbm4b:s9+s22], $0x80, $0x38;
	[tilespmem:$0x1B780] =	vst v63  }
0x78: {  	s14 =	simm.s32 $0x19480;
	s9 =	sld [smem:$0x7CF]  }
0x79: {  	[tilespmem:s14], [sflag:$0x1] =	stream.linear.gather [hbm4b:s11+s22], $0x80, $0x38;
	[tilespmem:$0x1B780] =	vst v63  }
0x7a: {  	s10 =	simm.s32 $0x19580;
	s11 =	sld [smem:$0x7D0]  }
0x7b: {  	[tilespmem:s10], [sflag:$0x1] =	stream.linear.gather [hbm4b:s9+s22], $0x80, $0x38;
	[tilespmem:$0x1B780] =	vst v63  }
0x7c: {  	s14 =	simm.s32 $0x19680;
	s9 =	rddreg [dreg:$0x1]  }
0x7d: {  	[tilespmem:s14], [sflag:$0x1] =	stream.linear.gather [hbm4b:s11+s22], $0x80, $0x38;
	[tilespmem:$0x1B780] =	vst v63  }
0x7e: {  	s10 =	simm.s32 $0x19780;
	s11 =	sld [smem:$0x7D1]  }
0x7f: {  	[tilespmem:s10], [sflag:$0x1] =	stream.linear.gather [hbm4b:s9+s22], $0x80, $0x38;
	[tilespmem:$0x1B780] =	vst v63  }
0x80: {  	s14 =	simm.s32 $0x19880;
	s9 =	sld [smem:$0x7D2]  }
0x81: {  	[tilespmem:s14], [sflag:$0x1] =	stream.linear.gather [hbm4b:s11+s22], $0x80, $0x38;
	[tilespmem:$0x1B780] =	vst v63  }
0x82: {  	s10 =	simm.s32 $0x19980;
	s11 =	sld [smem:$0x7D3]  }
0x83: {  	[tilespmem:s10], [sflag:$0x1] =	stream.linear.gather [hbm4b:s9+s22], $0x80, $0x38;
	[tilespmem:$0x1B780] =	vst v63  }
0x84: {  	s14 =	simm.s32 $0x19A80;
	s9 =	sld [smem:$0x7D4]  }
0x85: {  	[tilespmem:s14], [sflag:$0x1] =	stream.linear.gather [hbm4b:s11+s22], $0x80, $0x38;
	[tilespmem:$0x1B780] =	vst v63  }
0x86: {  	s10 =	simm.s32 $0x19B80;
	s11 =	sld [smem:$0x7D5]  }
0x87: {  	[tilespmem:s10], [sflag:$0x1] =	stream.linear.gather [hbm4b:s9+s22], $0x80, $0x38;
	[tilespmem:$0x1B780] =	vst v63  }
0x88: {  	s14 =	simm.s32 $0x19C80;
	s9 =	sld [smem:$0x7D6]  }
0x89: {  	[tilespmem:s14], [sflag:$0x1] =	stream.linear.gather [hbm4b:s11+s22], $0x80, $0x38;
	[tilespmem:$0x1B780] =	vst v63  }
0x8a: {  	s10 =	simm.s32 $0x19D80;
	s11 =	sld [smem:$0x7D7]  }
0x8b: {  	[tilespmem:s10], [sflag:$0x1] =	stream.linear.gather [hbm4b:s9+s22], $0x80, $0x38;
	[tilespmem:$0x1B780] =	vst v63  }
0x8c: {  	s14 =	simm.s32 $0x19E80;
	s9 =	sld [smem:$0x7D8]  }
0x8d: {  	[tilespmem:s14], [sflag:$0x1] =	stream.linear.gather [hbm4b:s11+s22], $0x80, $0x38;
	[tilespmem:$0x1B780] =	vst v63  }
0x8e: {  	s10 =	simm.s32 $0x19F80;
	s11 =	sld [smem:$0x7D9]  }
0x8f: {  	[tilespmem:s10], [sflag:$0x1] =	stream.linear.gather [hbm4b:s9+s22], $0x80, $0x38;
	[tilespmem:$0x1B780] =	vst v63  }
0x90: {  	s14 =	simm.s32 $0x1A080;
	s9 =	sld [smem:$0x7DA]  }
0x91: {  	[tilespmem:s14], [sflag:$0x1] =	stream.linear.gather [hbm4b:s11+s22], $0x80, $0x38;
	[tilespmem:$0x1B780] =	vst v63  }
0x92: {  	s10 =	simm.s32 $0x1A180;
	s11 =	sld [smem:$0x7DB]  }
0x93: {  	[tilespmem:s10], [sflag:$0x1] =	stream.linear.gather [hbm4b:s9+s22], $0x80, $0x38;
	[tilespmem:$0x1B780] =	vst v63  }
0x94: {  	s14 =	simm.s32 $0x1A280;
	s9 =	sld [smem:$0x7DC]  }
0x95: {  	[tilespmem:s14], [sflag:$0x1] =	stream.linear.gather [hbm4b:s11+s22], $0x80, $0x38;
	[tilespmem:$0x1B780] =	vst v63  }
0x96: {  	s10 =	simm.s32 $0x1A380;
	s11 =	sld [smem:$0x7DD]  }
0x97: {  	[tilespmem:s10], [sflag:$0x1] =	stream.linear.gather [hbm4b:s9+s22], $0x80, $0x38;
	[tilespmem:$0x1B780] =	vst v63  }
0x98: {  	s14 =	simm.s32 $0x1A480;
	s9 =	sld [smem:$0x7DE]  }
0x99: {  	[tilespmem:s14], [sflag:$0x1] =	stream.linear.gather [hbm4b:s11+s22], $0x80, $0x38;
	[tilespmem:$0x1B780] =	vst v63  }
0x9a: {  	s10 =	simm.s32 $0x1A580;
	s11 =	sld [smem:$0x7DF]  }
0x9b: {  	[tilespmem:s10], [sflag:$0x1] =	stream.linear.gather [hbm4b:s9+s22], $0x80, $0x38;
	[tilespmem:$0x1B780] =	vst v63  }
0x9c: {  	s14 =	simm.s32 $0x1A680;
	s9 =	rddreg [dreg:$0x12]  }
0x9d: {  	[tilespmem:s14], [sflag:$0x1] =	stream.linear.gather [hbm4b:s11+s22], $0x80, $0x38;
	[tilespmem:$0x1B780] =	vst v63  }
0x9e: {  	s10 =	simm.s32 $0x18800;
	s11 =	sld [smem:$0x7E0]  }
0x9f: {  	[tilespmem:s10], [sflag:$0x2] =	stream.linear.gather [hbm4b:s9+s22], $0x80, $0x38;
	[tilespmem:$0x1B780] =	vst v63  }
0xa0: {  	s14 =	simm.s32 $0x18900;
	s9 =	sld [smem:$0x7E1]  }
0xa1: {  	[tilespmem:s14], [sflag:$0x2] =	stream.linear.gather [hbm4b:s11+s22], $0x80, $0x38;
	[tilespmem:$0x1B780] =	vst v63  }
0xa2: {  	s10 =	simm.s32 $0x18A00;
	s11 =	sld [smem:$0x7E2]  }
0xa3: {  	[tilespmem:s10], [sflag:$0x2] =	stream.linear.gather [hbm4b:s9+s22], $0x80, $0x38;
	[tilespmem:$0x1B780] =	vst v63  }
0xa4: {  	s14 =	simm.s32 $0x18B00;
	s9 =	sld [smem:$0x7E3]  }
0xa5: {  	[tilespmem:s14], [sflag:$0x2] =	stream.linear.gather [hbm4b:s11+s22], $0x80, $0x38;
	[tilespmem:$0x1B780] =	vst v63  }
0xa6: {  	s10 =	simm.s32 $0x18C00;
	s11 =	sld [smem:$0x7E4]  }
0xa7: {  	[tilespmem:s10], [sflag:$0x2] =	stream.linear.gather [hbm4b:s9+s22], $0x80, $0x38;
	[tilespmem:$0x1B780] =	vst v63  }
0xa8: {  	s14 =	simm.s32 $0x18D00;
	s9 =	sld [smem:$0x7E5]  }
0xa9: {  	[tilespmem:s14], [sflag:$0x2] =	stream.linear.gather [hbm4b:s11+s22], $0x80, $0x38;
	[tilespmem:$0x1B780] =	vst v63  }
0xaa: {  	s10 =	simm.s32 $0x18E00;
	s11 =	sld [smem:$0x7E6]  }
0xab: {  	[tilespmem:s10], [sflag:$0x2] =	stream.linear.gather [hbm4b:s9+s22], $0x80, $0x38;
	[tilespmem:$0x1B780] =	vst v63  }
0xac: {  	s14 =	simm.s32 $0x18F00;
	s9 =	sld [smem:$0x7E7]  }
0xad: {  	[tilespmem:s14], [sflag:$0x2] =	stream.linear.gather [hbm4b:s11+s22], $0x80, $0x38;
	[tilespmem:$0x1B780] =	vst v63  }
0xae: {  	s10 =	simm.s32 $0x19000;
	s11 =	sld [smem:$0x7E8]  }
0xaf: {  	[tilespmem:s10], [sflag:$0x2] =	stream.linear.gather [hbm4b:s9+s22], $0x80, $0x38;
	[tilespmem:$0x1B780] =	vst v63  }
0xb0: {  	s14 =	simm.s32 $0x19100;
	s9 =	sld [smem:$0x7E9]  }
0xb1: {  	[tilespmem:s14], [sflag:$0x2] =	stream.linear.gather [hbm4b:s11+s22], $0x80, $0x38;
	[tilespmem:$0x1B780] =	vst v63  }
0xb2: {  	s10 =	simm.s32 $0x19200;
	s11 =	sld [smem:$0x7EA]  }
0xb3: {  	[tilespmem:s10], [sflag:$0x2] =	stream.linear.gather [hbm4b:s9+s22], $0x80, $0x38;
	[tilespmem:$0x1B780] =	vst v63  }
0xb4: {  	s14 =	simm.s32 $0x19300;
	s9 =	sld [smem:$0x7EB]  }
0xb5: {  	[tilespmem:s14], [sflag:$0x2] =	stream.linear.gather [hbm4b:s11+s22], $0x80, $0x38;
	[tilespmem:$0x1B780] =	vst v63  }
0xb6: {  	s10 =	simm.s32 $0x19400;
	s11 =	sld [smem:$0x7EC]  }
0xb7: {  	[tilespmem:s10], [sflag:$0x2] =	stream.linear.gather [hbm4b:s9+s22], $0x80, $0x38;
	[tilespmem:$0x1B780] =	vst v63  }
0xb8: {  	s14 =	simm.s32 $0x19500;
	s9 =	sld [smem:$0x7ED]  }
0xb9: {  	[tilespmem:s14], [sflag:$0x2] =	stream.linear.gather [hbm4b:s11+s22], $0x80, $0x38;
	[tilespmem:$0x1B780] =	vst v63  }
0xba: {  	s10 =	simm.s32 $0x19600;
	s11 =	sld [smem:$0x7EE]  }
0xbb: {  	[tilespmem:s10], [sflag:$0x2] =	stream.linear.gather [hbm4b:s9+s22], $0x80, $0x38;
	[tilespmem:$0x1B780] =	vst v63  }
0xbc: {  	s14 =	simm.s32 $0x19700;
	s9 =	rddreg [dreg:$0x13]  }
0xbd: {  	[tilespmem:s14], [sflag:$0x2] =	stream.linear.gather [hbm4b:s11+s22], $0x80, $0x38;
	[tilespmem:$0x1B780] =	vst v63  }
0xbe: {  	s10 =	simm.s32 $0x19800;
	s11 =	sld [smem:$0x7EF]  }
0xbf: {  	[tilespmem:s10], [sflag:$0x2] =	stream.linear.gather [hbm4b:s9+s22], $0x80, $0x38;
	[tilespmem:$0x1B780] =	vst v63  }
0xc0: {  	s14 =	simm.s32 $0x19900;
	s9 =	sld [smem:$0x7F0]  }
0xc1: {  	[tilespmem:s14], [sflag:$0x2] =	stream.linear.gather [hbm4b:s11+s22], $0x80, $0x38;
	[tilespmem:$0x1B780] =	vst v63  }
0xc2: {  	s10 =	simm.s32 $0x19A00;
	s11 =	sld [smem:$0x7F1]  }
0xc3: {  	[tilespmem:s10], [sflag:$0x2] =	stream.linear.gather [hbm4b:s9+s22], $0x80, $0x38;
	[tilespmem:$0x1B780] =	vst v63  }
0xc4: {  	s14 =	simm.s32 $0x19B00;
	s9 =	sld [smem:$0x7F2]  }
0xc5: {  	[tilespmem:s14], [sflag:$0x2] =	stream.linear.gather [hbm4b:s11+s22], $0x80, $0x38;
	[tilespmem:$0x1B780] =	vst v63  }
0xc6: {  	s10 =	simm.s32 $0x19C00;
	s11 =	sld [smem:$0x7F3]  }
0xc7: {  	[tilespmem:s10], [sflag:$0x2] =	stream.linear.gather [hbm4b:s9+s22], $0x80, $0x38;
	[tilespmem:$0x1B780] =	vst v63  }
0xc8: {  	s14 =	simm.s32 $0x19D00;
	s9 =	sld [smem:$0x7F4]  }
0xc9: {  	[tilespmem:s14], [sflag:$0x2] =	stream.linear.gather [hbm4b:s11+s22], $0x80, $0x38;
	[tilespmem:$0x1B780] =	vst v63  }
0xca: {  	s10 =	simm.s32 $0x19E00;
	s11 =	sld [smem:$0x7F5]  }
0xcb: {  	[tilespmem:s10], [sflag:$0x2] =	stream.linear.gather [hbm4b:s9+s22], $0x80, $0x38;
	[tilespmem:$0x1B780] =	vst v63  }
0xcc: {  	s14 =	simm.s32 $0x19F00;
	s9 =	sld [smem:$0x7F6]  }
0xcd: {  	[tilespmem:s14], [sflag:$0x2] =	stream.linear.gather [hbm4b:s11+s22], $0x80, $0x38;
	[tilespmem:$0x1B780] =	vst v63  }
0xce: {  	s10 =	simm.s32 $0x1A000;
	s11 =	sld [smem:$0x7F7]  }
0xcf: {  	[tilespmem:s10], [sflag:$0x2] =	stream.linear.gather [hbm4b:s9+s22], $0x80, $0x38;
	[tilespmem:$0x1B780] =	vst v63  }
0xd0: {  	s14 =	simm.s32 $0x1A100;
	s9 =	sld [smem:$0x7F8]  }
0xd1: {  	[tilespmem:s14], [sflag:$0x2] =	stream.linear.gather [hbm4b:s11+s22], $0x80, $0x38;
	[tilespmem:$0x1B780] =	vst v63  }
0xd2: {  	s10 =	simm.s32 $0x1A200;
	s11 =	sld [smem:$0x7F9]  }
0xd3: {  	[tilespmem:s10], [sflag:$0x2] =	stream.linear.gather [hbm4b:s9+s22], $0x80, $0x38;
	[tilespmem:$0x1B780] =	vst v63  }
0xd4: {  	s14 =	simm.s32 $0x1A300;
	s9 =	sld [smem:$0x7FA]  }
0xd5: {  	[tilespmem:s14], [sflag:$0x2] =	stream.linear.gather [hbm4b:s11+s22], $0x80, $0x38;
	[tilespmem:$0x1B780] =	vst v63  }
0xd6: {  	s10 =	simm.s32 $0x1A400;
	s11 =	sld [smem:$0x7FB]  }
0xd7: {  	[tilespmem:s10], [sflag:$0x2] =	stream.linear.gather [hbm4b:s9+s22], $0x80, $0x38;
	[tilespmem:$0x1B780] =	vst v63  }
0xd8: {  	s14 =	simm.s32 $0x1A500;
	s9 =	sld [smem:$0x7FC]  }
0xd9: {  	[tilespmem:s14], [sflag:$0x2] =	stream.linear.gather [hbm4b:s11+s22], $0x80, $0x38;
	[tilespmem:$0x1B780] =	vst v63  }
0xda: {  	s10 =	simm.s32 $0x1A600;
	s11 =	sld [smem:$0x7FD]  }
0xdb: {  	[tilespmem:s10], [sflag:$0x2] =	stream.linear.gather [hbm4b:s9+s22], $0x80, $0x38;
	[tilespmem:$0x1B780] =	vst v63  }
0xdc: {  	s14 =	simm.s32 $0x1A700;
	s9 =	simm.s32 $0x3  }
0xdd: {  	[tilespmem:s14], [sflag:$0x2] =	stream.linear.gather [hbm4b:s11+s22], $0x80, $0x38;
	[tilespmem:$0x1B780] =	vst v63  }
0xde: {  	_ =	swait.ge [sflag:s9], $0x18700  }
0xdf: {  	[sflag:s9] =	ssyncset.done $0x0  }
0xe0: {  	[sflag:s9] =	ssyncadd.s32 $0xFFFE7900  }
0xe1: {  	_ =	swait.ge [sflag:s9], $0x80  }
0xe2: {  	[sflag:s9] =	ssyncset.done $0x0  }
0xe3: {  	[sflag:s9] =	ssyncadd.s32 $0xFFFFFF80  }
0xe4: {  	_ =	swait.ge [sflag:s28], $0x800  }
0xe5: {  	[sflag:s28] =	ssyncset.done $0x0  }
0xe6: {  	[sflag:s28] =	ssyncadd.s32 $0xFFFFF800  }
0xe7: {  	_ =	swait.ge [sflag:s28], $0x800  }
0xe8: {  	s10 =	sand.u32 $0x60, s22;
	s11 =	sand.u32 $0xF00, s22;
	[sflag:s28] =	ssyncset.done $0x0  }
0xe9: {  	s8 =	sor.u32 s10, s11;
	[sflag:s28] =	ssyncadd.s32 $0xFFFFF800  }
0xea: {  	v0 =	vld [tilespmem:s8+$0x18780]  }
0xeb: {  	v1 =	vld [tilespmem:s8+$0x19780];
	_ =	sdelay $0x5  }
0xec: {  	v2 =	vld [tilespmem:s8+$0x18790]  }
0xed: {  	v0 =	vld.idx.msk [tilespmem:v0+s22+$0x0], $0xffff  }
0xee: {  	v1 =	vld.idx.msk [tilespmem:v1+s26+$0x0], $0xffff  }
0xef: {  	v3 =	vld [tilespmem:s8+$0x19790];
	_ =	sdelay $0x3  }
0xf0: {  	v0 =	vadd.f32 v1, v0;
	_ =	sdelay $0x1  }
0xf1: {  	s14 =	simm.s32 $0x20;
	s9 =	simm.s32 $0x40;
	[tilespmem:s8+$0x1A780] =	vst v0  }
0xf2: {  	s10 =	sand.u32 $0x60, s14;
	s11 =	sand.u32 $0xF00, s9;
	v2 =	vld.idx.msk [tilespmem:v2+s22+$0x0], $0xffff  }
0xf3: {  	s11 =	sor.u32 s10, s11;
	v3 =	vld.idx.msk [tilespmem:v3+s26+$0x0], $0xffff  }
0xf4: {  	v0 =	vld [tilespmem:s11+$0x18780]  }
0xf5: {  	s10 =	simm.s32 $0x40;
	v1 =	vld [tilespmem:s11+$0x19780]  }
.LBB2_2:
0xf6: {  	_ =	sdelay $0x2  }
0xf7: {  	p0 =	sne.s32 s10, $0x7E0;
	s14 =	smov.u32 s10;
	s10 =	sadd.s32 $0x20, s10;
	v2 =	vadd.f32 v3, v2  }
0xf8: {  	_ = 	snop  }
0xf9: {  	v3 =	vld [tilespmem:s11+$0x19790];
	[tilespmem:s8+$0x1A790] =	vst v2;
	s8 =	smov.u32 s11  }
0xfa: {  	v0 =	vld.idx.msk [tilespmem:v0+s22+$0x0], $0xffff  }
0xfb: {  	v1 =	vld.idx.msk [tilespmem:v1+s26+$0x0], $0xffff  }
0xfc: {  	v2 =	vld [tilespmem:s8+$0x18790];
	_ =	sdelay $0x4  }
0xfd: {  	v0 =	vadd.f32 v1, v0;
	_ =	sdelay $0x1  }
.Ltmp0:
0xfe: {  	s9 =	sadd.s32 $0x40, s9;
	[tilespmem:s8+$0x1A780] =	vst v0;
	(pc) =	sbr.rel @p0 .LBB2_2-.Ltmp0, $4  }
0xff: {  	s11 =	sand.u32 $0x60, s14;
	s14 =	sand.u32 $0xF00, s9;
	v2 =	vld.idx.msk [tilespmem:v2+s22+$0x0], $0xffff  }
0x100: {  	s11 =	sor.u32 s11, s14;
	v3 =	vld.idx.msk [tilespmem:v3+s26+$0x0], $0xffff  }
0x101: {  	v0 =	vld [tilespmem:s11+$0x18780]  }
0x102: {  	v1 =	vld [tilespmem:s11+$0x19780]  }
0x103: {  	_ =	sdelay $0x3  }
0x104: {  	v2 =	vadd.f32 v3, v2;
	_ =	sdelay $0x1  }
0x105: {  	v3 =	vld [tilespmem:s11+$0x19790];
	[tilespmem:s8+$0x1A790] =	vst v2  }
0x106: {  	v0 =	vld.idx.msk [tilespmem:v0+s22+$0x0], $0xffff  }
0x107: {  	v1 =	vld.idx.msk [tilespmem:v1+s26+$0x0], $0xffff  }
0x108: {  	v2 =	vld [tilespmem:s11+$0x18790];
	_ =	sdelay $0x4  }
0x109: {  	v0 =	vadd.f32 v1, v0;
	_ =	sdelay $0x1  }
0x10a: {  	[tilespmem:s11+$0x1A780] =	vst v0  }
0x10b: {  	v0 =	vld.idx.msk [tilespmem:v2+s22+$0x0], $0xffff  }
0x10c: {  	v1 =	vld.idx.msk [tilespmem:v3+s26+$0x0], $0xffff;
	_ =	sdelay $0x4  }
0x10d: {  	v0 =	vadd.f32 v1, v0;
	_ =	sdelay $0x1  }
0x10e: {  	s10 =	rddreg [dreg:$0x8];
	s9 =	simm.s32 $0x1A780;
	s8 =	simm.s32 $0x0;
	[tilespmem:s11+$0x1A790] =	vst v0  }
0x10f: {  	[hbm4b:s10+s8] =	stream.linear.scatter [tilespmem:s9], [sflag:$0x4], $0x80, $0x38;
	[tilespmem:$0x1B780] =	vst v63  }
0x110: {  	s14 =	simm.s32 $0x1A880;
	s11 =	sadd.s32 $0x80, s10  }
0x111: {  	[hbm4b:s11+s8] =	stream.linear.scatter [tilespmem:s14], [sflag:$0x4], $0x80, $0x38;
	[tilespmem:$0x1B780] =	vst v63  }
0x112: {  	s11 =	sadd.s32 $0x100, s10;
	s14 =	simm.s32 $0x1A980  }
0x113: {  	[hbm4b:s11+s8] =	stream.linear.scatter [tilespmem:s14], [sflag:$0x4], $0x80, $0x38;
	[tilespmem:$0x1B780] =	vst v63  }
0x114: {  	s11 =	sadd.s32 $0x180, s10;
	s14 =	simm.s32 $0x1AA80  }
0x115: {  	[hbm4b:s11+s8] =	stream.linear.scatter [tilespmem:s14], [sflag:$0x4], $0x80, $0x38;
	[tilespmem:$0x1B780] =	vst v63  }
0x116: {  	s11 =	sadd.s32 $0x200, s10;
	s14 =	simm.s32 $0x1AB80  }
0x117: {  	[hbm4b:s11+s8] =	stream.linear.scatter [tilespmem:s14], [sflag:$0x4], $0x80, $0x38;
	[tilespmem:$0x1B780] =	vst v63  }
0x118: {  	s11 =	sadd.s32 $0x280, s10;
	s14 =	simm.s32 $0x1AC80  }
0x119: {  	[hbm4b:s11+s8] =	stream.linear.scatter [tilespmem:s14], [sflag:$0x4], $0x80, $0x38;
	[tilespmem:$0x1B780] =	vst v63  }
0x11a: {  	s11 =	sadd.s32 $0x300, s10;
	s14 =	simm.s32 $0x1AD80  }
0x11b: {  	[hbm4b:s11+s8] =	stream.linear.scatter [tilespmem:s14], [sflag:$0x4], $0x80, $0x38;
	[tilespmem:$0x1B780] =	vst v63  }
0x11c: {  	s11 =	sadd.s32 $0x380, s10;
	s14 =	simm.s32 $0x1AE80  }
0x11d: {  	[hbm4b:s11+s8] =	stream.linear.scatter [tilespmem:s14], [sflag:$0x4], $0x80, $0x38;
	[tilespmem:$0x1B780] =	vst v63  }
0x11e: {  	s11 =	sadd.s32 $0x400, s10;
	s14 =	simm.s32 $0x1AF80  }
0x11f: {  	[hbm4b:s11+s8] =	stream.linear.scatter [tilespmem:s14], [sflag:$0x4], $0x80, $0x38;
	[tilespmem:$0x1B780] =	vst v63  }
0x120: {  	s11 =	sadd.s32 $0x480, s10;
	s14 =	simm.s32 $0x1B080  }
0x121: {  	[hbm4b:s11+s8] =	stream.linear.scatter [tilespmem:s14], [sflag:$0x4], $0x80, $0x38;
	[tilespmem:$0x1B780] =	vst v63  }
0x122: {  	s11 =	sadd.s32 $0x500, s10;
	s14 =	simm.s32 $0x1B180  }
0x123: {  	[hbm4b:s11+s8] =	stream.linear.scatter [tilespmem:s14], [sflag:$0x4], $0x80, $0x38;
	[tilespmem:$0x1B780] =	vst v63  }
0x124: {  	s11 =	sadd.s32 $0x580, s10;
	s14 =	simm.s32 $0x1B280  }
0x125: {  	[hbm4b:s11+s8] =	stream.linear.scatter [tilespmem:s14], [sflag:$0x4], $0x80, $0x38;
	[tilespmem:$0x1B780] =	vst v63  }
0x126: {  	s11 =	sadd.s32 $0x600, s10;
	s14 =	simm.s32 $0x1B380  }
0x127: {  	[hbm4b:s11+s8] =	stream.linear.scatter [tilespmem:s14], [sflag:$0x4], $0x80, $0x38;
	[tilespmem:$0x1B780] =	vst v63  }
0x128: {  	s11 =	sadd.s32 $0x680, s10;
	s14 =	simm.s32 $0x1B480  }
0x129: {  	[hbm4b:s11+s8] =	stream.linear.scatter [tilespmem:s14], [sflag:$0x4], $0x80, $0x38;
	[tilespmem:$0x1B780] =	vst v63  }
0x12a: {  	s11 =	sadd.s32 $0x700, s10;
	s14 =	simm.s32 $0x1B580  }
0x12b: {  	[hbm4b:s11+s8] =	stream.linear.scatter [tilespmem:s14], [sflag:$0x4], $0x80, $0x38;
	[tilespmem:$0x1B780] =	vst v63  }
0x12c: {  	s11 =	sadd.s32 $0x780, s10;
	s14 =	simm.s32 $0x1B680  }
0x12d: {  	[hbm4b:s11+s8] =	stream.linear.scatter [tilespmem:s14], [sflag:$0x4], $0x80, $0x38;
	[tilespmem:$0x1B780] =	vst v63  }
0x12e: {  	s10 =	simm.s32 $0x18780  }
0x12f: {  	[tilespmem:s10], [sflag:$0x1] =	stream.linear.gather [hbm4b:s29+s8], $0x80, $0x38;
	[tilespmem:$0x1B780] =	vst v63  }
0x130: {  	s11 =	sadd.s32 $0x10, s29;
	s14 =	simm.s32 $0x18880  }
0x131: {  	[tilespmem:s14], [sflag:$0x1] =	stream.linear.gather [hbm4b:s11+s8], $0x80, $0x38;
	[tilespmem:$0x1B780] =	vst v63  }
0x132: {  	[smem:$0x7AF] =	sst s11;
	s11 =	sadd.s32 $0x20, s29;
	s14 =	simm.s32 $0x18980  }
0x133: {  	[tilespmem:s14], [sflag:$0x1] =	stream.linear.gather [hbm4b:s11+s8], $0x80, $0x38;
	[tilespmem:$0x1B780] =	vst v63  }
0x134: {  	[smem:$0x7B0] =	sst s11;
	s11 =	sadd.s32 $0x30, s29;
	s14 =	simm.s32 $0x18A80  }
0x135: {  	[tilespmem:s14], [sflag:$0x1] =	stream.linear.gather [hbm4b:s11+s8], $0x80, $0x38;
	[tilespmem:$0x1B780] =	vst v63  }
0x136: {  	[smem:$0x7B1] =	sst s11;
	s11 =	sadd.s32 $0x40, s29;
	s14 =	simm.s32 $0x18B80  }
0x137: {  	[tilespmem:s14], [sflag:$0x1] =	stream.linear.gather [hbm4b:s11+s8], $0x80, $0x38;
	[tilespmem:$0x1B780] =	vst v63  }
0x138: {  	[smem:$0x7B2] =	sst s11;
	s11 =	sadd.s32 $0x50, s29;
	s14 =	simm.s32 $0x18C80  }
0x139: {  	[tilespmem:s14], [sflag:$0x1] =	stream.linear.gather [hbm4b:s11+s8], $0x80, $0x38;
	[tilespmem:$0x1B780] =	vst v63  }
0x13a: {  	[smem:$0x7B3] =	sst s11;
	s11 =	sadd.s32 $0x60, s29;
	s14 =	simm.s32 $0x18D80  }
0x13b: {  	[tilespmem:s14], [sflag:$0x1] =	stream.linear.gather [hbm4b:s11+s8], $0x80, $0x38;
	[tilespmem:$0x1B780] =	vst v63  }
0x13c: {  	[smem:$0x7B4] =	sst s11;
	s11 =	sadd.s32 $0x70, s29;
	s14 =	simm.s32 $0x18E80  }
0x13d: {  	[tilespmem:s14], [sflag:$0x1] =	stream.linear.gather [hbm4b:s11+s8], $0x80, $0x38;
	[tilespmem:$0x1B780] =	vst v63  }
0x13e: {  	[smem:$0x7B5] =	sst s11;
	s11 =	sadd.s32 $0x80, s29;
	s14 =	simm.s32 $0x18F80  }
0x13f: {  	[tilespmem:s14], [sflag:$0x1] =	stream.linear.gather [hbm4b:s11+s8], $0x80, $0x38;
	[tilespmem:$0x1B780] =	vst v63  }
0x140: {  	[smem:$0x7B6] =	sst s11;
	s11 =	sadd.s32 $0x90, s29;
	s14 =	simm.s32 $0x19080  }
0x141: {  	[tilespmem:s14], [sflag:$0x1] =	stream.linear.gather [hbm4b:s11+s8], $0x80, $0x38;
	[tilespmem:$0x1B780] =	vst v63  }
0x142: {  	[smem:$0x7B7] =	sst s11;
	s11 =	sadd.s32 $0xA0, s29;
	s14 =	simm.s32 $0x19180  }
0x143: {  	[tilespmem:s14], [sflag:$0x1] =	stream.linear.gather [hbm4b:s11+s8], $0x80, $0x38;
	[tilespmem:$0x1B780] =	vst v63  }
0x144: {  	[smem:$0x7B8] =	sst s11;
	s11 =	sadd.s32 $0xB0, s29;
	s14 =	simm.s32 $0x19280  }
0x145: {  	[tilespmem:s14], [sflag:$0x1] =	stream.linear.gather [hbm4b:s11+s8], $0x80, $0x38;
	[tilespmem:$0x1B780] =	vst v63  }
0x146: {  	[smem:$0x7B9] =	sst s11;
	s11 =	sadd.s32 $0xC0, s29;
	s14 =	simm.s32 $0x19380  }
0x147: {  	[tilespmem:s14], [sflag:$0x1] =	stream.linear.gather [hbm4b:s11+s8], $0x80, $0x38;
	[tilespmem:$0x1B780] =	vst v63  }
0x148: {  	[smem:$0x7BA] =	sst s11;
	s11 =	sadd.s32 $0xD0, s29;
	s14 =	simm.s32 $0x19480  }
0x149: {  	[tilespmem:s14], [sflag:$0x1] =	stream.linear.gather [hbm4b:s11+s8], $0x80, $0x38;
	[tilespmem:$0x1B780] =	vst v63  }
0x14a: {  	[smem:$0x7BB] =	sst s11;
	s11 =	sadd.s32 $0xE0, s29;
	s14 =	simm.s32 $0x19580  }
0x14b: {  	[tilespmem:s14], [sflag:$0x1] =	stream.linear.gather [hbm4b:s11+s8], $0x80, $0x38;
	[tilespmem:$0x1B780] =	vst v63  }
0x14c: {  	[smem:$0x7BC] =	sst s11;
	s11 =	sadd.s32 $0xF0, s29;
	s14 =	simm.s32 $0x19680  }
0x14d: {  	[tilespmem:s14], [sflag:$0x1] =	stream.linear.gather [hbm4b:s11+s8], $0x80, $0x38;
	[tilespmem:$0x1B780] =	vst v63  }
0x14e: {  	s10 =	simm.s32 $0x19780  }
0x14f: {  	[tilespmem:s10], [sflag:$0x1] =	stream.linear.gather [hbm4b:s30+s8], $0x80, $0x38;
	[tilespmem:$0x1B780] =	vst v63  }
0x150: {  	[smem:$0x7BD] =	sst s11;
	s11 =	sadd.s32 $0x10, s30;
	s14 =	simm.s32 $0x19880  }
0x151: {  	[tilespmem:s14], [sflag:$0x1] =	stream.linear.gather [hbm4b:s11+s8], $0x80, $0x38;
	[tilespmem:$0x1B780] =	vst v63  }
0x152: {  	[smem:$0x7BE] =	sst s11;
	s11 =	sadd.s32 $0x20, s30;
	s14 =	simm.s32 $0x19980  }
0x153: {  	[tilespmem:s14], [sflag:$0x1] =	stream.linear.gather [hbm4b:s11+s8], $0x80, $0x38;
	[tilespmem:$0x1B780] =	vst v63  }
0x154: {  	[smem:$0x7BF] =	sst s11;
	s11 =	sadd.s32 $0x30, s30;
	s14 =	simm.s32 $0x19A80  }
0x155: {  	[tilespmem:s14], [sflag:$0x1] =	stream.linear.gather [hbm4b:s11+s8], $0x80, $0x38;
	[tilespmem:$0x1B780] =	vst v63  }
0x156: {  	[smem:$0x7C0] =	sst s11;
	s11 =	sadd.s32 $0x40, s30;
	s14 =	simm.s32 $0x19B80  }
0x157: {  	[tilespmem:s14], [sflag:$0x1] =	stream.linear.gather [hbm4b:s11+s8], $0x80, $0x38;
	[tilespmem:$0x1B780] =	vst v63  }
0x158: {  	[smem:$0x7C1] =	sst s11;
	s11 =	sadd.s32 $0x50, s30;
	s14 =	simm.s32 $0x19C80  }
0x159: {  	[tilespmem:s14], [sflag:$0x1] =	stream.linear.gather [hbm4b:s11+s8], $0x80, $0x38;
	[tilespmem:$0x1B780] =	vst v63  }
0x15a: {  	[smem:$0x7C2] =	sst s11;
	s11 =	sadd.s32 $0x60, s30;
	s14 =	simm.s32 $0x19D80  }
0x15b: {  	[tilespmem:s14], [sflag:$0x1] =	stream.linear.gather [hbm4b:s11+s8], $0x80, $0x38;
	[tilespmem:$0x1B780] =	vst v63  }
0x15c: {  	[smem:$0x7C3] =	sst s11;
	s11 =	sadd.s32 $0x70, s30;
	s14 =	simm.s32 $0x19E80  }
0x15d: {  	[tilespmem:s14], [sflag:$0x1] =	stream.linear.gather [hbm4b:s11+s8], $0x80, $0x38;
	[tilespmem:$0x1B780] =	vst v63  }
0x15e: {  	[smem:$0x7C4] =	sst s11;
	s11 =	sadd.s32 $0x80, s30;
	s14 =	simm.s32 $0x19F80  }
0x15f: {  	[tilespmem:s14], [sflag:$0x1] =	stream.linear.gather [hbm4b:s11+s8], $0x80, $0x38;
	[tilespmem:$0x1B780] =	vst v63  }
0x160: {  	[smem:$0x7C5] =	sst s11;
	s11 =	sadd.s32 $0x90, s30;
	s14 =	simm.s32 $0x1A080  }
0x161: {  	[tilespmem:s14], [sflag:$0x1] =	stream.linear.gather [hbm4b:s11+s8], $0x80, $0x38;
	[tilespmem:$0x1B780] =	vst v63  }
0x162: {  	[smem:$0x7C6] =	sst s11;
	s11 =	sadd.s32 $0xA0, s30;
	s14 =	simm.s32 $0x1A180  }
0x163: {  	[tilespmem:s14], [sflag:$0x1] =	stream.linear.gather [hbm4b:s11+s8], $0x80, $0x38;
	[tilespmem:$0x1B780] =	vst v63  }
0x164: {  	[smem:$0x7C7] =	sst s11;
	s11 =	sadd.s32 $0xB0, s30;
	s14 =	simm.s32 $0x1A280  }
0x165: {  	[tilespmem:s14], [sflag:$0x1] =	stream.linear.gather [hbm4b:s11+s8], $0x80, $0x38;
	[tilespmem:$0x1B780] =	vst v63  }
0x166: {  	[smem:$0x7C8] =	sst s11;
	s11 =	sadd.s32 $0xC0, s30;
	s14 =	simm.s32 $0x1A380  }
0x167: {  	[tilespmem:s14], [sflag:$0x1] =	stream.linear.gather [hbm4b:s11+s8], $0x80, $0x38;
	[tilespmem:$0x1B780] =	vst v63  }
0x168: {  	[smem:$0x7C9] =	sst s11;
	s11 =	sadd.s32 $0xD0, s30;
	s14 =	simm.s32 $0x1A480  }
0x169: {  	[tilespmem:s14], [sflag:$0x1] =	stream.linear.gather [hbm4b:s11+s8], $0x80, $0x38;
	[tilespmem:$0x1B780] =	vst v63  }
0x16a: {  	[smem:$0x7CA] =	sst s11;
	s11 =	sadd.s32 $0xE0, s30;
	s14 =	simm.s32 $0x1A580  }
0x16b: {  	[tilespmem:s14], [sflag:$0x1] =	stream.linear.gather [hbm4b:s11+s8], $0x80, $0x38;
	[tilespmem:$0x1B780] =	vst v63  }
0x16c: {  	[smem:$0x7CB] =	sst s11;
	s11 =	sadd.s32 $0xF0, s30  }
0x16d: {  	s14 =	simm.s32 $0x1A680;
	[smem:$0x7CC] =	sst s11  }
0x16e: {  	[tilespmem:s14], [sflag:$0x1] =	stream.linear.gather [hbm4b:s11+s8], $0x80, $0x38;
	[tilespmem:$0x1B780] =	vst v63  }
0x16f: {  	_ =	swait.ge [sflag:s6], $0x800  }
0x170: {  	[sflag:s6] =	ssyncset.done $0x0  }
0x171: {  	[sflag:s6] =	ssyncadd.s32 $0xFFFFF800  }
0x172: {  	_ =	swait.ge [sflag:s6], $0x800  }
0x173: {  	s10 =	sand.u32 $0x60, s8;
	s8 =	sand.u32 $0xF00, s8;
	[sflag:s6] =	ssyncset.done $0x0  }
0x174: {  	s8 =	sor.u32 s10, s8;
	[sflag:s6] =	ssyncadd.s32 $0xFFFFF800  }
0x175: {  	v0 =	vld [tilespmem:s8+$0x18800]  }
0x176: {  	v1 =	vld [tilespmem:s8+$0x19800];
	_ =	sdelay $0x5  }
0x177: {  	v2 =	vld [tilespmem:s8+$0x18810]  }
0x178: {  	v0 =	vld.idx.msk [tilespmem:v0+s22+$0x0], $0xffff  }
0x179: {  	v1 =	vld.idx.msk [tilespmem:v1+s26+$0x0], $0xffff  }
0x17a: {  	v3 =	vld [tilespmem:s8+$0x19810];
	_ =	sdelay $0x3  }
0x17b: {  	v0 =	vadd.f32 v1, v0;
	_ =	sdelay $0x1  }
0x17c: {  	s9 =	simm.s32 $0x40;
	s11 =	simm.s32 $0x20;
	[tilespmem:s8+$0x1A800] =	vst v0  }
0x17d: {  	s14 =	sand.u32 $0xF00, s9;
	s10 =	sand.u32 $0x60, s11;
	v2 =	vld.idx.msk [tilespmem:v2+s22+$0x0], $0xffff  }
0x17e: {  	s11 =	sor.u32 s10, s14;
	v3 =	vld.idx.msk [tilespmem:v3+s26+$0x0], $0xffff  }
0x17f: {  	v0 =	vld [tilespmem:s11+$0x18800]  }
0x180: {  	s10 =	simm.s32 $0x40;
	v1 =	vld [tilespmem:s11+$0x19800]  }
.LBB2_4:
0x181: {  	_ =	sdelay $0x2  }
0x182: {  	p0 =	sne.s32 s10, $0x7E0;
	s14 =	smov.u32 s10;
	s10 =	sadd.s32 $0x20, s10;
	v2 =	vadd.f32 v3, v2  }
0x183: {  	_ = 	snop  }
0x184: {  	v3 =	vld [tilespmem:s11+$0x19810];
	[tilespmem:s8+$0x1A810] =	vst v2;
	s8 =	smov.u32 s11  }
0x185: {  	v0 =	vld.idx.msk [tilespmem:v0+s22+$0x0], $0xffff  }
0x186: {  	v1 =	vld.idx.msk [tilespmem:v1+s26+$0x0], $0xffff  }
0x187: {  	v2 =	vld [tilespmem:s8+$0x18810];
	_ =	sdelay $0x4  }
0x188: {  	v0 =	vadd.f32 v1, v0;
	_ =	sdelay $0x1  }
.Ltmp1:
0x189: {  	s9 =	sadd.s32 $0x40, s9;
	[tilespmem:s8+$0x1A800] =	vst v0;
	(pc) =	sbr.rel @p0 .LBB2_4-.Ltmp1, $4  }
0x18a: {  	s11 =	sand.u32 $0x60, s14;
	s14 =	sand.u32 $0xF00, s9;
	v2 =	vld.idx.msk [tilespmem:v2+s22+$0x0], $0xffff  }
0x18b: {  	s11 =	sor.u32 s11, s14;
	v3 =	vld.idx.msk [tilespmem:v3+s26+$0x0], $0xffff  }
0x18c: {  	v0 =	vld [tilespmem:s11+$0x18800]  }
0x18d: {  	v1 =	vld [tilespmem:s11+$0x19800]  }
0x18e: {  	_ =	sdelay $0x3  }
0x18f: {  	v2 =	vadd.f32 v3, v2;
	_ =	sdelay $0x1  }
0x190: {  	v3 =	vld [tilespmem:s11+$0x19810];
	[tilespmem:s8+$0x1A810] =	vst v2  }
0x191: {  	v0 =	vld.idx.msk [tilespmem:v0+s22+$0x0], $0xffff  }
0x192: {  	v1 =	vld.idx.msk [tilespmem:v1+s26+$0x0], $0xffff  }
0x193: {  	v2 =	vld [tilespmem:s11+$0x18810];
	_ =	sdelay $0x4  }
0x194: {  	v0 =	vadd.f32 v1, v0;
	_ =	sdelay $0x1  }
0x195: {  	[tilespmem:s11+$0x1A800] =	vst v0  }
0x196: {  	v0 =	vld.idx.msk [tilespmem:v2+s22+$0x0], $0xffff  }
0x197: {  	v1 =	vld.idx.msk [tilespmem:v3+s26+$0x0], $0xffff;
	_ =	sdelay $0x4  }
0x198: {  	v0 =	vadd.f32 v1, v0;
	_ =	sdelay $0x1  }
0x199: {  	s10 =	rddreg [dreg:$0x9];
	s9 =	simm.s32 $0x1A800;
	s8 =	simm.s32 $0x0;
	[tilespmem:s11+$0x1A810] =	vst v0  }
0x19a: {  	[hbm4b:s10+s8] =	stream.linear.scatter [tilespmem:s9], [sflag:$0x4], $0x80, $0x38;
	[tilespmem:$0x1B780] =	vst v63  }
0x19b: {  	s14 =	simm.s32 $0x1A900;
	s11 =	sadd.s32 $0x80, s10  }
0x19c: {  	[hbm4b:s11+s8] =	stream.linear.scatter [tilespmem:s14], [sflag:$0x4], $0x80, $0x38;
	[tilespmem:$0x1B780] =	vst v63  }
0x19d: {  	s11 =	sadd.s32 $0x100, s10;
	s14 =	simm.s32 $0x1AA00  }
0x19e: {  	[hbm4b:s11+s8] =	stream.linear.scatter [tilespmem:s14], [sflag:$0x4], $0x80, $0x38;
	[tilespmem:$0x1B780] =	vst v63  }
0x19f: {  	s11 =	sadd.s32 $0x180, s10;
	s14 =	simm.s32 $0x1AB00  }
0x1a0: {  	[hbm4b:s11+s8] =	stream.linear.scatter [tilespmem:s14], [sflag:$0x4], $0x80, $0x38;
	[tilespmem:$0x1B780] =	vst v63  }
0x1a1: {  	s11 =	sadd.s32 $0x200, s10;
	s14 =	simm.s32 $0x1AC00  }
0x1a2: {  	[hbm4b:s11+s8] =	stream.linear.scatter [tilespmem:s14], [sflag:$0x4], $0x80, $0x38;
	[tilespmem:$0x1B780] =	vst v63  }
0x1a3: {  	s11 =	sadd.s32 $0x280, s10;
	s14 =	simm.s32 $0x1AD00  }
0x1a4: {  	[hbm4b:s11+s8] =	stream.linear.scatter [tilespmem:s14], [sflag:$0x4], $0x80, $0x38;
	[tilespmem:$0x1B780] =	vst v63  }
0x1a5: {  	s11 =	sadd.s32 $0x300, s10;
	s14 =	simm.s32 $0x1AE00  }
0x1a6: {  	[hbm4b:s11+s8] =	stream.linear.scatter [tilespmem:s14], [sflag:$0x4], $0x80, $0x38;
	[tilespmem:$0x1B780] =	vst v63  }
0x1a7: {  	s11 =	sadd.s32 $0x380, s10;
	s14 =	simm.s32 $0x1AF00  }
0x1a8: {  	[hbm4b:s11+s8] =	stream.linear.scatter [tilespmem:s14], [sflag:$0x4], $0x80, $0x38;
	[tilespmem:$0x1B780] =	vst v63  }
0x1a9: {  	s11 =	sadd.s32 $0x400, s10;
	s14 =	simm.s32 $0x1B000  }
0x1aa: {  	[hbm4b:s11+s8] =	stream.linear.scatter [tilespmem:s14], [sflag:$0x4], $0x80, $0x38;
	[tilespmem:$0x1B780] =	vst v63  }
0x1ab: {  	s11 =	sadd.s32 $0x480, s10;
	s14 =	simm.s32 $0x1B100  }
0x1ac: {  	[hbm4b:s11+s8] =	stream.linear.scatter [tilespmem:s14], [sflag:$0x4], $0x80, $0x38;
	[tilespmem:$0x1B780] =	vst v63  }
0x1ad: {  	s11 =	sadd.s32 $0x500, s10;
	s14 =	simm.s32 $0x1B200  }
0x1ae: {  	[hbm4b:s11+s8] =	stream.linear.scatter [tilespmem:s14], [sflag:$0x4], $0x80, $0x38;
	[tilespmem:$0x1B780] =	vst v63  }
0x1af: {  	s11 =	sadd.s32 $0x580, s10;
	s14 =	simm.s32 $0x1B300  }
0x1b0: {  	[hbm4b:s11+s8] =	stream.linear.scatter [tilespmem:s14], [sflag:$0x4], $0x80, $0x38;
	[tilespmem:$0x1B780] =	vst v63  }
0x1b1: {  	s11 =	sadd.s32 $0x600, s10;
	s14 =	simm.s32 $0x1B400  }
0x1b2: {  	[hbm4b:s11+s8] =	stream.linear.scatter [tilespmem:s14], [sflag:$0x4], $0x80, $0x38;
	[tilespmem:$0x1B780] =	vst v63  }
0x1b3: {  	s11 =	sadd.s32 $0x680, s10;
	s14 =	simm.s32 $0x1B500  }
0x1b4: {  	[hbm4b:s11+s8] =	stream.linear.scatter [tilespmem:s14], [sflag:$0x4], $0x80, $0x38;
	[tilespmem:$0x1B780] =	vst v63  }
0x1b5: {  	s11 =	sadd.s32 $0x700, s10;
	s14 =	simm.s32 $0x1B600  }
0x1b6: {  	[hbm4b:s11+s8] =	stream.linear.scatter [tilespmem:s14], [sflag:$0x4], $0x80, $0x38;
	[tilespmem:$0x1B780] =	vst v63  }
0x1b7: {  	s11 =	sadd.s32 $0x780, s10;
	s14 =	simm.s32 $0x1B700  }
0x1b8: {  	[hbm4b:s11+s8] =	stream.linear.scatter [tilespmem:s14], [sflag:$0x4], $0x80, $0x38;
	[tilespmem:$0x1B780] =	vst v63  }
0x1b9: {  	s10 =	simm.s32 $0x18800  }
0x1ba: {  	[tilespmem:s10], [sflag:$0x2] =	stream.linear.gather [hbm4b:s31+s8], $0x80, $0x38;
	[tilespmem:$0x1B780] =	vst v63  }
0x1bb: {  	s11 =	sadd.s32 $0x10, s31;
	s14 =	simm.s32 $0x18900  }
0x1bc: {  	[tilespmem:s14], [sflag:$0x2] =	stream.linear.gather [hbm4b:s11+s8], $0x80, $0x38;
	[tilespmem:$0x1B780] =	vst v63  }
0x1bd: {  	[smem:$0x791] =	sst s11;
	s11 =	sadd.s32 $0x20, s31;
	s14 =	simm.s32 $0x18A00  }
0x1be: {  	[tilespmem:s14], [sflag:$0x2] =	stream.linear.gather [hbm4b:s11+s8], $0x80, $0x38;
	[tilespmem:$0x1B780] =	vst v63  }
0x1bf: {  	[smem:$0x792] =	sst s11;
	s11 =	sadd.s32 $0x30, s31;
	s14 =	simm.s32 $0x18B00  }
0x1c0: {  	[tilespmem:s14], [sflag:$0x2] =	stream.linear.gather [hbm4b:s11+s8], $0x80, $0x38;
	[tilespmem:$0x1B780] =	vst v63  }
0x1c1: {  	[smem:$0x793] =	sst s11;
	s11 =	sadd.s32 $0x40, s31;
	s14 =	simm.s32 $0x18C00  }
0x1c2: {  	[tilespmem:s14], [sflag:$0x2] =	stream.linear.gather [hbm4b:s11+s8], $0x80, $0x38;
	[tilespmem:$0x1B780] =	vst v63  }
0x1c3: {  	[smem:$0x794] =	sst s11;
	s11 =	sadd.s32 $0x50, s31;
	s14 =	simm.s32 $0x18D00  }
0x1c4: {  	[tilespmem:s14], [sflag:$0x2] =	stream.linear.gather [hbm4b:s11+s8], $0x80, $0x38;
	[tilespmem:$0x1B780] =	vst v63  }
0x1c5: {  	[smem:$0x795] =	sst s11;
	s11 =	sadd.s32 $0x60, s31;
	s14 =	simm.s32 $0x18E00  }
0x1c6: {  	[tilespmem:s14], [sflag:$0x2] =	stream.linear.gather [hbm4b:s11+s8], $0x80, $0x38;
	[tilespmem:$0x1B780] =	vst v63  }
0x1c7: {  	[smem:$0x796] =	sst s11;
	s11 =	sadd.s32 $0x70, s31;
	s14 =	simm.s32 $0x18F00  }
0x1c8: {  	[tilespmem:s14], [sflag:$0x2] =	stream.linear.gather [hbm4b:s11+s8], $0x80, $0x38;
	[tilespmem:$0x1B780] =	vst v63  }
0x1c9: {  	[smem:$0x797] =	sst s11;
	s11 =	sadd.s32 $0x80, s31;
	s14 =	simm.s32 $0x19000  }
0x1ca: {  	[tilespmem:s14], [sflag:$0x2] =	stream.linear.gather [hbm4b:s11+s8], $0x80, $0x38;
	[tilespmem:$0x1B780] =	vst v63  }
0x1cb: {  	[smem:$0x798] =	sst s11;
	s11 =	sadd.s32 $0x90, s31;
	s14 =	simm.s32 $0x19100  }
0x1cc: {  	[tilespmem:s14], [sflag:$0x2] =	stream.linear.gather [hbm4b:s11+s8], $0x80, $0x38;
	[tilespmem:$0x1B780] =	vst v63  }
0x1cd: {  	[smem:$0x799] =	sst s11;
	s11 =	sadd.s32 $0xA0, s31;
	s14 =	simm.s32 $0x19200  }
0x1ce: {  	[tilespmem:s14], [sflag:$0x2] =	stream.linear.gather [hbm4b:s11+s8], $0x80, $0x38;
	[tilespmem:$0x1B780] =	vst v63  }
0x1cf: {  	[smem:$0x79A] =	sst s11;
	s11 =	sadd.s32 $0xB0, s31;
	s14 =	simm.s32 $0x19300  }
0x1d0: {  	[tilespmem:s14], [sflag:$0x2] =	stream.linear.gather [hbm4b:s11+s8], $0x80, $0x38;
	[tilespmem:$0x1B780] =	vst v63  }
0x1d1: {  	[smem:$0x79B] =	sst s11;
	s11 =	sadd.s32 $0xC0, s31;
	s14 =	simm.s32 $0x19400  }
0x1d2: {  	[tilespmem:s14], [sflag:$0x2] =	stream.linear.gather [hbm4b:s11+s8], $0x80, $0x38;
	[tilespmem:$0x1B780] =	vst v63  }
0x1d3: {  	[smem:$0x79C] =	sst s11;
	s11 =	sadd.s32 $0xD0, s31;
	s14 =	simm.s32 $0x19500  }
0x1d4: {  	[tilespmem:s14], [sflag:$0x2] =	stream.linear.gather [hbm4b:s11+s8], $0x80, $0x38;
	[tilespmem:$0x1B780] =	vst v63  }
0x1d5: {  	[smem:$0x79D] =	sst s11;
	s11 =	sadd.s32 $0xE0, s31;
	s14 =	simm.s32 $0x19600  }
0x1d6: {  	[tilespmem:s14], [sflag:$0x2] =	stream.linear.gather [hbm4b:s11+s8], $0x80, $0x38;
	[tilespmem:$0x1B780] =	vst v63  }
0x1d7: {  	[smem:$0x79E] =	sst s11;
	s11 =	sadd.s32 $0xF0, s31;
	s14 =	simm.s32 $0x19700  }
0x1d8: {  	[tilespmem:s14], [sflag:$0x2] =	stream.linear.gather [hbm4b:s11+s8], $0x80, $0x38;
	[tilespmem:$0x1B780] =	vst v63  }
0x1d9: {  	s10 =	simm.s32 $0x19800  }
0x1da: {  	[tilespmem:s10], [sflag:$0x2] =	stream.linear.gather [hbm4b:s0+s8], $0x80, $0x38;
	[tilespmem:$0x1B780] =	vst v63  }
0x1db: {  	[smem:$0x79F] =	sst s11;
	s11 =	sadd.s32 $0x10, s0;
	s14 =	simm.s32 $0x19900  }
0x1dc: {  	[tilespmem:s14], [sflag:$0x2] =	stream.linear.gather [hbm4b:s11+s8], $0x80, $0x38;
	[tilespmem:$0x1B780] =	vst v63  }
0x1dd: {  	[smem:$0x7A0] =	sst s11;
	s11 =	sadd.s32 $0x20, s0;
	s14 =	simm.s32 $0x19A00  }
0x1de: {  	[tilespmem:s14], [sflag:$0x2] =	stream.linear.gather [hbm4b:s11+s8], $0x80, $0x38;
	[tilespmem:$0x1B780] =	vst v63  }
0x1df: {  	[smem:$0x7A1] =	sst s11;
	s11 =	sadd.s32 $0x30, s0;
	s14 =	simm.s32 $0x19B00  }
0x1e0: {  	[tilespmem:s14], [sflag:$0x2] =	stream.linear.gather [hbm4b:s11+s8], $0x80, $0x38;
	[tilespmem:$0x1B780] =	vst v63  }
0x1e1: {  	[smem:$0x7A2] =	sst s11;
	s11 =	sadd.s32 $0x40, s0;
	s14 =	simm.s32 $0x19C00  }
0x1e2: {  	[tilespmem:s14], [sflag:$0x2] =	stream.linear.gather [hbm4b:s11+s8], $0x80, $0x38;
	[tilespmem:$0x1B780] =	vst v63  }
0x1e3: {  	[smem:$0x7A3] =	sst s11;
	s11 =	sadd.s32 $0x50, s0;
	s14 =	simm.s32 $0x19D00  }
0x1e4: {  	[tilespmem:s14], [sflag:$0x2] =	stream.linear.gather [hbm4b:s11+s8], $0x80, $0x38;
	[tilespmem:$0x1B780] =	vst v63  }
0x1e5: {  	[smem:$0x7A4] =	sst s11;
	s11 =	sadd.s32 $0x60, s0;
	s14 =	simm.s32 $0x19E00  }
0x1e6: {  	[tilespmem:s14], [sflag:$0x2] =	stream.linear.gather [hbm4b:s11+s8], $0x80, $0x38;
	[tilespmem:$0x1B780] =	vst v63  }
0x1e7: {  	[smem:$0x7A5] =	sst s11;
	s11 =	sadd.s32 $0x70, s0;
	s14 =	simm.s32 $0x19F00  }
0x1e8: {  	[tilespmem:s14], [sflag:$0x2] =	stream.linear.gather [hbm4b:s11+s8], $0x80, $0x38;
	[tilespmem:$0x1B780] =	vst v63  }
0x1e9: {  	[smem:$0x7A6] =	sst s11;
	s11 =	sadd.s32 $0x80, s0;
	s14 =	simm.s32 $0x1A000  }
0x1ea: {  	[tilespmem:s14], [sflag:$0x2] =	stream.linear.gather [hbm4b:s11+s8], $0x80, $0x38;
	[tilespmem:$0x1B780] =	vst v63  }
0x1eb: {  	[smem:$0x7A7] =	sst s11;
	s11 =	sadd.s32 $0x90, s0;
	s14 =	simm.s32 $0x1A100  }
0x1ec: {  	[tilespmem:s14], [sflag:$0x2] =	stream.linear.gather [hbm4b:s11+s8], $0x80, $0x38;
	[tilespmem:$0x1B780] =	vst v63  }
0x1ed: {  	[smem:$0x7A8] =	sst s11;
	s11 =	sadd.s32 $0xA0, s0;
	s14 =	simm.s32 $0x1A200  }
0x1ee: {  	[tilespmem:s14], [sflag:$0x2] =	stream.linear.gather [hbm4b:s11+s8], $0x80, $0x38;
	[tilespmem:$0x1B780] =	vst v63  }
0x1ef: {  	[smem:$0x7A9] =	sst s11;
	s11 =	sadd.s32 $0xB0, s0;
	s14 =	simm.s32 $0x1A300  }
0x1f0: {  	[tilespmem:s14], [sflag:$0x2] =	stream.linear.gather [hbm4b:s11+s8], $0x80, $0x38;
	[tilespmem:$0x1B780] =	vst v63  }
0x1f1: {  	[smem:$0x7AA] =	sst s11;
	s11 =	sadd.s32 $0xC0, s0;
	s14 =	simm.s32 $0x1A400  }
0x1f2: {  	[tilespmem:s14], [sflag:$0x2] =	stream.linear.gather [hbm4b:s11+s8], $0x80, $0x38;
	[tilespmem:$0x1B780] =	vst v63  }
0x1f3: {  	[smem:$0x7AB] =	sst s11;
	s11 =	sadd.s32 $0xD0, s0;
	s14 =	simm.s32 $0x1A500  }
0x1f4: {  	[tilespmem:s14], [sflag:$0x2] =	stream.linear.gather [hbm4b:s11+s8], $0x80, $0x38;
	[tilespmem:$0x1B780] =	vst v63  }
0x1f5: {  	[smem:$0x7AC] =	sst s11;
	s11 =	sadd.s32 $0xE0, s0;
	s14 =	simm.s32 $0x1A600  }
0x1f6: {  	[tilespmem:s14], [sflag:$0x2] =	stream.linear.gather [hbm4b:s11+s8], $0x80, $0x38;
	[tilespmem:$0x1B780] =	vst v63  }
0x1f7: {  	[smem:$0x7AD] =	sst s11;
	s11 =	sadd.s32 $0xF0, s0  }
0x1f8: {  	s14 =	simm.s32 $0x1A700;
	[smem:$0x7AE] =	sst s11  }
0x1f9: {  	[tilespmem:s14], [sflag:$0x2] =	stream.linear.gather [hbm4b:s11+s8], $0x80, $0x38;
	[tilespmem:$0x1B780] =	vst v63  }
0x1fa: {  	_ =	swait.ge [sflag:s28], $0x800  }
0x1fb: {  	[sflag:s28] =	ssyncset.done $0x0  }
0x1fc: {  	[sflag:s28] =	ssyncadd.s32 $0xFFFFF800  }
0x1fd: {  	_ =	swait.ge [sflag:s28], $0x800  }
0x1fe: {  	s10 =	sand.u32 $0x60, s8;
	s8 =	sand.u32 $0xF00, s8;
	[sflag:s28] =	ssyncset.done $0x0  }
0x1ff: {  	s8 =	sor.u32 s10, s8;
	[sflag:s28] =	ssyncadd.s32 $0xFFFFF800  }
0x200: {  	v0 =	vld [tilespmem:s8+$0x18780]  }
0x201: {  	v1 =	vld [tilespmem:s8+$0x19780];
	_ =	sdelay $0x5  }
0x202: {  	v2 =	vld [tilespmem:s8+$0x18790]  }
0x203: {  	v0 =	vld.idx.msk [tilespmem:v0+s22+$0x0], $0xffff  }
0x204: {  	v1 =	vld.idx.msk [tilespmem:v1+s26+$0x0], $0xffff  }
0x205: {  	v3 =	vld [tilespmem:s8+$0x19790];
	_ =	sdelay $0x3  }
0x206: {  	v0 =	vadd.f32 v1, v0;
	_ =	sdelay $0x1  }
0x207: {  	s9 =	simm.s32 $0x40;
	s11 =	simm.s32 $0x20;
	[tilespmem:s8+$0x1A780] =	vst v0  }
0x208: {  	s14 =	sand.u32 $0xF00, s9;
	s10 =	sand.u32 $0x60, s11;
	v2 =	vld.idx.msk [tilespmem:v2+s22+$0x0], $0xffff  }
0x209: {  	s11 =	sor.u32 s10, s14;
	v3 =	vld.idx.msk [tilespmem:v3+s26+$0x0], $0xffff  }
0x20a: {  	v0 =	vld [tilespmem:s11+$0x18780]  }
0x20b: {  	s10 =	simm.s32 $0x40;
	v1 =	vld [tilespmem:s11+$0x19780]  }
.LBB2_6:
0x20c: {  	_ =	sdelay $0x2  }
0x20d: {  	p0 =	sne.s32 s10, $0x7E0;
	s14 =	smov.u32 s10;
	s10 =	sadd.s32 $0x20, s10;
	v2 =	vadd.f32 v3, v2  }
0x20e: {  	_ = 	snop  }
0x20f: {  	v3 =	vld [tilespmem:s11+$0x19790];
	[tilespmem:s8+$0x1A790] =	vst v2;
	s8 =	smov.u32 s11  }
0x210: {  	v0 =	vld.idx.msk [tilespmem:v0+s22+$0x0], $0xffff  }
0x211: {  	v1 =	vld.idx.msk [tilespmem:v1+s26+$0x0], $0xffff  }
0x212: {  	v2 =	vld [tilespmem:s8+$0x18790];
	_ =	sdelay $0x4  }
0x213: {  	v0 =	vadd.f32 v1, v0;
	_ =	sdelay $0x1  }
.Ltmp2:
0x214: {  	s9 =	sadd.s32 $0x40, s9;
	[tilespmem:s8+$0x1A780] =	vst v0;
	(pc) =	sbr.rel @p0 .LBB2_6-.Ltmp2, $4  }
0x215: {  	s11 =	sand.u32 $0x60, s14;
	s14 =	sand.u32 $0xF00, s9;
	v2 =	vld.idx.msk [tilespmem:v2+s22+$0x0], $0xffff  }
0x216: {  	s11 =	sor.u32 s11, s14;
	v3 =	vld.idx.msk [tilespmem:v3+s26+$0x0], $0xffff  }
0x217: {  	v0 =	vld [tilespmem:s11+$0x18780]  }
0x218: {  	v1 =	vld [tilespmem:s11+$0x19780]  }
0x219: {  	_ =	sdelay $0x3  }
0x21a: {  	v2 =	vadd.f32 v3, v2;
	_ =	sdelay $0x1  }
0x21b: {  	v3 =	vld [tilespmem:s11+$0x19790];
	[tilespmem:s8+$0x1A790] =	vst v2  }
0x21c: {  	v0 =	vld.idx.msk [tilespmem:v0+s22+$0x0], $0xffff  }
0x21d: {  	v1 =	vld.idx.msk [tilespmem:v1+s26+$0x0], $0xffff  }
0x21e: {  	v2 =	vld [tilespmem:s11+$0x18790];
	_ =	sdelay $0x4  }
0x21f: {  	v0 =	vadd.f32 v1, v0;
	_ =	sdelay $0x1  }
0x220: {  	[tilespmem:s11+$0x1A780] =	vst v0  }
0x221: {  	v0 =	vld.idx.msk [tilespmem:v2+s22+$0x0], $0xffff  }
0x222: {  	v1 =	vld.idx.msk [tilespmem:v3+s26+$0x0], $0xffff;
	_ =	sdelay $0x4  }
0x223: {  	v0 =	vadd.f32 v1, v0;
	_ =	sdelay $0x1  }
0x224: {  	[tilespmem:s11+$0x1A790] =	vst v0  }
0x225: {  	_ =	swait.ge [sflag:s7], $0x800  }
0x226: {  	s9 =	simm.s32 $0x1A780;
	[sflag:s7] =	ssyncset.done $0x0  }
0x227: {  	s8 =	simm.s32 $0x0;
	s10 =	rddreg [dreg:$0xa];
	[sflag:s7] =	ssyncadd.s32 $0xFFFFF800  }
0x228: {  	[hbm4b:s10+s8] =	stream.linear.scatter [tilespmem:s9], [sflag:$0x4], $0x80, $0x38;
	[tilespmem:$0x1B780] =	vst v63  }
0x229: {  	s14 =	simm.s32 $0x1A880;
	s11 =	sadd.s32 $0x80, s10  }
0x22a: {  	[hbm4b:s11+s8] =	stream.linear.scatter [tilespmem:s14], [sflag:$0x4], $0x80, $0x38;
	[tilespmem:$0x1B780] =	vst v63  }
0x22b: {  	s11 =	sadd.s32 $0x100, s10;
	s14 =	simm.s32 $0x1A980  }
0x22c: {  	[hbm4b:s11+s8] =	stream.linear.scatter [tilespmem:s14], [sflag:$0x4], $0x80, $0x38;
	[tilespmem:$0x1B780] =	vst v63  }
0x22d: {  	s11 =	sadd.s32 $0x180, s10;
	s14 =	simm.s32 $0x1AA80  }
0x22e: {  	[hbm4b:s11+s8] =	stream.linear.scatter [tilespmem:s14], [sflag:$0x4], $0x80, $0x38;
	[tilespmem:$0x1B780] =	vst v63  }
0x22f: {  	s11 =	sadd.s32 $0x200, s10;
	s14 =	simm.s32 $0x1AB80  }
0x230: {  	[hbm4b:s11+s8] =	stream.linear.scatter [tilespmem:s14], [sflag:$0x4], $0x80, $0x38;
	[tilespmem:$0x1B780] =	vst v63  }
0x231: {  	s11 =	sadd.s32 $0x280, s10;
	s14 =	simm.s32 $0x1AC80  }
0x232: {  	[hbm4b:s11+s8] =	stream.linear.scatter [tilespmem:s14], [sflag:$0x4], $0x80, $0x38;
	[tilespmem:$0x1B780] =	vst v63  }
0x233: {  	s11 =	sadd.s32 $0x300, s10;
	s14 =	simm.s32 $0x1AD80  }
0x234: {  	[hbm4b:s11+s8] =	stream.linear.scatter [tilespmem:s14], [sflag:$0x4], $0x80, $0x38;
	[tilespmem:$0x1B780] =	vst v63  }
0x235: {  	s11 =	sadd.s32 $0x380, s10;
	s14 =	simm.s32 $0x1AE80  }
0x236: {  	[hbm4b:s11+s8] =	stream.linear.scatter [tilespmem:s14], [sflag:$0x4], $0x80, $0x38;
	[tilespmem:$0x1B780] =	vst v63  }
0x237: {  	s11 =	sadd.s32 $0x400, s10;
	s14 =	simm.s32 $0x1AF80  }
0x238: {  	[hbm4b:s11+s8] =	stream.linear.scatter [tilespmem:s14], [sflag:$0x4], $0x80, $0x38;
	[tilespmem:$0x1B780] =	vst v63  }
0x239: {  	s11 =	sadd.s32 $0x480, s10;
	s14 =	simm.s32 $0x1B080  }
0x23a: {  	[hbm4b:s11+s8] =	stream.linear.scatter [tilespmem:s14], [sflag:$0x4], $0x80, $0x38;
	[tilespmem:$0x1B780] =	vst v63  }
0x23b: {  	s11 =	sadd.s32 $0x500, s10;
	s14 =	simm.s32 $0x1B180  }
0x23c: {  	[hbm4b:s11+s8] =	stream.linear.scatter [tilespmem:s14], [sflag:$0x4], $0x80, $0x38;
	[tilespmem:$0x1B780] =	vst v63  }
0x23d: {  	s11 =	sadd.s32 $0x580, s10;
	s14 =	simm.s32 $0x1B280  }
0x23e: {  	[hbm4b:s11+s8] =	stream.linear.scatter [tilespmem:s14], [sflag:$0x4], $0x80, $0x38;
	[tilespmem:$0x1B780] =	vst v63  }
0x23f: {  	s11 =	sadd.s32 $0x600, s10;
	s14 =	simm.s32 $0x1B380  }
0x240: {  	[hbm4b:s11+s8] =	stream.linear.scatter [tilespmem:s14], [sflag:$0x4], $0x80, $0x38;
	[tilespmem:$0x1B780] =	vst v63  }
0x241: {  	s11 =	sadd.s32 $0x680, s10;
	s14 =	simm.s32 $0x1B480  }
0x242: {  	[hbm4b:s11+s8] =	stream.linear.scatter [tilespmem:s14], [sflag:$0x4], $0x80, $0x38;
	[tilespmem:$0x1B780] =	vst v63  }
0x243: {  	s11 =	sadd.s32 $0x700, s10;
	s14 =	simm.s32 $0x1B580  }
0x244: {  	[hbm4b:s11+s8] =	stream.linear.scatter [tilespmem:s14], [sflag:$0x4], $0x80, $0x38;
	[tilespmem:$0x1B780] =	vst v63  }
0x245: {  	s11 =	sadd.s32 $0x780, s10;
	s14 =	simm.s32 $0x1B680  }
0x246: {  	[hbm4b:s11+s8] =	stream.linear.scatter [tilespmem:s14], [sflag:$0x4], $0x80, $0x38;
	[tilespmem:$0x1B780] =	vst v63  }
0x247: {  	s10 =	simm.s32 $0x18780  }
0x248: {  	[tilespmem:s10], [sflag:$0x1] =	stream.linear.gather [hbm4b:s3+s8], $0x80, $0x38;
	[tilespmem:$0x1B780] =	vst v63  }
0x249: {  	s11 =	sadd.s32 $0x10, s3;
	s14 =	simm.s32 $0x18880  }
0x24a: {  	[tilespmem:s14], [sflag:$0x1] =	stream.linear.gather [hbm4b:s11+s8], $0x80, $0x38;
	[tilespmem:$0x1B780] =	vst v63  }
0x24b: {  	[smem:$0x773] =	sst s11;
	s11 =	sadd.s32 $0x20, s3;
	s14 =	simm.s32 $0x18980  }
0x24c: {  	[tilespmem:s14], [sflag:$0x1] =	stream.linear.gather [hbm4b:s11+s8], $0x80, $0x38;
	[tilespmem:$0x1B780] =	vst v63  }
0x24d: {  	[smem:$0x774] =	sst s11;
	s11 =	sadd.s32 $0x30, s3;
	s14 =	simm.s32 $0x18A80  }
0x24e: {  	[tilespmem:s14], [sflag:$0x1] =	stream.linear.gather [hbm4b:s11+s8], $0x80, $0x38;
	[tilespmem:$0x1B780] =	vst v63  }
0x24f: {  	[smem:$0x775] =	sst s11;
	s11 =	sadd.s32 $0x40, s3;
	s14 =	simm.s32 $0x18B80  }
0x250: {  	[tilespmem:s14], [sflag:$0x1] =	stream.linear.gather [hbm4b:s11+s8], $0x80, $0x38;
	[tilespmem:$0x1B780] =	vst v63  }
0x251: {  	[smem:$0x776] =	sst s11;
	s11 =	sadd.s32 $0x50, s3;
	s14 =	simm.s32 $0x18C80  }
0x252: {  	[tilespmem:s14], [sflag:$0x1] =	stream.linear.gather [hbm4b:s11+s8], $0x80, $0x38;
	[tilespmem:$0x1B780] =	vst v63  }
0x253: {  	[smem:$0x777] =	sst s11;
	s11 =	sadd.s32 $0x60, s3;
	s14 =	simm.s32 $0x18D80  }
0x254: {  	[tilespmem:s14], [sflag:$0x1] =	stream.linear.gather [hbm4b:s11+s8], $0x80, $0x38;
	[tilespmem:$0x1B780] =	vst v63  }
0x255: {  	[smem:$0x778] =	sst s11;
	s11 =	sadd.s32 $0x70, s3;
	s14 =	simm.s32 $0x18E80  }
0x256: {  	[tilespmem:s14], [sflag:$0x1] =	stream.linear.gather [hbm4b:s11+s8], $0x80, $0x38;
	[tilespmem:$0x1B780] =	vst v63  }
0x257: {  	[smem:$0x779] =	sst s11;
	s11 =	sadd.s32 $0x80, s3;
	s14 =	simm.s32 $0x18F80  }
0x258: {  	[tilespmem:s14], [sflag:$0x1] =	stream.linear.gather [hbm4b:s11+s8], $0x80, $0x38;
	[tilespmem:$0x1B780] =	vst v63  }
0x259: {  	[smem:$0x77A] =	sst s11;
	s11 =	sadd.s32 $0x90, s3;
	s14 =	simm.s32 $0x19080  }
0x25a: {  	[tilespmem:s14], [sflag:$0x1] =	stream.linear.gather [hbm4b:s11+s8], $0x80, $0x38;
	[tilespmem:$0x1B780] =	vst v63  }
0x25b: {  	[smem:$0x77B] =	sst s11;
	s11 =	sadd.s32 $0xA0, s3;
	s14 =	simm.s32 $0x19180  }
0x25c: {  	[tilespmem:s14], [sflag:$0x1] =	stream.linear.gather [hbm4b:s11+s8], $0x80, $0x38;
	[tilespmem:$0x1B780] =	vst v63  }
0x25d: {  	[smem:$0x77C] =	sst s11;
	s11 =	sadd.s32 $0xB0, s3;
	s14 =	simm.s32 $0x19280  }
0x25e: {  	[tilespmem:s14], [sflag:$0x1] =	stream.linear.gather [hbm4b:s11+s8], $0x80, $0x38;
	[tilespmem:$0x1B780] =	vst v63  }
0x25f: {  	[smem:$0x77D] =	sst s11;
	s11 =	sadd.s32 $0xC0, s3;
	s14 =	simm.s32 $0x19380  }
0x260: {  	[tilespmem:s14], [sflag:$0x1] =	stream.linear.gather [hbm4b:s11+s8], $0x80, $0x38;
	[tilespmem:$0x1B780] =	vst v63  }
0x261: {  	[smem:$0x77E] =	sst s11;
	s11 =	sadd.s32 $0xD0, s3;
	s14 =	simm.s32 $0x19480  }
0x262: {  	[tilespmem:s14], [sflag:$0x1] =	stream.linear.gather [hbm4b:s11+s8], $0x80, $0x38;
	[tilespmem:$0x1B780] =	vst v63  }
0x263: {  	[smem:$0x77F] =	sst s11;
	s11 =	sadd.s32 $0xE0, s3;
	s14 =	simm.s32 $0x19580  }
0x264: {  	[tilespmem:s14], [sflag:$0x1] =	stream.linear.gather [hbm4b:s11+s8], $0x80, $0x38;
	[tilespmem:$0x1B780] =	vst v63  }
0x265: {  	[smem:$0x780] =	sst s11;
	s11 =	sadd.s32 $0xF0, s3;
	s14 =	simm.s32 $0x19680  }
0x266: {  	[tilespmem:s14], [sflag:$0x1] =	stream.linear.gather [hbm4b:s11+s8], $0x80, $0x38;
	[tilespmem:$0x1B780] =	vst v63  }
0x267: {  	s10 =	simm.s32 $0x19780  }
0x268: {  	[tilespmem:s10], [sflag:$0x1] =	stream.linear.gather [hbm4b:s4+s8], $0x80, $0x38;
	[tilespmem:$0x1B780] =	vst v63  }
0x269: {  	[smem:$0x781] =	sst s11;
	s11 =	sadd.s32 $0x10, s4;
	s14 =	simm.s32 $0x19880  }
0x26a: {  	[tilespmem:s14], [sflag:$0x1] =	stream.linear.gather [hbm4b:s11+s8], $0x80, $0x38;
	[tilespmem:$0x1B780] =	vst v63  }
0x26b: {  	[smem:$0x782] =	sst s11;
	s11 =	sadd.s32 $0x20, s4;
	s14 =	simm.s32 $0x19980  }
0x26c: {  	[tilespmem:s14], [sflag:$0x1] =	stream.linear.gather [hbm4b:s11+s8], $0x80, $0x38;
	[tilespmem:$0x1B780] =	vst v63  }
0x26d: {  	[smem:$0x783] =	sst s11;
	s11 =	sadd.s32 $0x30, s4;
	s14 =	simm.s32 $0x19A80  }
0x26e: {  	[tilespmem:s14], [sflag:$0x1] =	stream.linear.gather [hbm4b:s11+s8], $0x80, $0x38;
	[tilespmem:$0x1B780] =	vst v63  }
0x26f: {  	[smem:$0x784] =	sst s11;
	s11 =	sadd.s32 $0x40, s4;
	s14 =	simm.s32 $0x19B80  }
0x270: {  	[tilespmem:s14], [sflag:$0x1] =	stream.linear.gather [hbm4b:s11+s8], $0x80, $0x38;
	[tilespmem:$0x1B780] =	vst v63  }
0x271: {  	[smem:$0x785] =	sst s11;
	s11 =	sadd.s32 $0x50, s4;
	s14 =	simm.s32 $0x19C80  }
0x272: {  	[tilespmem:s14], [sflag:$0x1] =	stream.linear.gather [hbm4b:s11+s8], $0x80, $0x38;
	[tilespmem:$0x1B780] =	vst v63  }
0x273: {  	[smem:$0x786] =	sst s11;
	s11 =	sadd.s32 $0x60, s4;
	s14 =	simm.s32 $0x19D80  }
0x274: {  	[tilespmem:s14], [sflag:$0x1] =	stream.linear.gather [hbm4b:s11+s8], $0x80, $0x38;
	[tilespmem:$0x1B780] =	vst v63  }
0x275: {  	[smem:$0x787] =	sst s11;
	s11 =	sadd.s32 $0x70, s4;
	s14 =	simm.s32 $0x19E80  }
0x276: {  	[tilespmem:s14], [sflag:$0x1] =	stream.linear.gather [hbm4b:s11+s8], $0x80, $0x38;
	[tilespmem:$0x1B780] =	vst v63  }
0x277: {  	[smem:$0x788] =	sst s11;
	s11 =	sadd.s32 $0x80, s4;
	s14 =	simm.s32 $0x19F80  }
0x278: {  	[tilespmem:s14], [sflag:$0x1] =	stream.linear.gather [hbm4b:s11+s8], $0x80, $0x38;
	[tilespmem:$0x1B780] =	vst v63  }
0x279: {  	[smem:$0x789] =	sst s11;
	s11 =	sadd.s32 $0x90, s4;
	s14 =	simm.s32 $0x1A080  }
0x27a: {  	[tilespmem:s14], [sflag:$0x1] =	stream.linear.gather [hbm4b:s11+s8], $0x80, $0x38;
	[tilespmem:$0x1B780] =	vst v63  }
0x27b: {  	[smem:$0x78A] =	sst s11;
	s11 =	sadd.s32 $0xA0, s4;
	s14 =	simm.s32 $0x1A180  }
0x27c: {  	[tilespmem:s14], [sflag:$0x1] =	stream.linear.gather [hbm4b:s11+s8], $0x80, $0x38;
	[tilespmem:$0x1B780] =	vst v63  }
0x27d: {  	[smem:$0x78B] =	sst s11;
	s11 =	sadd.s32 $0xB0, s4;
	s14 =	simm.s32 $0x1A280  }
0x27e: {  	[tilespmem:s14], [sflag:$0x1] =	stream.linear.gather [hbm4b:s11+s8], $0x80, $0x38;
	[tilespmem:$0x1B780] =	vst v63  }
0x27f: {  	[smem:$0x78C] =	sst s11;
	s11 =	sadd.s32 $0xC0, s4;
	s14 =	simm.s32 $0x1A380  }
0x280: {  	[tilespmem:s14], [sflag:$0x1] =	stream.linear.gather [hbm4b:s11+s8], $0x80, $0x38;
	[tilespmem:$0x1B780] =	vst v63  }
0x281: {  	[smem:$0x78D] =	sst s11;
	s11 =	sadd.s32 $0xD0, s4;
	s14 =	simm.s32 $0x1A480  }
0x282: {  	[tilespmem:s14], [sflag:$0x1] =	stream.linear.gather [hbm4b:s11+s8], $0x80, $0x38;
	[tilespmem:$0x1B780] =	vst v63  }
0x283: {  	[smem:$0x78E] =	sst s11;
	s11 =	sadd.s32 $0xE0, s4;
	s14 =	simm.s32 $0x1A580  }
0x284: {  	[tilespmem:s14], [sflag:$0x1] =	stream.linear.gather [hbm4b:s11+s8], $0x80, $0x38;
	[tilespmem:$0x1B780] =	vst v63  }
0x285: {  	[smem:$0x78F] =	sst s11;
	s11 =	sadd.s32 $0xF0, s4  }
0x286: {  	s14 =	simm.s32 $0x1A680;
	[smem:$0x790] =	sst s11  }
0x287: {  	[tilespmem:s14], [sflag:$0x1] =	stream.linear.gather [hbm4b:s11+s8], $0x80, $0x38;
	[tilespmem:$0x1B780] =	vst v63  }
0x288: {  	_ =	swait.ge [sflag:s6], $0x800  }
0x289: {  	[sflag:s6] =	ssyncset.done $0x0  }
0x28a: {  	[sflag:s6] =	ssyncadd.s32 $0xFFFFF800  }
0x28b: {  	_ =	swait.ge [sflag:s6], $0x800  }
0x28c: {  	s10 =	sand.u32 $0x60, s8;
	s8 =	sand.u32 $0xF00, s8;
	[sflag:s6] =	ssyncset.done $0x0  }
0x28d: {  	s8 =	sor.u32 s10, s8;
	[sflag:s6] =	ssyncadd.s32 $0xFFFFF800  }
0x28e: {  	v0 =	vld [tilespmem:s8+$0x18800]  }
0x28f: {  	v1 =	vld [tilespmem:s8+$0x19800];
	_ =	sdelay $0x5  }
0x290: {  	v2 =	vld [tilespmem:s8+$0x18810]  }
0x291: {  	v0 =	vld.idx.msk [tilespmem:v0+s22+$0x0], $0xffff  }
0x292: {  	v1 =	vld.idx.msk [tilespmem:v1+s26+$0x0], $0xffff  }
0x293: {  	v3 =	vld [tilespmem:s8+$0x19810];
	_ =	sdelay $0x3  }
0x294: {  	v0 =	vadd.f32 v1, v0;
	_ =	sdelay $0x1  }
0x295: {  	s9 =	simm.s32 $0x40;
	s11 =	simm.s32 $0x20;
	[tilespmem:s8+$0x1A800] =	vst v0  }
0x296: {  	s14 =	sand.u32 $0xF00, s9;
	s10 =	sand.u32 $0x60, s11;
	v2 =	vld.idx.msk [tilespmem:v2+s22+$0x0], $0xffff  }
0x297: {  	s11 =	sor.u32 s10, s14;
	v3 =	vld.idx.msk [tilespmem:v3+s26+$0x0], $0xffff  }
0x298: {  	v0 =	vld [tilespmem:s11+$0x18800]  }
0x299: {  	s10 =	simm.s32 $0x40;
	v1 =	vld [tilespmem:s11+$0x19800]  }
.LBB2_8:
0x29a: {  	_ =	sdelay $0x2  }
0x29b: {  	p0 =	sne.s32 s10, $0x7E0;
	s14 =	smov.u32 s10;
	s10 =	sadd.s32 $0x20, s10;
	v2 =	vadd.f32 v3, v2  }
0x29c: {  	_ = 	snop  }
0x29d: {  	v3 =	vld [tilespmem:s11+$0x19810];
	[tilespmem:s8+$0x1A810] =	vst v2;
	s8 =	smov.u32 s11  }
0x29e: {  	v0 =	vld.idx.msk [tilespmem:v0+s22+$0x0], $0xffff  }
0x29f: {  	v1 =	vld.idx.msk [tilespmem:v1+s26+$0x0], $0xffff  }
0x2a0: {  	v2 =	vld [tilespmem:s8+$0x18810];
	_ =	sdelay $0x4  }
0x2a1: {  	v0 =	vadd.f32 v1, v0;
	_ =	sdelay $0x1  }
.Ltmp3:
0x2a2: {  	s9 =	sadd.s32 $0x40, s9;
	[tilespmem:s8+$0x1A800] =	vst v0;
	(pc) =	sbr.rel @p0 .LBB2_8-.Ltmp3, $4  }
0x2a3: {  	s11 =	sand.u32 $0x60, s14;
	s14 =	sand.u32 $0xF00, s9;
	v2 =	vld.idx.msk [tilespmem:v2+s22+$0x0], $0xffff  }
0x2a4: {  	s11 =	sor.u32 s11, s14;
	v3 =	vld.idx.msk [tilespmem:v3+s26+$0x0], $0xffff  }
0x2a5: {  	v0 =	vld [tilespmem:s11+$0x18800]  }
0x2a6: {  	v1 =	vld [tilespmem:s11+$0x19800]  }
0x2a7: {  	_ =	sdelay $0x3  }
0x2a8: {  	v2 =	vadd.f32 v3, v2;
	_ =	sdelay $0x1  }
0x2a9: {  	v3 =	vld [tilespmem:s11+$0x19810];
	[tilespmem:s8+$0x1A810] =	vst v2  }
0x2aa: {  	v0 =	vld.idx.msk [tilespmem:v0+s22+$0x0], $0xffff  }
0x2ab: {  	v1 =	vld.idx.msk [tilespmem:v1+s26+$0x0], $0xffff  }
0x2ac: {  	v2 =	vld [tilespmem:s11+$0x18810];
	_ =	sdelay $0x4  }
0x2ad: {  	v0 =	vadd.f32 v1, v0;
	_ =	sdelay $0x1  }
0x2ae: {  	[tilespmem:s11+$0x1A800] =	vst v0  }
0x2af: {  	v0 =	vld.idx.msk [tilespmem:v2+s22+$0x0], $0xffff  }
0x2b0: {  	v1 =	vld.idx.msk [tilespmem:v3+s26+$0x0], $0xffff;
	_ =	sdelay $0x4  }
0x2b1: {  	v0 =	vadd.f32 v1, v0;
	_ =	sdelay $0x1  }
0x2b2: {  	[tilespmem:s11+$0x1A810] =	vst v0  }
0x2b3: {  	_ =	swait.ge [sflag:s7], $0x800  }
0x2b4: {  	s9 =	simm.s32 $0x1A800;
	[sflag:s7] =	ssyncset.done $0x0  }
0x2b5: {  	s8 =	simm.s32 $0x0;
	s10 =	rddreg [dreg:$0xb];
	[sflag:s7] =	ssyncadd.s32 $0xFFFFF800  }
0x2b6: {  	[hbm4b:s10+s8] =	stream.linear.scatter [tilespmem:s9], [sflag:$0x4], $0x80, $0x38;
	[tilespmem:$0x1B780] =	vst v63  }
0x2b7: {  	s14 =	simm.s32 $0x1A900;
	s11 =	sadd.s32 $0x80, s10  }
0x2b8: {  	[hbm4b:s11+s8] =	stream.linear.scatter [tilespmem:s14], [sflag:$0x4], $0x80, $0x38;
	[tilespmem:$0x1B780] =	vst v63  }
0x2b9: {  	s11 =	sadd.s32 $0x100, s10;
	s14 =	simm.s32 $0x1AA00  }
0x2ba: {  	[hbm4b:s11+s8] =	stream.linear.scatter [tilespmem:s14], [sflag:$0x4], $0x80, $0x38;
	[tilespmem:$0x1B780] =	vst v63  }
0x2bb: {  	s11 =	sadd.s32 $0x180, s10;
	s14 =	simm.s32 $0x1AB00  }
0x2bc: {  	[hbm4b:s11+s8] =	stream.linear.scatter [tilespmem:s14], [sflag:$0x4], $0x80, $0x38;
	[tilespmem:$0x1B780] =	vst v63  }
0x2bd: {  	s11 =	sadd.s32 $0x200, s10;
	s14 =	simm.s32 $0x1AC00  }
0x2be: {  	[hbm4b:s11+s8] =	stream.linear.scatter [tilespmem:s14], [sflag:$0x4], $0x80, $0x38;
	[tilespmem:$0x1B780] =	vst v63  }
0x2bf: {  	s11 =	sadd.s32 $0x280, s10;
	s14 =	simm.s32 $0x1AD00  }
0x2c0: {  	[hbm4b:s11+s8] =	stream.linear.scatter [tilespmem:s14], [sflag:$0x4], $0x80, $0x38;
	[tilespmem:$0x1B780] =	vst v63  }
0x2c1: {  	s11 =	sadd.s32 $0x300, s10;
	s14 =	simm.s32 $0x1AE00  }
0x2c2: {  	[hbm4b:s11+s8] =	stream.linear.scatter [tilespmem:s14], [sflag:$0x4], $0x80, $0x38;
	[tilespmem:$0x1B780] =	vst v63  }
0x2c3: {  	s11 =	sadd.s32 $0x380, s10;
	s14 =	simm.s32 $0x1AF00  }
0x2c4: {  	[hbm4b:s11+s8] =	stream.linear.scatter [tilespmem:s14], [sflag:$0x4], $0x80, $0x38;
	[tilespmem:$0x1B780] =	vst v63  }
0x2c5: {  	s11 =	sadd.s32 $0x400, s10;
	s14 =	simm.s32 $0x1B000  }
0x2c6: {  	[hbm4b:s11+s8] =	stream.linear.scatter [tilespmem:s14], [sflag:$0x4], $0x80, $0x38;
	[tilespmem:$0x1B780] =	vst v63  }
0x2c7: {  	s11 =	sadd.s32 $0x480, s10;
	s14 =	simm.s32 $0x1B100  }
0x2c8: {  	[hbm4b:s11+s8] =	stream.linear.scatter [tilespmem:s14], [sflag:$0x4], $0x80, $0x38;
	[tilespmem:$0x1B780] =	vst v63  }
0x2c9: {  	s11 =	sadd.s32 $0x500, s10;
	s14 =	simm.s32 $0x1B200  }
0x2ca: {  	[hbm4b:s11+s8] =	stream.linear.scatter [tilespmem:s14], [sflag:$0x4], $0x80, $0x38;
	[tilespmem:$0x1B780] =	vst v63  }
0x2cb: {  	s11 =	sadd.s32 $0x580, s10;
	s14 =	simm.s32 $0x1B300  }
0x2cc: {  	[hbm4b:s11+s8] =	stream.linear.scatter [tilespmem:s14], [sflag:$0x4], $0x80, $0x38;
	[tilespmem:$0x1B780] =	vst v63  }
0x2cd: {  	s11 =	sadd.s32 $0x600, s10;
	s14 =	simm.s32 $0x1B400  }
0x2ce: {  	[hbm4b:s11+s8] =	stream.linear.scatter [tilespmem:s14], [sflag:$0x4], $0x80, $0x38;
	[tilespmem:$0x1B780] =	vst v63  }
0x2cf: {  	s11 =	sadd.s32 $0x680, s10;
	s14 =	simm.s32 $0x1B500  }
0x2d0: {  	[hbm4b:s11+s8] =	stream.linear.scatter [tilespmem:s14], [sflag:$0x4], $0x80, $0x38;
	[tilespmem:$0x1B780] =	vst v63  }
0x2d1: {  	s11 =	sadd.s32 $0x700, s10;
	s14 =	simm.s32 $0x1B600  }
0x2d2: {  	[hbm4b:s11+s8] =	stream.linear.scatter [tilespmem:s14], [sflag:$0x4], $0x80, $0x38;
	[tilespmem:$0x1B780] =	vst v63  }
0x2d3: {  	s11 =	sadd.s32 $0x780, s10;
	s14 =	simm.s32 $0x1B700  }
0x2d4: {  	[hbm4b:s11+s8] =	stream.linear.scatter [tilespmem:s14], [sflag:$0x4], $0x80, $0x38;
	[tilespmem:$0x1B780] =	vst v63  }
0x2d5: {  	s10 =	simm.s32 $0x18800  }
0x2d6: {  	[tilespmem:s10], [sflag:$0x2] =	stream.linear.gather [hbm4b:s5+s8], $0x80, $0x38;
	[tilespmem:$0x1B780] =	vst v63  }
0x2d7: {  	s11 =	sadd.s32 $0x10, s5;
	s14 =	simm.s32 $0x18900  }
0x2d8: {  	[tilespmem:s14], [sflag:$0x2] =	stream.linear.gather [hbm4b:s11+s8], $0x80, $0x38;
	[tilespmem:$0x1B780] =	vst v63  }
0x2d9: {  	[smem:$0x755] =	sst s11;
	s11 =	sadd.s32 $0x20, s5;
	s14 =	simm.s32 $0x18A00  }
0x2da: {  	[tilespmem:s14], [sflag:$0x2] =	stream.linear.gather [hbm4b:s11+s8], $0x80, $0x38;
	[tilespmem:$0x1B780] =	vst v63  }
0x2db: {  	[smem:$0x756] =	sst s11;
	s11 =	sadd.s32 $0x30, s5;
	s14 =	simm.s32 $0x18B00  }
0x2dc: {  	[tilespmem:s14], [sflag:$0x2] =	stream.linear.gather [hbm4b:s11+s8], $0x80, $0x38;
	[tilespmem:$0x1B780] =	vst v63  }
0x2dd: {  	[smem:$0x757] =	sst s11;
	s11 =	sadd.s32 $0x40, s5;
	s14 =	simm.s32 $0x18C00  }
0x2de: {  	[tilespmem:s14], [sflag:$0x2] =	stream.linear.gather [hbm4b:s11+s8], $0x80, $0x38;
	[tilespmem:$0x1B780] =	vst v63  }
0x2df: {  	[smem:$0x758] =	sst s11;
	s11 =	sadd.s32 $0x50, s5;
	s14 =	simm.s32 $0x18D00  }
0x2e0: {  	[tilespmem:s14], [sflag:$0x2] =	stream.linear.gather [hbm4b:s11+s8], $0x80, $0x38;
	[tilespmem:$0x1B780] =	vst v63  }
0x2e1: {  	[smem:$0x759] =	sst s11;
	s11 =	sadd.s32 $0x60, s5;
	s14 =	simm.s32 $0x18E00  }
0x2e2: {  	[tilespmem:s14], [sflag:$0x2] =	stream.linear.gather [hbm4b:s11+s8], $0x80, $0x38;
	[tilespmem:$0x1B780] =	vst v63  }
0x2e3: {  	[smem:$0x75A] =	sst s11;
	s11 =	sadd.s32 $0x70, s5;
	s14 =	simm.s32 $0x18F00  }
0x2e4: {  	[tilespmem:s14], [sflag:$0x2] =	stream.linear.gather [hbm4b:s11+s8], $0x80, $0x38;
	[tilespmem:$0x1B780] =	vst v63  }
0x2e5: {  	[smem:$0x75B] =	sst s11;
	s11 =	sadd.s32 $0x80, s5;
	s14 =	simm.s32 $0x19000  }
0x2e6: {  	[tilespmem:s14], [sflag:$0x2] =	stream.linear.gather [hbm4b:s11+s8], $0x80, $0x38;
	[tilespmem:$0x1B780] =	vst v63  }
0x2e7: {  	[smem:$0x75C] =	sst s11;
	s11 =	sadd.s32 $0x90, s5;
	s14 =	simm.s32 $0x19100  }
0x2e8: {  	[tilespmem:s14], [sflag:$0x2] =	stream.linear.gather [hbm4b:s11+s8], $0x80, $0x38;
	[tilespmem:$0x1B780] =	vst v63  }
0x2e9: {  	[smem:$0x75D] =	sst s11;
	s11 =	sadd.s32 $0xA0, s5;
	s14 =	simm.s32 $0x19200  }
0x2ea: {  	[tilespmem:s14], [sflag:$0x2] =	stream.linear.gather [hbm4b:s11+s8], $0x80, $0x38;
	[tilespmem:$0x1B780] =	vst v63  }
0x2eb: {  	[smem:$0x75E] =	sst s11;
	s11 =	sadd.s32 $0xB0, s5;
	s14 =	simm.s32 $0x19300  }
0x2ec: {  	[tilespmem:s14], [sflag:$0x2] =	stream.linear.gather [hbm4b:s11+s8], $0x80, $0x38;
	[tilespmem:$0x1B780] =	vst v63  }
0x2ed: {  	[smem:$0x75F] =	sst s11;
	s11 =	sadd.s32 $0xC0, s5;
	s14 =	simm.s32 $0x19400  }
0x2ee: {  	[tilespmem:s14], [sflag:$0x2] =	stream.linear.gather [hbm4b:s11+s8], $0x80, $0x38;
	[tilespmem:$0x1B780] =	vst v63  }
0x2ef: {  	[smem:$0x760] =	sst s11;
	s11 =	sadd.s32 $0xD0, s5;
	s14 =	simm.s32 $0x19500  }
0x2f0: {  	[tilespmem:s14], [sflag:$0x2] =	stream.linear.gather [hbm4b:s11+s8], $0x80, $0x38;
	[tilespmem:$0x1B780] =	vst v63  }
0x2f1: {  	[smem:$0x761] =	sst s11;
	s11 =	sadd.s32 $0xE0, s5;
	s14 =	simm.s32 $0x19600  }
0x2f2: {  	[tilespmem:s14], [sflag:$0x2] =	stream.linear.gather [hbm4b:s11+s8], $0x80, $0x38;
	[tilespmem:$0x1B780] =	vst v63  }
0x2f3: {  	[smem:$0x762] =	sst s11;
	s11 =	sadd.s32 $0xF0, s5;
	s14 =	simm.s32 $0x19700  }
0x2f4: {  	[tilespmem:s14], [sflag:$0x2] =	stream.linear.gather [hbm4b:s11+s8], $0x80, $0x38;
	[tilespmem:$0x1B780] =	vst v63  }
0x2f5: {  	s10 =	simm.s32 $0x19800  }
0x2f6: {  	[tilespmem:s10], [sflag:$0x2] =	stream.linear.gather [hbm4b:s12+s8], $0x80, $0x38;
	[tilespmem:$0x1B780] =	vst v63  }
0x2f7: {  	[smem:$0x763] =	sst s11;
	s11 =	sadd.s32 $0x10, s12;
	s14 =	simm.s32 $0x19900  }
0x2f8: {  	[tilespmem:s14], [sflag:$0x2] =	stream.linear.gather [hbm4b:s11+s8], $0x80, $0x38;
	[tilespmem:$0x1B780] =	vst v63  }
0x2f9: {  	[smem:$0x764] =	sst s11;
	s11 =	sadd.s32 $0x20, s12;
	s14 =	simm.s32 $0x19A00  }
0x2fa: {  	[tilespmem:s14], [sflag:$0x2] =	stream.linear.gather [hbm4b:s11+s8], $0x80, $0x38;
	[tilespmem:$0x1B780] =	vst v63  }
0x2fb: {  	[smem:$0x765] =	sst s11;
	s11 =	sadd.s32 $0x30, s12;
	s14 =	simm.s32 $0x19B00  }
0x2fc: {  	[tilespmem:s14], [sflag:$0x2] =	stream.linear.gather [hbm4b:s11+s8], $0x80, $0x38;
	[tilespmem:$0x1B780] =	vst v63  }
0x2fd: {  	[smem:$0x766] =	sst s11;
	s11 =	sadd.s32 $0x40, s12;
	s14 =	simm.s32 $0x19C00  }
0x2fe: {  	[tilespmem:s14], [sflag:$0x2] =	stream.linear.gather [hbm4b:s11+s8], $0x80, $0x38;
	[tilespmem:$0x1B780] =	vst v63  }
0x2ff: {  	[smem:$0x767] =	sst s11;
	s11 =	sadd.s32 $0x50, s12;
	s14 =	simm.s32 $0x19D00  }
0x300: {  	[tilespmem:s14], [sflag:$0x2] =	stream.linear.gather [hbm4b:s11+s8], $0x80, $0x38;
	[tilespmem:$0x1B780] =	vst v63  }
0x301: {  	[smem:$0x768] =	sst s11;
	s11 =	sadd.s32 $0x60, s12;
	s14 =	simm.s32 $0x19E00  }
0x302: {  	[tilespmem:s14], [sflag:$0x2] =	stream.linear.gather [hbm4b:s11+s8], $0x80, $0x38;
	[tilespmem:$0x1B780] =	vst v63  }
0x303: {  	[smem:$0x769] =	sst s11;
	s11 =	sadd.s32 $0x70, s12;
	s14 =	simm.s32 $0x19F00  }
0x304: {  	[tilespmem:s14], [sflag:$0x2] =	stream.linear.gather [hbm4b:s11+s8], $0x80, $0x38;
	[tilespmem:$0x1B780] =	vst v63  }
0x305: {  	[smem:$0x76A] =	sst s11;
	s11 =	sadd.s32 $0x80, s12;
	s14 =	simm.s32 $0x1A000  }
0x306: {  	[tilespmem:s14], [sflag:$0x2] =	stream.linear.gather [hbm4b:s11+s8], $0x80, $0x38;
	[tilespmem:$0x1B780] =	vst v63  }
0x307: {  	[smem:$0x76B] =	sst s11;
	s11 =	sadd.s32 $0x90, s12;
	s14 =	simm.s32 $0x1A100  }
0x308: {  	[tilespmem:s14], [sflag:$0x2] =	stream.linear.gather [hbm4b:s11+s8], $0x80, $0x38;
	[tilespmem:$0x1B780] =	vst v63  }
0x309: {  	[smem:$0x76C] =	sst s11;
	s11 =	sadd.s32 $0xA0, s12;
	s14 =	simm.s32 $0x1A200  }
0x30a: {  	[tilespmem:s14], [sflag:$0x2] =	stream.linear.gather [hbm4b:s11+s8], $0x80, $0x38;
	[tilespmem:$0x1B780] =	vst v63  }
0x30b: {  	[smem:$0x76D] =	sst s11;
	s11 =	sadd.s32 $0xB0, s12;
	s14 =	simm.s32 $0x1A300  }
0x30c: {  	[tilespmem:s14], [sflag:$0x2] =	stream.linear.gather [hbm4b:s11+s8], $0x80, $0x38;
	[tilespmem:$0x1B780] =	vst v63  }
0x30d: {  	[smem:$0x76E] =	sst s11;
	s11 =	sadd.s32 $0xC0, s12;
	s14 =	simm.s32 $0x1A400  }
0x30e: {  	[tilespmem:s14], [sflag:$0x2] =	stream.linear.gather [hbm4b:s11+s8], $0x80, $0x38;
	[tilespmem:$0x1B780] =	vst v63  }
0x30f: {  	[smem:$0x76F] =	sst s11;
	s11 =	sadd.s32 $0xD0, s12;
	s14 =	simm.s32 $0x1A500  }
0x310: {  	[tilespmem:s14], [sflag:$0x2] =	stream.linear.gather [hbm4b:s11+s8], $0x80, $0x38;
	[tilespmem:$0x1B780] =	vst v63  }
0x311: {  	[smem:$0x770] =	sst s11;
	s11 =	sadd.s32 $0xE0, s12;
	s14 =	simm.s32 $0x1A600  }
0x312: {  	[tilespmem:s14], [sflag:$0x2] =	stream.linear.gather [hbm4b:s11+s8], $0x80, $0x38;
	[tilespmem:$0x1B780] =	vst v63  }
0x313: {  	[smem:$0x771] =	sst s11;
	s11 =	sadd.s32 $0xF0, s12  }
0x314: {  	s14 =	simm.s32 $0x1A700;
	[smem:$0x772] =	sst s11  }
0x315: {  	[tilespmem:s14], [sflag:$0x2] =	stream.linear.gather [hbm4b:s11+s8], $0x80, $0x38;
	[tilespmem:$0x1B780] =	vst v63  }
0x316: {  	_ =	swait.ge [sflag:s28], $0x800  }
0x317: {  	[sflag:s28] =	ssyncset.done $0x0  }
0x318: {  	[sflag:s28] =	ssyncadd.s32 $0xFFFFF800  }
0x319: {  	_ =	swait.ge [sflag:s28], $0x800  }
0x31a: {  	s10 =	sand.u32 $0x60, s8;
	s8 =	sand.u32 $0xF00, s8;
	[sflag:s28] =	ssyncset.done $0x0  }
0x31b: {  	s8 =	sor.u32 s10, s8;
	[sflag:s28] =	ssyncadd.s32 $0xFFFFF800  }
0x31c: {  	v0 =	vld [tilespmem:s8+$0x18780]  }
0x31d: {  	v1 =	vld [tilespmem:s8+$0x19780];
	_ =	sdelay $0x5  }
0x31e: {  	v2 =	vld [tilespmem:s8+$0x18790]  }
0x31f: {  	v0 =	vld.idx.msk [tilespmem:v0+s22+$0x0], $0xffff  }
0x320: {  	v1 =	vld.idx.msk [tilespmem:v1+s26+$0x0], $0xffff  }
0x321: {  	v3 =	vld [tilespmem:s8+$0x19790];
	_ =	sdelay $0x3  }
0x322: {  	v0 =	vadd.f32 v1, v0;
	_ =	sdelay $0x1  }
0x323: {  	s9 =	simm.s32 $0x40;
	s11 =	simm.s32 $0x20;
	[tilespmem:s8+$0x1A780] =	vst v0  }
0x324: {  	s14 =	sand.u32 $0xF00, s9;
	s10 =	sand.u32 $0x60, s11;
	v2 =	vld.idx.msk [tilespmem:v2+s22+$0x0], $0xffff  }
0x325: {  	s11 =	sor.u32 s10, s14;
	v3 =	vld.idx.msk [tilespmem:v3+s26+$0x0], $0xffff  }
0x326: {  	v0 =	vld [tilespmem:s11+$0x18780]  }
0x327: {  	s10 =	simm.s32 $0x40;
	v1 =	vld [tilespmem:s11+$0x19780]  }
.LBB2_10:
0x328: {  	_ =	sdelay $0x2  }
0x329: {  	p0 =	sne.s32 s10, $0x7E0;
	s14 =	smov.u32 s10;
	s10 =	sadd.s32 $0x20, s10;
	v2 =	vadd.f32 v3, v2  }
0x32a: {  	_ = 	snop  }
0x32b: {  	v3 =	vld [tilespmem:s11+$0x19790];
	[tilespmem:s8+$0x1A790] =	vst v2;
	s8 =	smov.u32 s11  }
0x32c: {  	v0 =	vld.idx.msk [tilespmem:v0+s22+$0x0], $0xffff  }
0x32d: {  	v1 =	vld.idx.msk [tilespmem:v1+s26+$0x0], $0xffff  }
0x32e: {  	v2 =	vld [tilespmem:s8+$0x18790];
	_ =	sdelay $0x4  }
0x32f: {  	v0 =	vadd.f32 v1, v0;
	_ =	sdelay $0x1  }
.Ltmp4:
0x330: {  	s9 =	sadd.s32 $0x40, s9;
	[tilespmem:s8+$0x1A780] =	vst v0;
	(pc) =	sbr.rel @p0 .LBB2_10-.Ltmp4, $4  }
0x331: {  	s11 =	sand.u32 $0x60, s14;
	s14 =	sand.u32 $0xF00, s9;
	v2 =	vld.idx.msk [tilespmem:v2+s22+$0x0], $0xffff  }
0x332: {  	s11 =	sor.u32 s11, s14;
	v3 =	vld.idx.msk [tilespmem:v3+s26+$0x0], $0xffff  }
0x333: {  	v0 =	vld [tilespmem:s11+$0x18780]  }
0x334: {  	v1 =	vld [tilespmem:s11+$0x19780]  }
0x335: {  	_ =	sdelay $0x3  }
0x336: {  	v2 =	vadd.f32 v3, v2;
	_ =	sdelay $0x1  }
0x337: {  	v3 =	vld [tilespmem:s11+$0x19790];
	[tilespmem:s8+$0x1A790] =	vst v2  }
0x338: {  	v0 =	vld.idx.msk [tilespmem:v0+s22+$0x0], $0xffff  }
0x339: {  	v1 =	vld.idx.msk [tilespmem:v1+s26+$0x0], $0xffff  }
0x33a: {  	v2 =	vld [tilespmem:s11+$0x18790];
	_ =	sdelay $0x4  }
0x33b: {  	v0 =	vadd.f32 v1, v0;
	_ =	sdelay $0x1  }
0x33c: {  	[tilespmem:s11+$0x1A780] =	vst v0  }
0x33d: {  	v0 =	vld.idx.msk [tilespmem:v2+s22+$0x0], $0xffff  }
0x33e: {  	v1 =	vld.idx.msk [tilespmem:v3+s26+$0x0], $0xffff;
	_ =	sdelay $0x4  }
0x33f: {  	v0 =	vadd.f32 v1, v0;
	_ =	sdelay $0x1  }
0x340: {  	[tilespmem:s11+$0x1A790] =	vst v0  }
0x341: {  	_ =	swait.ge [sflag:s7], $0x800  }
0x342: {  	s9 =	simm.s32 $0x1A780;
	[sflag:s7] =	ssyncset.done $0x0  }
0x343: {  	s8 =	simm.s32 $0x0;
	s10 =	rddreg [dreg:$0xc];
	[sflag:s7] =	ssyncadd.s32 $0xFFFFF800  }
0x344: {  	[hbm4b:s10+s8] =	stream.linear.scatter [tilespmem:s9], [sflag:$0x4], $0x80, $0x38;
	[tilespmem:$0x1B780] =	vst v63  }
0x345: {  	s14 =	simm.s32 $0x1A880;
	s11 =	sadd.s32 $0x80, s10  }
0x346: {  	[hbm4b:s11+s8] =	stream.linear.scatter [tilespmem:s14], [sflag:$0x4], $0x80, $0x38;
	[tilespmem:$0x1B780] =	vst v63  }
0x347: {  	s11 =	sadd.s32 $0x100, s10;
	s14 =	simm.s32 $0x1A980  }
0x348: {  	[hbm4b:s11+s8] =	stream.linear.scatter [tilespmem:s14], [sflag:$0x4], $0x80, $0x38;
	[tilespmem:$0x1B780] =	vst v63  }
0x349: {  	s11 =	sadd.s32 $0x180, s10;
	s14 =	simm.s32 $0x1AA80  }
0x34a: {  	[hbm4b:s11+s8] =	stream.linear.scatter [tilespmem:s14], [sflag:$0x4], $0x80, $0x38;
	[tilespmem:$0x1B780] =	vst v63  }
0x34b: {  	s11 =	sadd.s32 $0x200, s10;
	s14 =	simm.s32 $0x1AB80  }
0x34c: {  	[hbm4b:s11+s8] =	stream.linear.scatter [tilespmem:s14], [sflag:$0x4], $0x80, $0x38;
	[tilespmem:$0x1B780] =	vst v63  }
0x34d: {  	s11 =	sadd.s32 $0x280, s10;
	s14 =	simm.s32 $0x1AC80  }
0x34e: {  	[hbm4b:s11+s8] =	stream.linear.scatter [tilespmem:s14], [sflag:$0x4], $0x80, $0x38;
	[tilespmem:$0x1B780] =	vst v63  }
0x34f: {  	s11 =	sadd.s32 $0x300, s10;
	s14 =	simm.s32 $0x1AD80  }
0x350: {  	[hbm4b:s11+s8] =	stream.linear.scatter [tilespmem:s14], [sflag:$0x4], $0x80, $0x38;
	[tilespmem:$0x1B780] =	vst v63  }
0x351: {  	s11 =	sadd.s32 $0x380, s10;
	s14 =	simm.s32 $0x1AE80  }
0x352: {  	[hbm4b:s11+s8] =	stream.linear.scatter [tilespmem:s14], [sflag:$0x4], $0x80, $0x38;
	[tilespmem:$0x1B780] =	vst v63  }
0x353: {  	s11 =	sadd.s32 $0x400, s10;
	s14 =	simm.s32 $0x1AF80  }
0x354: {  	[hbm4b:s11+s8] =	stream.linear.scatter [tilespmem:s14], [sflag:$0x4], $0x80, $0x38;
	[tilespmem:$0x1B780] =	vst v63  }
0x355: {  	s11 =	sadd.s32 $0x480, s10;
	s14 =	simm.s32 $0x1B080  }
0x356: {  	[hbm4b:s11+s8] =	stream.linear.scatter [tilespmem:s14], [sflag:$0x4], $0x80, $0x38;
	[tilespmem:$0x1B780] =	vst v63  }
0x357: {  	s11 =	sadd.s32 $0x500, s10;
	s14 =	simm.s32 $0x1B180  }
0x358: {  	[hbm4b:s11+s8] =	stream.linear.scatter [tilespmem:s14], [sflag:$0x4], $0x80, $0x38;
	[tilespmem:$0x1B780] =	vst v63  }
0x359: {  	s11 =	sadd.s32 $0x580, s10;
	s14 =	simm.s32 $0x1B280  }
0x35a: {  	[hbm4b:s11+s8] =	stream.linear.scatter [tilespmem:s14], [sflag:$0x4], $0x80, $0x38;
	[tilespmem:$0x1B780] =	vst v63  }
0x35b: {  	s11 =	sadd.s32 $0x600, s10;
	s14 =	simm.s32 $0x1B380  }
0x35c: {  	[hbm4b:s11+s8] =	stream.linear.scatter [tilespmem:s14], [sflag:$0x4], $0x80, $0x38;
	[tilespmem:$0x1B780] =	vst v63  }
0x35d: {  	s11 =	sadd.s32 $0x680, s10;
	s14 =	simm.s32 $0x1B480  }
0x35e: {  	[hbm4b:s11+s8] =	stream.linear.scatter [tilespmem:s14], [sflag:$0x4], $0x80, $0x38;
	[tilespmem:$0x1B780] =	vst v63  }
0x35f: {  	s11 =	sadd.s32 $0x700, s10;
	s14 =	simm.s32 $0x1B580  }
0x360: {  	[hbm4b:s11+s8] =	stream.linear.scatter [tilespmem:s14], [sflag:$0x4], $0x80, $0x38;
	[tilespmem:$0x1B780] =	vst v63  }
0x361: {  	s11 =	sadd.s32 $0x780, s10;
	s14 =	simm.s32 $0x1B680  }
0x362: {  	[hbm4b:s11+s8] =	stream.linear.scatter [tilespmem:s14], [sflag:$0x4], $0x80, $0x38;
	[tilespmem:$0x1B780] =	vst v63  }
0x363: {  	s10 =	simm.s32 $0x18780  }
0x364: {  	[tilespmem:s10], [sflag:$0x1] =	stream.linear.gather [hbm4b:s13+s8], $0x80, $0x38;
	[tilespmem:$0x1B780] =	vst v63  }
0x365: {  	s11 =	sadd.s32 $0x10, s13;
	s14 =	simm.s32 $0x18880  }
0x366: {  	[tilespmem:s14], [sflag:$0x1] =	stream.linear.gather [hbm4b:s11+s8], $0x80, $0x38;
	[tilespmem:$0x1B780] =	vst v63  }
0x367: {  	[smem:$0x737] =	sst s11;
	s11 =	sadd.s32 $0x20, s13;
	s14 =	simm.s32 $0x18980  }
0x368: {  	[tilespmem:s14], [sflag:$0x1] =	stream.linear.gather [hbm4b:s11+s8], $0x80, $0x38;
	[tilespmem:$0x1B780] =	vst v63  }
0x369: {  	[smem:$0x738] =	sst s11;
	s11 =	sadd.s32 $0x30, s13;
	s14 =	simm.s32 $0x18A80  }
0x36a: {  	[tilespmem:s14], [sflag:$0x1] =	stream.linear.gather [hbm4b:s11+s8], $0x80, $0x38;
	[tilespmem:$0x1B780] =	vst v63  }
0x36b: {  	[smem:$0x739] =	sst s11;
	s11 =	sadd.s32 $0x40, s13;
	s14 =	simm.s32 $0x18B80  }
0x36c: {  	[tilespmem:s14], [sflag:$0x1] =	stream.linear.gather [hbm4b:s11+s8], $0x80, $0x38;
	[tilespmem:$0x1B780] =	vst v63  }
0x36d: {  	[smem:$0x73A] =	sst s11;
	s11 =	sadd.s32 $0x50, s13;
	s14 =	simm.s32 $0x18C80  }
0x36e: {  	[tilespmem:s14], [sflag:$0x1] =	stream.linear.gather [hbm4b:s11+s8], $0x80, $0x38;
	[tilespmem:$0x1B780] =	vst v63  }
0x36f: {  	[smem:$0x73B] =	sst s11;
	s11 =	sadd.s32 $0x60, s13;
	s14 =	simm.s32 $0x18D80  }
0x370: {  	[tilespmem:s14], [sflag:$0x1] =	stream.linear.gather [hbm4b:s11+s8], $0x80, $0x38;
	[tilespmem:$0x1B780] =	vst v63  }
0x371: {  	[smem:$0x73C] =	sst s11;
	s11 =	sadd.s32 $0x70, s13;
	s14 =	simm.s32 $0x18E80  }
0x372: {  	[tilespmem:s14], [sflag:$0x1] =	stream.linear.gather [hbm4b:s11+s8], $0x80, $0x38;
	[tilespmem:$0x1B780] =	vst v63  }
0x373: {  	[smem:$0x73D] =	sst s11;
	s11 =	sadd.s32 $0x80, s13;
	s14 =	simm.s32 $0x18F80  }
0x374: {  	[tilespmem:s14], [sflag:$0x1] =	stream.linear.gather [hbm4b:s11+s8], $0x80, $0x38;
	[tilespmem:$0x1B780] =	vst v63  }
0x375: {  	[smem:$0x73E] =	sst s11;
	s11 =	sadd.s32 $0x90, s13;
	s14 =	simm.s32 $0x19080  }
0x376: {  	[tilespmem:s14], [sflag:$0x1] =	stream.linear.gather [hbm4b:s11+s8], $0x80, $0x38;
	[tilespmem:$0x1B780] =	vst v63  }
0x377: {  	[smem:$0x73F] =	sst s11;
	s11 =	sadd.s32 $0xA0, s13;
	s14 =	simm.s32 $0x19180  }
0x378: {  	[tilespmem:s14], [sflag:$0x1] =	stream.linear.gather [hbm4b:s11+s8], $0x80, $0x38;
	[tilespmem:$0x1B780] =	vst v63  }
0x379: {  	[smem:$0x740] =	sst s11;
	s11 =	sadd.s32 $0xB0, s13;
	s14 =	simm.s32 $0x19280  }
0x37a: {  	[tilespmem:s14], [sflag:$0x1] =	stream.linear.gather [hbm4b:s11+s8], $0x80, $0x38;
	[tilespmem:$0x1B780] =	vst v63  }
0x37b: {  	[smem:$0x741] =	sst s11;
	s11 =	sadd.s32 $0xC0, s13;
	s14 =	simm.s32 $0x19380  }
0x37c: {  	[tilespmem:s14], [sflag:$0x1] =	stream.linear.gather [hbm4b:s11+s8], $0x80, $0x38;
	[tilespmem:$0x1B780] =	vst v63  }
0x37d: {  	[smem:$0x742] =	sst s11;
	s11 =	sadd.s32 $0xD0, s13;
	s14 =	simm.s32 $0x19480  }
0x37e: {  	[tilespmem:s14], [sflag:$0x1] =	stream.linear.gather [hbm4b:s11+s8], $0x80, $0x38;
	[tilespmem:$0x1B780] =	vst v63  }
0x37f: {  	[smem:$0x743] =	sst s11;
	s11 =	sadd.s32 $0xE0, s13;
	s14 =	simm.s32 $0x19580  }
0x380: {  	[tilespmem:s14], [sflag:$0x1] =	stream.linear.gather [hbm4b:s11+s8], $0x80, $0x38;
	[tilespmem:$0x1B780] =	vst v63  }
0x381: {  	[smem:$0x744] =	sst s11;
	s11 =	sadd.s32 $0xF0, s13;
	s14 =	simm.s32 $0x19680  }
0x382: {  	[tilespmem:s14], [sflag:$0x1] =	stream.linear.gather [hbm4b:s11+s8], $0x80, $0x38;
	[tilespmem:$0x1B780] =	vst v63  }
0x383: {  	s10 =	simm.s32 $0x19780  }
0x384: {  	[tilespmem:s10], [sflag:$0x1] =	stream.linear.gather [hbm4b:s25+s8], $0x80, $0x38;
	[tilespmem:$0x1B780] =	vst v63  }
0x385: {  	[smem:$0x745] =	sst s11;
	s11 =	sadd.s32 $0x10, s25;
	s14 =	simm.s32 $0x19880  }
0x386: {  	[tilespmem:s14], [sflag:$0x1] =	stream.linear.gather [hbm4b:s11+s8], $0x80, $0x38;
	[tilespmem:$0x1B780] =	vst v63  }
0x387: {  	[smem:$0x746] =	sst s11;
	s11 =	sadd.s32 $0x20, s25;
	s14 =	simm.s32 $0x19980  }
0x388: {  	[tilespmem:s14], [sflag:$0x1] =	stream.linear.gather [hbm4b:s11+s8], $0x80, $0x38;
	[tilespmem:$0x1B780] =	vst v63  }
0x389: {  	[smem:$0x747] =	sst s11;
	s11 =	sadd.s32 $0x30, s25;
	s14 =	simm.s32 $0x19A80  }
0x38a: {  	[tilespmem:s14], [sflag:$0x1] =	stream.linear.gather [hbm4b:s11+s8], $0x80, $0x38;
	[tilespmem:$0x1B780] =	vst v63  }
0x38b: {  	[smem:$0x748] =	sst s11;
	s11 =	sadd.s32 $0x40, s25;
	s14 =	simm.s32 $0x19B80  }
0x38c: {  	[tilespmem:s14], [sflag:$0x1] =	stream.linear.gather [hbm4b:s11+s8], $0x80, $0x38;
	[tilespmem:$0x1B780] =	vst v63  }
0x38d: {  	[smem:$0x749] =	sst s11;
	s11 =	sadd.s32 $0x50, s25;
	s14 =	simm.s32 $0x19C80  }
0x38e: {  	[tilespmem:s14], [sflag:$0x1] =	stream.linear.gather [hbm4b:s11+s8], $0x80, $0x38;
	[tilespmem:$0x1B780] =	vst v63  }
0x38f: {  	[smem:$0x74A] =	sst s11;
	s11 =	sadd.s32 $0x60, s25;
	s14 =	simm.s32 $0x19D80  }
0x390: {  	[tilespmem:s14], [sflag:$0x1] =	stream.linear.gather [hbm4b:s11+s8], $0x80, $0x38;
	[tilespmem:$0x1B780] =	vst v63  }
0x391: {  	[smem:$0x74B] =	sst s11;
	s11 =	sadd.s32 $0x70, s25;
	s14 =	simm.s32 $0x19E80  }
0x392: {  	[tilespmem:s14], [sflag:$0x1] =	stream.linear.gather [hbm4b:s11+s8], $0x80, $0x38;
	[tilespmem:$0x1B780] =	vst v63  }
0x393: {  	[smem:$0x74C] =	sst s11;
	s11 =	sadd.s32 $0x80, s25;
	s14 =	simm.s32 $0x19F80  }
0x394: {  	[tilespmem:s14], [sflag:$0x1] =	stream.linear.gather [hbm4b:s11+s8], $0x80, $0x38;
	[tilespmem:$0x1B780] =	vst v63  }
0x395: {  	[smem:$0x74D] =	sst s11;
	s11 =	sadd.s32 $0x90, s25;
	s14 =	simm.s32 $0x1A080  }
0x396: {  	[tilespmem:s14], [sflag:$0x1] =	stream.linear.gather [hbm4b:s11+s8], $0x80, $0x38;
	[tilespmem:$0x1B780] =	vst v63  }
0x397: {  	[smem:$0x74E] =	sst s11;
	s11 =	sadd.s32 $0xA0, s25;
	s14 =	simm.s32 $0x1A180  }
0x398: {  	[tilespmem:s14], [sflag:$0x1] =	stream.linear.gather [hbm4b:s11+s8], $0x80, $0x38;
	[tilespmem:$0x1B780] =	vst v63  }
0x399: {  	[smem:$0x74F] =	sst s11;
	s11 =	sadd.s32 $0xB0, s25;
	s14 =	simm.s32 $0x1A280  }
0x39a: {  	[tilespmem:s14], [sflag:$0x1] =	stream.linear.gather [hbm4b:s11+s8], $0x80, $0x38;
	[tilespmem:$0x1B780] =	vst v63  }
0x39b: {  	[smem:$0x750] =	sst s11;
	s11 =	sadd.s32 $0xC0, s25;
	s14 =	simm.s32 $0x1A380  }
0x39c: {  	[tilespmem:s14], [sflag:$0x1] =	stream.linear.gather [hbm4b:s11+s8], $0x80, $0x38;
	[tilespmem:$0x1B780] =	vst v63  }
0x39d: {  	[smem:$0x751] =	sst s11;
	s11 =	sadd.s32 $0xD0, s25;
	s14 =	simm.s32 $0x1A480  }
0x39e: {  	[tilespmem:s14], [sflag:$0x1] =	stream.linear.gather [hbm4b:s11+s8], $0x80, $0x38;
	[tilespmem:$0x1B780] =	vst v63  }
0x39f: {  	[smem:$0x752] =	sst s11;
	s11 =	sadd.s32 $0xE0, s25;
	s14 =	simm.s32 $0x1A580  }
0x3a0: {  	[tilespmem:s14], [sflag:$0x1] =	stream.linear.gather [hbm4b:s11+s8], $0x80, $0x38;
	[tilespmem:$0x1B780] =	vst v63  }
0x3a1: {  	[smem:$0x753] =	sst s11;
	s11 =	sadd.s32 $0xF0, s25  }
0x3a2: {  	s14 =	simm.s32 $0x1A680;
	[smem:$0x754] =	sst s11  }
0x3a3: {  	[tilespmem:s14], [sflag:$0x1] =	stream.linear.gather [hbm4b:s11+s8], $0x80, $0x38;
	[tilespmem:$0x1B780] =	vst v63  }
0x3a4: {  	_ =	swait.ge [sflag:s6], $0x800  }
0x3a5: {  	[sflag:s6] =	ssyncset.done $0x0  }
0x3a6: {  	[sflag:s6] =	ssyncadd.s32 $0xFFFFF800  }
0x3a7: {  	_ =	swait.ge [sflag:s6], $0x800  }
0x3a8: {  	s10 =	sand.u32 $0x60, s8;
	s8 =	sand.u32 $0xF00, s8;
	[sflag:s6] =	ssyncset.done $0x0  }
0x3a9: {  	s8 =	sor.u32 s10, s8;
	[sflag:s6] =	ssyncadd.s32 $0xFFFFF800  }
0x3aa: {  	v0 =	vld [tilespmem:s8+$0x18800]  }
0x3ab: {  	v1 =	vld [tilespmem:s8+$0x19800];
	_ =	sdelay $0x5  }
0x3ac: {  	v2 =	vld [tilespmem:s8+$0x18810]  }
0x3ad: {  	v0 =	vld.idx.msk [tilespmem:v0+s22+$0x0], $0xffff  }
0x3ae: {  	v1 =	vld.idx.msk [tilespmem:v1+s26+$0x0], $0xffff  }
0x3af: {  	v3 =	vld [tilespmem:s8+$0x19810];
	_ =	sdelay $0x3  }
0x3b0: {  	v0 =	vadd.f32 v1, v0;
	_ =	sdelay $0x1  }
0x3b1: {  	s9 =	simm.s32 $0x40;
	s11 =	simm.s32 $0x20;
	[tilespmem:s8+$0x1A800] =	vst v0  }
0x3b2: {  	s14 =	sand.u32 $0xF00, s9;
	s10 =	sand.u32 $0x60, s11;
	v2 =	vld.idx.msk [tilespmem:v2+s22+$0x0], $0xffff  }
0x3b3: {  	s11 =	sor.u32 s10, s14;
	v3 =	vld.idx.msk [tilespmem:v3+s26+$0x0], $0xffff  }
0x3b4: {  	v0 =	vld [tilespmem:s11+$0x18800]  }
0x3b5: {  	s10 =	simm.s32 $0x40;
	v1 =	vld [tilespmem:s11+$0x19800]  }
.LBB2_12:
0x3b6: {  	_ =	sdelay $0x2  }
0x3b7: {  	p0 =	sne.s32 s10, $0x7E0;
	s14 =	smov.u32 s10;
	s10 =	sadd.s32 $0x20, s10;
	v2 =	vadd.f32 v3, v2  }
0x3b8: {  	_ = 	snop  }
0x3b9: {  	v3 =	vld [tilespmem:s11+$0x19810];
	[tilespmem:s8+$0x1A810] =	vst v2;
	s8 =	smov.u32 s11  }
0x3ba: {  	v0 =	vld.idx.msk [tilespmem:v0+s22+$0x0], $0xffff  }
0x3bb: {  	v1 =	vld.idx.msk [tilespmem:v1+s26+$0x0], $0xffff  }
0x3bc: {  	v2 =	vld [tilespmem:s8+$0x18810];
	_ =	sdelay $0x4  }
0x3bd: {  	v0 =	vadd.f32 v1, v0;
	_ =	sdelay $0x1  }
.Ltmp5:
0x3be: {  	s9 =	sadd.s32 $0x40, s9;
	[tilespmem:s8+$0x1A800] =	vst v0;
	(pc) =	sbr.rel @p0 .LBB2_12-.Ltmp5, $4  }
0x3bf: {  	s11 =	sand.u32 $0x60, s14;
	s14 =	sand.u32 $0xF00, s9;
	v2 =	vld.idx.msk [tilespmem:v2+s22+$0x0], $0xffff  }
0x3c0: {  	s11 =	sor.u32 s11, s14;
	v3 =	vld.idx.msk [tilespmem:v3+s26+$0x0], $0xffff  }
0x3c1: {  	v0 =	vld [tilespmem:s11+$0x18800]  }
0x3c2: {  	v1 =	vld [tilespmem:s11+$0x19800]  }
0x3c3: {  	_ =	sdelay $0x3  }
0x3c4: {  	v2 =	vadd.f32 v3, v2;
	_ =	sdelay $0x1  }
0x3c5: {  	v3 =	vld [tilespmem:s11+$0x19810];
	[tilespmem:s8+$0x1A810] =	vst v2  }
0x3c6: {  	v0 =	vld.idx.msk [tilespmem:v0+s22+$0x0], $0xffff  }
0x3c7: {  	v1 =	vld.idx.msk [tilespmem:v1+s26+$0x0], $0xffff  }
0x3c8: {  	v2 =	vld [tilespmem:s11+$0x18810];
	_ =	sdelay $0x4  }
0x3c9: {  	v0 =	vadd.f32 v1, v0;
	_ =	sdelay $0x1  }
0x3ca: {  	[tilespmem:s11+$0x1A800] =	vst v0  }
0x3cb: {  	v0 =	vld.idx.msk [tilespmem:v2+s22+$0x0], $0xffff  }
0x3cc: {  	v1 =	vld.idx.msk [tilespmem:v3+s26+$0x0], $0xffff;
	_ =	sdelay $0x4  }
0x3cd: {  	v0 =	vadd.f32 v1, v0;
	_ =	sdelay $0x1  }
0x3ce: {  	[tilespmem:s11+$0x1A810] =	vst v0  }
0x3cf: {  	_ =	swait.ge [sflag:s7], $0x800  }
0x3d0: {  	s9 =	simm.s32 $0x1A800;
	[sflag:s7] =	ssyncset.done $0x0  }
0x3d1: {  	s8 =	simm.s32 $0x0;
	s10 =	rddreg [dreg:$0xd];
	[sflag:s7] =	ssyncadd.s32 $0xFFFFF800  }
0x3d2: {  	[hbm4b:s10+s8] =	stream.linear.scatter [tilespmem:s9], [sflag:$0x4], $0x80, $0x38;
	[tilespmem:$0x1B780] =	vst v63  }
0x3d3: {  	s14 =	simm.s32 $0x1A900;
	s11 =	sadd.s32 $0x80, s10  }
0x3d4: {  	[hbm4b:s11+s8] =	stream.linear.scatter [tilespmem:s14], [sflag:$0x4], $0x80, $0x38;
	[tilespmem:$0x1B780] =	vst v63  }
0x3d5: {  	s11 =	sadd.s32 $0x100, s10;
	s14 =	simm.s32 $0x1AA00  }
0x3d6: {  	[hbm4b:s11+s8] =	stream.linear.scatter [tilespmem:s14], [sflag:$0x4], $0x80, $0x38;
	[tilespmem:$0x1B780] =	vst v63  }
0x3d7: {  	s11 =	sadd.s32 $0x180, s10;
	s14 =	simm.s32 $0x1AB00  }
0x3d8: {  	[hbm4b:s11+s8] =	stream.linear.scatter [tilespmem:s14], [sflag:$0x4], $0x80, $0x38;
	[tilespmem:$0x1B780] =	vst v63  }
0x3d9: {  	s11 =	sadd.s32 $0x200, s10;
	s14 =	simm.s32 $0x1AC00  }
0x3da: {  	[hbm4b:s11+s8] =	stream.linear.scatter [tilespmem:s14], [sflag:$0x4], $0x80, $0x38;
	[tilespmem:$0x1B780] =	vst v63  }
0x3db: {  	s11 =	sadd.s32 $0x280, s10;
	s14 =	simm.s32 $0x1AD00  }
0x3dc: {  	[hbm4b:s11+s8] =	stream.linear.scatter [tilespmem:s14], [sflag:$0x4], $0x80, $0x38;
	[tilespmem:$0x1B780] =	vst v63  }
0x3dd: {  	s11 =	sadd.s32 $0x300, s10;
	s14 =	simm.s32 $0x1AE00  }
0x3de: {  	[hbm4b:s11+s8] =	stream.linear.scatter [tilespmem:s14], [sflag:$0x4], $0x80, $0x38;
	[tilespmem:$0x1B780] =	vst v63  }
0x3df: {  	s11 =	sadd.s32 $0x380, s10;
	s14 =	simm.s32 $0x1AF00  }
0x3e0: {  	[hbm4b:s11+s8] =	stream.linear.scatter [tilespmem:s14], [sflag:$0x4], $0x80, $0x38;
	[tilespmem:$0x1B780] =	vst v63  }
0x3e1: {  	s11 =	sadd.s32 $0x400, s10;
	s14 =	simm.s32 $0x1B000  }
0x3e2: {  	[hbm4b:s11+s8] =	stream.linear.scatter [tilespmem:s14], [sflag:$0x4], $0x80, $0x38;
	[tilespmem:$0x1B780] =	vst v63  }
0x3e3: {  	s11 =	sadd.s32 $0x480, s10;
	s14 =	simm.s32 $0x1B100  }
0x3e4: {  	[hbm4b:s11+s8] =	stream.linear.scatter [tilespmem:s14], [sflag:$0x4], $0x80, $0x38;
	[tilespmem:$0x1B780] =	vst v63  }
0x3e5: {  	s11 =	sadd.s32 $0x500, s10;
	s14 =	simm.s32 $0x1B200  }
0x3e6: {  	[hbm4b:s11+s8] =	stream.linear.scatter [tilespmem:s14], [sflag:$0x4], $0x80, $0x38;
	[tilespmem:$0x1B780] =	vst v63  }
0x3e7: {  	s11 =	sadd.s32 $0x580, s10;
	s14 =	simm.s32 $0x1B300  }
0x3e8: {  	[hbm4b:s11+s8] =	stream.linear.scatter [tilespmem:s14], [sflag:$0x4], $0x80, $0x38;
	[tilespmem:$0x1B780] =	vst v63  }
0x3e9: {  	s11 =	sadd.s32 $0x600, s10;
	s14 =	simm.s32 $0x1B400  }
0x3ea: {  	[hbm4b:s11+s8] =	stream.linear.scatter [tilespmem:s14], [sflag:$0x4], $0x80, $0x38;
	[tilespmem:$0x1B780] =	vst v63  }
0x3eb: {  	s11 =	sadd.s32 $0x680, s10;
	s14 =	simm.s32 $0x1B500  }
0x3ec: {  	[hbm4b:s11+s8] =	stream.linear.scatter [tilespmem:s14], [sflag:$0x4], $0x80, $0x38;
	[tilespmem:$0x1B780] =	vst v63  }
0x3ed: {  	s11 =	sadd.s32 $0x700, s10;
	s14 =	simm.s32 $0x1B600  }
0x3ee: {  	[hbm4b:s11+s8] =	stream.linear.scatter [tilespmem:s14], [sflag:$0x4], $0x80, $0x38;
	[tilespmem:$0x1B780] =	vst v63  }
0x3ef: {  	s11 =	sadd.s32 $0x780, s10;
	s14 =	simm.s32 $0x1B700  }
0x3f0: {  	[hbm4b:s11+s8] =	stream.linear.scatter [tilespmem:s14], [sflag:$0x4], $0x80, $0x38;
	[tilespmem:$0x1B780] =	vst v63  }
0x3f1: {  	s10 =	simm.s32 $0x18800  }
0x3f2: {  	[tilespmem:s10], [sflag:$0x2] =	stream.linear.gather [hbm4b:s1+s8], $0x80, $0x38;
	[tilespmem:$0x1B780] =	vst v63  }
0x3f3: {  	s11 =	sadd.s32 $0x10, s1;
	s14 =	simm.s32 $0x18900  }
0x3f4: {  	[tilespmem:s14], [sflag:$0x2] =	stream.linear.gather [hbm4b:s11+s8], $0x80, $0x38;
	[tilespmem:$0x1B780] =	vst v63  }
0x3f5: {  	[smem:$0x719] =	sst s11;
	s11 =	sadd.s32 $0x20, s1;
	s14 =	simm.s32 $0x18A00  }
0x3f6: {  	[tilespmem:s14], [sflag:$0x2] =	stream.linear.gather [hbm4b:s11+s8], $0x80, $0x38;
	[tilespmem:$0x1B780] =	vst v63  }
0x3f7: {  	[smem:$0x71A] =	sst s11;
	s11 =	sadd.s32 $0x30, s1;
	s14 =	simm.s32 $0x18B00  }
0x3f8: {  	[tilespmem:s14], [sflag:$0x2] =	stream.linear.gather [hbm4b:s11+s8], $0x80, $0x38;
	[tilespmem:$0x1B780] =	vst v63  }
0x3f9: {  	[smem:$0x71B] =	sst s11;
	s11 =	sadd.s32 $0x40, s1;
	s14 =	simm.s32 $0x18C00  }
0x3fa: {  	[tilespmem:s14], [sflag:$0x2] =	stream.linear.gather [hbm4b:s11+s8], $0x80, $0x38;
	[tilespmem:$0x1B780] =	vst v63  }
0x3fb: {  	[smem:$0x71C] =	sst s11;
	s11 =	sadd.s32 $0x50, s1;
	s14 =	simm.s32 $0x18D00  }
0x3fc: {  	[tilespmem:s14], [sflag:$0x2] =	stream.linear.gather [hbm4b:s11+s8], $0x80, $0x38;
	[tilespmem:$0x1B780] =	vst v63  }
0x3fd: {  	[smem:$0x71D] =	sst s11;
	s11 =	sadd.s32 $0x60, s1;
	s14 =	simm.s32 $0x18E00  }
0x3fe: {  	[tilespmem:s14], [sflag:$0x2] =	stream.linear.gather [hbm4b:s11+s8], $0x80, $0x38;
	[tilespmem:$0x1B780] =	vst v63  }
0x3ff: {  	[smem:$0x71E] =	sst s11;
	s11 =	sadd.s32 $0x70, s1;
	s14 =	simm.s32 $0x18F00  }
0x400: {  	[tilespmem:s14], [sflag:$0x2] =	stream.linear.gather [hbm4b:s11+s8], $0x80, $0x38;
	[tilespmem:$0x1B780] =	vst v63  }
0x401: {  	[smem:$0x71F] =	sst s11;
	s11 =	sadd.s32 $0x80, s1;
	s14 =	simm.s32 $0x19000  }
0x402: {  	[tilespmem:s14], [sflag:$0x2] =	stream.linear.gather [hbm4b:s11+s8], $0x80, $0x38;
	[tilespmem:$0x1B780] =	vst v63  }
0x403: {  	[smem:$0x720] =	sst s11;
	s11 =	sadd.s32 $0x90, s1;
	s14 =	simm.s32 $0x19100  }
0x404: {  	[tilespmem:s14], [sflag:$0x2] =	stream.linear.gather [hbm4b:s11+s8], $0x80, $0x38;
	[tilespmem:$0x1B780] =	vst v63  }
0x405: {  	[smem:$0x721] =	sst s11;
	s11 =	sadd.s32 $0xA0, s1;
	s14 =	simm.s32 $0x19200  }
0x406: {  	[tilespmem:s14], [sflag:$0x2] =	stream.linear.gather [hbm4b:s11+s8], $0x80, $0x38;
	[tilespmem:$0x1B780] =	vst v63  }
0x407: {  	[smem:$0x722] =	sst s11;
	s11 =	sadd.s32 $0xB0, s1;
	s14 =	simm.s32 $0x19300  }
0x408: {  	[tilespmem:s14], [sflag:$0x2] =	stream.linear.gather [hbm4b:s11+s8], $0x80, $0x38;
	[tilespmem:$0x1B780] =	vst v63  }
0x409: {  	[smem:$0x723] =	sst s11;
	s11 =	sadd.s32 $0xC0, s1;
	s14 =	simm.s32 $0x19400  }
0x40a: {  	[tilespmem:s14], [sflag:$0x2] =	stream.linear.gather [hbm4b:s11+s8], $0x80, $0x38;
	[tilespmem:$0x1B780] =	vst v63  }
0x40b: {  	[smem:$0x724] =	sst s11;
	s11 =	sadd.s32 $0xD0, s1;
	s14 =	simm.s32 $0x19500  }
0x40c: {  	[tilespmem:s14], [sflag:$0x2] =	stream.linear.gather [hbm4b:s11+s8], $0x80, $0x38;
	[tilespmem:$0x1B780] =	vst v63  }
0x40d: {  	[smem:$0x725] =	sst s11;
	s11 =	sadd.s32 $0xE0, s1;
	s14 =	simm.s32 $0x19600  }
0x40e: {  	[tilespmem:s14], [sflag:$0x2] =	stream.linear.gather [hbm4b:s11+s8], $0x80, $0x38;
	[tilespmem:$0x1B780] =	vst v63  }
0x40f: {  	[smem:$0x726] =	sst s11;
	s11 =	sadd.s32 $0xF0, s1;
	s14 =	simm.s32 $0x19700  }
0x410: {  	[tilespmem:s14], [sflag:$0x2] =	stream.linear.gather [hbm4b:s11+s8], $0x80, $0x38;
	[tilespmem:$0x1B780] =	vst v63  }
0x411: {  	s10 =	simm.s32 $0x19800  }
0x412: {  	[tilespmem:s10], [sflag:$0x2] =	stream.linear.gather [hbm4b:s2+s8], $0x80, $0x38;
	[tilespmem:$0x1B780] =	vst v63  }
0x413: {  	[smem:$0x727] =	sst s11;
	s11 =	sadd.s32 $0x10, s2;
	s14 =	simm.s32 $0x19900  }
0x414: {  	[tilespmem:s14], [sflag:$0x2] =	stream.linear.gather [hbm4b:s11+s8], $0x80, $0x38;
	[tilespmem:$0x1B780] =	vst v63  }
0x415: {  	[smem:$0x728] =	sst s11;
	s11 =	sadd.s32 $0x20, s2;
	s14 =	simm.s32 $0x19A00  }
0x416: {  	[tilespmem:s14], [sflag:$0x2] =	stream.linear.gather [hbm4b:s11+s8], $0x80, $0x38;
	[tilespmem:$0x1B780] =	vst v63  }
0x417: {  	[smem:$0x729] =	sst s11;
	s11 =	sadd.s32 $0x30, s2;
	s14 =	simm.s32 $0x19B00  }
0x418: {  	[tilespmem:s14], [sflag:$0x2] =	stream.linear.gather [hbm4b:s11+s8], $0x80, $0x38;
	[tilespmem:$0x1B780] =	vst v63  }
0x419: {  	[smem:$0x72A] =	sst s11;
	s11 =	sadd.s32 $0x40, s2;
	s14 =	simm.s32 $0x19C00  }
0x41a: {  	[tilespmem:s14], [sflag:$0x2] =	stream.linear.gather [hbm4b:s11+s8], $0x80, $0x38;
	[tilespmem:$0x1B780] =	vst v63  }
0x41b: {  	[smem:$0x72B] =	sst s11;
	s11 =	sadd.s32 $0x50, s2;
	s14 =	simm.s32 $0x19D00  }
0x41c: {  	[tilespmem:s14], [sflag:$0x2] =	stream.linear.gather [hbm4b:s11+s8], $0x80, $0x38;
	[tilespmem:$0x1B780] =	vst v63  }
0x41d: {  	[smem:$0x72C] =	sst s11;
	s11 =	sadd.s32 $0x60, s2;
	s14 =	simm.s32 $0x19E00  }
0x41e: {  	[tilespmem:s14], [sflag:$0x2] =	stream.linear.gather [hbm4b:s11+s8], $0x80, $0x38;
	[tilespmem:$0x1B780] =	vst v63  }
0x41f: {  	[smem:$0x72D] =	sst s11;
	s11 =	sadd.s32 $0x70, s2;
	s14 =	simm.s32 $0x19F00  }
0x420: {  	[tilespmem:s14], [sflag:$0x2] =	stream.linear.gather [hbm4b:s11+s8], $0x80, $0x38;
	[tilespmem:$0x1B780] =	vst v63  }
0x421: {  	[smem:$0x72E] =	sst s11;
	s11 =	sadd.s32 $0x80, s2;
	s14 =	simm.s32 $0x1A000  }
0x422: {  	[tilespmem:s14], [sflag:$0x2] =	stream.linear.gather [hbm4b:s11+s8], $0x80, $0x38;
	[tilespmem:$0x1B780] =	vst v63  }
0x423: {  	[smem:$0x72F] =	sst s11;
	s11 =	sadd.s32 $0x90, s2;
	s14 =	simm.s32 $0x1A100  }
0x424: {  	[tilespmem:s14], [sflag:$0x2] =	stream.linear.gather [hbm4b:s11+s8], $0x80, $0x38;
	[tilespmem:$0x1B780] =	vst v63  }
0x425: {  	[smem:$0x730] =	sst s11;
	s11 =	sadd.s32 $0xA0, s2;
	s14 =	simm.s32 $0x1A200  }
0x426: {  	[tilespmem:s14], [sflag:$0x2] =	stream.linear.gather [hbm4b:s11+s8], $0x80, $0x38;
	[tilespmem:$0x1B780] =	vst v63  }
0x427: {  	[smem:$0x731] =	sst s11;
	s11 =	sadd.s32 $0xB0, s2;
	s14 =	simm.s32 $0x1A300  }
0x428: {  	[tilespmem:s14], [sflag:$0x2] =	stream.linear.gather [hbm4b:s11+s8], $0x80, $0x38;
	[tilespmem:$0x1B780] =	vst v63  }
0x429: {  	[smem:$0x732] =	sst s11;
	s11 =	sadd.s32 $0xC0, s2;
	s14 =	simm.s32 $0x1A400  }
0x42a: {  	[tilespmem:s14], [sflag:$0x2] =	stream.linear.gather [hbm4b:s11+s8], $0x80, $0x38;
	[tilespmem:$0x1B780] =	vst v63  }
0x42b: {  	[smem:$0x733] =	sst s11;
	s11 =	sadd.s32 $0xD0, s2;
	s14 =	simm.s32 $0x1A500  }
0x42c: {  	[tilespmem:s14], [sflag:$0x2] =	stream.linear.gather [hbm4b:s11+s8], $0x80, $0x38;
	[tilespmem:$0x1B780] =	vst v63  }
0x42d: {  	[smem:$0x734] =	sst s11;
	s11 =	sadd.s32 $0xE0, s2;
	s14 =	simm.s32 $0x1A600  }
0x42e: {  	[tilespmem:s14], [sflag:$0x2] =	stream.linear.gather [hbm4b:s11+s8], $0x80, $0x38;
	[tilespmem:$0x1B780] =	vst v63  }
0x42f: {  	[smem:$0x735] =	sst s11;
	s11 =	sadd.s32 $0xF0, s2  }
0x430: {  	s14 =	simm.s32 $0x1A700;
	[smem:$0x736] =	sst s11  }
0x431: {  	[tilespmem:s14], [sflag:$0x2] =	stream.linear.gather [hbm4b:s11+s8], $0x80, $0x38;
	[tilespmem:$0x1B780] =	vst v63  }
0x432: {  	_ =	swait.ge [sflag:s28], $0x800  }
0x433: {  	[sflag:s28] =	ssyncset.done $0x0  }
0x434: {  	[sflag:s28] =	ssyncadd.s32 $0xFFFFF800  }
0x435: {  	_ =	swait.ge [sflag:s28], $0x800  }
0x436: {  	s10 =	sand.u32 $0x60, s8;
	s8 =	sand.u32 $0xF00, s8;
	[sflag:s28] =	ssyncset.done $0x0  }
0x437: {  	s8 =	sor.u32 s10, s8;
	[sflag:s28] =	ssyncadd.s32 $0xFFFFF800  }
0x438: {  	v0 =	vld [tilespmem:s8+$0x18780]  }
0x439: {  	v1 =	vld [tilespmem:s8+$0x19780];
	_ =	sdelay $0x5  }
0x43a: {  	v2 =	vld [tilespmem:s8+$0x18790]  }
0x43b: {  	v0 =	vld.idx.msk [tilespmem:v0+s22+$0x0], $0xffff  }
0x43c: {  	v1 =	vld.idx.msk [tilespmem:v1+s26+$0x0], $0xffff  }
0x43d: {  	v3 =	vld [tilespmem:s8+$0x19790];
	_ =	sdelay $0x3  }
0x43e: {  	v0 =	vadd.f32 v1, v0;
	_ =	sdelay $0x1  }
0x43f: {  	s9 =	simm.s32 $0x40;
	s11 =	simm.s32 $0x20;
	[tilespmem:s8+$0x1A780] =	vst v0  }
0x440: {  	s14 =	sand.u32 $0xF00, s9;
	s10 =	sand.u32 $0x60, s11;
	v2 =	vld.idx.msk [tilespmem:v2+s22+$0x0], $0xffff  }
0x441: {  	s11 =	sor.u32 s10, s14;
	v3 =	vld.idx.msk [tilespmem:v3+s26+$0x0], $0xffff  }
0x442: {  	v0 =	vld [tilespmem:s11+$0x18780]  }
0x443: {  	s10 =	simm.s32 $0x40;
	v1 =	vld [tilespmem:s11+$0x19780]  }
.LBB2_14:
0x444: {  	_ =	sdelay $0x2  }
0x445: {  	p0 =	sne.s32 s10, $0x7E0;
	s14 =	smov.u32 s10;
	s10 =	sadd.s32 $0x20, s10;
	v2 =	vadd.f32 v3, v2  }
0x446: {  	_ = 	snop  }
0x447: {  	v3 =	vld [tilespmem:s11+$0x19790];
	[tilespmem:s8+$0x1A790] =	vst v2;
	s8 =	smov.u32 s11  }
0x448: {  	v0 =	vld.idx.msk [tilespmem:v0+s22+$0x0], $0xffff  }
0x449: {  	v1 =	vld.idx.msk [tilespmem:v1+s26+$0x0], $0xffff  }
0x44a: {  	v2 =	vld [tilespmem:s8+$0x18790];
	_ =	sdelay $0x4  }
0x44b: {  	v0 =	vadd.f32 v1, v0;
	_ =	sdelay $0x1  }
.Ltmp6:
0x44c: {  	s9 =	sadd.s32 $0x40, s9;
	[tilespmem:s8+$0x1A780] =	vst v0;
	(pc) =	sbr.rel @p0 .LBB2_14-.Ltmp6, $4  }
0x44d: {  	s11 =	sand.u32 $0x60, s14;
	s14 =	sand.u32 $0xF00, s9;
	v2 =	vld.idx.msk [tilespmem:v2+s22+$0x0], $0xffff  }
0x44e: {  	s11 =	sor.u32 s11, s14;
	v3 =	vld.idx.msk [tilespmem:v3+s26+$0x0], $0xffff  }
0x44f: {  	v0 =	vld [tilespmem:s11+$0x18780]  }
0x450: {  	v1 =	vld [tilespmem:s11+$0x19780]  }
0x451: {  	_ =	sdelay $0x3  }
0x452: {  	v2 =	vadd.f32 v3, v2;
	_ =	sdelay $0x1  }
0x453: {  	v3 =	vld [tilespmem:s11+$0x19790];
	[tilespmem:s8+$0x1A790] =	vst v2  }
0x454: {  	v0 =	vld.idx.msk [tilespmem:v0+s22+$0x0], $0xffff  }
0x455: {  	v1 =	vld.idx.msk [tilespmem:v1+s26+$0x0], $0xffff  }
0x456: {  	v2 =	vld [tilespmem:s11+$0x18790];
	_ =	sdelay $0x4  }
0x457: {  	v0 =	vadd.f32 v1, v0;
	_ =	sdelay $0x1  }
0x458: {  	[tilespmem:s11+$0x1A780] =	vst v0  }
0x459: {  	v0 =	vld.idx.msk [tilespmem:v2+s22+$0x0], $0xffff  }
0x45a: {  	v1 =	vld.idx.msk [tilespmem:v3+s26+$0x0], $0xffff;
	_ =	sdelay $0x4  }
0x45b: {  	v0 =	vadd.f32 v1, v0;
	_ =	sdelay $0x1  }
0x45c: {  	[tilespmem:s11+$0x1A790] =	vst v0  }
0x45d: {  	_ =	swait.ge [sflag:s7], $0x800  }
0x45e: {  	s9 =	simm.s32 $0x1A780;
	[sflag:s7] =	ssyncset.done $0x0  }
0x45f: {  	s8 =	simm.s32 $0x0;
	s10 =	rddreg [dreg:$0x10];
	[sflag:s7] =	ssyncadd.s32 $0xFFFFF800  }
0x460: {  	[hbm4b:s10+s8] =	stream.linear.scatter [tilespmem:s9], [sflag:$0x4], $0x80, $0x38;
	[tilespmem:$0x1B780] =	vst v63  }
0x461: {  	s14 =	simm.s32 $0x1A880;
	s11 =	sadd.s32 $0x80, s10  }
0x462: {  	[hbm4b:s11+s8] =	stream.linear.scatter [tilespmem:s14], [sflag:$0x4], $0x80, $0x38;
	[tilespmem:$0x1B780] =	vst v63  }
0x463: {  	s11 =	sadd.s32 $0x100, s10;
	s14 =	simm.s32 $0x1A980  }
0x464: {  	[hbm4b:s11+s8] =	stream.linear.scatter [tilespmem:s14], [sflag:$0x4], $0x80, $0x38;
	[tilespmem:$0x1B780] =	vst v63  }
0x465: {  	s11 =	sadd.s32 $0x180, s10;
	s14 =	simm.s32 $0x1AA80  }
0x466: {  	[hbm4b:s11+s8] =	stream.linear.scatter [tilespmem:s14], [sflag:$0x4], $0x80, $0x38;
	[tilespmem:$0x1B780] =	vst v63  }
0x467: {  	s11 =	sadd.s32 $0x200, s10;
	s14 =	simm.s32 $0x1AB80  }
0x468: {  	[hbm4b:s11+s8] =	stream.linear.scatter [tilespmem:s14], [sflag:$0x4], $0x80, $0x38;
	[tilespmem:$0x1B780] =	vst v63  }
0x469: {  	s11 =	sadd.s32 $0x280, s10;
	s14 =	simm.s32 $0x1AC80  }
0x46a: {  	[hbm4b:s11+s8] =	stream.linear.scatter [tilespmem:s14], [sflag:$0x4], $0x80, $0x38;
	[tilespmem:$0x1B780] =	vst v63  }
0x46b: {  	s11 =	sadd.s32 $0x300, s10;
	s14 =	simm.s32 $0x1AD80  }
0x46c: {  	[hbm4b:s11+s8] =	stream.linear.scatter [tilespmem:s14], [sflag:$0x4], $0x80, $0x38;
	[tilespmem:$0x1B780] =	vst v63  }
0x46d: {  	s11 =	sadd.s32 $0x380, s10;
	s14 =	simm.s32 $0x1AE80  }
0x46e: {  	[hbm4b:s11+s8] =	stream.linear.scatter [tilespmem:s14], [sflag:$0x4], $0x80, $0x38;
	[tilespmem:$0x1B780] =	vst v63  }
0x46f: {  	s11 =	sadd.s32 $0x400, s10;
	s14 =	simm.s32 $0x1AF80  }
0x470: {  	[hbm4b:s11+s8] =	stream.linear.scatter [tilespmem:s14], [sflag:$0x4], $0x80, $0x38;
	[tilespmem:$0x1B780] =	vst v63  }
0x471: {  	s11 =	sadd.s32 $0x480, s10;
	s14 =	simm.s32 $0x1B080  }
0x472: {  	[hbm4b:s11+s8] =	stream.linear.scatter [tilespmem:s14], [sflag:$0x4], $0x80, $0x38;
	[tilespmem:$0x1B780] =	vst v63  }
0x473: {  	s11 =	sadd.s32 $0x500, s10;
	s14 =	simm.s32 $0x1B180  }
0x474: {  	[hbm4b:s11+s8] =	stream.linear.scatter [tilespmem:s14], [sflag:$0x4], $0x80, $0x38;
	[tilespmem:$0x1B780] =	vst v63  }
0x475: {  	s11 =	sadd.s32 $0x580, s10;
	s14 =	simm.s32 $0x1B280  }
0x476: {  	[hbm4b:s11+s8] =	stream.linear.scatter [tilespmem:s14], [sflag:$0x4], $0x80, $0x38;
	[tilespmem:$0x1B780] =	vst v63  }
0x477: {  	s11 =	sadd.s32 $0x600, s10;
	s14 =	simm.s32 $0x1B380  }
0x478: {  	[hbm4b:s11+s8] =	stream.linear.scatter [tilespmem:s14], [sflag:$0x4], $0x80, $0x38;
	[tilespmem:$0x1B780] =	vst v63  }
0x479: {  	s11 =	sadd.s32 $0x680, s10;
	s14 =	simm.s32 $0x1B480  }
0x47a: {  	[hbm4b:s11+s8] =	stream.linear.scatter [tilespmem:s14], [sflag:$0x4], $0x80, $0x38;
	[tilespmem:$0x1B780] =	vst v63  }
0x47b: {  	s11 =	sadd.s32 $0x700, s10;
	s14 =	simm.s32 $0x1B580  }
0x47c: {  	[hbm4b:s11+s8] =	stream.linear.scatter [tilespmem:s14], [sflag:$0x4], $0x80, $0x38;
	[tilespmem:$0x1B780] =	vst v63  }
0x47d: {  	s11 =	sadd.s32 $0x780, s10;
	s14 =	simm.s32 $0x1B680  }
0x47e: {  	[hbm4b:s11+s8] =	stream.linear.scatter [tilespmem:s14], [sflag:$0x4], $0x80, $0x38;
	[tilespmem:$0x1B780] =	vst v63  }
0x47f: {  	_ =	swait.ge [sflag:s6], $0x800  }
0x480: {  	[sflag:s6] =	ssyncset.done $0x0  }
0x481: {  	[sflag:s6] =	ssyncadd.s32 $0xFFFFF800  }
0x482: {  	_ =	swait.ge [sflag:s6], $0x800  }
0x483: {  	s10 =	sand.u32 $0x60, s8;
	s8 =	sand.u32 $0xF00, s8;
	[sflag:s6] =	ssyncset.done $0x0  }
0x484: {  	s8 =	sor.u32 s10, s8;
	[sflag:s6] =	ssyncadd.s32 $0xFFFFF800  }
0x485: {  	v0 =	vld [tilespmem:s8+$0x18800]  }
0x486: {  	v1 =	vld [tilespmem:s8+$0x19800];
	_ =	sdelay $0x5  }
0x487: {  	v2 =	vld [tilespmem:s8+$0x18810]  }
0x488: {  	v0 =	vld.idx.msk [tilespmem:v0+s22+$0x0], $0xffff  }
0x489: {  	v1 =	vld.idx.msk [tilespmem:v1+s26+$0x0], $0xffff  }
0x48a: {  	v3 =	vld [tilespmem:s8+$0x19810];
	_ =	sdelay $0x3  }
0x48b: {  	v0 =	vadd.f32 v1, v0;
	_ =	sdelay $0x1  }
0x48c: {  	s9 =	simm.s32 $0x40;
	s11 =	simm.s32 $0x20;
	[tilespmem:s8+$0x1A800] =	vst v0  }
0x48d: {  	s14 =	sand.u32 $0xF00, s9;
	s10 =	sand.u32 $0x60, s11;
	v2 =	vld.idx.msk [tilespmem:v2+s22+$0x0], $0xffff  }
0x48e: {  	s11 =	sor.u32 s10, s14;
	v3 =	vld.idx.msk [tilespmem:v3+s26+$0x0], $0xffff  }
0x48f: {  	v0 =	vld [tilespmem:s11+$0x18800]  }
0x490: {  	s10 =	simm.s32 $0x40;
	v1 =	vld [tilespmem:s11+$0x19800]  }
.LBB2_16:
0x491: {  	_ =	sdelay $0x2  }
0x492: {  	p0 =	sne.s32 s10, $0x7E0;
	s14 =	smov.u32 s10;
	s10 =	sadd.s32 $0x20, s10;
	v2 =	vadd.f32 v3, v2  }
0x493: {  	_ = 	snop  }
0x494: {  	v3 =	vld [tilespmem:s11+$0x19810];
	[tilespmem:s8+$0x1A810] =	vst v2;
	s8 =	smov.u32 s11  }
0x495: {  	v0 =	vld.idx.msk [tilespmem:v0+s22+$0x0], $0xffff  }
0x496: {  	v1 =	vld.idx.msk [tilespmem:v1+s26+$0x0], $0xffff  }
0x497: {  	v2 =	vld [tilespmem:s8+$0x18810];
	_ =	sdelay $0x4  }
0x498: {  	v0 =	vadd.f32 v1, v0;
	_ =	sdelay $0x1  }
.Ltmp7:
0x499: {  	s9 =	sadd.s32 $0x40, s9;
	[tilespmem:s8+$0x1A800] =	vst v0;
	(pc) =	sbr.rel @p0 .LBB2_16-.Ltmp7, $4  }
0x49a: {  	s11 =	sand.u32 $0x60, s14;
	s14 =	sand.u32 $0xF00, s9;
	v2 =	vld.idx.msk [tilespmem:v2+s22+$0x0], $0xffff  }
0x49b: {  	s11 =	sor.u32 s11, s14;
	v3 =	vld.idx.msk [tilespmem:v3+s26+$0x0], $0xffff  }
0x49c: {  	v0 =	vld [tilespmem:s11+$0x18800]  }
0x49d: {  	v1 =	vld [tilespmem:s11+$0x19800]  }
0x49e: {  	_ =	sdelay $0x3  }
0x49f: {  	v2 =	vadd.f32 v3, v2;
	_ =	sdelay $0x1  }
0x4a0: {  	v3 =	vld [tilespmem:s11+$0x19810];
	[tilespmem:s8+$0x1A810] =	vst v2  }
0x4a1: {  	v0 =	vld.idx.msk [tilespmem:v0+s22+$0x0], $0xffff  }
0x4a2: {  	v1 =	vld.idx.msk [tilespmem:v1+s26+$0x0], $0xffff  }
0x4a3: {  	v2 =	vld [tilespmem:s11+$0x18810];
	_ =	sdelay $0x4  }
0x4a4: {  	v0 =	vadd.f32 v1, v0;
	_ =	sdelay $0x1  }
0x4a5: {  	[tilespmem:s11+$0x1A800] =	vst v0  }
0x4a6: {  	v0 =	vld.idx.msk [tilespmem:v2+s22+$0x0], $0xffff  }
0x4a7: {  	v1 =	vld.idx.msk [tilespmem:v3+s26+$0x0], $0xffff;
	_ =	sdelay $0x4  }
0x4a8: {  	v0 =	vadd.f32 v1, v0;
	_ =	sdelay $0x1  }
0x4a9: {  	[tilespmem:s11+$0x1A810] =	vst v0  }
0x4aa: {  	_ =	swait.ge [sflag:s7], $0x800  }
0x4ab: {  	[sflag:s7] =	ssyncset.done $0x0  }
0x4ac: {  	s9 =	simm.s32 $0x1A800;
	s8 =	simm.s32 $0x0;
	[sflag:s7] =	ssyncadd.s32 $0xFFFFF800  }
0x4ad: {  	[hbm4b:s15+s8] =	stream.linear.scatter [tilespmem:s9], [sflag:$0x4], $0x80, $0x38;
	[tilespmem:$0x1B780] =	vst v63  }
0x4ae: {  	s14 =	sadd.s32 $0x80, s15;
	s10 =	simm.s32 $0x1A900  }
0x4af: {  	[hbm4b:s14+s8] =	stream.linear.scatter [tilespmem:s10], [sflag:$0x4], $0x80, $0x38;
	[tilespmem:$0x1B780] =	vst v63  }
0x4b0: {  	s11 =	sadd.s32 $0x100, s15;
	s14 =	simm.s32 $0x1AA00  }
0x4b1: {  	[hbm4b:s11+s8] =	stream.linear.scatter [tilespmem:s14], [sflag:$0x4], $0x80, $0x38;
	[tilespmem:$0x1B780] =	vst v63  }
0x4b2: {  	s11 =	sadd.s32 $0x180, s15;
	s14 =	simm.s32 $0x1AB00  }
0x4b3: {  	[hbm4b:s11+s8] =	stream.linear.scatter [tilespmem:s14], [sflag:$0x4], $0x80, $0x38;
	[tilespmem:$0x1B780] =	vst v63  }
0x4b4: {  	s11 =	sadd.s32 $0x200, s15;
	s14 =	simm.s32 $0x1AC00  }
0x4b5: {  	[hbm4b:s11+s8] =	stream.linear.scatter [tilespmem:s14], [sflag:$0x4], $0x80, $0x38;
	[tilespmem:$0x1B780] =	vst v63  }
0x4b6: {  	s11 =	sadd.s32 $0x280, s15;
	s14 =	simm.s32 $0x1AD00  }
0x4b7: {  	[hbm4b:s11+s8] =	stream.linear.scatter [tilespmem:s14], [sflag:$0x4], $0x80, $0x38;
	[tilespmem:$0x1B780] =	vst v63  }
0x4b8: {  	s11 =	sadd.s32 $0x300, s15;
	s14 =	simm.s32 $0x1AE00  }
0x4b9: {  	[hbm4b:s11+s8] =	stream.linear.scatter [tilespmem:s14], [sflag:$0x4], $0x80, $0x38;
	[tilespmem:$0x1B780] =	vst v63  }
0x4ba: {  	s11 =	sadd.s32 $0x380, s15;
	s14 =	simm.s32 $0x1AF00  }
0x4bb: {  	[hbm4b:s11+s8] =	stream.linear.scatter [tilespmem:s14], [sflag:$0x4], $0x80, $0x38;
	[tilespmem:$0x1B780] =	vst v63  }
0x4bc: {  	s11 =	sadd.s32 $0x400, s15;
	s14 =	simm.s32 $0x1B000  }
0x4bd: {  	[hbm4b:s11+s8] =	stream.linear.scatter [tilespmem:s14], [sflag:$0x4], $0x80, $0x38;
	[tilespmem:$0x1B780] =	vst v63  }
0x4be: {  	s11 =	sadd.s32 $0x480, s15;
	s14 =	simm.s32 $0x1B100  }
0x4bf: {  	[hbm4b:s11+s8] =	stream.linear.scatter [tilespmem:s14], [sflag:$0x4], $0x80, $0x38;
	[tilespmem:$0x1B780] =	vst v63  }
0x4c0: {  	s11 =	sadd.s32 $0x500, s15;
	s14 =	simm.s32 $0x1B200  }
0x4c1: {  	[hbm4b:s11+s8] =	stream.linear.scatter [tilespmem:s14], [sflag:$0x4], $0x80, $0x38;
	[tilespmem:$0x1B780] =	vst v63  }
0x4c2: {  	s11 =	sadd.s32 $0x580, s15;
	s14 =	simm.s32 $0x1B300  }
0x4c3: {  	[hbm4b:s11+s8] =	stream.linear.scatter [tilespmem:s14], [sflag:$0x4], $0x80, $0x38;
	[tilespmem:$0x1B780] =	vst v63  }
0x4c4: {  	s11 =	sadd.s32 $0x600, s15;
	s14 =	simm.s32 $0x1B400  }
0x4c5: {  	[hbm4b:s11+s8] =	stream.linear.scatter [tilespmem:s14], [sflag:$0x4], $0x80, $0x38;
	[tilespmem:$0x1B780] =	vst v63  }
0x4c6: {  	s11 =	sadd.s32 $0x680, s15;
	s14 =	simm.s32 $0x1B500  }
0x4c7: {  	[hbm4b:s11+s8] =	stream.linear.scatter [tilespmem:s14], [sflag:$0x4], $0x80, $0x38;
	[tilespmem:$0x1B780] =	vst v63  }
0x4c8: {  	s11 =	sadd.s32 $0x700, s15;
	s14 =	simm.s32 $0x1B600  }
0x4c9: {  	[hbm4b:s11+s8] =	stream.linear.scatter [tilespmem:s14], [sflag:$0x4], $0x80, $0x38;
	[tilespmem:$0x1B780] =	vst v63  }
0x4ca: {  	s11 =	sadd.s32 $0x780, s15;
	s14 =	simm.s32 $0x1B700  }
0x4cb: {  	[hbm4b:s11+s8] =	stream.linear.scatter [tilespmem:s14], [sflag:$0x4], $0x80, $0x38;
	[tilespmem:$0x1B780] =	vst v63  }
0x4cc: {  	s10 =	rddreg [dreg:$0xe];
	s11 =	simm.s32 $0x80;
	s14 =	simm.s32 $0x400  }
0x4cd: {  	[tilespmem:s8], [sflag:$0x3] =	stream.strided.gather [hbm4b:s10+s11], $0x18700, s14, s11, $0x38;
	[tilespmem:$0x1B780] =	vst v63  }
0x4ce: {  	s10 =	rddreg [dreg:$0xf]  }
0x4cf: {  	[tilespmem:s26], [sflag:$0x3] =	stream.linear.gather [hbm4b:s10+s8], $0x80, $0x38;
	[tilespmem:$0x1B780] =	vst v63  }
0x4d0: {  	_ =	swait.ge [sflag:s7], $0x800  }
0x4d1: {  	[sflag:s7] =	ssyncset.done $0x0  }
0x4d2: {  	[sflag:s7] =	ssyncadd.s32 $0xFFFFF800  }
0x4d3: {  	_ =	swait.ge [sflag:s7], $0x800  }
0x4d4: {  	[sflag:s7] =	ssyncset.done $0x0  }
0x4d5: {  	[sflag:s7] =	ssyncadd.s32 $0xFFFFF800  }
0x4d6: {  	s14 =	simm.s32 $0x18780;
	s11 =	rddreg [dreg:$0x0]  }
0x4d7: {  	[tilespmem:s14], [sflag:$0x1] =	stream.linear.gather [hbm4b:s11+s8], $0x80, $0x38;
	[tilespmem:$0x1B780] =	vst v63  }
0x4d8: {  	s11 =	rddreg [dreg:$0x14];
	s14 =	simm.s32 $0x18880  }
0x4d9: {  	[tilespmem:s14], [sflag:$0x1] =	stream.linear.gather [hbm4b:s11+s8], $0x80, $0x38;
	[tilespmem:$0x1B780] =	vst v63  }
0x4da: {  	s11 =	rddreg [dreg:$0x15];
	s14 =	simm.s32 $0x18980  }
0x4db: {  	[tilespmem:s14], [sflag:$0x1] =	stream.linear.gather [hbm4b:s11+s8], $0x80, $0x38;
	[tilespmem:$0x1B780] =	vst v63  }
0x4dc: {  	s11 =	rddreg [dreg:$0x16];
	s14 =	simm.s32 $0x18A80  }
0x4dd: {  	[tilespmem:s14], [sflag:$0x1] =	stream.linear.gather [hbm4b:s11+s8], $0x80, $0x38;
	[tilespmem:$0x1B780] =	vst v63  }
0x4de: {  	s11 =	rddreg [dreg:$0x17];
	s14 =	simm.s32 $0x18B80  }
0x4df: {  	[tilespmem:s14], [sflag:$0x1] =	stream.linear.gather [hbm4b:s11+s8], $0x80, $0x38;
	[tilespmem:$0x1B780] =	vst v63  }
0x4e0: {  	s11 =	rddreg [dreg:$0x18];
	s14 =	simm.s32 $0x18C80  }
0x4e1: {  	[tilespmem:s14], [sflag:$0x1] =	stream.linear.gather [hbm4b:s11+s8], $0x80, $0x38;
	[tilespmem:$0x1B780] =	vst v63  }
0x4e2: {  	s11 =	rddreg [dreg:$0x19];
	s14 =	simm.s32 $0x18D80  }
0x4e3: {  	[tilespmem:s14], [sflag:$0x1] =	stream.linear.gather [hbm4b:s11+s8], $0x80, $0x38;
	[tilespmem:$0x1B780] =	vst v63  }
0x4e4: {  	s11 =	rddreg [dreg:$0x1a];
	s14 =	simm.s32 $0x18E80  }
0x4e5: {  	[tilespmem:s14], [sflag:$0x1] =	stream.linear.gather [hbm4b:s11+s8], $0x80, $0x38;
	[tilespmem:$0x1B780] =	vst v63  }
0x4e6: {  	s11 =	rddreg [dreg:$0x1b];
	s14 =	simm.s32 $0x18F80  }
0x4e7: {  	[tilespmem:s14], [sflag:$0x1] =	stream.linear.gather [hbm4b:s11+s8], $0x80, $0x38;
	[tilespmem:$0x1B780] =	vst v63  }
0x4e8: {  	s11 =	rddreg [dreg:$0x1c];
	s14 =	simm.s32 $0x19080  }
0x4e9: {  	[tilespmem:s14], [sflag:$0x1] =	stream.linear.gather [hbm4b:s11+s8], $0x80, $0x38;
	[tilespmem:$0x1B780] =	vst v63  }
0x4ea: {  	s11 =	rddreg [dreg:$0x1d];
	s14 =	simm.s32 $0x19180  }
0x4eb: {  	[tilespmem:s14], [sflag:$0x1] =	stream.linear.gather [hbm4b:s11+s8], $0x80, $0x38;
	[tilespmem:$0x1B780] =	vst v63  }
0x4ec: {  	s11 =	rddreg [dreg:$0x1e];
	s14 =	simm.s32 $0x19280  }
0x4ed: {  	[tilespmem:s14], [sflag:$0x1] =	stream.linear.gather [hbm4b:s11+s8], $0x80, $0x38;
	[tilespmem:$0x1B780] =	vst v63  }
0x4ee: {  	s11 =	rddreg [dreg:$0x1f];
	s14 =	simm.s32 $0x19380  }
0x4ef: {  	[tilespmem:s14], [sflag:$0x1] =	stream.linear.gather [hbm4b:s11+s8], $0x80, $0x38;
	[tilespmem:$0x1B780] =	vst v63  }
0x4f0: {  	s11 =	sld [smem:$0x7CE];
	_ =	sdelay $0x1  }
0x4f1: {  	s14 =	simm.s32 $0x19480  }
0x4f2: {  	[tilespmem:s14], [sflag:$0x1] =	stream.linear.gather [hbm4b:s11+s8], $0x80, $0x38;
	[tilespmem:$0x1B780] =	vst v63  }
0x4f3: {  	s11 =	sld [smem:$0x7CF];
	_ =	sdelay $0x1  }
0x4f4: {  	s14 =	simm.s32 $0x19580  }
0x4f5: {  	[tilespmem:s14], [sflag:$0x1] =	stream.linear.gather [hbm4b:s11+s8], $0x80, $0x38;
	[tilespmem:$0x1B780] =	vst v63  }
0x4f6: {  	s11 =	sld [smem:$0x7D0];
	_ =	sdelay $0x1  }
0x4f7: {  	s14 =	simm.s32 $0x19680  }
0x4f8: {  	[tilespmem:s14], [sflag:$0x1] =	stream.linear.gather [hbm4b:s11+s8], $0x80, $0x38;
	[tilespmem:$0x1B780] =	vst v63  }
0x4f9: {  	s11 =	rddreg [dreg:$0x1];
	s14 =	simm.s32 $0x19780  }
0x4fa: {  	[tilespmem:s14], [sflag:$0x1] =	stream.linear.gather [hbm4b:s11+s8], $0x80, $0x38;
	[tilespmem:$0x1B780] =	vst v63  }
0x4fb: {  	s11 =	sld [smem:$0x7D1];
	_ =	sdelay $0x1  }
0x4fc: {  	s14 =	simm.s32 $0x19880  }
0x4fd: {  	[tilespmem:s14], [sflag:$0x1] =	stream.linear.gather [hbm4b:s11+s8], $0x80, $0x38;
	[tilespmem:$0x1B780] =	vst v63  }
0x4fe: {  	s11 =	sld [smem:$0x7D2];
	_ =	sdelay $0x1  }
0x4ff: {  	s14 =	simm.s32 $0x19980  }
0x500: {  	[tilespmem:s14], [sflag:$0x1] =	stream.linear.gather [hbm4b:s11+s8], $0x80, $0x38;
	[tilespmem:$0x1B780] =	vst v63  }
0x501: {  	s11 =	sld [smem:$0x7D3];
	_ =	sdelay $0x1  }
0x502: {  	s14 =	simm.s32 $0x19A80  }
0x503: {  	[tilespmem:s14], [sflag:$0x1] =	stream.linear.gather [hbm4b:s11+s8], $0x80, $0x38;
	[tilespmem:$0x1B780] =	vst v63  }
0x504: {  	s11 =	sld [smem:$0x7D4];
	_ =	sdelay $0x1  }
0x505: {  	s14 =	simm.s32 $0x19B80  }
0x506: {  	[tilespmem:s14], [sflag:$0x1] =	stream.linear.gather [hbm4b:s11+s8], $0x80, $0x38;
	[tilespmem:$0x1B780] =	vst v63  }
0x507: {  	s11 =	sld [smem:$0x7D5];
	_ =	sdelay $0x1  }
0x508: {  	s14 =	simm.s32 $0x19C80  }
0x509: {  	[tilespmem:s14], [sflag:$0x1] =	stream.linear.gather [hbm4b:s11+s8], $0x80, $0x38;
	[tilespmem:$0x1B780] =	vst v63  }
0x50a: {  	s11 =	sld [smem:$0x7D6];
	_ =	sdelay $0x1  }
0x50b: {  	s14 =	simm.s32 $0x19D80  }
0x50c: {  	[tilespmem:s14], [sflag:$0x1] =	stream.linear.gather [hbm4b:s11+s8], $0x80, $0x38;
	[tilespmem:$0x1B780] =	vst v63  }
0x50d: {  	s11 =	sld [smem:$0x7D7];
	_ =	sdelay $0x1  }
0x50e: {  	s14 =	simm.s32 $0x19E80  }
0x50f: {  	[tilespmem:s14], [sflag:$0x1] =	stream.linear.gather [hbm4b:s11+s8], $0x80, $0x38;
	[tilespmem:$0x1B780] =	vst v63  }
0x510: {  	s11 =	sld [smem:$0x7D8];
	_ =	sdelay $0x1  }
0x511: {  	s14 =	simm.s32 $0x19F80  }
0x512: {  	[tilespmem:s14], [sflag:$0x1] =	stream.linear.gather [hbm4b:s11+s8], $0x80, $0x38;
	[tilespmem:$0x1B780] =	vst v63  }
0x513: {  	s11 =	sld [smem:$0x7D9];
	_ =	sdelay $0x1  }
0x514: {  	s14 =	simm.s32 $0x1A080  }
0x515: {  	[tilespmem:s14], [sflag:$0x1] =	stream.linear.gather [hbm4b:s11+s8], $0x80, $0x38;
	[tilespmem:$0x1B780] =	vst v63  }
0x516: {  	s11 =	sld [smem:$0x7DA];
	_ =	sdelay $0x1  }
0x517: {  	s14 =	simm.s32 $0x1A180  }
0x518: {  	[tilespmem:s14], [sflag:$0x1] =	stream.linear.gather [hbm4b:s11+s8], $0x80, $0x38;
	[tilespmem:$0x1B780] =	vst v63  }
0x519: {  	s11 =	sld [smem:$0x7DB];
	_ =	sdelay $0x1  }
0x51a: {  	s14 =	simm.s32 $0x1A280  }
0x51b: {  	[tilespmem:s14], [sflag:$0x1] =	stream.linear.gather [hbm4b:s11+s8], $0x80, $0x38;
	[tilespmem:$0x1B780] =	vst v63  }
0x51c: {  	s11 =	sld [smem:$0x7DC];
	_ =	sdelay $0x1  }
0x51d: {  	s14 =	simm.s32 $0x1A380  }
0x51e: {  	[tilespmem:s14], [sflag:$0x1] =	stream.linear.gather [hbm4b:s11+s8], $0x80, $0x38;
	[tilespmem:$0x1B780] =	vst v63  }
0x51f: {  	s11 =	sld [smem:$0x7DD];
	_ =	sdelay $0x1  }
0x520: {  	s14 =	simm.s32 $0x1A480  }
0x521: {  	[tilespmem:s14], [sflag:$0x1] =	stream.linear.gather [hbm4b:s11+s8], $0x80, $0x38;
	[tilespmem:$0x1B780] =	vst v63  }
0x522: {  	s11 =	sld [smem:$0x7DE];
	_ =	sdelay $0x1  }
0x523: {  	s14 =	simm.s32 $0x1A580  }
0x524: {  	[tilespmem:s14], [sflag:$0x1] =	stream.linear.gather [hbm4b:s11+s8], $0x80, $0x38;
	[tilespmem:$0x1B780] =	vst v63  }
0x525: {  	s11 =	sld [smem:$0x7DF];
	_ =	sdelay $0x1  }
0x526: {  	s14 =	simm.s32 $0x1A680  }
0x527: {  	[tilespmem:s14], [sflag:$0x1] =	stream.linear.gather [hbm4b:s11+s8], $0x80, $0x38;
	[tilespmem:$0x1B780] =	vst v63  }
0x528: {  	s11 =	rddreg [dreg:$0x12];
	s14 =	simm.s32 $0x18800  }
0x529: {  	[tilespmem:s14], [sflag:$0x2] =	stream.linear.gather [hbm4b:s11+s8], $0x80, $0x38;
	[tilespmem:$0x1B780] =	vst v63  }
0x52a: {  	s11 =	sld [smem:$0x7E0];
	_ =	sdelay $0x1  }
0x52b: {  	s14 =	simm.s32 $0x18900  }
0x52c: {  	[tilespmem:s14], [sflag:$0x2] =	stream.linear.gather [hbm4b:s11+s8], $0x80, $0x38;
	[tilespmem:$0x1B780] =	vst v63  }
0x52d: {  	s11 =	sld [smem:$0x7E1];
	_ =	sdelay $0x1  }
0x52e: {  	s14 =	simm.s32 $0x18A00  }
0x52f: {  	[tilespmem:s14], [sflag:$0x2] =	stream.linear.gather [hbm4b:s11+s8], $0x80, $0x38;
	[tilespmem:$0x1B780] =	vst v63  }
0x530: {  	s11 =	sld [smem:$0x7E2];
	_ =	sdelay $0x1  }
0x531: {  	s14 =	simm.s32 $0x18B00  }
0x532: {  	[tilespmem:s14], [sflag:$0x2] =	stream.linear.gather [hbm4b:s11+s8], $0x80, $0x38;
	[tilespmem:$0x1B780] =	vst v63  }
0x533: {  	s11 =	sld [smem:$0x7E3];
	_ =	sdelay $0x1  }
0x534: {  	s14 =	simm.s32 $0x18C00  }
0x535: {  	[tilespmem:s14], [sflag:$0x2] =	stream.linear.gather [hbm4b:s11+s8], $0x80, $0x38;
	[tilespmem:$0x1B780] =	vst v63  }
0x536: {  	s11 =	sld [smem:$0x7E4];
	_ =	sdelay $0x1  }
0x537: {  	s14 =	simm.s32 $0x18D00  }
0x538: {  	[tilespmem:s14], [sflag:$0x2] =	stream.linear.gather [hbm4b:s11+s8], $0x80, $0x38;
	[tilespmem:$0x1B780] =	vst v63  }
0x539: {  	s11 =	sld [smem:$0x7E5];
	_ =	sdelay $0x1  }
0x53a: {  	s14 =	simm.s32 $0x18E00  }
0x53b: {  	[tilespmem:s14], [sflag:$0x2] =	stream.linear.gather [hbm4b:s11+s8], $0x80, $0x38;
	[tilespmem:$0x1B780] =	vst v63  }
0x53c: {  	s11 =	sld [smem:$0x7E6];
	_ =	sdelay $0x1  }
0x53d: {  	s14 =	simm.s32 $0x18F00  }
0x53e: {  	[tilespmem:s14], [sflag:$0x2] =	stream.linear.gather [hbm4b:s11+s8], $0x80, $0x38;
	[tilespmem:$0x1B780] =	vst v63  }
0x53f: {  	s11 =	sld [smem:$0x7E7];
	_ =	sdelay $0x1  }
0x540: {  	s14 =	simm.s32 $0x19000  }
0x541: {  	[tilespmem:s14], [sflag:$0x2] =	stream.linear.gather [hbm4b:s11+s8], $0x80, $0x38;
	[tilespmem:$0x1B780] =	vst v63  }
0x542: {  	s11 =	sld [smem:$0x7E8];
	_ =	sdelay $0x1  }
0x543: {  	s14 =	simm.s32 $0x19100  }
0x544: {  	[tilespmem:s14], [sflag:$0x2] =	stream.linear.gather [hbm4b:s11+s8], $0x80, $0x38;
	[tilespmem:$0x1B780] =	vst v63  }
0x545: {  	s11 =	sld [smem:$0x7E9];
	_ =	sdelay $0x1  }
0x546: {  	s14 =	simm.s32 $0x19200  }
0x547: {  	[tilespmem:s14], [sflag:$0x2] =	stream.linear.gather [hbm4b:s11+s8], $0x80, $0x38;
	[tilespmem:$0x1B780] =	vst v63  }
0x548: {  	s11 =	sld [smem:$0x7EA];
	_ =	sdelay $0x1  }
0x549: {  	s14 =	simm.s32 $0x19300  }
0x54a: {  	[tilespmem:s14], [sflag:$0x2] =	stream.linear.gather [hbm4b:s11+s8], $0x80, $0x38;
	[tilespmem:$0x1B780] =	vst v63  }
0x54b: {  	s11 =	sld [smem:$0x7EB];
	_ =	sdelay $0x1  }
0x54c: {  	s14 =	simm.s32 $0x19400  }
0x54d: {  	[tilespmem:s14], [sflag:$0x2] =	stream.linear.gather [hbm4b:s11+s8], $0x80, $0x38;
	[tilespmem:$0x1B780] =	vst v63  }
0x54e: {  	s11 =	sld [smem:$0x7EC];
	_ =	sdelay $0x1  }
0x54f: {  	s14 =	simm.s32 $0x19500  }
0x550: {  	[tilespmem:s14], [sflag:$0x2] =	stream.linear.gather [hbm4b:s11+s8], $0x80, $0x38;
	[tilespmem:$0x1B780] =	vst v63  }
0x551: {  	s11 =	sld [smem:$0x7ED];
	_ =	sdelay $0x1  }
0x552: {  	s14 =	simm.s32 $0x19600  }
0x553: {  	[tilespmem:s14], [sflag:$0x2] =	stream.linear.gather [hbm4b:s11+s8], $0x80, $0x38;
	[tilespmem:$0x1B780] =	vst v63  }
0x554: {  	s11 =	sld [smem:$0x7EE];
	_ =	sdelay $0x1  }
0x555: {  	s14 =	simm.s32 $0x19700  }
0x556: {  	[tilespmem:s14], [sflag:$0x2] =	stream.linear.gather [hbm4b:s11+s8], $0x80, $0x38;
	[tilespmem:$0x1B780] =	vst v63  }
0x557: {  	s11 =	rddreg [dreg:$0x13];
	s14 =	simm.s32 $0x19800  }
0x558: {  	[tilespmem:s14], [sflag:$0x2] =	stream.linear.gather [hbm4b:s11+s8], $0x80, $0x38;
	[tilespmem:$0x1B780] =	vst v63  }
0x559: {  	s11 =	sld [smem:$0x7EF];
	_ =	sdelay $0x1  }
0x55a: {  	s14 =	simm.s32 $0x19900  }
0x55b: {  	[tilespmem:s14], [sflag:$0x2] =	stream.linear.gather [hbm4b:s11+s8], $0x80, $0x38;
	[tilespmem:$0x1B780] =	vst v63  }
0x55c: {  	s11 =	sld [smem:$0x7F0];
	_ =	sdelay $0x1  }
0x55d: {  	s14 =	simm.s32 $0x19A00  }
0x55e: {  	[tilespmem:s14], [sflag:$0x2] =	stream.linear.gather [hbm4b:s11+s8], $0x80, $0x38;
	[tilespmem:$0x1B780] =	vst v63  }
0x55f: {  	s11 =	sld [smem:$0x7F1];
	_ =	sdelay $0x1  }
0x560: {  	s14 =	simm.s32 $0x19B00  }
0x561: {  	[tilespmem:s14], [sflag:$0x2] =	stream.linear.gather [hbm4b:s11+s8], $0x80, $0x38;
	[tilespmem:$0x1B780] =	vst v63  }
0x562: {  	s11 =	sld [smem:$0x7F2];
	_ =	sdelay $0x1  }
0x563: {  	s14 =	simm.s32 $0x19C00  }
0x564: {  	[tilespmem:s14], [sflag:$0x2] =	stream.linear.gather [hbm4b:s11+s8], $0x80, $0x38;
	[tilespmem:$0x1B780] =	vst v63  }
0x565: {  	s11 =	sld [smem:$0x7F3];
	_ =	sdelay $0x1  }
0x566: {  	s14 =	simm.s32 $0x19D00  }
0x567: {  	[tilespmem:s14], [sflag:$0x2] =	stream.linear.gather [hbm4b:s11+s8], $0x80, $0x38;
	[tilespmem:$0x1B780] =	vst v63  }
0x568: {  	s11 =	sld [smem:$0x7F4];
	_ =	sdelay $0x1  }
0x569: {  	s14 =	simm.s32 $0x19E00  }
0x56a: {  	[tilespmem:s14], [sflag:$0x2] =	stream.linear.gather [hbm4b:s11+s8], $0x80, $0x38;
	[tilespmem:$0x1B780] =	vst v63  }
0x56b: {  	s11 =	sld [smem:$0x7F5];
	_ =	sdelay $0x1  }
0x56c: {  	s14 =	simm.s32 $0x19F00  }
0x56d: {  	[tilespmem:s14], [sflag:$0x2] =	stream.linear.gather [hbm4b:s11+s8], $0x80, $0x38;
	[tilespmem:$0x1B780] =	vst v63  }
0x56e: {  	s11 =	sld [smem:$0x7F6];
	_ =	sdelay $0x1  }
0x56f: {  	s14 =	simm.s32 $0x1A000  }
0x570: {  	[tilespmem:s14], [sflag:$0x2] =	stream.linear.gather [hbm4b:s11+s8], $0x80, $0x38;
	[tilespmem:$0x1B780] =	vst v63  }
0x571: {  	s11 =	sld [smem:$0x7F7];
	_ =	sdelay $0x1  }
0x572: {  	s14 =	simm.s32 $0x1A100  }
0x573: {  	[tilespmem:s14], [sflag:$0x2] =	stream.linear.gather [hbm4b:s11+s8], $0x80, $0x38;
	[tilespmem:$0x1B780] =	vst v63  }
0x574: {  	s11 =	sld [smem:$0x7F8];
	_ =	sdelay $0x1  }
0x575: {  	s14 =	simm.s32 $0x1A200  }
0x576: {  	[tilespmem:s14], [sflag:$0x2] =	stream.linear.gather [hbm4b:s11+s8], $0x80, $0x38;
	[tilespmem:$0x1B780] =	vst v63  }
0x577: {  	s11 =	sld [smem:$0x7F9];
	_ =	sdelay $0x1  }
0x578: {  	s14 =	simm.s32 $0x1A300  }
0x579: {  	[tilespmem:s14], [sflag:$0x2] =	stream.linear.gather [hbm4b:s11+s8], $0x80, $0x38;
	[tilespmem:$0x1B780] =	vst v63  }
0x57a: {  	s11 =	sld [smem:$0x7FA];
	_ =	sdelay $0x1  }
0x57b: {  	s14 =	simm.s32 $0x1A400  }
0x57c: {  	[tilespmem:s14], [sflag:$0x2] =	stream.linear.gather [hbm4b:s11+s8], $0x80, $0x38;
	[tilespmem:$0x1B780] =	vst v63  }
0x57d: {  	s11 =	sld [smem:$0x7FB];
	_ =	sdelay $0x1  }
0x57e: {  	s14 =	simm.s32 $0x1A500  }
0x57f: {  	[tilespmem:s14], [sflag:$0x2] =	stream.linear.gather [hbm4b:s11+s8], $0x80, $0x38;
	[tilespmem:$0x1B780] =	vst v63  }
0x580: {  	s11 =	sld [smem:$0x7FC];
	_ =	sdelay $0x1  }
0x581: {  	s10 =	sld [smem:$0x7FD];
	s14 =	simm.s32 $0x1A600  }
0x582: {  	[tilespmem:s14], [sflag:$0x2] =	stream.linear.gather [hbm4b:s11+s8], $0x80, $0x38;
	[tilespmem:$0x1B780] =	vst v63  }
0x583: {  	s11 =	simm.s32 $0x1A700;
	s14 =	simm.s32 $0x3  }
0x584: {  	[tilespmem:s11], [sflag:$0x2] =	stream.linear.gather [hbm4b:s10+s8], $0x80, $0x38;
	[tilespmem:$0x1B780] =	vst v63  }
0x585: {  	_ =	swait.ge [sflag:s14], $0x18700  }
0x586: {  	[sflag:s14] =	ssyncset.done $0x0  }
0x587: {  	[sflag:s14] =	ssyncadd.s32 $0xFFFE7900  }
0x588: {  	_ =	swait.ge [sflag:s14], $0x80  }
0x589: {  	[sflag:s14] =	ssyncset.done $0x0  }
0x58a: {  	[sflag:s14] =	ssyncadd.s32 $0xFFFFFF80  }
0x58b: {  	_ =	swait.ge [sflag:s28], $0x800  }
0x58c: {  	[sflag:s28] =	ssyncset.done $0x0  }
0x58d: {  	[sflag:s28] =	ssyncadd.s32 $0xFFFFF800  }
0x58e: {  	_ =	swait.ge [sflag:s28], $0x800  }
0x58f: {  	s10 =	sand.u32 $0x60, s8;
	s8 =	sand.u32 $0xF00, s8;
	[sflag:s28] =	ssyncset.done $0x0  }
0x590: {  	s8 =	sor.u32 s10, s8;
	[sflag:s28] =	ssyncadd.s32 $0xFFFFF800  }
0x591: {  	v0 =	vld [tilespmem:s8+$0x18780]  }
0x592: {  	v1 =	vld [tilespmem:s8+$0x19780];
	_ =	sdelay $0x5  }
0x593: {  	v2 =	vld [tilespmem:s8+$0x18790]  }
0x594: {  	v0 =	vld.idx.msk [tilespmem:v0+s22+$0x0], $0xffff  }
0x595: {  	v1 =	vld.idx.msk [tilespmem:v1+s26+$0x0], $0xffff  }
0x596: {  	v3 =	vld [tilespmem:s8+$0x19790];
	_ =	sdelay $0x3  }
0x597: {  	v0 =	vadd.f32 v1, v0;
	_ =	sdelay $0x1  }
0x598: {  	s9 =	simm.s32 $0x40;
	s11 =	simm.s32 $0x20;
	[tilespmem:s8+$0x1A780] =	vst v0  }
0x599: {  	s10 =	sand.u32 $0x60, s11;
	s14 =	sand.u32 $0xF00, s9;
	v2 =	vld.idx.msk [tilespmem:v2+s22+$0x0], $0xffff  }
0x59a: {  	s11 =	sor.u32 s10, s14;
	v3 =	vld.idx.msk [tilespmem:v3+s26+$0x0], $0xffff  }
0x59b: {  	v0 =	vld [tilespmem:s11+$0x18780]  }
0x59c: {  	s10 =	simm.s32 $0x40;
	v1 =	vld [tilespmem:s11+$0x19780]  }
.LBB2_18:
0x59d: {  	_ =	sdelay $0x2  }
0x59e: {  	p0 =	sne.s32 s10, $0x7E0;
	s14 =	smov.u32 s10;
	s10 =	sadd.s32 $0x20, s10;
	v2 =	vadd.f32 v3, v2  }
0x59f: {  	_ = 	snop  }
0x5a0: {  	v3 =	vld [tilespmem:s11+$0x19790];
	[tilespmem:s8+$0x1A790] =	vst v2;
	s8 =	smov.u32 s11  }
0x5a1: {  	v0 =	vld.idx.msk [tilespmem:v0+s22+$0x0], $0xffff  }
0x5a2: {  	v1 =	vld.idx.msk [tilespmem:v1+s26+$0x0], $0xffff  }
0x5a3: {  	v2 =	vld [tilespmem:s8+$0x18790];
	_ =	sdelay $0x4  }
0x5a4: {  	v0 =	vadd.f32 v1, v0;
	_ =	sdelay $0x1  }
.Ltmp8:
0x5a5: {  	s9 =	sadd.s32 $0x40, s9;
	[tilespmem:s8+$0x1A780] =	vst v0;
	(pc) =	sbr.rel @p0 .LBB2_18-.Ltmp8, $4  }
0x5a6: {  	s11 =	sand.u32 $0x60, s14;
	s14 =	sand.u32 $0xF00, s9;
	v2 =	vld.idx.msk [tilespmem:v2+s22+$0x0], $0xffff  }
0x5a7: {  	s11 =	sor.u32 s11, s14;
	v3 =	vld.idx.msk [tilespmem:v3+s26+$0x0], $0xffff  }
0x5a8: {  	v0 =	vld [tilespmem:s11+$0x18780]  }
0x5a9: {  	v1 =	vld [tilespmem:s11+$0x19780]  }
0x5aa: {  	_ =	sdelay $0x3  }
0x5ab: {  	v2 =	vadd.f32 v3, v2;
	_ =	sdelay $0x1  }
0x5ac: {  	v3 =	vld [tilespmem:s11+$0x19790];
	[tilespmem:s8+$0x1A790] =	vst v2  }
0x5ad: {  	v0 =	vld.idx.msk [tilespmem:v0+s22+$0x0], $0xffff  }
0x5ae: {  	v1 =	vld.idx.msk [tilespmem:v1+s26+$0x0], $0xffff  }
0x5af: {  	v2 =	vld [tilespmem:s11+$0x18790];
	_ =	sdelay $0x4  }
0x5b0: {  	v0 =	vadd.f32 v1, v0;
	_ =	sdelay $0x1  }
0x5b1: {  	[tilespmem:s11+$0x1A780] =	vst v0  }
0x5b2: {  	v0 =	vld.idx.msk [tilespmem:v2+s22+$0x0], $0xffff  }
0x5b3: {  	v1 =	vld.idx.msk [tilespmem:v3+s26+$0x0], $0xffff;
	_ =	sdelay $0x4  }
0x5b4: {  	v0 =	vadd.f32 v1, v0;
	_ =	sdelay $0x1  }
0x5b5: {  	s9 =	simm.s32 $0x1A780;
	s8 =	simm.s32 $0x0;
	[tilespmem:s11+$0x1A790] =	vst v0  }
0x5b6: {  	[hbm4b:s16+s8] =	stream.linear.scatter [tilespmem:s9], [sflag:$0x4], $0x80, $0x38;
	[tilespmem:$0x1B780] =	vst v63  }
0x5b7: {  	s14 =	sadd.s32 $0x80, s16;
	s10 =	simm.s32 $0x1A880  }
0x5b8: {  	[hbm4b:s14+s8] =	stream.linear.scatter [tilespmem:s10], [sflag:$0x4], $0x80, $0x38;
	[tilespmem:$0x1B780] =	vst v63  }
0x5b9: {  	s11 =	sadd.s32 $0x100, s16;
	s14 =	simm.s32 $0x1A980  }
0x5ba: {  	[hbm4b:s11+s8] =	stream.linear.scatter [tilespmem:s14], [sflag:$0x4], $0x80, $0x38;
	[tilespmem:$0x1B780] =	vst v63  }
0x5bb: {  	s11 =	sadd.s32 $0x180, s16;
	s14 =	simm.s32 $0x1AA80  }
0x5bc: {  	[hbm4b:s11+s8] =	stream.linear.scatter [tilespmem:s14], [sflag:$0x4], $0x80, $0x38;
	[tilespmem:$0x1B780] =	vst v63  }
0x5bd: {  	s11 =	sadd.s32 $0x200, s16;
	s14 =	simm.s32 $0x1AB80  }
0x5be: {  	[hbm4b:s11+s8] =	stream.linear.scatter [tilespmem:s14], [sflag:$0x4], $0x80, $0x38;
	[tilespmem:$0x1B780] =	vst v63  }
0x5bf: {  	s11 =	sadd.s32 $0x280, s16;
	s14 =	simm.s32 $0x1AC80  }
0x5c0: {  	[hbm4b:s11+s8] =	stream.linear.scatter [tilespmem:s14], [sflag:$0x4], $0x80, $0x38;
	[tilespmem:$0x1B780] =	vst v63  }
0x5c1: {  	s11 =	sadd.s32 $0x300, s16;
	s14 =	simm.s32 $0x1AD80  }
0x5c2: {  	[hbm4b:s11+s8] =	stream.linear.scatter [tilespmem:s14], [sflag:$0x4], $0x80, $0x38;
	[tilespmem:$0x1B780] =	vst v63  }
0x5c3: {  	s11 =	sadd.s32 $0x380, s16;
	s14 =	simm.s32 $0x1AE80  }
0x5c4: {  	[hbm4b:s11+s8] =	stream.linear.scatter [tilespmem:s14], [sflag:$0x4], $0x80, $0x38;
	[tilespmem:$0x1B780] =	vst v63  }
0x5c5: {  	s11 =	sadd.s32 $0x400, s16;
	s14 =	simm.s32 $0x1AF80  }
0x5c6: {  	[hbm4b:s11+s8] =	stream.linear.scatter [tilespmem:s14], [sflag:$0x4], $0x80, $0x38;
	[tilespmem:$0x1B780] =	vst v63  }
0x5c7: {  	s11 =	sadd.s32 $0x480, s16;
	s14 =	simm.s32 $0x1B080  }
0x5c8: {  	[hbm4b:s11+s8] =	stream.linear.scatter [tilespmem:s14], [sflag:$0x4], $0x80, $0x38;
	[tilespmem:$0x1B780] =	vst v63  }
0x5c9: {  	s11 =	sadd.s32 $0x500, s16;
	s14 =	simm.s32 $0x1B180  }
0x5ca: {  	[hbm4b:s11+s8] =	stream.linear.scatter [tilespmem:s14], [sflag:$0x4], $0x80, $0x38;
	[tilespmem:$0x1B780] =	vst v63  }
0x5cb: {  	s11 =	sadd.s32 $0x580, s16;
	s14 =	simm.s32 $0x1B280  }
0x5cc: {  	[hbm4b:s11+s8] =	stream.linear.scatter [tilespmem:s14], [sflag:$0x4], $0x80, $0x38;
	[tilespmem:$0x1B780] =	vst v63  }
0x5cd: {  	s11 =	sadd.s32 $0x600, s16;
	s14 =	simm.s32 $0x1B380  }
0x5ce: {  	[hbm4b:s11+s8] =	stream.linear.scatter [tilespmem:s14], [sflag:$0x4], $0x80, $0x38;
	[tilespmem:$0x1B780] =	vst v63  }
0x5cf: {  	s11 =	sadd.s32 $0x680, s16;
	s14 =	simm.s32 $0x1B480  }
0x5d0: {  	[hbm4b:s11+s8] =	stream.linear.scatter [tilespmem:s14], [sflag:$0x4], $0x80, $0x38;
	[tilespmem:$0x1B780] =	vst v63  }
0x5d1: {  	s11 =	sadd.s32 $0x700, s16;
	s14 =	simm.s32 $0x1B580  }
0x5d2: {  	[hbm4b:s11+s8] =	stream.linear.scatter [tilespmem:s14], [sflag:$0x4], $0x80, $0x38;
	[tilespmem:$0x1B780] =	vst v63  }
0x5d3: {  	s11 =	sadd.s32 $0x780, s16;
	s14 =	simm.s32 $0x1B680  }
0x5d4: {  	[hbm4b:s11+s8] =	stream.linear.scatter [tilespmem:s14], [sflag:$0x4], $0x80, $0x38;
	[tilespmem:$0x1B780] =	vst v63  }
0x5d5: {  	s10 =	simm.s32 $0x18780;
	s14 =	sld [smem:$0x7AF]  }
0x5d6: {  	[tilespmem:s10], [sflag:$0x1] =	stream.linear.gather [hbm4b:s29+s8], $0x80, $0x38;
	[tilespmem:$0x1B780] =	vst v63  }
0x5d7: {  	s11 =	simm.s32 $0x18880  }
0x5d8: {  	[tilespmem:s11], [sflag:$0x1] =	stream.linear.gather [hbm4b:s14+s8], $0x80, $0x38;
	[tilespmem:$0x1B780] =	vst v63  }
0x5d9: {  	s14 =	sld [smem:$0x7B0];
	_ =	sdelay $0x1  }
0x5da: {  	s11 =	simm.s32 $0x18980  }
0x5db: {  	[tilespmem:s11], [sflag:$0x1] =	stream.linear.gather [hbm4b:s14+s8], $0x80, $0x38;
	[tilespmem:$0x1B780] =	vst v63  }
0x5dc: {  	s14 =	sld [smem:$0x7B1];
	_ =	sdelay $0x1  }
0x5dd: {  	s11 =	simm.s32 $0x18A80  }
0x5de: {  	[tilespmem:s11], [sflag:$0x1] =	stream.linear.gather [hbm4b:s14+s8], $0x80, $0x38;
	[tilespmem:$0x1B780] =	vst v63  }
0x5df: {  	s14 =	sld [smem:$0x7B2];
	_ =	sdelay $0x1  }
0x5e0: {  	s11 =	simm.s32 $0x18B80  }
0x5e1: {  	[tilespmem:s11], [sflag:$0x1] =	stream.linear.gather [hbm4b:s14+s8], $0x80, $0x38;
	[tilespmem:$0x1B780] =	vst v63  }
0x5e2: {  	s14 =	sld [smem:$0x7B3];
	_ =	sdelay $0x1  }
0x5e3: {  	s11 =	simm.s32 $0x18C80  }
0x5e4: {  	[tilespmem:s11], [sflag:$0x1] =	stream.linear.gather [hbm4b:s14+s8], $0x80, $0x38;
	[tilespmem:$0x1B780] =	vst v63  }
0x5e5: {  	s14 =	sld [smem:$0x7B4];
	_ =	sdelay $0x1  }
0x5e6: {  	s11 =	simm.s32 $0x18D80  }
0x5e7: {  	[tilespmem:s11], [sflag:$0x1] =	stream.linear.gather [hbm4b:s14+s8], $0x80, $0x38;
	[tilespmem:$0x1B780] =	vst v63  }
0x5e8: {  	s14 =	sld [smem:$0x7B5];
	_ =	sdelay $0x1  }
0x5e9: {  	s11 =	simm.s32 $0x18E80  }
0x5ea: {  	[tilespmem:s11], [sflag:$0x1] =	stream.linear.gather [hbm4b:s14+s8], $0x80, $0x38;
	[tilespmem:$0x1B780] =	vst v63  }
0x5eb: {  	s14 =	sld [smem:$0x7B6];
	_ =	sdelay $0x1  }
0x5ec: {  	s11 =	simm.s32 $0x18F80  }
0x5ed: {  	[tilespmem:s11], [sflag:$0x1] =	stream.linear.gather [hbm4b:s14+s8], $0x80, $0x38;
	[tilespmem:$0x1B780] =	vst v63  }
0x5ee: {  	s14 =	sld [smem:$0x7B7];
	_ =	sdelay $0x1  }
0x5ef: {  	s11 =	simm.s32 $0x19080  }
0x5f0: {  	[tilespmem:s11], [sflag:$0x1] =	stream.linear.gather [hbm4b:s14+s8], $0x80, $0x38;
	[tilespmem:$0x1B780] =	vst v63  }
0x5f1: {  	s14 =	sld [smem:$0x7B8];
	_ =	sdelay $0x1  }
0x5f2: {  	s11 =	simm.s32 $0x19180  }
0x5f3: {  	[tilespmem:s11], [sflag:$0x1] =	stream.linear.gather [hbm4b:s14+s8], $0x80, $0x38;
	[tilespmem:$0x1B780] =	vst v63  }
0x5f4: {  	s14 =	sld [smem:$0x7B9];
	_ =	sdelay $0x1  }
0x5f5: {  	s11 =	simm.s32 $0x19280  }
0x5f6: {  	[tilespmem:s11], [sflag:$0x1] =	stream.linear.gather [hbm4b:s14+s8], $0x80, $0x38;
	[tilespmem:$0x1B780] =	vst v63  }
0x5f7: {  	s14 =	sld [smem:$0x7BA];
	_ =	sdelay $0x1  }
0x5f8: {  	s11 =	simm.s32 $0x19380  }
0x5f9: {  	[tilespmem:s11], [sflag:$0x1] =	stream.linear.gather [hbm4b:s14+s8], $0x80, $0x38;
	[tilespmem:$0x1B780] =	vst v63  }
0x5fa: {  	s14 =	sld [smem:$0x7BB];
	_ =	sdelay $0x1  }
0x5fb: {  	s11 =	simm.s32 $0x19480  }
0x5fc: {  	[tilespmem:s11], [sflag:$0x1] =	stream.linear.gather [hbm4b:s14+s8], $0x80, $0x38;
	[tilespmem:$0x1B780] =	vst v63  }
0x5fd: {  	s14 =	sld [smem:$0x7BC];
	_ =	sdelay $0x1  }
0x5fe: {  	s11 =	simm.s32 $0x19580  }
0x5ff: {  	[tilespmem:s11], [sflag:$0x1] =	stream.linear.gather [hbm4b:s14+s8], $0x80, $0x38;
	[tilespmem:$0x1B780] =	vst v63  }
0x600: {  	s14 =	sld [smem:$0x7BD];
	_ =	sdelay $0x1  }
0x601: {  	s11 =	simm.s32 $0x19680  }
0x602: {  	[tilespmem:s11], [sflag:$0x1] =	stream.linear.gather [hbm4b:s14+s8], $0x80, $0x38;
	[tilespmem:$0x1B780] =	vst v63  }
0x603: {  	s10 =	simm.s32 $0x19780;
	s14 =	sld [smem:$0x7BE]  }
0x604: {  	[tilespmem:s10], [sflag:$0x1] =	stream.linear.gather [hbm4b:s30+s8], $0x80, $0x38;
	[tilespmem:$0x1B780] =	vst v63  }
0x605: {  	s11 =	simm.s32 $0x19880  }
0x606: {  	[tilespmem:s11], [sflag:$0x1] =	stream.linear.gather [hbm4b:s14+s8], $0x80, $0x38;
	[tilespmem:$0x1B780] =	vst v63  }
0x607: {  	s14 =	sld [smem:$0x7BF];
	_ =	sdelay $0x1  }
0x608: {  	s11 =	simm.s32 $0x19980  }
0x609: {  	[tilespmem:s11], [sflag:$0x1] =	stream.linear.gather [hbm4b:s14+s8], $0x80, $0x38;
	[tilespmem:$0x1B780] =	vst v63  }
0x60a: {  	s14 =	sld [smem:$0x7C0];
	_ =	sdelay $0x1  }
0x60b: {  	s11 =	simm.s32 $0x19A80  }
0x60c: {  	[tilespmem:s11], [sflag:$0x1] =	stream.linear.gather [hbm4b:s14+s8], $0x80, $0x38;
	[tilespmem:$0x1B780] =	vst v63  }
0x60d: {  	s14 =	sld [smem:$0x7C1];
	_ =	sdelay $0x1  }
0x60e: {  	s11 =	simm.s32 $0x19B80  }
0x60f: {  	[tilespmem:s11], [sflag:$0x1] =	stream.linear.gather [hbm4b:s14+s8], $0x80, $0x38;
	[tilespmem:$0x1B780] =	vst v63  }
0x610: {  	s14 =	sld [smem:$0x7C2];
	_ =	sdelay $0x1  }
0x611: {  	s11 =	simm.s32 $0x19C80  }
0x612: {  	[tilespmem:s11], [sflag:$0x1] =	stream.linear.gather [hbm4b:s14+s8], $0x80, $0x38;
	[tilespmem:$0x1B780] =	vst v63  }
0x613: {  	s14 =	sld [smem:$0x7C3];
	_ =	sdelay $0x1  }
0x614: {  	s11 =	simm.s32 $0x19D80  }
0x615: {  	[tilespmem:s11], [sflag:$0x1] =	stream.linear.gather [hbm4b:s14+s8], $0x80, $0x38;
	[tilespmem:$0x1B780] =	vst v63  }
0x616: {  	s14 =	sld [smem:$0x7C4];
	_ =	sdelay $0x1  }
0x617: {  	s11 =	simm.s32 $0x19E80  }
0x618: {  	[tilespmem:s11], [sflag:$0x1] =	stream.linear.gather [hbm4b:s14+s8], $0x80, $0x38;
	[tilespmem:$0x1B780] =	vst v63  }
0x619: {  	s14 =	sld [smem:$0x7C5];
	_ =	sdelay $0x1  }
0x61a: {  	s11 =	simm.s32 $0x19F80  }
0x61b: {  	[tilespmem:s11], [sflag:$0x1] =	stream.linear.gather [hbm4b:s14+s8], $0x80, $0x38;
	[tilespmem:$0x1B780] =	vst v63  }
0x61c: {  	s14 =	sld [smem:$0x7C6];
	_ =	sdelay $0x1  }
0x61d: {  	s11 =	simm.s32 $0x1A080  }
0x61e: {  	[tilespmem:s11], [sflag:$0x1] =	stream.linear.gather [hbm4b:s14+s8], $0x80, $0x38;
	[tilespmem:$0x1B780] =	vst v63  }
0x61f: {  	s14 =	sld [smem:$0x7C7];
	_ =	sdelay $0x1  }
0x620: {  	s11 =	simm.s32 $0x1A180  }
0x621: {  	[tilespmem:s11], [sflag:$0x1] =	stream.linear.gather [hbm4b:s14+s8], $0x80, $0x38;
	[tilespmem:$0x1B780] =	vst v63  }
0x622: {  	s14 =	sld [smem:$0x7C8];
	_ =	sdelay $0x1  }
0x623: {  	s11 =	simm.s32 $0x1A280  }
0x624: {  	[tilespmem:s11], [sflag:$0x1] =	stream.linear.gather [hbm4b:s14+s8], $0x80, $0x38;
	[tilespmem:$0x1B780] =	vst v63  }
0x625: {  	s14 =	sld [smem:$0x7C9];
	_ =	sdelay $0x1  }
0x626: {  	s11 =	simm.s32 $0x1A380  }
0x627: {  	[tilespmem:s11], [sflag:$0x1] =	stream.linear.gather [hbm4b:s14+s8], $0x80, $0x38;
	[tilespmem:$0x1B780] =	vst v63  }
0x628: {  	s14 =	sld [smem:$0x7CA];
	_ =	sdelay $0x1  }
0x629: {  	s11 =	simm.s32 $0x1A480  }
0x62a: {  	[tilespmem:s11], [sflag:$0x1] =	stream.linear.gather [hbm4b:s14+s8], $0x80, $0x38;
	[tilespmem:$0x1B780] =	vst v63  }
0x62b: {  	s14 =	sld [smem:$0x7CB];
	_ =	sdelay $0x1  }
0x62c: {  	s11 =	simm.s32 $0x1A580  }
0x62d: {  	[tilespmem:s11], [sflag:$0x1] =	stream.linear.gather [hbm4b:s14+s8], $0x80, $0x38;
	[tilespmem:$0x1B780] =	vst v63  }
0x62e: {  	s14 =	sld [smem:$0x7CC];
	_ =	sdelay $0x1  }
0x62f: {  	s11 =	simm.s32 $0x1A680  }
0x630: {  	[tilespmem:s11], [sflag:$0x1] =	stream.linear.gather [hbm4b:s14+s8], $0x80, $0x38;
	[tilespmem:$0x1B780] =	vst v63  }
0x631: {  	_ =	swait.ge [sflag:s6], $0x800  }
0x632: {  	[sflag:s6] =	ssyncset.done $0x0  }
0x633: {  	[sflag:s6] =	ssyncadd.s32 $0xFFFFF800  }
0x634: {  	_ =	swait.ge [sflag:s6], $0x800  }
0x635: {  	s10 =	sand.u32 $0x60, s8;
	s8 =	sand.u32 $0xF00, s8;
	[sflag:s6] =	ssyncset.done $0x0  }
0x636: {  	s8 =	sor.u32 s10, s8;
	[sflag:s6] =	ssyncadd.s32 $0xFFFFF800  }
0x637: {  	v0 =	vld [tilespmem:s8+$0x18800]  }
0x638: {  	v1 =	vld [tilespmem:s8+$0x19800];
	_ =	sdelay $0x5  }
0x639: {  	v2 =	vld [tilespmem:s8+$0x18810]  }
0x63a: {  	v0 =	vld.idx.msk [tilespmem:v0+s22+$0x0], $0xffff  }
0x63b: {  	v1 =	vld.idx.msk [tilespmem:v1+s26+$0x0], $0xffff  }
0x63c: {  	v3 =	vld [tilespmem:s8+$0x19810];
	_ =	sdelay $0x3  }
0x63d: {  	v0 =	vadd.f32 v1, v0;
	_ =	sdelay $0x1  }
0x63e: {  	s9 =	simm.s32 $0x40;
	s11 =	simm.s32 $0x20;
	[tilespmem:s8+$0x1A800] =	vst v0  }
0x63f: {  	s14 =	sand.u32 $0xF00, s9;
	s10 =	sand.u32 $0x60, s11;
	v2 =	vld.idx.msk [tilespmem:v2+s22+$0x0], $0xffff  }
0x640: {  	s11 =	sor.u32 s10, s14;
	v3 =	vld.idx.msk [tilespmem:v3+s26+$0x0], $0xffff  }
0x641: {  	v0 =	vld [tilespmem:s11+$0x18800]  }
0x642: {  	s10 =	simm.s32 $0x40;
	v1 =	vld [tilespmem:s11+$0x19800]  }
.LBB2_20:
0x643: {  	_ =	sdelay $0x2  }
0x644: {  	p0 =	sne.s32 s10, $0x7E0;
	s14 =	smov.u32 s10;
	s10 =	sadd.s32 $0x20, s10;
	v2 =	vadd.f32 v3, v2  }
0x645: {  	_ = 	snop  }
0x646: {  	v3 =	vld [tilespmem:s11+$0x19810];
	[tilespmem:s8+$0x1A810] =	vst v2;
	s8 =	smov.u32 s11  }
0x647: {  	v0 =	vld.idx.msk [tilespmem:v0+s22+$0x0], $0xffff  }
0x648: {  	v1 =	vld.idx.msk [tilespmem:v1+s26+$0x0], $0xffff  }
0x649: {  	v2 =	vld [tilespmem:s8+$0x18810];
	_ =	sdelay $0x4  }
0x64a: {  	v0 =	vadd.f32 v1, v0;
	_ =	sdelay $0x1  }
.Ltmp9:
0x64b: {  	s9 =	sadd.s32 $0x40, s9;
	[tilespmem:s8+$0x1A800] =	vst v0;
	(pc) =	sbr.rel @p0 .LBB2_20-.Ltmp9, $4  }
0x64c: {  	s11 =	sand.u32 $0x60, s14;
	s14 =	sand.u32 $0xF00, s9;
	v2 =	vld.idx.msk [tilespmem:v2+s22+$0x0], $0xffff  }
0x64d: {  	s11 =	sor.u32 s11, s14;
	v3 =	vld.idx.msk [tilespmem:v3+s26+$0x0], $0xffff  }
0x64e: {  	v0 =	vld [tilespmem:s11+$0x18800]  }
0x64f: {  	v1 =	vld [tilespmem:s11+$0x19800]  }
0x650: {  	_ =	sdelay $0x3  }
0x651: {  	v2 =	vadd.f32 v3, v2;
	_ =	sdelay $0x1  }
0x652: {  	v3 =	vld [tilespmem:s11+$0x19810];
	[tilespmem:s8+$0x1A810] =	vst v2  }
0x653: {  	v0 =	vld.idx.msk [tilespmem:v0+s22+$0x0], $0xffff  }
0x654: {  	v1 =	vld.idx.msk [tilespmem:v1+s26+$0x0], $0xffff  }
0x655: {  	v2 =	vld [tilespmem:s11+$0x18810];
	_ =	sdelay $0x4  }
0x656: {  	v0 =	vadd.f32 v1, v0;
	_ =	sdelay $0x1  }
0x657: {  	[tilespmem:s11+$0x1A800] =	vst v0  }
0x658: {  	v0 =	vld.idx.msk [tilespmem:v2+s22+$0x0], $0xffff  }
0x659: {  	v1 =	vld.idx.msk [tilespmem:v3+s26+$0x0], $0xffff;
	_ =	sdelay $0x4  }
0x65a: {  	v0 =	vadd.f32 v1, v0;
	_ =	sdelay $0x1  }
0x65b: {  	s9 =	simm.s32 $0x1A800;
	s8 =	simm.s32 $0x0;
	[tilespmem:s11+$0x1A810] =	vst v0  }
0x65c: {  	[hbm4b:s17+s8] =	stream.linear.scatter [tilespmem:s9], [sflag:$0x4], $0x80, $0x38;
	[tilespmem:$0x1B780] =	vst v63  }
0x65d: {  	s14 =	sadd.s32 $0x80, s17;
	s10 =	simm.s32 $0x1A900  }
0x65e: {  	[hbm4b:s14+s8] =	stream.linear.scatter [tilespmem:s10], [sflag:$0x4], $0x80, $0x38;
	[tilespmem:$0x1B780] =	vst v63  }
0x65f: {  	s11 =	sadd.s32 $0x100, s17;
	s14 =	simm.s32 $0x1AA00  }
0x660: {  	[hbm4b:s11+s8] =	stream.linear.scatter [tilespmem:s14], [sflag:$0x4], $0x80, $0x38;
	[tilespmem:$0x1B780] =	vst v63  }
0x661: {  	s11 =	sadd.s32 $0x180, s17;
	s14 =	simm.s32 $0x1AB00  }
0x662: {  	[hbm4b:s11+s8] =	stream.linear.scatter [tilespmem:s14], [sflag:$0x4], $0x80, $0x38;
	[tilespmem:$0x1B780] =	vst v63  }
0x663: {  	s11 =	sadd.s32 $0x200, s17;
	s14 =	simm.s32 $0x1AC00  }
0x664: {  	[hbm4b:s11+s8] =	stream.linear.scatter [tilespmem:s14], [sflag:$0x4], $0x80, $0x38;
	[tilespmem:$0x1B780] =	vst v63  }
0x665: {  	s11 =	sadd.s32 $0x280, s17;
	s14 =	simm.s32 $0x1AD00  }
0x666: {  	[hbm4b:s11+s8] =	stream.linear.scatter [tilespmem:s14], [sflag:$0x4], $0x80, $0x38;
	[tilespmem:$0x1B780] =	vst v63  }
0x667: {  	s11 =	sadd.s32 $0x300, s17;
	s14 =	simm.s32 $0x1AE00  }
0x668: {  	[hbm4b:s11+s8] =	stream.linear.scatter [tilespmem:s14], [sflag:$0x4], $0x80, $0x38;
	[tilespmem:$0x1B780] =	vst v63  }
0x669: {  	s11 =	sadd.s32 $0x380, s17;
	s14 =	simm.s32 $0x1AF00  }
0x66a: {  	[hbm4b:s11+s8] =	stream.linear.scatter [tilespmem:s14], [sflag:$0x4], $0x80, $0x38;
	[tilespmem:$0x1B780] =	vst v63  }
0x66b: {  	s11 =	sadd.s32 $0x400, s17;
	s14 =	simm.s32 $0x1B000  }
0x66c: {  	[hbm4b:s11+s8] =	stream.linear.scatter [tilespmem:s14], [sflag:$0x4], $0x80, $0x38;
	[tilespmem:$0x1B780] =	vst v63  }
0x66d: {  	s11 =	sadd.s32 $0x480, s17;
	s14 =	simm.s32 $0x1B100  }
0x66e: {  	[hbm4b:s11+s8] =	stream.linear.scatter [tilespmem:s14], [sflag:$0x4], $0x80, $0x38;
	[tilespmem:$0x1B780] =	vst v63  }
0x66f: {  	s11 =	sadd.s32 $0x500, s17;
	s14 =	simm.s32 $0x1B200  }
0x670: {  	[hbm4b:s11+s8] =	stream.linear.scatter [tilespmem:s14], [sflag:$0x4], $0x80, $0x38;
	[tilespmem:$0x1B780] =	vst v63  }
0x671: {  	s11 =	sadd.s32 $0x580, s17;
	s14 =	simm.s32 $0x1B300  }
0x672: {  	[hbm4b:s11+s8] =	stream.linear.scatter [tilespmem:s14], [sflag:$0x4], $0x80, $0x38;
	[tilespmem:$0x1B780] =	vst v63  }
0x673: {  	s11 =	sadd.s32 $0x600, s17;
	s14 =	simm.s32 $0x1B400  }
0x674: {  	[hbm4b:s11+s8] =	stream.linear.scatter [tilespmem:s14], [sflag:$0x4], $0x80, $0x38;
	[tilespmem:$0x1B780] =	vst v63  }
0x675: {  	s11 =	sadd.s32 $0x680, s17;
	s14 =	simm.s32 $0x1B500  }
0x676: {  	[hbm4b:s11+s8] =	stream.linear.scatter [tilespmem:s14], [sflag:$0x4], $0x80, $0x38;
	[tilespmem:$0x1B780] =	vst v63  }
0x677: {  	s11 =	sadd.s32 $0x700, s17;
	s14 =	simm.s32 $0x1B600  }
0x678: {  	[hbm4b:s11+s8] =	stream.linear.scatter [tilespmem:s14], [sflag:$0x4], $0x80, $0x38;
	[tilespmem:$0x1B780] =	vst v63  }
0x679: {  	s11 =	sadd.s32 $0x780, s17;
	s14 =	simm.s32 $0x1B700  }
0x67a: {  	[hbm4b:s11+s8] =	stream.linear.scatter [tilespmem:s14], [sflag:$0x4], $0x80, $0x38;
	[tilespmem:$0x1B780] =	vst v63  }
0x67b: {  	s10 =	simm.s32 $0x18800;
	s14 =	sld [smem:$0x791]  }
0x67c: {  	[tilespmem:s10], [sflag:$0x2] =	stream.linear.gather [hbm4b:s31+s8], $0x80, $0x38;
	[tilespmem:$0x1B780] =	vst v63  }
0x67d: {  	s11 =	simm.s32 $0x18900  }
0x67e: {  	[tilespmem:s11], [sflag:$0x2] =	stream.linear.gather [hbm4b:s14+s8], $0x80, $0x38;
	[tilespmem:$0x1B780] =	vst v63  }
0x67f: {  	s14 =	sld [smem:$0x792];
	_ =	sdelay $0x1  }
0x680: {  	s11 =	simm.s32 $0x18A00  }
0x681: {  	[tilespmem:s11], [sflag:$0x2] =	stream.linear.gather [hbm4b:s14+s8], $0x80, $0x38;
	[tilespmem:$0x1B780] =	vst v63  }
0x682: {  	s14 =	sld [smem:$0x793];
	_ =	sdelay $0x1  }
0x683: {  	s11 =	simm.s32 $0x18B00  }
0x684: {  	[tilespmem:s11], [sflag:$0x2] =	stream.linear.gather [hbm4b:s14+s8], $0x80, $0x38;
	[tilespmem:$0x1B780] =	vst v63  }
0x685: {  	s14 =	sld [smem:$0x794];
	_ =	sdelay $0x1  }
0x686: {  	s11 =	simm.s32 $0x18C00  }
0x687: {  	[tilespmem:s11], [sflag:$0x2] =	stream.linear.gather [hbm4b:s14+s8], $0x80, $0x38;
	[tilespmem:$0x1B780] =	vst v63  }
0x688: {  	s14 =	sld [smem:$0x795];
	_ =	sdelay $0x1  }
0x689: {  	s11 =	simm.s32 $0x18D00  }
0x68a: {  	[tilespmem:s11], [sflag:$0x2] =	stream.linear.gather [hbm4b:s14+s8], $0x80, $0x38;
	[tilespmem:$0x1B780] =	vst v63  }
0x68b: {  	s14 =	sld [smem:$0x796];
	_ =	sdelay $0x1  }
0x68c: {  	s11 =	simm.s32 $0x18E00  }
0x68d: {  	[tilespmem:s11], [sflag:$0x2] =	stream.linear.gather [hbm4b:s14+s8], $0x80, $0x38;
	[tilespmem:$0x1B780] =	vst v63  }
0x68e: {  	s14 =	sld [smem:$0x797];
	_ =	sdelay $0x1  }
0x68f: {  	s11 =	simm.s32 $0x18F00  }
0x690: {  	[tilespmem:s11], [sflag:$0x2] =	stream.linear.gather [hbm4b:s14+s8], $0x80, $0x38;
	[tilespmem:$0x1B780] =	vst v63  }
0x691: {  	s14 =	sld [smem:$0x798];
	_ =	sdelay $0x1  }
0x692: {  	s11 =	simm.s32 $0x19000  }
0x693: {  	[tilespmem:s11], [sflag:$0x2] =	stream.linear.gather [hbm4b:s14+s8], $0x80, $0x38;
	[tilespmem:$0x1B780] =	vst v63  }
0x694: {  	s14 =	sld [smem:$0x799];
	_ =	sdelay $0x1  }
0x695: {  	s11 =	simm.s32 $0x19100  }
0x696: {  	[tilespmem:s11], [sflag:$0x2] =	stream.linear.gather [hbm4b:s14+s8], $0x80, $0x38;
	[tilespmem:$0x1B780] =	vst v63  }
0x697: {  	s14 =	sld [smem:$0x79A];
	_ =	sdelay $0x1  }
0x698: {  	s11 =	simm.s32 $0x19200  }
0x699: {  	[tilespmem:s11], [sflag:$0x2] =	stream.linear.gather [hbm4b:s14+s8], $0x80, $0x38;
	[tilespmem:$0x1B780] =	vst v63  }
0x69a: {  	s14 =	sld [smem:$0x79B];
	_ =	sdelay $0x1  }
0x69b: {  	s11 =	simm.s32 $0x19300  }
0x69c: {  	[tilespmem:s11], [sflag:$0x2] =	stream.linear.gather [hbm4b:s14+s8], $0x80, $0x38;
	[tilespmem:$0x1B780] =	vst v63  }
0x69d: {  	s14 =	sld [smem:$0x79C];
	_ =	sdelay $0x1  }
0x69e: {  	s11 =	simm.s32 $0x19400  }
0x69f: {  	[tilespmem:s11], [sflag:$0x2] =	stream.linear.gather [hbm4b:s14+s8], $0x80, $0x38;
	[tilespmem:$0x1B780] =	vst v63  }
0x6a0: {  	s14 =	sld [smem:$0x79D];
	_ =	sdelay $0x1  }
0x6a1: {  	s11 =	simm.s32 $0x19500  }
0x6a2: {  	[tilespmem:s11], [sflag:$0x2] =	stream.linear.gather [hbm4b:s14+s8], $0x80, $0x38;
	[tilespmem:$0x1B780] =	vst v63  }
0x6a3: {  	s14 =	sld [smem:$0x79E];
	_ =	sdelay $0x1  }
0x6a4: {  	s11 =	simm.s32 $0x19600  }
0x6a5: {  	[tilespmem:s11], [sflag:$0x2] =	stream.linear.gather [hbm4b:s14+s8], $0x80, $0x38;
	[tilespmem:$0x1B780] =	vst v63  }
0x6a6: {  	s14 =	sld [smem:$0x79F];
	_ =	sdelay $0x1  }
0x6a7: {  	s11 =	simm.s32 $0x19700  }
0x6a8: {  	[tilespmem:s11], [sflag:$0x2] =	stream.linear.gather [hbm4b:s14+s8], $0x80, $0x38;
	[tilespmem:$0x1B780] =	vst v63  }
0x6a9: {  	s10 =	simm.s32 $0x19800;
	s14 =	sld [smem:$0x7A0]  }
0x6aa: {  	[tilespmem:s10], [sflag:$0x2] =	stream.linear.gather [hbm4b:s0+s8], $0x80, $0x38;
	[tilespmem:$0x1B780] =	vst v63  }
0x6ab: {  	s11 =	simm.s32 $0x19900  }
0x6ac: {  	[tilespmem:s11], [sflag:$0x2] =	stream.linear.gather [hbm4b:s14+s8], $0x80, $0x38;
	[tilespmem:$0x1B780] =	vst v63  }
0x6ad: {  	s14 =	sld [smem:$0x7A1];
	_ =	sdelay $0x1  }
0x6ae: {  	s11 =	simm.s32 $0x19A00  }
0x6af: {  	[tilespmem:s11], [sflag:$0x2] =	stream.linear.gather [hbm4b:s14+s8], $0x80, $0x38;
	[tilespmem:$0x1B780] =	vst v63  }
0x6b0: {  	s14 =	sld [smem:$0x7A2];
	_ =	sdelay $0x1  }
0x6b1: {  	s11 =	simm.s32 $0x19B00  }
0x6b2: {  	[tilespmem:s11], [sflag:$0x2] =	stream.linear.gather [hbm4b:s14+s8], $0x80, $0x38;
	[tilespmem:$0x1B780] =	vst v63  }
0x6b3: {  	s14 =	sld [smem:$0x7A3];
	_ =	sdelay $0x1  }
0x6b4: {  	s11 =	simm.s32 $0x19C00  }
0x6b5: {  	[tilespmem:s11], [sflag:$0x2] =	stream.linear.gather [hbm4b:s14+s8], $0x80, $0x38;
	[tilespmem:$0x1B780] =	vst v63  }
0x6b6: {  	s14 =	sld [smem:$0x7A4];
	_ =	sdelay $0x1  }
0x6b7: {  	s11 =	simm.s32 $0x19D00  }
0x6b8: {  	[tilespmem:s11], [sflag:$0x2] =	stream.linear.gather [hbm4b:s14+s8], $0x80, $0x38;
	[tilespmem:$0x1B780] =	vst v63  }
0x6b9: {  	s14 =	sld [smem:$0x7A5];
	_ =	sdelay $0x1  }
0x6ba: {  	s11 =	simm.s32 $0x19E00  }
0x6bb: {  	[tilespmem:s11], [sflag:$0x2] =	stream.linear.gather [hbm4b:s14+s8], $0x80, $0x38;
	[tilespmem:$0x1B780] =	vst v63  }
0x6bc: {  	s14 =	sld [smem:$0x7A6];
	_ =	sdelay $0x1  }
0x6bd: {  	s11 =	simm.s32 $0x19F00  }
0x6be: {  	[tilespmem:s11], [sflag:$0x2] =	stream.linear.gather [hbm4b:s14+s8], $0x80, $0x38;
	[tilespmem:$0x1B780] =	vst v63  }
0x6bf: {  	s14 =	sld [smem:$0x7A7];
	_ =	sdelay $0x1  }
0x6c0: {  	s11 =	simm.s32 $0x1A000  }
0x6c1: {  	[tilespmem:s11], [sflag:$0x2] =	stream.linear.gather [hbm4b:s14+s8], $0x80, $0x38;
	[tilespmem:$0x1B780] =	vst v63  }
0x6c2: {  	s14 =	sld [smem:$0x7A8];
	_ =	sdelay $0x1  }
0x6c3: {  	s11 =	simm.s32 $0x1A100  }
0x6c4: {  	[tilespmem:s11], [sflag:$0x2] =	stream.linear.gather [hbm4b:s14+s8], $0x80, $0x38;
	[tilespmem:$0x1B780] =	vst v63  }
0x6c5: {  	s14 =	sld [smem:$0x7A9];
	_ =	sdelay $0x1  }
0x6c6: {  	s11 =	simm.s32 $0x1A200  }
0x6c7: {  	[tilespmem:s11], [sflag:$0x2] =	stream.linear.gather [hbm4b:s14+s8], $0x80, $0x38;
	[tilespmem:$0x1B780] =	vst v63  }
0x6c8: {  	s14 =	sld [smem:$0x7AA];
	_ =	sdelay $0x1  }
0x6c9: {  	s11 =	simm.s32 $0x1A300  }
0x6ca: {  	[tilespmem:s11], [sflag:$0x2] =	stream.linear.gather [hbm4b:s14+s8], $0x80, $0x38;
	[tilespmem:$0x1B780] =	vst v63  }
0x6cb: {  	s14 =	sld [smem:$0x7AB];
	_ =	sdelay $0x1  }
0x6cc: {  	s11 =	simm.s32 $0x1A400  }
0x6cd: {  	[tilespmem:s11], [sflag:$0x2] =	stream.linear.gather [hbm4b:s14+s8], $0x80, $0x38;
	[tilespmem:$0x1B780] =	vst v63  }
0x6ce: {  	s14 =	sld [smem:$0x7AC];
	_ =	sdelay $0x1  }
0x6cf: {  	s11 =	simm.s32 $0x1A500  }
0x6d0: {  	[tilespmem:s11], [sflag:$0x2] =	stream.linear.gather [hbm4b:s14+s8], $0x80, $0x38;
	[tilespmem:$0x1B780] =	vst v63  }
0x6d1: {  	s14 =	sld [smem:$0x7AD];
	_ =	sdelay $0x1  }
0x6d2: {  	s11 =	simm.s32 $0x1A600  }
0x6d3: {  	[tilespmem:s11], [sflag:$0x2] =	stream.linear.gather [hbm4b:s14+s8], $0x80, $0x38;
	[tilespmem:$0x1B780] =	vst v63  }
0x6d4: {  	s14 =	sld [smem:$0x7AE];
	_ =	sdelay $0x1  }
0x6d5: {  	s11 =	simm.s32 $0x1A700  }
0x6d6: {  	[tilespmem:s11], [sflag:$0x2] =	stream.linear.gather [hbm4b:s14+s8], $0x80, $0x38;
	[tilespmem:$0x1B780] =	vst v63  }
0x6d7: {  	_ =	swait.ge [sflag:s28], $0x800  }
0x6d8: {  	[sflag:s28] =	ssyncset.done $0x0  }
0x6d9: {  	[sflag:s28] =	ssyncadd.s32 $0xFFFFF800  }
0x6da: {  	_ =	swait.ge [sflag:s28], $0x800  }
0x6db: {  	s10 =	sand.u32 $0x60, s8;
	s8 =	sand.u32 $0xF00, s8;
	[sflag:s28] =	ssyncset.done $0x0  }
0x6dc: {  	s8 =	sor.u32 s10, s8;
	[sflag:s28] =	ssyncadd.s32 $0xFFFFF800  }
0x6dd: {  	v0 =	vld [tilespmem:s8+$0x18780]  }
0x6de: {  	v1 =	vld [tilespmem:s8+$0x19780];
	_ =	sdelay $0x5  }
0x6df: {  	v2 =	vld [tilespmem:s8+$0x18790]  }
0x6e0: {  	v0 =	vld.idx.msk [tilespmem:v0+s22+$0x0], $0xffff  }
0x6e1: {  	v1 =	vld.idx.msk [tilespmem:v1+s26+$0x0], $0xffff  }
0x6e2: {  	v3 =	vld [tilespmem:s8+$0x19790];
	_ =	sdelay $0x3  }
0x6e3: {  	v0 =	vadd.f32 v1, v0;
	_ =	sdelay $0x1  }
0x6e4: {  	s9 =	simm.s32 $0x40;
	s11 =	simm.s32 $0x20;
	[tilespmem:s8+$0x1A780] =	vst v0  }
0x6e5: {  	s14 =	sand.u32 $0xF00, s9;
	s10 =	sand.u32 $0x60, s11;
	v2 =	vld.idx.msk [tilespmem:v2+s22+$0x0], $0xffff  }
0x6e6: {  	s11 =	sor.u32 s10, s14;
	v3 =	vld.idx.msk [tilespmem:v3+s26+$0x0], $0xffff  }
0x6e7: {  	v0 =	vld [tilespmem:s11+$0x18780]  }
0x6e8: {  	s10 =	simm.s32 $0x40;
	v1 =	vld [tilespmem:s11+$0x19780]  }
.LBB2_22:
0x6e9: {  	_ =	sdelay $0x2  }
0x6ea: {  	p0 =	sne.s32 s10, $0x7E0;
	s14 =	smov.u32 s10;
	s10 =	sadd.s32 $0x20, s10;
	v2 =	vadd.f32 v3, v2  }
0x6eb: {  	_ = 	snop  }
0x6ec: {  	v3 =	vld [tilespmem:s11+$0x19790];
	[tilespmem:s8+$0x1A790] =	vst v2;
	s8 =	smov.u32 s11  }
0x6ed: {  	v0 =	vld.idx.msk [tilespmem:v0+s22+$0x0], $0xffff  }
0x6ee: {  	v1 =	vld.idx.msk [tilespmem:v1+s26+$0x0], $0xffff  }
0x6ef: {  	v2 =	vld [tilespmem:s8+$0x18790];
	_ =	sdelay $0x4  }
0x6f0: {  	v0 =	vadd.f32 v1, v0;
	_ =	sdelay $0x1  }
.Ltmp10:
0x6f1: {  	s9 =	sadd.s32 $0x40, s9;
	[tilespmem:s8+$0x1A780] =	vst v0;
	(pc) =	sbr.rel @p0 .LBB2_22-.Ltmp10, $4  }
0x6f2: {  	s11 =	sand.u32 $0x60, s14;
	s14 =	sand.u32 $0xF00, s9;
	v2 =	vld.idx.msk [tilespmem:v2+s22+$0x0], $0xffff  }
0x6f3: {  	s11 =	sor.u32 s11, s14;
	v3 =	vld.idx.msk [tilespmem:v3+s26+$0x0], $0xffff  }
0x6f4: {  	v0 =	vld [tilespmem:s11+$0x18780]  }
0x6f5: {  	v1 =	vld [tilespmem:s11+$0x19780]  }
0x6f6: {  	_ =	sdelay $0x3  }
0x6f7: {  	v2 =	vadd.f32 v3, v2;
	_ =	sdelay $0x1  }
0x6f8: {  	v3 =	vld [tilespmem:s11+$0x19790];
	[tilespmem:s8+$0x1A790] =	vst v2  }
0x6f9: {  	v0 =	vld.idx.msk [tilespmem:v0+s22+$0x0], $0xffff  }
0x6fa: {  	v1 =	vld.idx.msk [tilespmem:v1+s26+$0x0], $0xffff  }
0x6fb: {  	v2 =	vld [tilespmem:s11+$0x18790];
	_ =	sdelay $0x4  }
0x6fc: {  	v0 =	vadd.f32 v1, v0;
	_ =	sdelay $0x1  }
0x6fd: {  	[tilespmem:s11+$0x1A780] =	vst v0  }
0x6fe: {  	v0 =	vld.idx.msk [tilespmem:v2+s22+$0x0], $0xffff  }
0x6ff: {  	v1 =	vld.idx.msk [tilespmem:v3+s26+$0x0], $0xffff;
	_ =	sdelay $0x4  }
0x700: {  	v0 =	vadd.f32 v1, v0;
	_ =	sdelay $0x1  }
0x701: {  	[tilespmem:s11+$0x1A790] =	vst v0  }
0x702: {  	_ =	swait.ge [sflag:s7], $0x800  }
0x703: {  	[sflag:s7] =	ssyncset.done $0x0  }
0x704: {  	s9 =	simm.s32 $0x1A780;
	s8 =	simm.s32 $0x0;
	[sflag:s7] =	ssyncadd.s32 $0xFFFFF800  }
0x705: {  	[hbm4b:s18+s8] =	stream.linear.scatter [tilespmem:s9], [sflag:$0x4], $0x80, $0x38;
	[tilespmem:$0x1B780] =	vst v63  }
0x706: {  	s14 =	sadd.s32 $0x80, s18;
	s10 =	simm.s32 $0x1A880  }
0x707: {  	[hbm4b:s14+s8] =	stream.linear.scatter [tilespmem:s10], [sflag:$0x4], $0x80, $0x38;
	[tilespmem:$0x1B780] =	vst v63  }
0x708: {  	s11 =	sadd.s32 $0x100, s18;
	s14 =	simm.s32 $0x1A980  }
0x709: {  	[hbm4b:s11+s8] =	stream.linear.scatter [tilespmem:s14], [sflag:$0x4], $0x80, $0x38;
	[tilespmem:$0x1B780] =	vst v63  }
0x70a: {  	s11 =	sadd.s32 $0x180, s18;
	s14 =	simm.s32 $0x1AA80  }
0x70b: {  	[hbm4b:s11+s8] =	stream.linear.scatter [tilespmem:s14], [sflag:$0x4], $0x80, $0x38;
	[tilespmem:$0x1B780] =	vst v63  }
0x70c: {  	s11 =	sadd.s32 $0x200, s18;
	s14 =	simm.s32 $0x1AB80  }
0x70d: {  	[hbm4b:s11+s8] =	stream.linear.scatter [tilespmem:s14], [sflag:$0x4], $0x80, $0x38;
	[tilespmem:$0x1B780] =	vst v63  }
0x70e: {  	s11 =	sadd.s32 $0x280, s18;
	s14 =	simm.s32 $0x1AC80  }
0x70f: {  	[hbm4b:s11+s8] =	stream.linear.scatter [tilespmem:s14], [sflag:$0x4], $0x80, $0x38;
	[tilespmem:$0x1B780] =	vst v63  }
0x710: {  	s11 =	sadd.s32 $0x300, s18;
	s14 =	simm.s32 $0x1AD80  }
0x711: {  	[hbm4b:s11+s8] =	stream.linear.scatter [tilespmem:s14], [sflag:$0x4], $0x80, $0x38;
	[tilespmem:$0x1B780] =	vst v63  }
0x712: {  	s11 =	sadd.s32 $0x380, s18;
	s14 =	simm.s32 $0x1AE80  }
0x713: {  	[hbm4b:s11+s8] =	stream.linear.scatter [tilespmem:s14], [sflag:$0x4], $0x80, $0x38;
	[tilespmem:$0x1B780] =	vst v63  }
0x714: {  	s11 =	sadd.s32 $0x400, s18;
	s14 =	simm.s32 $0x1AF80  }
0x715: {  	[hbm4b:s11+s8] =	stream.linear.scatter [tilespmem:s14], [sflag:$0x4], $0x80, $0x38;
	[tilespmem:$0x1B780] =	vst v63  }
0x716: {  	s11 =	sadd.s32 $0x480, s18;
	s14 =	simm.s32 $0x1B080  }
0x717: {  	[hbm4b:s11+s8] =	stream.linear.scatter [tilespmem:s14], [sflag:$0x4], $0x80, $0x38;
	[tilespmem:$0x1B780] =	vst v63  }
0x718: {  	s11 =	sadd.s32 $0x500, s18;
	s14 =	simm.s32 $0x1B180  }
0x719: {  	[hbm4b:s11+s8] =	stream.linear.scatter [tilespmem:s14], [sflag:$0x4], $0x80, $0x38;
	[tilespmem:$0x1B780] =	vst v63  }
0x71a: {  	s11 =	sadd.s32 $0x580, s18;
	s14 =	simm.s32 $0x1B280  }
0x71b: {  	[hbm4b:s11+s8] =	stream.linear.scatter [tilespmem:s14], [sflag:$0x4], $0x80, $0x38;
	[tilespmem:$0x1B780] =	vst v63  }
0x71c: {  	s11 =	sadd.s32 $0x600, s18;
	s14 =	simm.s32 $0x1B380  }
0x71d: {  	[hbm4b:s11+s8] =	stream.linear.scatter [tilespmem:s14], [sflag:$0x4], $0x80, $0x38;
	[tilespmem:$0x1B780] =	vst v63  }
0x71e: {  	s11 =	sadd.s32 $0x680, s18;
	s14 =	simm.s32 $0x1B480  }
0x71f: {  	[hbm4b:s11+s8] =	stream.linear.scatter [tilespmem:s14], [sflag:$0x4], $0x80, $0x38;
	[tilespmem:$0x1B780] =	vst v63  }
0x720: {  	s11 =	sadd.s32 $0x700, s18;
	s14 =	simm.s32 $0x1B580  }
0x721: {  	[hbm4b:s11+s8] =	stream.linear.scatter [tilespmem:s14], [sflag:$0x4], $0x80, $0x38;
	[tilespmem:$0x1B780] =	vst v63  }
0x722: {  	s11 =	sadd.s32 $0x780, s18;
	s14 =	simm.s32 $0x1B680  }
0x723: {  	[hbm4b:s11+s8] =	stream.linear.scatter [tilespmem:s14], [sflag:$0x4], $0x80, $0x38;
	[tilespmem:$0x1B780] =	vst v63  }
0x724: {  	s10 =	simm.s32 $0x18780;
	s14 =	sld [smem:$0x773]  }
0x725: {  	[tilespmem:s10], [sflag:$0x1] =	stream.linear.gather [hbm4b:s3+s8], $0x80, $0x38;
	[tilespmem:$0x1B780] =	vst v63  }
0x726: {  	s11 =	simm.s32 $0x18880  }
0x727: {  	[tilespmem:s11], [sflag:$0x1] =	stream.linear.gather [hbm4b:s14+s8], $0x80, $0x38;
	[tilespmem:$0x1B780] =	vst v63  }
0x728: {  	s14 =	sld [smem:$0x774];
	_ =	sdelay $0x1  }
0x729: {  	s11 =	simm.s32 $0x18980  }
0x72a: {  	[tilespmem:s11], [sflag:$0x1] =	stream.linear.gather [hbm4b:s14+s8], $0x80, $0x38;
	[tilespmem:$0x1B780] =	vst v63  }
0x72b: {  	s14 =	sld [smem:$0x775];
	_ =	sdelay $0x1  }
0x72c: {  	s11 =	simm.s32 $0x18A80  }
0x72d: {  	[tilespmem:s11], [sflag:$0x1] =	stream.linear.gather [hbm4b:s14+s8], $0x80, $0x38;
	[tilespmem:$0x1B780] =	vst v63  }
0x72e: {  	s14 =	sld [smem:$0x776];
	_ =	sdelay $0x1  }
0x72f: {  	s11 =	simm.s32 $0x18B80  }
0x730: {  	[tilespmem:s11], [sflag:$0x1] =	stream.linear.gather [hbm4b:s14+s8], $0x80, $0x38;
	[tilespmem:$0x1B780] =	vst v63  }
0x731: {  	s14 =	sld [smem:$0x777];
	_ =	sdelay $0x1  }
0x732: {  	s11 =	simm.s32 $0x18C80  }
0x733: {  	[tilespmem:s11], [sflag:$0x1] =	stream.linear.gather [hbm4b:s14+s8], $0x80, $0x38;
	[tilespmem:$0x1B780] =	vst v63  }
0x734: {  	s14 =	sld [smem:$0x778];
	_ =	sdelay $0x1  }
0x735: {  	s11 =	simm.s32 $0x18D80  }
0x736: {  	[tilespmem:s11], [sflag:$0x1] =	stream.linear.gather [hbm4b:s14+s8], $0x80, $0x38;
	[tilespmem:$0x1B780] =	vst v63  }
0x737: {  	s14 =	sld [smem:$0x779];
	_ =	sdelay $0x1  }
0x738: {  	s11 =	simm.s32 $0x18E80  }
0x739: {  	[tilespmem:s11], [sflag:$0x1] =	stream.linear.gather [hbm4b:s14+s8], $0x80, $0x38;
	[tilespmem:$0x1B780] =	vst v63  }
0x73a: {  	s14 =	sld [smem:$0x77A];
	_ =	sdelay $0x1  }
0x73b: {  	s11 =	simm.s32 $0x18F80  }
0x73c: {  	[tilespmem:s11], [sflag:$0x1] =	stream.linear.gather [hbm4b:s14+s8], $0x80, $0x38;
	[tilespmem:$0x1B780] =	vst v63  }
0x73d: {  	s14 =	sld [smem:$0x77B];
	_ =	sdelay $0x1  }
0x73e: {  	s11 =	simm.s32 $0x19080  }
0x73f: {  	[tilespmem:s11], [sflag:$0x1] =	stream.linear.gather [hbm4b:s14+s8], $0x80, $0x38;
	[tilespmem:$0x1B780] =	vst v63  }
0x740: {  	s14 =	sld [smem:$0x77C];
	_ =	sdelay $0x1  }
0x741: {  	s11 =	simm.s32 $0x19180  }
0x742: {  	[tilespmem:s11], [sflag:$0x1] =	stream.linear.gather [hbm4b:s14+s8], $0x80, $0x38;
	[tilespmem:$0x1B780] =	vst v63  }
0x743: {  	s14 =	sld [smem:$0x77D];
	_ =	sdelay $0x1  }
0x744: {  	s11 =	simm.s32 $0x19280  }
0x745: {  	[tilespmem:s11], [sflag:$0x1] =	stream.linear.gather [hbm4b:s14+s8], $0x80, $0x38;
	[tilespmem:$0x1B780] =	vst v63  }
0x746: {  	s14 =	sld [smem:$0x77E];
	_ =	sdelay $0x1  }
0x747: {  	s11 =	simm.s32 $0x19380  }
0x748: {  	[tilespmem:s11], [sflag:$0x1] =	stream.linear.gather [hbm4b:s14+s8], $0x80, $0x38;
	[tilespmem:$0x1B780] =	vst v63  }
0x749: {  	s14 =	sld [smem:$0x77F];
	_ =	sdelay $0x1  }
0x74a: {  	s11 =	simm.s32 $0x19480  }
0x74b: {  	[tilespmem:s11], [sflag:$0x1] =	stream.linear.gather [hbm4b:s14+s8], $0x80, $0x38;
	[tilespmem:$0x1B780] =	vst v63  }
0x74c: {  	s14 =	sld [smem:$0x780];
	_ =	sdelay $0x1  }
0x74d: {  	s11 =	simm.s32 $0x19580  }
0x74e: {  	[tilespmem:s11], [sflag:$0x1] =	stream.linear.gather [hbm4b:s14+s8], $0x80, $0x38;
	[tilespmem:$0x1B780] =	vst v63  }
0x74f: {  	s14 =	sld [smem:$0x781];
	_ =	sdelay $0x1  }
0x750: {  	s11 =	simm.s32 $0x19680  }
0x751: {  	[tilespmem:s11], [sflag:$0x1] =	stream.linear.gather [hbm4b:s14+s8], $0x80, $0x38;
	[tilespmem:$0x1B780] =	vst v63  }
0x752: {  	s10 =	simm.s32 $0x19780;
	s14 =	sld [smem:$0x782]  }
0x753: {  	[tilespmem:s10], [sflag:$0x1] =	stream.linear.gather [hbm4b:s4+s8], $0x80, $0x38;
	[tilespmem:$0x1B780] =	vst v63  }
0x754: {  	s11 =	simm.s32 $0x19880  }
0x755: {  	[tilespmem:s11], [sflag:$0x1] =	stream.linear.gather [hbm4b:s14+s8], $0x80, $0x38;
	[tilespmem:$0x1B780] =	vst v63  }
0x756: {  	s14 =	sld [smem:$0x783];
	_ =	sdelay $0x1  }
0x757: {  	s11 =	simm.s32 $0x19980  }
0x758: {  	[tilespmem:s11], [sflag:$0x1] =	stream.linear.gather [hbm4b:s14+s8], $0x80, $0x38;
	[tilespmem:$0x1B780] =	vst v63  }
0x759: {  	s14 =	sld [smem:$0x784];
	_ =	sdelay $0x1  }
0x75a: {  	s11 =	simm.s32 $0x19A80  }
0x75b: {  	[tilespmem:s11], [sflag:$0x1] =	stream.linear.gather [hbm4b:s14+s8], $0x80, $0x38;
	[tilespmem:$0x1B780] =	vst v63  }
0x75c: {  	s14 =	sld [smem:$0x785];
	_ =	sdelay $0x1  }
0x75d: {  	s11 =	simm.s32 $0x19B80  }
0x75e: {  	[tilespmem:s11], [sflag:$0x1] =	stream.linear.gather [hbm4b:s14+s8], $0x80, $0x38;
	[tilespmem:$0x1B780] =	vst v63  }
0x75f: {  	s14 =	sld [smem:$0x786];
	_ =	sdelay $0x1  }
0x760: {  	s11 =	simm.s32 $0x19C80  }
0x761: {  	[tilespmem:s11], [sflag:$0x1] =	stream.linear.gather [hbm4b:s14+s8], $0x80, $0x38;
	[tilespmem:$0x1B780] =	vst v63  }
0x762: {  	s14 =	sld [smem:$0x787];
	_ =	sdelay $0x1  }
0x763: {  	s11 =	simm.s32 $0x19D80  }
0x764: {  	[tilespmem:s11], [sflag:$0x1] =	stream.linear.gather [hbm4b:s14+s8], $0x80, $0x38;
	[tilespmem:$0x1B780] =	vst v63  }
0x765: {  	s14 =	sld [smem:$0x788];
	_ =	sdelay $0x1  }
0x766: {  	s11 =	simm.s32 $0x19E80  }
0x767: {  	[tilespmem:s11], [sflag:$0x1] =	stream.linear.gather [hbm4b:s14+s8], $0x80, $0x38;
	[tilespmem:$0x1B780] =	vst v63  }
0x768: {  	s14 =	sld [smem:$0x789];
	_ =	sdelay $0x1  }
0x769: {  	s11 =	simm.s32 $0x19F80  }
0x76a: {  	[tilespmem:s11], [sflag:$0x1] =	stream.linear.gather [hbm4b:s14+s8], $0x80, $0x38;
	[tilespmem:$0x1B780] =	vst v63  }
0x76b: {  	s14 =	sld [smem:$0x78A];
	_ =	sdelay $0x1  }
0x76c: {  	s11 =	simm.s32 $0x1A080  }
0x76d: {  	[tilespmem:s11], [sflag:$0x1] =	stream.linear.gather [hbm4b:s14+s8], $0x80, $0x38;
	[tilespmem:$0x1B780] =	vst v63  }
0x76e: {  	s14 =	sld [smem:$0x78B];
	_ =	sdelay $0x1  }
0x76f: {  	s11 =	simm.s32 $0x1A180  }
0x770: {  	[tilespmem:s11], [sflag:$0x1] =	stream.linear.gather [hbm4b:s14+s8], $0x80, $0x38;
	[tilespmem:$0x1B780] =	vst v63  }
0x771: {  	s14 =	sld [smem:$0x78C];
	_ =	sdelay $0x1  }
0x772: {  	s11 =	simm.s32 $0x1A280  }
0x773: {  	[tilespmem:s11], [sflag:$0x1] =	stream.linear.gather [hbm4b:s14+s8], $0x80, $0x38;
	[tilespmem:$0x1B780] =	vst v63  }
0x774: {  	s14 =	sld [smem:$0x78D];
	_ =	sdelay $0x1  }
0x775: {  	s11 =	simm.s32 $0x1A380  }
0x776: {  	[tilespmem:s11], [sflag:$0x1] =	stream.linear.gather [hbm4b:s14+s8], $0x80, $0x38;
	[tilespmem:$0x1B780] =	vst v63  }
0x777: {  	s14 =	sld [smem:$0x78E];
	_ =	sdelay $0x1  }
0x778: {  	s11 =	simm.s32 $0x1A480  }
0x779: {  	[tilespmem:s11], [sflag:$0x1] =	stream.linear.gather [hbm4b:s14+s8], $0x80, $0x38;
	[tilespmem:$0x1B780] =	vst v63  }
0x77a: {  	s14 =	sld [smem:$0x78F];
	_ =	sdelay $0x1  }
0x77b: {  	s11 =	simm.s32 $0x1A580  }
0x77c: {  	[tilespmem:s11], [sflag:$0x1] =	stream.linear.gather [hbm4b:s14+s8], $0x80, $0x38;
	[tilespmem:$0x1B780] =	vst v63  }
0x77d: {  	s14 =	sld [smem:$0x790];
	_ =	sdelay $0x1  }
0x77e: {  	s11 =	simm.s32 $0x1A680  }
0x77f: {  	[tilespmem:s11], [sflag:$0x1] =	stream.linear.gather [hbm4b:s14+s8], $0x80, $0x38;
	[tilespmem:$0x1B780] =	vst v63  }
0x780: {  	_ =	swait.ge [sflag:s6], $0x800  }
0x781: {  	[sflag:s6] =	ssyncset.done $0x0  }
0x782: {  	[sflag:s6] =	ssyncadd.s32 $0xFFFFF800  }
0x783: {  	_ =	swait.ge [sflag:s6], $0x800  }
0x784: {  	s10 =	sand.u32 $0x60, s8;
	s8 =	sand.u32 $0xF00, s8;
	[sflag:s6] =	ssyncset.done $0x0  }
0x785: {  	s8 =	sor.u32 s10, s8;
	[sflag:s6] =	ssyncadd.s32 $0xFFFFF800  }
0x786: {  	v0 =	vld [tilespmem:s8+$0x18800]  }
0x787: {  	v1 =	vld [tilespmem:s8+$0x19800];
	_ =	sdelay $0x5  }
0x788: {  	v2 =	vld [tilespmem:s8+$0x18810]  }
0x789: {  	v0 =	vld.idx.msk [tilespmem:v0+s22+$0x0], $0xffff  }
0x78a: {  	v1 =	vld.idx.msk [tilespmem:v1+s26+$0x0], $0xffff  }
0x78b: {  	v3 =	vld [tilespmem:s8+$0x19810];
	_ =	sdelay $0x3  }
0x78c: {  	v0 =	vadd.f32 v1, v0;
	_ =	sdelay $0x1  }
0x78d: {  	s9 =	simm.s32 $0x40;
	s11 =	simm.s32 $0x20;
	[tilespmem:s8+$0x1A800] =	vst v0  }
0x78e: {  	s14 =	sand.u32 $0xF00, s9;
	s10 =	sand.u32 $0x60, s11;
	v2 =	vld.idx.msk [tilespmem:v2+s22+$0x0], $0xffff  }
0x78f: {  	s11 =	sor.u32 s10, s14;
	v3 =	vld.idx.msk [tilespmem:v3+s26+$0x0], $0xffff  }
0x790: {  	v0 =	vld [tilespmem:s11+$0x18800]  }
0x791: {  	s10 =	simm.s32 $0x40;
	v1 =	vld [tilespmem:s11+$0x19800]  }
.LBB2_24:
0x792: {  	_ =	sdelay $0x2  }
0x793: {  	p0 =	sne.s32 s10, $0x7E0;
	s14 =	smov.u32 s10;
	s10 =	sadd.s32 $0x20, s10;
	v2 =	vadd.f32 v3, v2  }
0x794: {  	_ = 	snop  }
0x795: {  	v3 =	vld [tilespmem:s11+$0x19810];
	[tilespmem:s8+$0x1A810] =	vst v2;
	s8 =	smov.u32 s11  }
0x796: {  	v0 =	vld.idx.msk [tilespmem:v0+s22+$0x0], $0xffff  }
0x797: {  	v1 =	vld.idx.msk [tilespmem:v1+s26+$0x0], $0xffff  }
0x798: {  	v2 =	vld [tilespmem:s8+$0x18810];
	_ =	sdelay $0x4  }
0x799: {  	v0 =	vadd.f32 v1, v0;
	_ =	sdelay $0x1  }
.Ltmp11:
0x79a: {  	s9 =	sadd.s32 $0x40, s9;
	[tilespmem:s8+$0x1A800] =	vst v0;
	(pc) =	sbr.rel @p0 .LBB2_24-.Ltmp11, $4  }
0x79b: {  	s11 =	sand.u32 $0x60, s14;
	s14 =	sand.u32 $0xF00, s9;
	v2 =	vld.idx.msk [tilespmem:v2+s22+$0x0], $0xffff  }
0x79c: {  	s11 =	sor.u32 s11, s14;
	v3 =	vld.idx.msk [tilespmem:v3+s26+$0x0], $0xffff  }
0x79d: {  	v0 =	vld [tilespmem:s11+$0x18800]  }
0x79e: {  	v1 =	vld [tilespmem:s11+$0x19800]  }
0x79f: {  	_ =	sdelay $0x3  }
0x7a0: {  	v2 =	vadd.f32 v3, v2;
	_ =	sdelay $0x1  }
0x7a1: {  	v3 =	vld [tilespmem:s11+$0x19810];
	[tilespmem:s8+$0x1A810] =	vst v2  }
0x7a2: {  	v0 =	vld.idx.msk [tilespmem:v0+s22+$0x0], $0xffff  }
0x7a3: {  	v1 =	vld.idx.msk [tilespmem:v1+s26+$0x0], $0xffff  }
0x7a4: {  	v2 =	vld [tilespmem:s11+$0x18810];
	_ =	sdelay $0x4  }
0x7a5: {  	v0 =	vadd.f32 v1, v0;
	_ =	sdelay $0x1  }
0x7a6: {  	[tilespmem:s11+$0x1A800] =	vst v0  }
0x7a7: {  	v0 =	vld.idx.msk [tilespmem:v2+s22+$0x0], $0xffff  }
0x7a8: {  	v1 =	vld.idx.msk [tilespmem:v3+s26+$0x0], $0xffff;
	_ =	sdelay $0x4  }
0x7a9: {  	v0 =	vadd.f32 v1, v0;
	_ =	sdelay $0x1  }
0x7aa: {  	[tilespmem:s11+$0x1A810] =	vst v0  }
0x7ab: {  	_ =	swait.ge [sflag:s7], $0x800  }
0x7ac: {  	[sflag:s7] =	ssyncset.done $0x0  }
0x7ad: {  	s9 =	simm.s32 $0x1A800;
	s8 =	simm.s32 $0x0;
	[sflag:s7] =	ssyncadd.s32 $0xFFFFF800  }
0x7ae: {  	[hbm4b:s19+s8] =	stream.linear.scatter [tilespmem:s9], [sflag:$0x4], $0x80, $0x38;
	[tilespmem:$0x1B780] =	vst v63  }
0x7af: {  	s14 =	sadd.s32 $0x80, s19;
	s10 =	simm.s32 $0x1A900  }
0x7b0: {  	[hbm4b:s14+s8] =	stream.linear.scatter [tilespmem:s10], [sflag:$0x4], $0x80, $0x38;
	[tilespmem:$0x1B780] =	vst v63  }
0x7b1: {  	s11 =	sadd.s32 $0x100, s19;
	s14 =	simm.s32 $0x1AA00  }
0x7b2: {  	[hbm4b:s11+s8] =	stream.linear.scatter [tilespmem:s14], [sflag:$0x4], $0x80, $0x38;
	[tilespmem:$0x1B780] =	vst v63  }
0x7b3: {  	s11 =	sadd.s32 $0x180, s19;
	s14 =	simm.s32 $0x1AB00  }
0x7b4: {  	[hbm4b:s11+s8] =	stream.linear.scatter [tilespmem:s14], [sflag:$0x4], $0x80, $0x38;
	[tilespmem:$0x1B780] =	vst v63  }
0x7b5: {  	s11 =	sadd.s32 $0x200, s19;
	s14 =	simm.s32 $0x1AC00  }
0x7b6: {  	[hbm4b:s11+s8] =	stream.linear.scatter [tilespmem:s14], [sflag:$0x4], $0x80, $0x38;
	[tilespmem:$0x1B780] =	vst v63  }
0x7b7: {  	s11 =	sadd.s32 $0x280, s19;
	s14 =	simm.s32 $0x1AD00  }
0x7b8: {  	[hbm4b:s11+s8] =	stream.linear.scatter [tilespmem:s14], [sflag:$0x4], $0x80, $0x38;
	[tilespmem:$0x1B780] =	vst v63  }
0x7b9: {  	s11 =	sadd.s32 $0x300, s19;
	s14 =	simm.s32 $0x1AE00  }
0x7ba: {  	[hbm4b:s11+s8] =	stream.linear.scatter [tilespmem:s14], [sflag:$0x4], $0x80, $0x38;
	[tilespmem:$0x1B780] =	vst v63  }
0x7bb: {  	s11 =	sadd.s32 $0x380, s19;
	s14 =	simm.s32 $0x1AF00  }
0x7bc: {  	[hbm4b:s11+s8] =	stream.linear.scatter [tilespmem:s14], [sflag:$0x4], $0x80, $0x38;
	[tilespmem:$0x1B780] =	vst v63  }
0x7bd: {  	s11 =	sadd.s32 $0x400, s19;
	s14 =	simm.s32 $0x1B000  }
0x7be: {  	[hbm4b:s11+s8] =	stream.linear.scatter [tilespmem:s14], [sflag:$0x4], $0x80, $0x38;
	[tilespmem:$0x1B780] =	vst v63  }
0x7bf: {  	s11 =	sadd.s32 $0x480, s19;
	s14 =	simm.s32 $0x1B100  }
0x7c0: {  	[hbm4b:s11+s8] =	stream.linear.scatter [tilespmem:s14], [sflag:$0x4], $0x80, $0x38;
	[tilespmem:$0x1B780] =	vst v63  }
0x7c1: {  	s11 =	sadd.s32 $0x500, s19;
	s14 =	simm.s32 $0x1B200  }
0x7c2: {  	[hbm4b:s11+s8] =	stream.linear.scatter [tilespmem:s14], [sflag:$0x4], $0x80, $0x38;
	[tilespmem:$0x1B780] =	vst v63  }
0x7c3: {  	s11 =	sadd.s32 $0x580, s19;
	s14 =	simm.s32 $0x1B300  }
0x7c4: {  	[hbm4b:s11+s8] =	stream.linear.scatter [tilespmem:s14], [sflag:$0x4], $0x80, $0x38;
	[tilespmem:$0x1B780] =	vst v63  }
0x7c5: {  	s11 =	sadd.s32 $0x600, s19;
	s14 =	simm.s32 $0x1B400  }
0x7c6: {  	[hbm4b:s11+s8] =	stream.linear.scatter [tilespmem:s14], [sflag:$0x4], $0x80, $0x38;
	[tilespmem:$0x1B780] =	vst v63  }
0x7c7: {  	s11 =	sadd.s32 $0x680, s19;
	s14 =	simm.s32 $0x1B500  }
0x7c8: {  	[hbm4b:s11+s8] =	stream.linear.scatter [tilespmem:s14], [sflag:$0x4], $0x80, $0x38;
	[tilespmem:$0x1B780] =	vst v63  }
0x7c9: {  	s11 =	sadd.s32 $0x700, s19;
	s14 =	simm.s32 $0x1B600  }
0x7ca: {  	[hbm4b:s11+s8] =	stream.linear.scatter [tilespmem:s14], [sflag:$0x4], $0x80, $0x38;
	[tilespmem:$0x1B780] =	vst v63  }
0x7cb: {  	s11 =	sadd.s32 $0x780, s19;
	s14 =	simm.s32 $0x1B700  }
0x7cc: {  	[hbm4b:s11+s8] =	stream.linear.scatter [tilespmem:s14], [sflag:$0x4], $0x80, $0x38;
	[tilespmem:$0x1B780] =	vst v63  }
0x7cd: {  	s10 =	simm.s32 $0x18800;
	s14 =	sld [smem:$0x755]  }
0x7ce: {  	[tilespmem:s10], [sflag:$0x2] =	stream.linear.gather [hbm4b:s5+s8], $0x80, $0x38;
	[tilespmem:$0x1B780] =	vst v63  }
0x7cf: {  	s11 =	simm.s32 $0x18900  }
0x7d0: {  	[tilespmem:s11], [sflag:$0x2] =	stream.linear.gather [hbm4b:s14+s8], $0x80, $0x38;
	[tilespmem:$0x1B780] =	vst v63  }
0x7d1: {  	s14 =	sld [smem:$0x756];
	_ =	sdelay $0x1  }
0x7d2: {  	s11 =	simm.s32 $0x18A00  }
0x7d3: {  	[tilespmem:s11], [sflag:$0x2] =	stream.linear.gather [hbm4b:s14+s8], $0x80, $0x38;
	[tilespmem:$0x1B780] =	vst v63  }
0x7d4: {  	s14 =	sld [smem:$0x757];
	_ =	sdelay $0x1  }
0x7d5: {  	s11 =	simm.s32 $0x18B00  }
0x7d6: {  	[tilespmem:s11], [sflag:$0x2] =	stream.linear.gather [hbm4b:s14+s8], $0x80, $0x38;
	[tilespmem:$0x1B780] =	vst v63  }
0x7d7: {  	s14 =	sld [smem:$0x758];
	_ =	sdelay $0x1  }
0x7d8: {  	s11 =	simm.s32 $0x18C00  }
0x7d9: {  	[tilespmem:s11], [sflag:$0x2] =	stream.linear.gather [hbm4b:s14+s8], $0x80, $0x38;
	[tilespmem:$0x1B780] =	vst v63  }
0x7da: {  	s14 =	sld [smem:$0x759];
	_ =	sdelay $0x1  }
0x7db: {  	s11 =	simm.s32 $0x18D00  }
0x7dc: {  	[tilespmem:s11], [sflag:$0x2] =	stream.linear.gather [hbm4b:s14+s8], $0x80, $0x38;
	[tilespmem:$0x1B780] =	vst v63  }
0x7dd: {  	s14 =	sld [smem:$0x75A];
	_ =	sdelay $0x1  }
0x7de: {  	s11 =	simm.s32 $0x18E00  }
0x7df: {  	[tilespmem:s11], [sflag:$0x2] =	stream.linear.gather [hbm4b:s14+s8], $0x80, $0x38;
	[tilespmem:$0x1B780] =	vst v63  }
0x7e0: {  	s14 =	sld [smem:$0x75B];
	_ =	sdelay $0x1  }
0x7e1: {  	s11 =	simm.s32 $0x18F00  }
0x7e2: {  	[tilespmem:s11], [sflag:$0x2] =	stream.linear.gather [hbm4b:s14+s8], $0x80, $0x38;
	[tilespmem:$0x1B780] =	vst v63  }
0x7e3: {  	s14 =	sld [smem:$0x75C];
	_ =	sdelay $0x1  }
0x7e4: {  	s11 =	simm.s32 $0x19000  }
0x7e5: {  	[tilespmem:s11], [sflag:$0x2] =	stream.linear.gather [hbm4b:s14+s8], $0x80, $0x38;
	[tilespmem:$0x1B780] =	vst v63  }
0x7e6: {  	s14 =	sld [smem:$0x75D];
	_ =	sdelay $0x1  }
0x7e7: {  	s11 =	simm.s32 $0x19100  }
0x7e8: {  	[tilespmem:s11], [sflag:$0x2] =	stream.linear.gather [hbm4b:s14+s8], $0x80, $0x38;
	[tilespmem:$0x1B780] =	vst v63  }
0x7e9: {  	s14 =	sld [smem:$0x75E];
	_ =	sdelay $0x1  }
0x7ea: {  	s11 =	simm.s32 $0x19200  }
0x7eb: {  	[tilespmem:s11], [sflag:$0x2] =	stream.linear.gather [hbm4b:s14+s8], $0x80, $0x38;
	[tilespmem:$0x1B780] =	vst v63  }
0x7ec: {  	s14 =	sld [smem:$0x75F];
	_ =	sdelay $0x1  }
0x7ed: {  	s11 =	simm.s32 $0x19300  }
0x7ee: {  	[tilespmem:s11], [sflag:$0x2] =	stream.linear.gather [hbm4b:s14+s8], $0x80, $0x38;
	[tilespmem:$0x1B780] =	vst v63  }
0x7ef: {  	s14 =	sld [smem:$0x760];
	_ =	sdelay $0x1  }
0x7f0: {  	s11 =	simm.s32 $0x19400  }
0x7f1: {  	[tilespmem:s11], [sflag:$0x2] =	stream.linear.gather [hbm4b:s14+s8], $0x80, $0x38;
	[tilespmem:$0x1B780] =	vst v63  }
0x7f2: {  	s14 =	sld [smem:$0x761];
	_ =	sdelay $0x1  }
0x7f3: {  	s11 =	simm.s32 $0x19500  }
0x7f4: {  	[tilespmem:s11], [sflag:$0x2] =	stream.linear.gather [hbm4b:s14+s8], $0x80, $0x38;
	[tilespmem:$0x1B780] =	vst v63  }
0x7f5: {  	s14 =	sld [smem:$0x762];
	_ =	sdelay $0x1  }
0x7f6: {  	s11 =	simm.s32 $0x19600  }
0x7f7: {  	[tilespmem:s11], [sflag:$0x2] =	stream.linear.gather [hbm4b:s14+s8], $0x80, $0x38;
	[tilespmem:$0x1B780] =	vst v63  }
0x7f8: {  	s14 =	sld [smem:$0x763];
	_ =	sdelay $0x1  }
0x7f9: {  	s11 =	simm.s32 $0x19700  }
0x7fa: {  	[tilespmem:s11], [sflag:$0x2] =	stream.linear.gather [hbm4b:s14+s8], $0x80, $0x38;
	[tilespmem:$0x1B780] =	vst v63  }
0x7fb: {  	s10 =	simm.s32 $0x19800;
	s14 =	sld [smem:$0x764]  }
0x7fc: {  	[tilespmem:s10], [sflag:$0x2] =	stream.linear.gather [hbm4b:s12+s8], $0x80, $0x38;
	[tilespmem:$0x1B780] =	vst v63  }
0x7fd: {  	s11 =	simm.s32 $0x19900  }
0x7fe: {  	[tilespmem:s11], [sflag:$0x2] =	stream.linear.gather [hbm4b:s14+s8], $0x80, $0x38;
	[tilespmem:$0x1B780] =	vst v63  }
0x7ff: {  	s14 =	sld [smem:$0x765];
	_ =	sdelay $0x1  }
0x800: {  	s11 =	simm.s32 $0x19A00  }
0x801: {  	[tilespmem:s11], [sflag:$0x2] =	stream.linear.gather [hbm4b:s14+s8], $0x80, $0x38;
	[tilespmem:$0x1B780] =	vst v63  }
0x802: {  	s14 =	sld [smem:$0x766];
	_ =	sdelay $0x1  }
0x803: {  	s11 =	simm.s32 $0x19B00  }
0x804: {  	[tilespmem:s11], [sflag:$0x2] =	stream.linear.gather [hbm4b:s14+s8], $0x80, $0x38;
	[tilespmem:$0x1B780] =	vst v63  }
0x805: {  	s14 =	sld [smem:$0x767];
	_ =	sdelay $0x1  }
0x806: {  	s11 =	simm.s32 $0x19C00  }
0x807: {  	[tilespmem:s11], [sflag:$0x2] =	stream.linear.gather [hbm4b:s14+s8], $0x80, $0x38;
	[tilespmem:$0x1B780] =	vst v63  }
0x808: {  	s14 =	sld [smem:$0x768];
	_ =	sdelay $0x1  }
0x809: {  	s11 =	simm.s32 $0x19D00  }
0x80a: {  	[tilespmem:s11], [sflag:$0x2] =	stream.linear.gather [hbm4b:s14+s8], $0x80, $0x38;
	[tilespmem:$0x1B780] =	vst v63  }
0x80b: {  	s14 =	sld [smem:$0x769];
	_ =	sdelay $0x1  }
0x80c: {  	s11 =	simm.s32 $0x19E00  }
0x80d: {  	[tilespmem:s11], [sflag:$0x2] =	stream.linear.gather [hbm4b:s14+s8], $0x80, $0x38;
	[tilespmem:$0x1B780] =	vst v63  }
0x80e: {  	s14 =	sld [smem:$0x76A];
	_ =	sdelay $0x1  }
0x80f: {  	s11 =	simm.s32 $0x19F00  }
0x810: {  	[tilespmem:s11], [sflag:$0x2] =	stream.linear.gather [hbm4b:s14+s8], $0x80, $0x38;
	[tilespmem:$0x1B780] =	vst v63  }
0x811: {  	s14 =	sld [smem:$0x76B];
	_ =	sdelay $0x1  }
0x812: {  	s11 =	simm.s32 $0x1A000  }
0x813: {  	[tilespmem:s11], [sflag:$0x2] =	stream.linear.gather [hbm4b:s14+s8], $0x80, $0x38;
	[tilespmem:$0x1B780] =	vst v63  }
0x814: {  	s14 =	sld [smem:$0x76C];
	_ =	sdelay $0x1  }
0x815: {  	s11 =	simm.s32 $0x1A100  }
0x816: {  	[tilespmem:s11], [sflag:$0x2] =	stream.linear.gather [hbm4b:s14+s8], $0x80, $0x38;
	[tilespmem:$0x1B780] =	vst v63  }
0x817: {  	s14 =	sld [smem:$0x76D];
	_ =	sdelay $0x1  }
0x818: {  	s11 =	simm.s32 $0x1A200  }
0x819: {  	[tilespmem:s11], [sflag:$0x2] =	stream.linear.gather [hbm4b:s14+s8], $0x80, $0x38;
	[tilespmem:$0x1B780] =	vst v63  }
0x81a: {  	s14 =	sld [smem:$0x76E];
	_ =	sdelay $0x1  }
0x81b: {  	s11 =	simm.s32 $0x1A300  }
0x81c: {  	[tilespmem:s11], [sflag:$0x2] =	stream.linear.gather [hbm4b:s14+s8], $0x80, $0x38;
	[tilespmem:$0x1B780] =	vst v63  }
0x81d: {  	s14 =	sld [smem:$0x76F];
	_ =	sdelay $0x1  }
0x81e: {  	s11 =	simm.s32 $0x1A400  }
0x81f: {  	[tilespmem:s11], [sflag:$0x2] =	stream.linear.gather [hbm4b:s14+s8], $0x80, $0x38;
	[tilespmem:$0x1B780] =	vst v63  }
0x820: {  	s14 =	sld [smem:$0x770];
	_ =	sdelay $0x1  }
0x821: {  	s11 =	simm.s32 $0x1A500  }
0x822: {  	[tilespmem:s11], [sflag:$0x2] =	stream.linear.gather [hbm4b:s14+s8], $0x80, $0x38;
	[tilespmem:$0x1B780] =	vst v63  }
0x823: {  	s14 =	sld [smem:$0x771];
	_ =	sdelay $0x1  }
0x824: {  	s11 =	simm.s32 $0x1A600  }
0x825: {  	[tilespmem:s11], [sflag:$0x2] =	stream.linear.gather [hbm4b:s14+s8], $0x80, $0x38;
	[tilespmem:$0x1B780] =	vst v63  }
0x826: {  	s14 =	sld [smem:$0x772];
	_ =	sdelay $0x1  }
0x827: {  	s11 =	simm.s32 $0x1A700  }
0x828: {  	[tilespmem:s11], [sflag:$0x2] =	stream.linear.gather [hbm4b:s14+s8], $0x80, $0x38;
	[tilespmem:$0x1B780] =	vst v63  }
0x829: {  	_ =	swait.ge [sflag:s28], $0x800  }
0x82a: {  	[sflag:s28] =	ssyncset.done $0x0  }
0x82b: {  	[sflag:s28] =	ssyncadd.s32 $0xFFFFF800  }
0x82c: {  	_ =	swait.ge [sflag:s28], $0x800  }
0x82d: {  	s10 =	sand.u32 $0x60, s8;
	s8 =	sand.u32 $0xF00, s8;
	[sflag:s28] =	ssyncset.done $0x0  }
0x82e: {  	s8 =	sor.u32 s10, s8;
	[sflag:s28] =	ssyncadd.s32 $0xFFFFF800  }
0x82f: {  	v0 =	vld [tilespmem:s8+$0x18780]  }
0x830: {  	v1 =	vld [tilespmem:s8+$0x19780];
	_ =	sdelay $0x5  }
0x831: {  	v2 =	vld [tilespmem:s8+$0x18790]  }
0x832: {  	v0 =	vld.idx.msk [tilespmem:v0+s22+$0x0], $0xffff  }
0x833: {  	v1 =	vld.idx.msk [tilespmem:v1+s26+$0x0], $0xffff  }
0x834: {  	v3 =	vld [tilespmem:s8+$0x19790];
	_ =	sdelay $0x3  }
0x835: {  	v0 =	vadd.f32 v1, v0;
	_ =	sdelay $0x1  }
0x836: {  	s9 =	simm.s32 $0x40;
	s11 =	simm.s32 $0x20;
	[tilespmem:s8+$0x1A780] =	vst v0  }
0x837: {  	s14 =	sand.u32 $0xF00, s9;
	s10 =	sand.u32 $0x60, s11;
	v2 =	vld.idx.msk [tilespmem:v2+s22+$0x0], $0xffff  }
0x838: {  	s11 =	sor.u32 s10, s14;
	v3 =	vld.idx.msk [tilespmem:v3+s26+$0x0], $0xffff  }
0x839: {  	v0 =	vld [tilespmem:s11+$0x18780]  }
0x83a: {  	s10 =	simm.s32 $0x40;
	v1 =	vld [tilespmem:s11+$0x19780]  }
.LBB2_26:
0x83b: {  	_ =	sdelay $0x2  }
0x83c: {  	p0 =	sne.s32 s10, $0x7E0;
	s14 =	smov.u32 s10;
	s10 =	sadd.s32 $0x20, s10;
	v2 =	vadd.f32 v3, v2  }
0x83d: {  	_ = 	snop  }
0x83e: {  	v3 =	vld [tilespmem:s11+$0x19790];
	[tilespmem:s8+$0x1A790] =	vst v2;
	s8 =	smov.u32 s11  }
0x83f: {  	v0 =	vld.idx.msk [tilespmem:v0+s22+$0x0], $0xffff  }
0x840: {  	v1 =	vld.idx.msk [tilespmem:v1+s26+$0x0], $0xffff  }
0x841: {  	v2 =	vld [tilespmem:s8+$0x18790];
	_ =	sdelay $0x4  }
0x842: {  	v0 =	vadd.f32 v1, v0;
	_ =	sdelay $0x1  }
.Ltmp12:
0x843: {  	s9 =	sadd.s32 $0x40, s9;
	[tilespmem:s8+$0x1A780] =	vst v0;
	(pc) =	sbr.rel @p0 .LBB2_26-.Ltmp12, $4  }
0x844: {  	s11 =	sand.u32 $0x60, s14;
	s14 =	sand.u32 $0xF00, s9;
	v2 =	vld.idx.msk [tilespmem:v2+s22+$0x0], $0xffff  }
0x845: {  	s11 =	sor.u32 s11, s14;
	v3 =	vld.idx.msk [tilespmem:v3+s26+$0x0], $0xffff  }
0x846: {  	v0 =	vld [tilespmem:s11+$0x18780]  }
0x847: {  	v1 =	vld [tilespmem:s11+$0x19780]  }
0x848: {  	_ =	sdelay $0x3  }
0x849: {  	v2 =	vadd.f32 v3, v2;
	_ =	sdelay $0x1  }
0x84a: {  	v3 =	vld [tilespmem:s11+$0x19790];
	[tilespmem:s8+$0x1A790] =	vst v2  }
0x84b: {  	v0 =	vld.idx.msk [tilespmem:v0+s22+$0x0], $0xffff  }
0x84c: {  	v1 =	vld.idx.msk [tilespmem:v1+s26+$0x0], $0xffff  }
0x84d: {  	v2 =	vld [tilespmem:s11+$0x18790];
	_ =	sdelay $0x4  }
0x84e: {  	v0 =	vadd.f32 v1, v0;
	_ =	sdelay $0x1  }
0x84f: {  	[tilespmem:s11+$0x1A780] =	vst v0  }
0x850: {  	v0 =	vld.idx.msk [tilespmem:v2+s22+$0x0], $0xffff  }
0x851: {  	v1 =	vld.idx.msk [tilespmem:v3+s26+$0x0], $0xffff;
	_ =	sdelay $0x4  }
0x852: {  	v0 =	vadd.f32 v1, v0;
	_ =	sdelay $0x1  }
0x853: {  	[tilespmem:s11+$0x1A790] =	vst v0  }
0x854: {  	_ =	swait.ge [sflag:s7], $0x800  }
0x855: {  	[sflag:s7] =	ssyncset.done $0x0  }
0x856: {  	s9 =	simm.s32 $0x1A780;
	s8 =	simm.s32 $0x0;
	[sflag:s7] =	ssyncadd.s32 $0xFFFFF800  }
0x857: {  	[hbm4b:s20+s8] =	stream.linear.scatter [tilespmem:s9], [sflag:$0x4], $0x80, $0x38;
	[tilespmem:$0x1B780] =	vst v63  }
0x858: {  	s14 =	sadd.s32 $0x80, s20;
	s10 =	simm.s32 $0x1A880  }
0x859: {  	[hbm4b:s14+s8] =	stream.linear.scatter [tilespmem:s10], [sflag:$0x4], $0x80, $0x38;
	[tilespmem:$0x1B780] =	vst v63  }
0x85a: {  	s11 =	sadd.s32 $0x100, s20;
	s14 =	simm.s32 $0x1A980  }
0x85b: {  	[hbm4b:s11+s8] =	stream.linear.scatter [tilespmem:s14], [sflag:$0x4], $0x80, $0x38;
	[tilespmem:$0x1B780] =	vst v63  }
0x85c: {  	s11 =	sadd.s32 $0x180, s20;
	s14 =	simm.s32 $0x1AA80  }
0x85d: {  	[hbm4b:s11+s8] =	stream.linear.scatter [tilespmem:s14], [sflag:$0x4], $0x80, $0x38;
	[tilespmem:$0x1B780] =	vst v63  }
0x85e: {  	s11 =	sadd.s32 $0x200, s20;
	s14 =	simm.s32 $0x1AB80  }
0x85f: {  	[hbm4b:s11+s8] =	stream.linear.scatter [tilespmem:s14], [sflag:$0x4], $0x80, $0x38;
	[tilespmem:$0x1B780] =	vst v63  }
0x860: {  	s11 =	sadd.s32 $0x280, s20;
	s14 =	simm.s32 $0x1AC80  }
0x861: {  	[hbm4b:s11+s8] =	stream.linear.scatter [tilespmem:s14], [sflag:$0x4], $0x80, $0x38;
	[tilespmem:$0x1B780] =	vst v63  }
0x862: {  	s11 =	sadd.s32 $0x300, s20;
	s14 =	simm.s32 $0x1AD80  }
0x863: {  	[hbm4b:s11+s8] =	stream.linear.scatter [tilespmem:s14], [sflag:$0x4], $0x80, $0x38;
	[tilespmem:$0x1B780] =	vst v63  }
0x864: {  	s11 =	sadd.s32 $0x380, s20;
	s14 =	simm.s32 $0x1AE80  }
0x865: {  	[hbm4b:s11+s8] =	stream.linear.scatter [tilespmem:s14], [sflag:$0x4], $0x80, $0x38;
	[tilespmem:$0x1B780] =	vst v63  }
0x866: {  	s11 =	sadd.s32 $0x400, s20;
	s14 =	simm.s32 $0x1AF80  }
0x867: {  	[hbm4b:s11+s8] =	stream.linear.scatter [tilespmem:s14], [sflag:$0x4], $0x80, $0x38;
	[tilespmem:$0x1B780] =	vst v63  }
0x868: {  	s11 =	sadd.s32 $0x480, s20;
	s14 =	simm.s32 $0x1B080  }
0x869: {  	[hbm4b:s11+s8] =	stream.linear.scatter [tilespmem:s14], [sflag:$0x4], $0x80, $0x38;
	[tilespmem:$0x1B780] =	vst v63  }
0x86a: {  	s11 =	sadd.s32 $0x500, s20;
	s14 =	simm.s32 $0x1B180  }
0x86b: {  	[hbm4b:s11+s8] =	stream.linear.scatter [tilespmem:s14], [sflag:$0x4], $0x80, $0x38;
	[tilespmem:$0x1B780] =	vst v63  }
0x86c: {  	s11 =	sadd.s32 $0x580, s20;
	s14 =	simm.s32 $0x1B280  }
0x86d: {  	[hbm4b:s11+s8] =	stream.linear.scatter [tilespmem:s14], [sflag:$0x4], $0x80, $0x38;
	[tilespmem:$0x1B780] =	vst v63  }
0x86e: {  	s11 =	sadd.s32 $0x600, s20;
	s14 =	simm.s32 $0x1B380  }
0x86f: {  	[hbm4b:s11+s8] =	stream.linear.scatter [tilespmem:s14], [sflag:$0x4], $0x80, $0x38;
	[tilespmem:$0x1B780] =	vst v63  }
0x870: {  	s11 =	sadd.s32 $0x680, s20;
	s14 =	simm.s32 $0x1B480  }
0x871: {  	[hbm4b:s11+s8] =	stream.linear.scatter [tilespmem:s14], [sflag:$0x4], $0x80, $0x38;
	[tilespmem:$0x1B780] =	vst v63  }
0x872: {  	s11 =	sadd.s32 $0x700, s20;
	s14 =	simm.s32 $0x1B580  }
0x873: {  	[hbm4b:s11+s8] =	stream.linear.scatter [tilespmem:s14], [sflag:$0x4], $0x80, $0x38;
	[tilespmem:$0x1B780] =	vst v63  }
0x874: {  	s11 =	sadd.s32 $0x780, s20;
	s14 =	simm.s32 $0x1B680  }
0x875: {  	[hbm4b:s11+s8] =	stream.linear.scatter [tilespmem:s14], [sflag:$0x4], $0x80, $0x38;
	[tilespmem:$0x1B780] =	vst v63  }
0x876: {  	s10 =	simm.s32 $0x18780;
	s14 =	sld [smem:$0x737]  }
0x877: {  	[tilespmem:s10], [sflag:$0x1] =	stream.linear.gather [hbm4b:s13+s8], $0x80, $0x38;
	[tilespmem:$0x1B780] =	vst v63  }
0x878: {  	s11 =	simm.s32 $0x18880  }
0x879: {  	[tilespmem:s11], [sflag:$0x1] =	stream.linear.gather [hbm4b:s14+s8], $0x80, $0x38;
	[tilespmem:$0x1B780] =	vst v63  }
0x87a: {  	s14 =	sld [smem:$0x738];
	_ =	sdelay $0x1  }
0x87b: {  	s11 =	simm.s32 $0x18980  }
0x87c: {  	[tilespmem:s11], [sflag:$0x1] =	stream.linear.gather [hbm4b:s14+s8], $0x80, $0x38;
	[tilespmem:$0x1B780] =	vst v63  }
0x87d: {  	s14 =	sld [smem:$0x739];
	_ =	sdelay $0x1  }
0x87e: {  	s11 =	simm.s32 $0x18A80  }
0x87f: {  	[tilespmem:s11], [sflag:$0x1] =	stream.linear.gather [hbm4b:s14+s8], $0x80, $0x38;
	[tilespmem:$0x1B780] =	vst v63  }
0x880: {  	s14 =	sld [smem:$0x73A];
	_ =	sdelay $0x1  }
0x881: {  	s11 =	simm.s32 $0x18B80  }
0x882: {  	[tilespmem:s11], [sflag:$0x1] =	stream.linear.gather [hbm4b:s14+s8], $0x80, $0x38;
	[tilespmem:$0x1B780] =	vst v63  }
0x883: {  	s14 =	sld [smem:$0x73B];
	_ =	sdelay $0x1  }
0x884: {  	s11 =	simm.s32 $0x18C80  }
0x885: {  	[tilespmem:s11], [sflag:$0x1] =	stream.linear.gather [hbm4b:s14+s8], $0x80, $0x38;
	[tilespmem:$0x1B780] =	vst v63  }
0x886: {  	s14 =	sld [smem:$0x73C];
	_ =	sdelay $0x1  }
0x887: {  	s11 =	simm.s32 $0x18D80  }
0x888: {  	[tilespmem:s11], [sflag:$0x1] =	stream.linear.gather [hbm4b:s14+s8], $0x80, $0x38;
	[tilespmem:$0x1B780] =	vst v63  }
0x889: {  	s14 =	sld [smem:$0x73D];
	_ =	sdelay $0x1  }
0x88a: {  	s11 =	simm.s32 $0x18E80  }
0x88b: {  	[tilespmem:s11], [sflag:$0x1] =	stream.linear.gather [hbm4b:s14+s8], $0x80, $0x38;
	[tilespmem:$0x1B780] =	vst v63  }
0x88c: {  	s14 =	sld [smem:$0x73E];
	_ =	sdelay $0x1  }
0x88d: {  	s11 =	simm.s32 $0x18F80  }
0x88e: {  	[tilespmem:s11], [sflag:$0x1] =	stream.linear.gather [hbm4b:s14+s8], $0x80, $0x38;
	[tilespmem:$0x1B780] =	vst v63  }
0x88f: {  	s14 =	sld [smem:$0x73F];
	_ =	sdelay $0x1  }
0x890: {  	s11 =	simm.s32 $0x19080  }
0x891: {  	[tilespmem:s11], [sflag:$0x1] =	stream.linear.gather [hbm4b:s14+s8], $0x80, $0x38;
	[tilespmem:$0x1B780] =	vst v63  }
0x892: {  	s14 =	sld [smem:$0x740];
	_ =	sdelay $0x1  }
0x893: {  	s11 =	simm.s32 $0x19180  }
0x894: {  	[tilespmem:s11], [sflag:$0x1] =	stream.linear.gather [hbm4b:s14+s8], $0x80, $0x38;
	[tilespmem:$0x1B780] =	vst v63  }
0x895: {  	s14 =	sld [smem:$0x741];
	_ =	sdelay $0x1  }
0x896: {  	s11 =	simm.s32 $0x19280  }
0x897: {  	[tilespmem:s11], [sflag:$0x1] =	stream.linear.gather [hbm4b:s14+s8], $0x80, $0x38;
	[tilespmem:$0x1B780] =	vst v63  }
0x898: {  	s14 =	sld [smem:$0x742];
	_ =	sdelay $0x1  }
0x899: {  	s11 =	simm.s32 $0x19380  }
0x89a: {  	[tilespmem:s11], [sflag:$0x1] =	stream.linear.gather [hbm4b:s14+s8], $0x80, $0x38;
	[tilespmem:$0x1B780] =	vst v63  }
0x89b: {  	s14 =	sld [smem:$0x743];
	_ =	sdelay $0x1  }
0x89c: {  	s11 =	simm.s32 $0x19480  }
0x89d: {  	[tilespmem:s11], [sflag:$0x1] =	stream.linear.gather [hbm4b:s14+s8], $0x80, $0x38;
	[tilespmem:$0x1B780] =	vst v63  }
0x89e: {  	s14 =	sld [smem:$0x744];
	_ =	sdelay $0x1  }
0x89f: {  	s11 =	simm.s32 $0x19580  }
0x8a0: {  	[tilespmem:s11], [sflag:$0x1] =	stream.linear.gather [hbm4b:s14+s8], $0x80, $0x38;
	[tilespmem:$0x1B780] =	vst v63  }
0x8a1: {  	s14 =	sld [smem:$0x745];
	_ =	sdelay $0x1  }
0x8a2: {  	s11 =	simm.s32 $0x19680  }
0x8a3: {  	[tilespmem:s11], [sflag:$0x1] =	stream.linear.gather [hbm4b:s14+s8], $0x80, $0x38;
	[tilespmem:$0x1B780] =	vst v63  }
0x8a4: {  	s10 =	simm.s32 $0x19780;
	s14 =	sld [smem:$0x746]  }
0x8a5: {  	[tilespmem:s10], [sflag:$0x1] =	stream.linear.gather [hbm4b:s25+s8], $0x80, $0x38;
	[tilespmem:$0x1B780] =	vst v63  }
0x8a6: {  	s11 =	simm.s32 $0x19880  }
0x8a7: {  	[tilespmem:s11], [sflag:$0x1] =	stream.linear.gather [hbm4b:s14+s8], $0x80, $0x38;
	[tilespmem:$0x1B780] =	vst v63  }
0x8a8: {  	s14 =	sld [smem:$0x747];
	_ =	sdelay $0x1  }
0x8a9: {  	s11 =	simm.s32 $0x19980  }
0x8aa: {  	[tilespmem:s11], [sflag:$0x1] =	stream.linear.gather [hbm4b:s14+s8], $0x80, $0x38;
	[tilespmem:$0x1B780] =	vst v63  }
0x8ab: {  	s14 =	sld [smem:$0x748];
	_ =	sdelay $0x1  }
0x8ac: {  	s11 =	simm.s32 $0x19A80  }
0x8ad: {  	[tilespmem:s11], [sflag:$0x1] =	stream.linear.gather [hbm4b:s14+s8], $0x80, $0x38;
	[tilespmem:$0x1B780] =	vst v63  }
0x8ae: {  	s14 =	sld [smem:$0x749];
	_ =	sdelay $0x1  }
0x8af: {  	s11 =	simm.s32 $0x19B80  }
0x8b0: {  	[tilespmem:s11], [sflag:$0x1] =	stream.linear.gather [hbm4b:s14+s8], $0x80, $0x38;
	[tilespmem:$0x1B780] =	vst v63  }
0x8b1: {  	s14 =	sld [smem:$0x74A];
	_ =	sdelay $0x1  }
0x8b2: {  	s11 =	simm.s32 $0x19C80  }
0x8b3: {  	[tilespmem:s11], [sflag:$0x1] =	stream.linear.gather [hbm4b:s14+s8], $0x80, $0x38;
	[tilespmem:$0x1B780] =	vst v63  }
0x8b4: {  	s14 =	sld [smem:$0x74B];
	_ =	sdelay $0x1  }
0x8b5: {  	s11 =	simm.s32 $0x19D80  }
0x8b6: {  	[tilespmem:s11], [sflag:$0x1] =	stream.linear.gather [hbm4b:s14+s8], $0x80, $0x38;
	[tilespmem:$0x1B780] =	vst v63  }
0x8b7: {  	s14 =	sld [smem:$0x74C];
	_ =	sdelay $0x1  }
0x8b8: {  	s11 =	simm.s32 $0x19E80  }
0x8b9: {  	[tilespmem:s11], [sflag:$0x1] =	stream.linear.gather [hbm4b:s14+s8], $0x80, $0x38;
	[tilespmem:$0x1B780] =	vst v63  }
0x8ba: {  	s14 =	sld [smem:$0x74D];
	_ =	sdelay $0x1  }
0x8bb: {  	s11 =	simm.s32 $0x19F80  }
0x8bc: {  	[tilespmem:s11], [sflag:$0x1] =	stream.linear.gather [hbm4b:s14+s8], $0x80, $0x38;
	[tilespmem:$0x1B780] =	vst v63  }
0x8bd: {  	s14 =	sld [smem:$0x74E];
	_ =	sdelay $0x1  }
0x8be: {  	s11 =	simm.s32 $0x1A080  }
0x8bf: {  	[tilespmem:s11], [sflag:$0x1] =	stream.linear.gather [hbm4b:s14+s8], $0x80, $0x38;
	[tilespmem:$0x1B780] =	vst v63  }
0x8c0: {  	s14 =	sld [smem:$0x74F];
	_ =	sdelay $0x1  }
0x8c1: {  	s11 =	simm.s32 $0x1A180  }
0x8c2: {  	[tilespmem:s11], [sflag:$0x1] =	stream.linear.gather [hbm4b:s14+s8], $0x80, $0x38;
	[tilespmem:$0x1B780] =	vst v63  }
0x8c3: {  	s14 =	sld [smem:$0x750];
	_ =	sdelay $0x1  }
0x8c4: {  	s11 =	simm.s32 $0x1A280  }
0x8c5: {  	[tilespmem:s11], [sflag:$0x1] =	stream.linear.gather [hbm4b:s14+s8], $0x80, $0x38;
	[tilespmem:$0x1B780] =	vst v63  }
0x8c6: {  	s14 =	sld [smem:$0x751];
	_ =	sdelay $0x1  }
0x8c7: {  	s11 =	simm.s32 $0x1A380  }
0x8c8: {  	[tilespmem:s11], [sflag:$0x1] =	stream.linear.gather [hbm4b:s14+s8], $0x80, $0x38;
	[tilespmem:$0x1B780] =	vst v63  }
0x8c9: {  	s14 =	sld [smem:$0x752];
	_ =	sdelay $0x1  }
0x8ca: {  	s11 =	simm.s32 $0x1A480  }
0x8cb: {  	[tilespmem:s11], [sflag:$0x1] =	stream.linear.gather [hbm4b:s14+s8], $0x80, $0x38;
	[tilespmem:$0x1B780] =	vst v63  }
0x8cc: {  	s14 =	sld [smem:$0x753];
	_ =	sdelay $0x1  }
0x8cd: {  	s11 =	simm.s32 $0x1A580  }
0x8ce: {  	[tilespmem:s11], [sflag:$0x1] =	stream.linear.gather [hbm4b:s14+s8], $0x80, $0x38;
	[tilespmem:$0x1B780] =	vst v63  }
0x8cf: {  	s14 =	sld [smem:$0x754];
	_ =	sdelay $0x1  }
0x8d0: {  	s11 =	simm.s32 $0x1A680  }
0x8d1: {  	[tilespmem:s11], [sflag:$0x1] =	stream.linear.gather [hbm4b:s14+s8], $0x80, $0x38;
	[tilespmem:$0x1B780] =	vst v63  }
0x8d2: {  	_ =	swait.ge [sflag:s6], $0x800  }
0x8d3: {  	[sflag:s6] =	ssyncset.done $0x0  }
0x8d4: {  	[sflag:s6] =	ssyncadd.s32 $0xFFFFF800  }
0x8d5: {  	_ =	swait.ge [sflag:s6], $0x800  }
0x8d6: {  	s10 =	sand.u32 $0x60, s8;
	s8 =	sand.u32 $0xF00, s8;
	[sflag:s6] =	ssyncset.done $0x0  }
0x8d7: {  	s8 =	sor.u32 s10, s8;
	[sflag:s6] =	ssyncadd.s32 $0xFFFFF800  }
0x8d8: {  	v0 =	vld [tilespmem:s8+$0x18800]  }
0x8d9: {  	v1 =	vld [tilespmem:s8+$0x19800];
	_ =	sdelay $0x5  }
0x8da: {  	v2 =	vld [tilespmem:s8+$0x18810]  }
0x8db: {  	v0 =	vld.idx.msk [tilespmem:v0+s22+$0x0], $0xffff  }
0x8dc: {  	v1 =	vld.idx.msk [tilespmem:v1+s26+$0x0], $0xffff  }
0x8dd: {  	v3 =	vld [tilespmem:s8+$0x19810];
	_ =	sdelay $0x3  }
0x8de: {  	v0 =	vadd.f32 v1, v0;
	_ =	sdelay $0x1  }
0x8df: {  	s9 =	simm.s32 $0x40;
	s11 =	simm.s32 $0x20;
	[tilespmem:s8+$0x1A800] =	vst v0  }
0x8e0: {  	s14 =	sand.u32 $0xF00, s9;
	s10 =	sand.u32 $0x60, s11;
	v2 =	vld.idx.msk [tilespmem:v2+s22+$0x0], $0xffff  }
0x8e1: {  	s11 =	sor.u32 s10, s14;
	v3 =	vld.idx.msk [tilespmem:v3+s26+$0x0], $0xffff  }
0x8e2: {  	v0 =	vld [tilespmem:s11+$0x18800]  }
0x8e3: {  	s10 =	simm.s32 $0x40;
	v1 =	vld [tilespmem:s11+$0x19800]  }
.LBB2_28:
0x8e4: {  	_ =	sdelay $0x2  }
0x8e5: {  	p0 =	sne.s32 s10, $0x7E0;
	s14 =	smov.u32 s10;
	s10 =	sadd.s32 $0x20, s10;
	v2 =	vadd.f32 v3, v2  }
0x8e6: {  	_ = 	snop  }
0x8e7: {  	v3 =	vld [tilespmem:s11+$0x19810];
	[tilespmem:s8+$0x1A810] =	vst v2;
	s8 =	smov.u32 s11  }
0x8e8: {  	v0 =	vld.idx.msk [tilespmem:v0+s22+$0x0], $0xffff  }
0x8e9: {  	v1 =	vld.idx.msk [tilespmem:v1+s26+$0x0], $0xffff  }
0x8ea: {  	v2 =	vld [tilespmem:s8+$0x18810];
	_ =	sdelay $0x4  }
0x8eb: {  	v0 =	vadd.f32 v1, v0;
	_ =	sdelay $0x1  }
.Ltmp13:
0x8ec: {  	s9 =	sadd.s32 $0x40, s9;
	[tilespmem:s8+$0x1A800] =	vst v0;
	(pc) =	sbr.rel @p0 .LBB2_28-.Ltmp13, $4  }
0x8ed: {  	s11 =	sand.u32 $0x60, s14;
	s14 =	sand.u32 $0xF00, s9;
	v2 =	vld.idx.msk [tilespmem:v2+s22+$0x0], $0xffff  }
0x8ee: {  	s11 =	sor.u32 s11, s14;
	v3 =	vld.idx.msk [tilespmem:v3+s26+$0x0], $0xffff  }
0x8ef: {  	v0 =	vld [tilespmem:s11+$0x18800]  }
0x8f0: {  	v1 =	vld [tilespmem:s11+$0x19800]  }
0x8f1: {  	_ =	sdelay $0x3  }
0x8f2: {  	v2 =	vadd.f32 v3, v2;
	_ =	sdelay $0x1  }
0x8f3: {  	v3 =	vld [tilespmem:s11+$0x19810];
	[tilespmem:s8+$0x1A810] =	vst v2  }
0x8f4: {  	v0 =	vld.idx.msk [tilespmem:v0+s22+$0x0], $0xffff  }
0x8f5: {  	v1 =	vld.idx.msk [tilespmem:v1+s26+$0x0], $0xffff  }
0x8f6: {  	v2 =	vld [tilespmem:s11+$0x18810];
	_ =	sdelay $0x4  }
0x8f7: {  	v0 =	vadd.f32 v1, v0;
	_ =	sdelay $0x1  }
0x8f8: {  	[tilespmem:s11+$0x1A800] =	vst v0  }
0x8f9: {  	v0 =	vld.idx.msk [tilespmem:v2+s22+$0x0], $0xffff  }
0x8fa: {  	v1 =	vld.idx.msk [tilespmem:v3+s26+$0x0], $0xffff;
	_ =	sdelay $0x4  }
0x8fb: {  	v0 =	vadd.f32 v1, v0;
	_ =	sdelay $0x1  }
0x8fc: {  	[tilespmem:s11+$0x1A810] =	vst v0  }
0x8fd: {  	_ =	swait.ge [sflag:s7], $0x800  }
0x8fe: {  	[sflag:s7] =	ssyncset.done $0x0  }
0x8ff: {  	s9 =	simm.s32 $0x1A800;
	s8 =	simm.s32 $0x0;
	[sflag:s7] =	ssyncadd.s32 $0xFFFFF800  }
0x900: {  	[hbm4b:s21+s8] =	stream.linear.scatter [tilespmem:s9], [sflag:$0x4], $0x80, $0x38;
	[tilespmem:$0x1B780] =	vst v63  }
0x901: {  	s14 =	sadd.s32 $0x80, s21;
	s10 =	simm.s32 $0x1A900  }
0x902: {  	[hbm4b:s14+s8] =	stream.linear.scatter [tilespmem:s10], [sflag:$0x4], $0x80, $0x38;
	[tilespmem:$0x1B780] =	vst v63  }
0x903: {  	s11 =	sadd.s32 $0x100, s21;
	s14 =	simm.s32 $0x1AA00  }
0x904: {  	[hbm4b:s11+s8] =	stream.linear.scatter [tilespmem:s14], [sflag:$0x4], $0x80, $0x38;
	[tilespmem:$0x1B780] =	vst v63  }
0x905: {  	s11 =	sadd.s32 $0x180, s21;
	s14 =	simm.s32 $0x1AB00  }
0x906: {  	[hbm4b:s11+s8] =	stream.linear.scatter [tilespmem:s14], [sflag:$0x4], $0x80, $0x38;
	[tilespmem:$0x1B780] =	vst v63  }
0x907: {  	s11 =	sadd.s32 $0x200, s21;
	s14 =	simm.s32 $0x1AC00  }
0x908: {  	[hbm4b:s11+s8] =	stream.linear.scatter [tilespmem:s14], [sflag:$0x4], $0x80, $0x38;
	[tilespmem:$0x1B780] =	vst v63  }
0x909: {  	s11 =	sadd.s32 $0x280, s21;
	s14 =	simm.s32 $0x1AD00  }
0x90a: {  	[hbm4b:s11+s8] =	stream.linear.scatter [tilespmem:s14], [sflag:$0x4], $0x80, $0x38;
	[tilespmem:$0x1B780] =	vst v63  }
0x90b: {  	s11 =	sadd.s32 $0x300, s21;
	s14 =	simm.s32 $0x1AE00  }
0x90c: {  	[hbm4b:s11+s8] =	stream.linear.scatter [tilespmem:s14], [sflag:$0x4], $0x80, $0x38;
	[tilespmem:$0x1B780] =	vst v63  }
0x90d: {  	s11 =	sadd.s32 $0x380, s21;
	s14 =	simm.s32 $0x1AF00  }
0x90e: {  	[hbm4b:s11+s8] =	stream.linear.scatter [tilespmem:s14], [sflag:$0x4], $0x80, $0x38;
	[tilespmem:$0x1B780] =	vst v63  }
0x90f: {  	s11 =	sadd.s32 $0x400, s21;
	s14 =	simm.s32 $0x1B000  }
0x910: {  	[hbm4b:s11+s8] =	stream.linear.scatter [tilespmem:s14], [sflag:$0x4], $0x80, $0x38;
	[tilespmem:$0x1B780] =	vst v63  }
0x911: {  	s11 =	sadd.s32 $0x480, s21;
	s14 =	simm.s32 $0x1B100  }
0x912: {  	[hbm4b:s11+s8] =	stream.linear.scatter [tilespmem:s14], [sflag:$0x4], $0x80, $0x38;
	[tilespmem:$0x1B780] =	vst v63  }
0x913: {  	s11 =	sadd.s32 $0x500, s21;
	s14 =	simm.s32 $0x1B200  }
0x914: {  	[hbm4b:s11+s8] =	stream.linear.scatter [tilespmem:s14], [sflag:$0x4], $0x80, $0x38;
	[tilespmem:$0x1B780] =	vst v63  }
0x915: {  	s11 =	sadd.s32 $0x580, s21;
	s14 =	simm.s32 $0x1B300  }
0x916: {  	[hbm4b:s11+s8] =	stream.linear.scatter [tilespmem:s14], [sflag:$0x4], $0x80, $0x38;
	[tilespmem:$0x1B780] =	vst v63  }
0x917: {  	s11 =	sadd.s32 $0x600, s21;
	s14 =	simm.s32 $0x1B400  }
0x918: {  	[hbm4b:s11+s8] =	stream.linear.scatter [tilespmem:s14], [sflag:$0x4], $0x80, $0x38;
	[tilespmem:$0x1B780] =	vst v63  }
0x919: {  	s11 =	sadd.s32 $0x680, s21;
	s14 =	simm.s32 $0x1B500  }
0x91a: {  	[hbm4b:s11+s8] =	stream.linear.scatter [tilespmem:s14], [sflag:$0x4], $0x80, $0x38;
	[tilespmem:$0x1B780] =	vst v63  }
0x91b: {  	s11 =	sadd.s32 $0x700, s21;
	s14 =	simm.s32 $0x1B600  }
0x91c: {  	[hbm4b:s11+s8] =	stream.linear.scatter [tilespmem:s14], [sflag:$0x4], $0x80, $0x38;
	[tilespmem:$0x1B780] =	vst v63  }
0x91d: {  	s11 =	sadd.s32 $0x780, s21;
	s14 =	simm.s32 $0x1B700  }
0x91e: {  	[hbm4b:s11+s8] =	stream.linear.scatter [tilespmem:s14], [sflag:$0x4], $0x80, $0x38;
	[tilespmem:$0x1B780] =	vst v63  }
0x91f: {  	s10 =	simm.s32 $0x18800;
	s14 =	sld [smem:$0x719]  }
0x920: {  	[tilespmem:s10], [sflag:$0x2] =	stream.linear.gather [hbm4b:s1+s8], $0x80, $0x38;
	[tilespmem:$0x1B780] =	vst v63  }
0x921: {  	s11 =	simm.s32 $0x18900  }
0x922: {  	[tilespmem:s11], [sflag:$0x2] =	stream.linear.gather [hbm4b:s14+s8], $0x80, $0x38;
	[tilespmem:$0x1B780] =	vst v63  }
0x923: {  	s14 =	sld [smem:$0x71A];
	_ =	sdelay $0x1  }
0x924: {  	s11 =	simm.s32 $0x18A00  }
0x925: {  	[tilespmem:s11], [sflag:$0x2] =	stream.linear.gather [hbm4b:s14+s8], $0x80, $0x38;
	[tilespmem:$0x1B780] =	vst v63  }
0x926: {  	s14 =	sld [smem:$0x71B];
	_ =	sdelay $0x1  }
0x927: {  	s11 =	simm.s32 $0x18B00  }
0x928: {  	[tilespmem:s11], [sflag:$0x2] =	stream.linear.gather [hbm4b:s14+s8], $0x80, $0x38;
	[tilespmem:$0x1B780] =	vst v63  }
0x929: {  	s14 =	sld [smem:$0x71C];
	_ =	sdelay $0x1  }
0x92a: {  	s11 =	simm.s32 $0x18C00  }
0x92b: {  	[tilespmem:s11], [sflag:$0x2] =	stream.linear.gather [hbm4b:s14+s8], $0x80, $0x38;
	[tilespmem:$0x1B780] =	vst v63  }
0x92c: {  	s14 =	sld [smem:$0x71D];
	_ =	sdelay $0x1  }
0x92d: {  	s11 =	simm.s32 $0x18D00  }
0x92e: {  	[tilespmem:s11], [sflag:$0x2] =	stream.linear.gather [hbm4b:s14+s8], $0x80, $0x38;
	[tilespmem:$0x1B780] =	vst v63  }
0x92f: {  	s14 =	sld [smem:$0x71E];
	_ =	sdelay $0x1  }
0x930: {  	s11 =	simm.s32 $0x18E00  }
0x931: {  	[tilespmem:s11], [sflag:$0x2] =	stream.linear.gather [hbm4b:s14+s8], $0x80, $0x38;
	[tilespmem:$0x1B780] =	vst v63  }
0x932: {  	s14 =	sld [smem:$0x71F];
	_ =	sdelay $0x1  }
0x933: {  	s11 =	simm.s32 $0x18F00  }
0x934: {  	[tilespmem:s11], [sflag:$0x2] =	stream.linear.gather [hbm4b:s14+s8], $0x80, $0x38;
	[tilespmem:$0x1B780] =	vst v63  }
0x935: {  	s14 =	sld [smem:$0x720];
	_ =	sdelay $0x1  }
0x936: {  	s11 =	simm.s32 $0x19000  }
0x937: {  	[tilespmem:s11], [sflag:$0x2] =	stream.linear.gather [hbm4b:s14+s8], $0x80, $0x38;
	[tilespmem:$0x1B780] =	vst v63  }
0x938: {  	s14 =	sld [smem:$0x721];
	_ =	sdelay $0x1  }
0x939: {  	s11 =	simm.s32 $0x19100  }
0x93a: {  	[tilespmem:s11], [sflag:$0x2] =	stream.linear.gather [hbm4b:s14+s8], $0x80, $0x38;
	[tilespmem:$0x1B780] =	vst v63  }
0x93b: {  	s14 =	sld [smem:$0x722];
	_ =	sdelay $0x1  }
0x93c: {  	s11 =	simm.s32 $0x19200  }
0x93d: {  	[tilespmem:s11], [sflag:$0x2] =	stream.linear.gather [hbm4b:s14+s8], $0x80, $0x38;
	[tilespmem:$0x1B780] =	vst v63  }
0x93e: {  	s14 =	sld [smem:$0x723];
	_ =	sdelay $0x1  }
0x93f: {  	s11 =	simm.s32 $0x19300  }
0x940: {  	[tilespmem:s11], [sflag:$0x2] =	stream.linear.gather [hbm4b:s14+s8], $0x80, $0x38;
	[tilespmem:$0x1B780] =	vst v63  }
0x941: {  	s14 =	sld [smem:$0x724];
	_ =	sdelay $0x1  }
0x942: {  	s11 =	simm.s32 $0x19400  }
0x943: {  	[tilespmem:s11], [sflag:$0x2] =	stream.linear.gather [hbm4b:s14+s8], $0x80, $0x38;
	[tilespmem:$0x1B780] =	vst v63  }
0x944: {  	s14 =	sld [smem:$0x725];
	_ =	sdelay $0x1  }
0x945: {  	s11 =	simm.s32 $0x19500  }
0x946: {  	[tilespmem:s11], [sflag:$0x2] =	stream.linear.gather [hbm4b:s14+s8], $0x80, $0x38;
	[tilespmem:$0x1B780] =	vst v63  }
0x947: {  	s14 =	sld [smem:$0x726];
	_ =	sdelay $0x1  }
0x948: {  	s11 =	simm.s32 $0x19600  }
0x949: {  	[tilespmem:s11], [sflag:$0x2] =	stream.linear.gather [hbm4b:s14+s8], $0x80, $0x38;
	[tilespmem:$0x1B780] =	vst v63  }
0x94a: {  	s14 =	sld [smem:$0x727];
	_ =	sdelay $0x1  }
0x94b: {  	s11 =	simm.s32 $0x19700  }
0x94c: {  	[tilespmem:s11], [sflag:$0x2] =	stream.linear.gather [hbm4b:s14+s8], $0x80, $0x38;
	[tilespmem:$0x1B780] =	vst v63  }
0x94d: {  	s10 =	simm.s32 $0x19800;
	s14 =	sld [smem:$0x728]  }
0x94e: {  	[tilespmem:s10], [sflag:$0x2] =	stream.linear.gather [hbm4b:s2+s8], $0x80, $0x38;
	[tilespmem:$0x1B780] =	vst v63  }
0x94f: {  	s11 =	simm.s32 $0x19900  }
0x950: {  	[tilespmem:s11], [sflag:$0x2] =	stream.linear.gather [hbm4b:s14+s8], $0x80, $0x38;
	[tilespmem:$0x1B780] =	vst v63  }
0x951: {  	s14 =	sld [smem:$0x729];
	_ =	sdelay $0x1  }
0x952: {  	s11 =	simm.s32 $0x19A00  }
0x953: {  	[tilespmem:s11], [sflag:$0x2] =	stream.linear.gather [hbm4b:s14+s8], $0x80, $0x38;
	[tilespmem:$0x1B780] =	vst v63  }
0x954: {  	s14 =	sld [smem:$0x72A];
	_ =	sdelay $0x1  }
0x955: {  	s11 =	simm.s32 $0x19B00  }
0x956: {  	[tilespmem:s11], [sflag:$0x2] =	stream.linear.gather [hbm4b:s14+s8], $0x80, $0x38;
	[tilespmem:$0x1B780] =	vst v63  }
0x957: {  	s14 =	sld [smem:$0x72B];
	_ =	sdelay $0x1  }
0x958: {  	s11 =	simm.s32 $0x19C00  }
0x959: {  	[tilespmem:s11], [sflag:$0x2] =	stream.linear.gather [hbm4b:s14+s8], $0x80, $0x38;
	[tilespmem:$0x1B780] =	vst v63  }
0x95a: {  	s14 =	sld [smem:$0x72C];
	_ =	sdelay $0x1  }
0x95b: {  	s11 =	simm.s32 $0x19D00  }
0x95c: {  	[tilespmem:s11], [sflag:$0x2] =	stream.linear.gather [hbm4b:s14+s8], $0x80, $0x38;
	[tilespmem:$0x1B780] =	vst v63  }
0x95d: {  	s14 =	sld [smem:$0x72D];
	_ =	sdelay $0x1  }
0x95e: {  	s11 =	simm.s32 $0x19E00  }
0x95f: {  	[tilespmem:s11], [sflag:$0x2] =	stream.linear.gather [hbm4b:s14+s8], $0x80, $0x38;
	[tilespmem:$0x1B780] =	vst v63  }
0x960: {  	s14 =	sld [smem:$0x72E];
	_ =	sdelay $0x1  }
0x961: {  	s11 =	simm.s32 $0x19F00  }
0x962: {  	[tilespmem:s11], [sflag:$0x2] =	stream.linear.gather [hbm4b:s14+s8], $0x80, $0x38;
	[tilespmem:$0x1B780] =	vst v63  }
0x963: {  	s14 =	sld [smem:$0x72F];
	_ =	sdelay $0x1  }
0x964: {  	s11 =	simm.s32 $0x1A000  }
0x965: {  	[tilespmem:s11], [sflag:$0x2] =	stream.linear.gather [hbm4b:s14+s8], $0x80, $0x38;
	[tilespmem:$0x1B780] =	vst v63  }
0x966: {  	s14 =	sld [smem:$0x730];
	_ =	sdelay $0x1  }
0x967: {  	s11 =	simm.s32 $0x1A100  }
0x968: {  	[tilespmem:s11], [sflag:$0x2] =	stream.linear.gather [hbm4b:s14+s8], $0x80, $0x38;
	[tilespmem:$0x1B780] =	vst v63  }
0x969: {  	s14 =	sld [smem:$0x731];
	_ =	sdelay $0x1  }
0x96a: {  	s11 =	simm.s32 $0x1A200  }
0x96b: {  	[tilespmem:s11], [sflag:$0x2] =	stream.linear.gather [hbm4b:s14+s8], $0x80, $0x38;
	[tilespmem:$0x1B780] =	vst v63  }
0x96c: {  	s14 =	sld [smem:$0x732];
	_ =	sdelay $0x1  }
0x96d: {  	s11 =	simm.s32 $0x1A300  }
0x96e: {  	[tilespmem:s11], [sflag:$0x2] =	stream.linear.gather [hbm4b:s14+s8], $0x80, $0x38;
	[tilespmem:$0x1B780] =	vst v63  }
0x96f: {  	s14 =	sld [smem:$0x733];
	_ =	sdelay $0x1  }
0x970: {  	s11 =	simm.s32 $0x1A400  }
0x971: {  	[tilespmem:s11], [sflag:$0x2] =	stream.linear.gather [hbm4b:s14+s8], $0x80, $0x38;
	[tilespmem:$0x1B780] =	vst v63  }
0x972: {  	s14 =	sld [smem:$0x734];
	_ =	sdelay $0x1  }
0x973: {  	s11 =	simm.s32 $0x1A500  }
0x974: {  	[tilespmem:s11], [sflag:$0x2] =	stream.linear.gather [hbm4b:s14+s8], $0x80, $0x38;
	[tilespmem:$0x1B780] =	vst v63  }
0x975: {  	s14 =	sld [smem:$0x735];
	_ =	sdelay $0x1  }
0x976: {  	s11 =	simm.s32 $0x1A600  }
0x977: {  	[tilespmem:s11], [sflag:$0x2] =	stream.linear.gather [hbm4b:s14+s8], $0x80, $0x38;
	[tilespmem:$0x1B780] =	vst v63  }
0x978: {  	s14 =	sld [smem:$0x736];
	_ =	sdelay $0x1  }
0x979: {  	s11 =	simm.s32 $0x1A700  }
0x97a: {  	[tilespmem:s11], [sflag:$0x2] =	stream.linear.gather [hbm4b:s14+s8], $0x80, $0x38;
	[tilespmem:$0x1B780] =	vst v63  }
0x97b: {  	_ =	swait.ge [sflag:s28], $0x800  }
0x97c: {  	[sflag:s28] =	ssyncset.done $0x0  }
0x97d: {  	[sflag:s28] =	ssyncadd.s32 $0xFFFFF800  }
0x97e: {  	_ =	swait.ge [sflag:s28], $0x800  }
0x97f: {  	s10 =	sand.u32 $0x60, s8;
	s8 =	sand.u32 $0xF00, s8;
	[sflag:s28] =	ssyncset.done $0x0  }
0x980: {  	s8 =	sor.u32 s10, s8;
	[sflag:s28] =	ssyncadd.s32 $0xFFFFF800  }
0x981: {  	v0 =	vld [tilespmem:s8+$0x18780]  }
0x982: {  	v1 =	vld [tilespmem:s8+$0x19780];
	_ =	sdelay $0x5  }
0x983: {  	v2 =	vld [tilespmem:s8+$0x18790]  }
0x984: {  	v0 =	vld.idx.msk [tilespmem:v0+s22+$0x0], $0xffff  }
0x985: {  	v1 =	vld.idx.msk [tilespmem:v1+s26+$0x0], $0xffff  }
0x986: {  	v3 =	vld [tilespmem:s8+$0x19790];
	_ =	sdelay $0x3  }
0x987: {  	v0 =	vadd.f32 v1, v0;
	_ =	sdelay $0x1  }
0x988: {  	s9 =	simm.s32 $0x40;
	s11 =	simm.s32 $0x20;
	[tilespmem:s8+$0x1A780] =	vst v0  }
0x989: {  	s14 =	sand.u32 $0xF00, s9;
	s10 =	sand.u32 $0x60, s11;
	v2 =	vld.idx.msk [tilespmem:v2+s22+$0x0], $0xffff  }
0x98a: {  	s11 =	sor.u32 s10, s14;
	v3 =	vld.idx.msk [tilespmem:v3+s26+$0x0], $0xffff  }
0x98b: {  	v0 =	vld [tilespmem:s11+$0x18780]  }
0x98c: {  	s10 =	simm.s32 $0x40;
	v1 =	vld [tilespmem:s11+$0x19780]  }
.LBB2_30:
0x98d: {  	_ =	sdelay $0x2  }
0x98e: {  	p0 =	sne.s32 s10, $0x7E0;
	s14 =	smov.u32 s10;
	s10 =	sadd.s32 $0x20, s10;
	v2 =	vadd.f32 v3, v2  }
0x98f: {  	_ = 	snop  }
0x990: {  	v3 =	vld [tilespmem:s11+$0x19790];
	[tilespmem:s8+$0x1A790] =	vst v2;
	s8 =	smov.u32 s11  }
0x991: {  	v0 =	vld.idx.msk [tilespmem:v0+s22+$0x0], $0xffff  }
0x992: {  	v1 =	vld.idx.msk [tilespmem:v1+s26+$0x0], $0xffff  }
0x993: {  	v2 =	vld [tilespmem:s8+$0x18790];
	_ =	sdelay $0x4  }
0x994: {  	v0 =	vadd.f32 v1, v0;
	_ =	sdelay $0x1  }
.Ltmp14:
0x995: {  	s9 =	sadd.s32 $0x40, s9;
	[tilespmem:s8+$0x1A780] =	vst v0;
	(pc) =	sbr.rel @p0 .LBB2_30-.Ltmp14, $4  }
0x996: {  	s11 =	sand.u32 $0x60, s14;
	s14 =	sand.u32 $0xF00, s9;
	v2 =	vld.idx.msk [tilespmem:v2+s22+$0x0], $0xffff  }
0x997: {  	s11 =	sor.u32 s11, s14;
	v3 =	vld.idx.msk [tilespmem:v3+s26+$0x0], $0xffff  }
0x998: {  	v0 =	vld [tilespmem:s11+$0x18780]  }
0x999: {  	v1 =	vld [tilespmem:s11+$0x19780]  }
0x99a: {  	_ =	sdelay $0x3  }
0x99b: {  	v2 =	vadd.f32 v3, v2;
	_ =	sdelay $0x1  }
0x99c: {  	v3 =	vld [tilespmem:s11+$0x19790];
	[tilespmem:s8+$0x1A790] =	vst v2  }
0x99d: {  	v0 =	vld.idx.msk [tilespmem:v0+s22+$0x0], $0xffff  }
0x99e: {  	v1 =	vld.idx.msk [tilespmem:v1+s26+$0x0], $0xffff  }
0x99f: {  	v2 =	vld [tilespmem:s11+$0x18790];
	_ =	sdelay $0x4  }
0x9a0: {  	v0 =	vadd.f32 v1, v0;
	_ =	sdelay $0x1  }
0x9a1: {  	[tilespmem:s11+$0x1A780] =	vst v0  }
0x9a2: {  	v0 =	vld.idx.msk [tilespmem:v2+s22+$0x0], $0xffff  }
0x9a3: {  	v1 =	vld.idx.msk [tilespmem:v3+s26+$0x0], $0xffff;
	_ =	sdelay $0x4  }
0x9a4: {  	v0 =	vadd.f32 v1, v0;
	_ =	sdelay $0x1  }
0x9a5: {  	[tilespmem:s11+$0x1A790] =	vst v0  }
0x9a6: {  	_ =	swait.ge [sflag:s7], $0x800  }
0x9a7: {  	[sflag:s7] =	ssyncset.done $0x0  }
0x9a8: {  	s9 =	simm.s32 $0x1A780;
	s8 =	simm.s32 $0x0;
	[sflag:s7] =	ssyncadd.s32 $0xFFFFF800  }
0x9a9: {  	[hbm4b:s23+s8] =	stream.linear.scatter [tilespmem:s9], [sflag:$0x4], $0x80, $0x38;
	[tilespmem:$0x1B780] =	vst v63  }
0x9aa: {  	s14 =	sadd.s32 $0x80, s23;
	s10 =	simm.s32 $0x1A880  }
0x9ab: {  	[hbm4b:s14+s8] =	stream.linear.scatter [tilespmem:s10], [sflag:$0x4], $0x80, $0x38;
	[tilespmem:$0x1B780] =	vst v63  }
0x9ac: {  	s11 =	sadd.s32 $0x100, s23;
	s14 =	simm.s32 $0x1A980  }
0x9ad: {  	[hbm4b:s11+s8] =	stream.linear.scatter [tilespmem:s14], [sflag:$0x4], $0x80, $0x38;
	[tilespmem:$0x1B780] =	vst v63  }
0x9ae: {  	s11 =	sadd.s32 $0x180, s23;
	s14 =	simm.s32 $0x1AA80  }
0x9af: {  	[hbm4b:s11+s8] =	stream.linear.scatter [tilespmem:s14], [sflag:$0x4], $0x80, $0x38;
	[tilespmem:$0x1B780] =	vst v63  }
0x9b0: {  	s11 =	sadd.s32 $0x200, s23;
	s14 =	simm.s32 $0x1AB80  }
0x9b1: {  	[hbm4b:s11+s8] =	stream.linear.scatter [tilespmem:s14], [sflag:$0x4], $0x80, $0x38;
	[tilespmem:$0x1B780] =	vst v63  }
0x9b2: {  	s11 =	sadd.s32 $0x280, s23;
	s14 =	simm.s32 $0x1AC80  }
0x9b3: {  	[hbm4b:s11+s8] =	stream.linear.scatter [tilespmem:s14], [sflag:$0x4], $0x80, $0x38;
	[tilespmem:$0x1B780] =	vst v63  }
0x9b4: {  	s11 =	sadd.s32 $0x300, s23;
	s14 =	simm.s32 $0x1AD80  }
0x9b5: {  	[hbm4b:s11+s8] =	stream.linear.scatter [tilespmem:s14], [sflag:$0x4], $0x80, $0x38;
	[tilespmem:$0x1B780] =	vst v63  }
0x9b6: {  	s11 =	sadd.s32 $0x380, s23;
	s14 =	simm.s32 $0x1AE80  }
0x9b7: {  	[hbm4b:s11+s8] =	stream.linear.scatter [tilespmem:s14], [sflag:$0x4], $0x80, $0x38;
	[tilespmem:$0x1B780] =	vst v63  }
0x9b8: {  	s11 =	sadd.s32 $0x400, s23;
	s14 =	simm.s32 $0x1AF80  }
0x9b9: {  	[hbm4b:s11+s8] =	stream.linear.scatter [tilespmem:s14], [sflag:$0x4], $0x80, $0x38;
	[tilespmem:$0x1B780] =	vst v63  }
0x9ba: {  	s11 =	sadd.s32 $0x480, s23;
	s14 =	simm.s32 $0x1B080  }
0x9bb: {  	[hbm4b:s11+s8] =	stream.linear.scatter [tilespmem:s14], [sflag:$0x4], $0x80, $0x38;
	[tilespmem:$0x1B780] =	vst v63  }
0x9bc: {  	s11 =	sadd.s32 $0x500, s23;
	s14 =	simm.s32 $0x1B180  }
0x9bd: {  	[hbm4b:s11+s8] =	stream.linear.scatter [tilespmem:s14], [sflag:$0x4], $0x80, $0x38;
	[tilespmem:$0x1B780] =	vst v63  }
0x9be: {  	s11 =	sadd.s32 $0x580, s23;
	s14 =	simm.s32 $0x1B280  }
0x9bf: {  	[hbm4b:s11+s8] =	stream.linear.scatter [tilespmem:s14], [sflag:$0x4], $0x80, $0x38;
	[tilespmem:$0x1B780] =	vst v63  }
0x9c0: {  	s11 =	sadd.s32 $0x600, s23;
	s14 =	simm.s32 $0x1B380  }
0x9c1: {  	[hbm4b:s11+s8] =	stream.linear.scatter [tilespmem:s14], [sflag:$0x4], $0x80, $0x38;
	[tilespmem:$0x1B780] =	vst v63  }
0x9c2: {  	s11 =	sadd.s32 $0x680, s23;
	s14 =	simm.s32 $0x1B480  }
0x9c3: {  	[hbm4b:s11+s8] =	stream.linear.scatter [tilespmem:s14], [sflag:$0x4], $0x80, $0x38;
	[tilespmem:$0x1B780] =	vst v63  }
0x9c4: {  	s11 =	sadd.s32 $0x700, s23;
	s14 =	simm.s32 $0x1B580  }
0x9c5: {  	[hbm4b:s11+s8] =	stream.linear.scatter [tilespmem:s14], [sflag:$0x4], $0x80, $0x38;
	[tilespmem:$0x1B780] =	vst v63  }
0x9c6: {  	s11 =	sadd.s32 $0x780, s23;
	s14 =	simm.s32 $0x1B680  }
0x9c7: {  	[hbm4b:s11+s8] =	stream.linear.scatter [tilespmem:s14], [sflag:$0x4], $0x80, $0x38;
	[tilespmem:$0x1B780] =	vst v63  }
0x9c8: {  	_ =	swait.ge [sflag:s6], $0x800  }
0x9c9: {  	[sflag:s6] =	ssyncset.done $0x0  }
0x9ca: {  	[sflag:s6] =	ssyncadd.s32 $0xFFFFF800  }
0x9cb: {  	_ =	swait.ge [sflag:s6], $0x800  }
0x9cc: {  	s10 =	sand.u32 $0x60, s8;
	s8 =	sand.u32 $0xF00, s8;
	[sflag:s6] =	ssyncset.done $0x0  }
0x9cd: {  	s8 =	sor.u32 s10, s8;
	[sflag:s6] =	ssyncadd.s32 $0xFFFFF800  }
0x9ce: {  	v0 =	vld [tilespmem:s8+$0x18800]  }
0x9cf: {  	v1 =	vld [tilespmem:s8+$0x19800];
	_ =	sdelay $0x5  }
0x9d0: {  	v2 =	vld [tilespmem:s8+$0x18810]  }
0x9d1: {  	v0 =	vld.idx.msk [tilespmem:v0+s22+$0x0], $0xffff  }
0x9d2: {  	v1 =	vld.idx.msk [tilespmem:v1+s26+$0x0], $0xffff  }
0x9d3: {  	v3 =	vld [tilespmem:s8+$0x19810];
	_ =	sdelay $0x3  }
0x9d4: {  	v0 =	vadd.f32 v1, v0;
	_ =	sdelay $0x1  }
0x9d5: {  	s9 =	simm.s32 $0x40;
	s11 =	simm.s32 $0x20;
	[tilespmem:s8+$0x1A800] =	vst v0  }
0x9d6: {  	s14 =	sand.u32 $0xF00, s9;
	s10 =	sand.u32 $0x60, s11;
	v2 =	vld.idx.msk [tilespmem:v2+s22+$0x0], $0xffff  }
0x9d7: {  	s11 =	sor.u32 s10, s14;
	v3 =	vld.idx.msk [tilespmem:v3+s26+$0x0], $0xffff  }
0x9d8: {  	v0 =	vld [tilespmem:s11+$0x18800]  }
0x9d9: {  	s10 =	simm.s32 $0x40;
	v1 =	vld [tilespmem:s11+$0x19800]  }
.LBB2_32:
0x9da: {  	_ =	sdelay $0x2  }
0x9db: {  	p0 =	sne.s32 s10, $0x7E0;
	s14 =	smov.u32 s10;
	s10 =	sadd.s32 $0x20, s10;
	v2 =	vadd.f32 v3, v2  }
0x9dc: {  	_ = 	snop  }
0x9dd: {  	v3 =	vld [tilespmem:s11+$0x19810];
	[tilespmem:s8+$0x1A810] =	vst v2;
	s8 =	smov.u32 s11  }
0x9de: {  	v0 =	vld.idx.msk [tilespmem:v0+s22+$0x0], $0xffff  }
0x9df: {  	v1 =	vld.idx.msk [tilespmem:v1+s26+$0x0], $0xffff  }
0x9e0: {  	v2 =	vld [tilespmem:s8+$0x18810];
	_ =	sdelay $0x4  }
0x9e1: {  	v0 =	vadd.f32 v1, v0;
	_ =	sdelay $0x1  }
.Ltmp15:
0x9e2: {  	s9 =	sadd.s32 $0x40, s9;
	[tilespmem:s8+$0x1A800] =	vst v0;
	(pc) =	sbr.rel @p0 .LBB2_32-.Ltmp15, $4  }
0x9e3: {  	s11 =	sand.u32 $0x60, s14;
	s14 =	sand.u32 $0xF00, s9;
	v2 =	vld.idx.msk [tilespmem:v2+s22+$0x0], $0xffff  }
0x9e4: {  	s11 =	sor.u32 s11, s14;
	v3 =	vld.idx.msk [tilespmem:v3+s26+$0x0], $0xffff  }
0x9e5: {  	v0 =	vld [tilespmem:s11+$0x18800]  }
0x9e6: {  	v1 =	vld [tilespmem:s11+$0x19800]  }
0x9e7: {  	_ =	sdelay $0x3  }
0x9e8: {  	v2 =	vadd.f32 v3, v2;
	_ =	sdelay $0x1  }
0x9e9: {  	v62 =	vld [tilespmem:s11+$0x19810];
	[tilespmem:s8+$0x1A810] =	vst v2  }
0x9ea: {  	v0 =	vld.idx.msk [tilespmem:v0+s22+$0x0], $0xffff  }
0x9eb: {  	v1 =	vld.idx.msk [tilespmem:v1+s26+$0x0], $0xffff  }
0x9ec: {  	v2 =	vld [tilespmem:s11+$0x18810];
	_ =	sdelay $0x4  }
0x9ed: {  	v0 =	vadd.f32 v1, v0;
	_ =	sdelay $0x1  }
0x9ee: {  	[tilespmem:s11+$0x1A800] =	vst v0  }
0x9ef: {  	v0 =	vld.idx.msk [tilespmem:v2+s22+$0x0], $0xffff  }
0x9f0: {  	v63 =	vld.idx.msk [tilespmem:v62+s26+$0x0], $0xffff;
	_ =	sdelay $0x4  }
0x9f1: {  	v0 =	vadd.f32 v63, v0;
	_ =	sdelay $0x1  }
0x9f2: {  	[tilespmem:s11+$0x1A810] =	vst v0  }
0x9f3: {  	_ =	swait.ge [sflag:s7], $0x800  }
0x9f4: {  	[sflag:s7] =	ssyncset.done $0x0  }
0x9f5: {  	s9 =	simm.s32 $0x1A800;
	[sflag:s7] =	ssyncadd.s32 $0xFFFFF800  }
0x9f6: {  	[hbm4b:s24+s22] =	stream.linear.scatter [tilespmem:s9], [sflag:$0x4], $0x80, $0x38;
	[tilespmem:$0x1B780] =	vst v63  }
0x9f7: {  	s10 =	sadd.s32 $0x80, s24;
	s9 =	simm.s32 $0x1A900  }
0x9f8: {  	[hbm4b:s10+s22] =	stream.linear.scatter [tilespmem:s9], [sflag:$0x4], $0x80, $0x38;
	[tilespmem:$0x1B780] =	vst v63  }
0x9f9: {  	s14 =	simm.s32 $0x1AA00;
	s11 =	sadd.s32 $0x100, s24  }
0x9fa: {  	[hbm4b:s11+s22] =	stream.linear.scatter [tilespmem:s14], [sflag:$0x4], $0x80, $0x38;
	[tilespmem:$0x1B780] =	vst v63  }
0x9fb: {  	s9 =	sadd.s32 $0x180, s24;
	s10 =	simm.s32 $0x1AB00  }
0x9fc: {  	[hbm4b:s9+s22] =	stream.linear.scatter [tilespmem:s10], [sflag:$0x4], $0x80, $0x38;
	[tilespmem:$0x1B780] =	vst v63  }
0x9fd: {  	s11 =	sadd.s32 $0x200, s24;
	s14 =	simm.s32 $0x1AC00  }
0x9fe: {  	[hbm4b:s11+s22] =	stream.linear.scatter [tilespmem:s14], [sflag:$0x4], $0x80, $0x38;
	[tilespmem:$0x1B780] =	vst v63  }
0x9ff: {  	s9 =	sadd.s32 $0x280, s24;
	s10 =	simm.s32 $0x1AD00  }
0xa00: {  	[hbm4b:s9+s22] =	stream.linear.scatter [tilespmem:s10], [sflag:$0x4], $0x80, $0x38;
	[tilespmem:$0x1B780] =	vst v63  }
0xa01: {  	s11 =	sadd.s32 $0x300, s24;
	s14 =	simm.s32 $0x1AE00  }
0xa02: {  	[hbm4b:s11+s22] =	stream.linear.scatter [tilespmem:s14], [sflag:$0x4], $0x80, $0x38;
	[tilespmem:$0x1B780] =	vst v63  }
0xa03: {  	s9 =	sadd.s32 $0x380, s24;
	s10 =	simm.s32 $0x1AF00  }
0xa04: {  	[hbm4b:s9+s22] =	stream.linear.scatter [tilespmem:s10], [sflag:$0x4], $0x80, $0x38;
	[tilespmem:$0x1B780] =	vst v63  }
0xa05: {  	s11 =	sadd.s32 $0x400, s24;
	s14 =	simm.s32 $0x1B000  }
0xa06: {  	[hbm4b:s11+s22] =	stream.linear.scatter [tilespmem:s14], [sflag:$0x4], $0x80, $0x38;
	[tilespmem:$0x1B780] =	vst v63  }
0xa07: {  	s9 =	sadd.s32 $0x480, s24;
	s10 =	simm.s32 $0x1B100  }
0xa08: {  	[hbm4b:s9+s22] =	stream.linear.scatter [tilespmem:s10], [sflag:$0x4], $0x80, $0x38;
	[tilespmem:$0x1B780] =	vst v63  }
0xa09: {  	s11 =	sadd.s32 $0x500, s24;
	s14 =	simm.s32 $0x1B200  }
0xa0a: {  	[hbm4b:s11+s22] =	stream.linear.scatter [tilespmem:s14], [sflag:$0x4], $0x80, $0x38;
	[tilespmem:$0x1B780] =	vst v63  }
0xa0b: {  	s9 =	sadd.s32 $0x580, s24;
	s10 =	simm.s32 $0x1B300  }
0xa0c: {  	[hbm4b:s9+s22] =	stream.linear.scatter [tilespmem:s10], [sflag:$0x4], $0x80, $0x38;
	[tilespmem:$0x1B780] =	vst v63  }
0xa0d: {  	s11 =	sadd.s32 $0x600, s24;
	s14 =	simm.s32 $0x1B400  }
0xa0e: {  	[hbm4b:s11+s22] =	stream.linear.scatter [tilespmem:s14], [sflag:$0x4], $0x80, $0x38;
	[tilespmem:$0x1B780] =	vst v63  }
0xa0f: {  	s9 =	sadd.s32 $0x680, s24;
	s10 =	simm.s32 $0x1B500  }
0xa10: {  	[hbm4b:s9+s22] =	stream.linear.scatter [tilespmem:s10], [sflag:$0x4], $0x80, $0x38;
	[tilespmem:$0x1B780] =	vst v63  }
0xa11: {  	s11 =	sadd.s32 $0x700, s24;
	s14 =	simm.s32 $0x1B600  }
0xa12: {  	[hbm4b:s11+s22] =	stream.linear.scatter [tilespmem:s14], [sflag:$0x4], $0x80, $0x38;
	[tilespmem:$0x1B780] =	vst v63  }
0xa13: {  	s9 =	sadd.s32 $0x780, s24;
	s10 =	simm.s32 $0x1B700  }
0xa14: {  	[hbm4b:s9+s22] =	stream.linear.scatter [tilespmem:s10], [sflag:$0x4], $0x80, $0x38;
	[tilespmem:$0x1B780] =	vst v63  }
0xa15: {  	_ =	swait.ge [sflag:s7], $0x800  }
0xa16: {  	[sflag:s7] =	ssyncset.done $0x0  }
0xa17: {  	[sflag:s7] =	ssyncadd.s32 $0xFFFFF800  }
0xa18: {  	_ =	swait.ge [sflag:s7], $0x800  }
0xa19: {  	s11 =	sld [smem:$0x7CD];
	_ =	sdelay $0x2  }
0xa1a: {  	s14 =	rddreg [dreg:$0x11];
	s9 =	sadd.s32 $0x1, s11  }
0xa1b: {  	p0 =	sne.s32 s9, s14  }
.Ltmp16:
0xa1c: {  	_ = 	snop;
	(pc) =	sbr.rel @p0 .LBB2_1-.Ltmp16, $3  }
0xa1d: {  	_ =	sdelay $0x1  }
0xa1e: {  	[sflag:s7] =	ssyncset.done $0x0  }
0xa1f: {  	[sflag:s7] =	ssyncadd.s32 $0xFFFFF800  }
0xa20: {  	_ =	sfence.sel $0x180000  }
0xa21: {  	[bflag:$0x0] =	sbarrier.arrive $0xFFFF  }
0xa22: {  	_ =	strace $0x90000047  }
0xa23: {  	s0 =	stileid.u32;
	[bflag:$0x2] =	sbarrier.arrive $0xFFFF  }
0xa24: {  	p0 =	sne.s32 s0, $0x0;
	s0 =	rddreg [dreg:$0x5]  }
0xa25: {  	s0 =	sadd.s32 @!p0 $0x100000, s0  }
0xa26: {  	[sflag:s0] =	ssyncadd.tile.s32 @!p0 $0x1;
	_ =	shalt  }
.Lfunc_end2:
_tile_overlayer_lowered:
.L_overlay_start_2:
0xa27: {  	(tag) =	ssettag $0x2  }
0xa28: {  	s0 =	rddreg [dreg:$0x0];
	s2 =	stileid.u32  }
0xa29: {  	s1 =	rddreg [dreg:$0x1];
	p0 =	sne.s32 s2, $0x0  }
0xa2a: {  	s3 =	rddreg [dreg:$0x2];
	[bflag:$0x3] =	sbarrier.arrive $0xFFFF;
	s2 =	simm.s32 @!p0 $0x1C05  }
0xa2b: {  	[timem:s3], [sflag:s2] =	dma.local @!p0 [hbm:s0], s1  }
0xa2c: {  	s0 =	simm.s32 @!p0 $0x5  }
0xa2d: {  	_ =	swait.ge @!p0 [sflag:s0], s1  }
0xa2e: {  	s1 =	ssub.s32 @!p0 $0x0, s1;
	[sflag:s0] =	ssyncset.done @!p0 $0x0  }
0xa2f: {  	[sflag:s0] =	ssyncadd.s32 @!p0 s1  }
0xa30: {  	[bflag:$0x3] =	sbarrier.arrive $0xFFFF  }
0xa31: {  	_ =	shalt  }

</sc_bundles>
